<compile_context>
chip_gen: v7x
topology: tpu7x:2x2x1
jax: 0.10.2.dev20260603
libtpu: 0.0.44.dev20260713+nightly
codegen_flags: <defaults>
</compile_context>

<pallas_src>
import functools

import jax
import jax.numpy as jnp
from jax import lax
from jax.experimental import pallas as pl
from jax.experimental.pallas import tpu as pltpu
from jax.experimental.pallas import tpu_sc as plsc

_B, _Q, _C = 32, 900, 91
_N = _Q * _C
_NPAD = 81920
_NV = _NPAD // 16
_K = 300
_KV = 19
_OUTP = 384
_OUTB = 1280
_NBINS = 1024
_PAD_IDX = _N + 4
_BOXPAD = 3712
_CAP = 4096

_i32 = jnp.int32
_f32 = jnp.float32


def _sc_body(probs_hbm, boxes_hbm, ts_hbm, sc_out, lb_out, bx_out,
             probs_v, boxes_v, ts_v, hist_v, suf_v, cand_v, gt_v, eq_v,
             val_v, key_v, key_a, pay_v, pay_a, outs_v, outl_v, outb_v, tsm):
    lanes = lax.broadcasted_iota(_i32, (16,), 0)
    wid = lax.axis_index("s") * 2 + lax.axis_index("c")

    pltpu.sync_copy(probs_hbm.at[wid], probs_v)
    pltpu.sync_copy(boxes_hbm.at[wid], boxes_v)
    pltpu.sync_copy(ts_hbm.at[wid], ts_v)

    suf_v[pl.ds(_NBINS, 16)] = jnp.zeros((16,), _i32)

    hist_lane_base = lanes * _NBINS
    ones = jnp.ones((16,), _i32)

    def popcnt(m):
        return plsc.all_reduce_population_count(m)[0]

    def zero_hist(nwords):
        def zb(i, _):
            hist_v[pl.ds(i * 16, 16)] = jnp.zeros((16,), _i32)
            return 0
        lax.fori_loop(0, nwords // 16, zb, 0)

    def suffix_pick(k_rem, lane_reduce):
        def sb(g_iter, carry):
            s_carry, dstar = carry
            g = 63 - g_iter
            if lane_reduce:
                tot = jnp.zeros((16,), _i32)
                for l in range(16):
                    tot = tot + hist_v[pl.ds(l * _NBINS + g * 16, 16)]
            else:
                tot = hist_v[pl.ds(g * 16, 16)]
            rcs = jnp.flip(plsc.cumsum(jnp.flip(tot))) + s_carry
            suf_v[pl.ds(g * 16, 16)] = rcs
            dvec = g * 16 + lanes
            cand = jnp.max(jnp.where(rcs >= k_rem, dvec, -1))
            return (jnp.max(rcs), jnp.maximum(dstar, cand))
        _, dstar = lax.fori_loop(0, 64, sb, (_i32(0), _i32(-1)))
        return dstar

    def suf_at(d):
        return jnp.max(plsc.load_gather(suf_v, [jnp.full((16,), 0, _i32) + d]))

    zero_hist(_NBINS)

    def hists_body(i, _):
        for u in range(4):
            v = probs_v[pl.ds((i * 4 + u) * 256, 16)]
            bits = lax.bitcast_convert_type(v, _i32)
            m = bits >= 0
            digit = lax.shift_right_logical(bits, 20) & (_NBINS - 1)
            dup, last = plsc.scan_count(digit, mask=m)
            plsc.addupdate_scatter(hist_v, [digit], dup, mask=last & m)
        return 0
    lax.fori_loop(0, _NV // 64, hists_body, 0)

    dstar_s = suffix_pick(_i32(38), lane_reduce=False)
    prefix1 = lax.shift_left(dstar_s, _i32(20))

    def fine_level(shift, pref, k_rem, read_fn, n_iters, dedup):
        pmask = _i32((-1 << (shift + 10)) & 0x3FFFFFFF)
        zero_hist(_NBINS if dedup else _NBINS * 16)

        def hb(i, _):
            bits = read_fn(i)[1]
            m = (bits >= 0) & ((bits & pmask) == pref)
            digit = lax.shift_right_logical(bits, shift) & (_NBINS - 1)
            if dedup:
                dup, last = plsc.scan_count(digit, mask=m)
                plsc.addupdate_scatter(hist_v, [digit], dup, mask=last & m)
            else:
                plsc.addupdate_scatter(hist_v, [hist_lane_base + digit],
                                       ones, mask=m)
            return 0
        lax.fori_loop(0, n_iters, hb, 0)
        dstar = suffix_pick(k_rem, lane_reduce=not dedup)
        s_next = suf_at(dstar + 1)
        return pref | lax.shift_left(dstar, _i32(shift)), k_rem - s_next

    def selection(v300, t_ties, read_fn, n_iters):
        def sel(i, carry):
            gt_off, eq_taken = carry
            idxv, bits = read_fn(i)
            valid = bits >= 0
            isgt = valid & (bits > v300)
            iseq = valid & (bits == v300)
            plsc.store_compressed(gt_v.at[pl.ds(gt_off, 16)], idxv, mask=isgt)
            gt_off = gt_off + popcnt(isgt)
            eqrank = plsc.cumsum(iseq.astype(_i32))
            take = iseq & ((eq_taken + eqrank) <= t_ties)
            plsc.store_compressed(eq_v.at[pl.ds(eq_taken, 16)], idxv,
                                  mask=take)
            eq_taken = eq_taken + popcnt(take)
            return (gt_off, eq_taken)
        lax.fori_loop(0, n_iters, sel, (_i32(0), _i32(0)))

    def read_full(i):
        v = probs_v[pl.ds(i * 16, 16)]
        return i * 16 + lanes, lax.bitcast_convert_type(v, _i32)

    def read_cand(i):
        ci = cand_v[pl.ds(i * 16, 16)]
        v = plsc.load_gather(probs_v, [ci])
        return ci, lax.bitcast_convert_type(v, _i32)

    def cb(i, off):
        for u in range(4):
            idxv, bits = read_full(i * 4 + u)
            m = (bits >= 0) & (bits >= prefix1)
            plsc.store_compressed(cand_v.at[pl.ds(jnp.minimum(off, _CAP), 16)],
                                  idxv, mask=m & (off <= _CAP))
            off = off + popcnt(m)
        return off
    s_cand = lax.fori_loop(0, _NV // 4, cb, _i32(0))

    @pl.when((s_cand >= _K) & (s_cand <= _CAP))
    def _fast():
        cand_v[pl.ds(s_cand, 16)] = jnp.full((16,), _PAD_IDX, _i32)
        nct = (s_cand + 15) // 16
        pref, krem = fine_level(20, _i32(0), _i32(_K), read_cand, nct, True)
        pref, krem = fine_level(10, pref, krem, read_cand, nct, True)
        pref, krem = fine_level(0, pref, krem, read_cand, nct, True)
        selection(pref, krem, read_cand, nct)
        tsm[0] = krem

    @pl.when((s_cand < _K) | (s_cand > _CAP))
    def _slow():
        zero_hist(_NBINS * 16)

        def h0(i, _):
            for u in range(4):
                _, bits = read_full(i * 4 + u)
                m = bits >= 0
                digit = lax.shift_right_logical(bits, 20) & (_NBINS - 1)
                plsc.addupdate_scatter(hist_v, [hist_lane_base + digit],
                                       ones, mask=m)
            return 0
        lax.fori_loop(0, _NV // 4, h0, 0)
        dstar0 = suffix_pick(_i32(_K), lane_reduce=True)
        pref = lax.shift_left(dstar0, _i32(20))
        krem = _i32(_K) - suf_at(dstar0 + 1)
        pref, krem = fine_level(10, pref, krem, read_full, _NV, False)
        pref, krem = fine_level(0, pref, krem, read_full, _NV, False)
        selection(pref, krem, read_full, _NV)
        tsm[0] = krem

    t_ties = tsm[0]
    g_cnt = _i32(_K) - t_ties

    def merge_body(j, _):
        ev = eq_v[pl.ds(j * 16, 16)]
        m = (j * 16 + lanes) < t_ties
        plsc.store_compressed(gt_v.at[pl.ds(g_cnt + j * 16, 16)], ev, mask=m)
        return 0
    lax.fori_loop(0, (t_ties + 15) // 16, merge_body, 0)

    gt_v[pl.ds(_K, 16)] = jnp.full((16,), _PAD_IDX, _i32)

    for j in range(_KV):
        si = gt_v[pl.ds(j * 16, 16)]
        val_v[pl.ds(j * 16, 16)] = plsc.load_gather(probs_v, [si])

    def key_body(j, _):
        bits = lax.bitcast_convert_type(val_v[pl.ds(j * 16, 16)], _i32)
        key = jnp.where(bits >= 0, _i32(0x40000000) - bits, _i32(0x50000000))
        key_v[pl.ds(j * 16, 16)] = key
        pay_v[pl.ds(j * 16, 16)] = j * 16 + lanes
        return 0
    lax.fori_loop(0, _KV, key_body, 0)

    bufs = ((key_v, pay_v), (key_a, pay_a))
    for p in range(7):
        kc, pc = bufs[p % 2]
        ka, pa = bufs[1 - p % 2]
        shift = 5 * p
        hist_v[pl.ds(0, 16)] = jnp.zeros((16,), _i32)
        hist_v[pl.ds(16, 16)] = jnp.zeros((16,), _i32)

        def rh(j, _, kc=kc, shift=shift):
            d = lax.shift_right_logical(kc[pl.ds(j * 16, 16)], shift) & 31
            dup, last = plsc.scan_count(d)
            plsc.addupdate_scatter(hist_v, [d], dup, mask=last)
            return 0
        lax.fori_loop(0, _KV, rh, 0)

        h0 = hist_v[pl.ds(0, 16)]
        h1 = hist_v[pl.ds(16, 16)]
        c0 = plsc.cumsum(h0)
        c1 = plsc.cumsum(h1)
        suf_v[pl.ds(0, 16)] = c0 - h0
        suf_v[pl.ds(16, 16)] = c1 - h1 + jnp.max(c0)

        def rp(j, _, kc=kc, pc=pc, ka=ka, pa=pa, shift=shift):
            k = kc[pl.ds(j * 16, 16)]
            pay = pc[pl.ds(j * 16, 16)]
            d = lax.shift_right_logical(k, shift) & 31
            base = plsc.load_gather(suf_v, [d])
            dup, last = plsc.scan_count(d)
            pos = base + dup - 1
            plsc.store_scatter(ka, [pos], k)
            plsc.store_scatter(pa, [pos], pay)
            plsc.addupdate_scatter(suf_v, [d], dup, mask=last)
            return 0
        lax.fori_loop(0, _KV, rp, 0)
    pay_fin = bufs[7 % 2][1]

    w_scale = plsc.load_gather(ts_v, [jnp.full((16,), 1, _i32)])
    h_scale = plsc.load_gather(ts_v, [jnp.full((16,), 2, _i32)])

    def out_body(iv, _):
        p = pay_fin[pl.ds(iv * 16, 16)]
        vi = plsc.load_gather(val_v, [p])
        sidx = plsc.load_gather(gt_v, [p])
        qq = sidx // _C
        cc = sidx - qq * _C
        outs_v[pl.ds(iv * 16, 16)] = vi
        outl_v[pl.ds(iv * 16, 16)] = cc
        b0 = qq * 4
        cx = plsc.load_gather(boxes_v, [b0])
        cy = plsc.load_gather(boxes_v, [b0 + 1])
        hw = 0.5 * plsc.load_gather(boxes_v, [b0 + 2])
        hh = 0.5 * plsc.load_gather(boxes_v, [b0 + 3])
        rb = (iv * 16 + lanes) * 4
        plsc.store_scatter(outb_v, [rb], (cx - hw) * w_scale)
        plsc.store_scatter(outb_v, [rb + 1], (cy - hh) * h_scale)
        plsc.store_scatter(outb_v, [rb + 2], (cx + hw) * w_scale)
        plsc.store_scatter(outb_v, [rb + 3], (cy + hh) * h_scale)
        return 0
    lax.fori_loop(0, _KV, out_body, 0)

    pltpu.sync_copy(outs_v, sc_out.at[wid])
    pltpu.sync_copy(outl_v, lb_out.at[wid])
    pltpu.sync_copy(outb_v, bx_out.at[wid])


@jax.jit
def kernel(pred_logits, pred_boxes, target_sizes):
    probs_p = jnp.pad(jax.nn.sigmoid(pred_logits).reshape(_B, _N),
                      ((0, 0), (0, _NPAD - _N)), constant_values=-1.0)
    boxes = jnp.pad(pred_boxes.reshape(_B, _Q * 4).astype(_f32),
                    ((0, 0), (0, _BOXPAD - _Q * 4)))
    ts = target_sizes.astype(_f32)
    ts_p = jnp.concatenate(
        [jnp.zeros((_B, 1), _f32), ts[:, 1:2], ts[:, 0:1],
         jnp.zeros((_B, 125), _f32)], axis=1)

    mesh = plsc.VectorSubcoreMesh(core_axis_name="c", subcore_axis_name="s",
                                  num_cores=2, num_subcores=16)
    fn = pl.kernel(
        _sc_body,
        out_type=(
            jax.ShapeDtypeStruct((_B, _OUTP), _f32),
            jax.ShapeDtypeStruct((_B, _OUTP), _i32),
            jax.ShapeDtypeStruct((_B, _OUTB), _f32),
        ),
        mesh=mesh,
        compiler_params=pltpu.CompilerParams(needs_layout_passes=False),
        scratch_types=[
            pltpu.VMEM((_NPAD,), _f32),
            pltpu.VMEM((_BOXPAD,), _f32),
            pltpu.VMEM((128,), _f32),
            pltpu.VMEM((_NBINS * 16,), _i32),
            pltpu.VMEM((_NBINS + 16,), _i32),
            pltpu.VMEM((_CAP + 32,), _i32),
            pltpu.VMEM((320,), _i32),
            pltpu.VMEM((320,), _i32),
            pltpu.VMEM((_KV * 16,), _f32),
            pltpu.VMEM((_KV * 16,), _i32),
            pltpu.VMEM((_KV * 16,), _i32),
            pltpu.VMEM((_KV * 16,), _i32),
            pltpu.VMEM((_KV * 16,), _i32),
            pltpu.VMEM((_OUTP,), _f32),
            pltpu.VMEM((_OUTP,), _i32),
            pltpu.VMEM((_OUTB,), _f32),
            pltpu.SMEM((8,), _i32),
        ],
    )
    s, l, b = fn(probs_p, boxes, ts_p)
    return (s[:, :_K], l[:, :_K],
            b[:, :_K * 4].reshape(_B, _K, 4))

# --- scband reference (transcript-rebuilt; emitter-appended) ---
"""Pipeline reference for scband-post-process-15229954031719 (READ-ONLY COPY).

The authoritative reference and input builder live on the scoring server;
editing this copy changes nothing except your own understanding.
"""

import jax, jax.numpy as jnp
import numpy as np

NUM_SELECT = 300


def setup_inputs(seed: int = 0) -> dict:
    key = jax.random.key(seed)
    k1, k2, k3 = jax.random.split(key, 3)
    pred_logits = jax.random.normal(k1, (32, 900, 91), dtype=jnp.float32)
    pred_boxes = jax.random.uniform(k2, (32, 900, 4), dtype=jnp.float32)
    target_sizes = jax.random.randint(k3, (32, 2), 0, 1333).astype(jnp.int64)
    return {"pred_logits": pred_logits, "pred_boxes": pred_boxes, "target_sizes": target_sizes}


def _box_cxcywh_to_xyxy(b):
    cx, cy, w, h = jnp.split(b, 4, axis=-1)
    return jnp.concatenate([cx - 0.5 * w, cy - 0.5 * h, cx + 0.5 * w, cy + 0.5 * h], axis=-1)


def reference(pred_logits, pred_boxes, target_sizes):
    B, Q, C = pred_logits.shape
    num_select = NUM_SELECT
    prob = jax.nn.sigmoid(pred_logits)
    # topk over flattened (query, class) candidates per image
    scores, topk_indexes = jax.lax.top_k(prob.reshape(B, Q * C), num_select)
    topk_boxes = topk_indexes // C
    labels = topk_indexes % C
    boxes = _box_cxcywh_to_xyxy(pred_boxes)
    gather_idx = jnp.broadcast_to(topk_boxes[:, :, None], (B, num_select, 4))
    boxes = jnp.take_along_axis(boxes, gather_idx, axis=1)
    ts = target_sizes.astype(jnp.float32)
    img_h, img_w = ts[:, 0], ts[:, 1]
    scale_fct = jnp.stack([img_w, img_h, img_w, img_h], axis=1)
    boxes = boxes * scale_fct[:, None, :]
    # results as stacked arrays (scores, labels, boxes) instead of list of dicts
    return scores, labels, boxes

if __name__ == "__main__":
    import jax
    _d = setup_inputs()
    print(jax.jit(kernel)(*tuple(_d.values())))

</pallas_src>

<mosaic_0001>
#map = affine_map<(d0, d1) -> (0, 0)>
module attributes {stable_mosaic.version = 14 : i64} {
  func.func @_sc_body(%arg0: i32, %arg1: i32, %arg2: memref<32x81920xf32, #tpu.memory_space<hbm>>, %arg3: memref<32x3712xf32, #tpu.memory_space<hbm>>, %arg4: memref<32x128xf32, #tpu.memory_space<hbm>>, %arg5: memref<32x384xf32, #tpu.memory_space<hbm>>, %arg6: memref<32x384xi32, #tpu.memory_space<hbm>>, %arg7: memref<32x1280xf32, #tpu.memory_space<hbm>>, %arg8: memref<81920xf32, #tpu.memory_space<vmem>>, %arg9: memref<3712xf32, #tpu.memory_space<vmem>>, %arg10: memref<128xf32, #tpu.memory_space<vmem>>, %arg11: memref<16384xi32, #tpu.memory_space<vmem>>, %arg12: memref<1040xi32, #tpu.memory_space<vmem>>, %arg13: memref<4128xi32, #tpu.memory_space<vmem>>, %arg14: memref<320xi32, #tpu.memory_space<vmem>>, %arg15: memref<320xi32, #tpu.memory_space<vmem>>, %arg16: memref<304xf32, #tpu.memory_space<vmem>>, %arg17: memref<304xi32, #tpu.memory_space<vmem>>, %arg18: memref<304xi32, #tpu.memory_space<vmem>>, %arg19: memref<304xi32, #tpu.memory_space<vmem>>, %arg20: memref<304xi32, #tpu.memory_space<vmem>>, %arg21: memref<384xf32, #tpu.memory_space<vmem>>, %arg22: memref<384xi32, #tpu.memory_space<vmem>>, %arg23: memref<1280xf32, #tpu.memory_space<vmem>>, %arg24: memref<8xi32, #tpu.memory_space<smem>>) attributes {dimension_semantics = [#tpu.dimension_semantics<core_parallel>, #tpu.dimension_semantics<subcore_parallel>], iteration_bounds = array<i64: 2, 16>, scalar_prefetch = 0 : i64, scratch_operands = 17 : i64, tpu.core_type = #tpu.core_type<sc_vector_subcore>, window_params = [{transform_indices = #map}, {transform_indices = #map}, {transform_indices = #map}, {transform_indices = #map}, {transform_indices = #map}, {transform_indices = #map}]} {
    %iota3A = tpu.iota {dimensions = array<i32: 0>} : vector<16xi32>
    %mul3A = arith.constant 2 : i32
    %mul3A_0 = arith.muli %arg1, %mul3A : i32
    %add3A = arith.addi %mul3A_0, %arg0 : i32
    "tpu.region"() ({
      %run_scoped3A = tpu.sem_alloc : memref<!tpu.dma_semaphore, #tpu.memory_space<semaphore_mem>>
      %dma_start3A = arith.constant 0 : i32
      %dma_start3A_532 = tpu.memref_slice %arg2[%add3A, %dma_start3A] : memref<32x81920xf32, #tpu.memory_space<hbm>> -> memref<1x81920xf32, #tpu.memory_space<hbm>>
      %dma_start3A_533 = tpu.memref_squeeze %dma_start3A_532 : memref<1x81920xf32, #tpu.memory_space<hbm>> -> memref<81920xf32, #tpu.memory_space<hbm>>
      %dma_start3A_534 = arith.constant 0 : i32
      %dma_start3A_535 = tpu.memref_slice %arg2[%add3A, %dma_start3A_534] : memref<32x81920xf32, #tpu.memory_space<hbm>> -> memref<1x81920xf32, #tpu.memory_space<hbm>>
      %dma_start3A_536 = tpu.memref_squeeze %dma_start3A_535 : memref<1x81920xf32, #tpu.memory_space<hbm>> -> memref<81920xf32, #tpu.memory_space<hbm>>
      tpu.enqueue_dma source(%dma_start3A_536 : memref<81920xf32, #tpu.memory_space<hbm>>) target(%arg8 : memref<81920xf32, #tpu.memory_space<vmem>>) target_semaphore(%run_scoped3A : memref<!tpu.dma_semaphore, #tpu.memory_space<semaphore_mem>>)
      %dma_wait3A = arith.constant 0 : i32
      %dma_wait3A_537 = tpu.memref_slice %arg2[%add3A, %dma_wait3A] : memref<32x81920xf32, #tpu.memory_space<hbm>> -> memref<1x81920xf32, #tpu.memory_space<hbm>>
      %dma_wait3A_538 = tpu.memref_squeeze %dma_wait3A_537 : memref<1x81920xf32, #tpu.memory_space<hbm>> -> memref<81920xf32, #tpu.memory_space<hbm>>
      %dma_wait3A_539 = arith.constant 0 : i32
      %dma_wait3A_540 = tpu.memref_slice %arg2[%add3A, %dma_wait3A_539] : memref<32x81920xf32, #tpu.memory_space<hbm>> -> memref<1x81920xf32, #tpu.memory_space<hbm>>
      %dma_wait3A_541 = tpu.memref_squeeze %dma_wait3A_540 : memref<1x81920xf32, #tpu.memory_space<hbm>> -> memref<81920xf32, #tpu.memory_space<hbm>>
      tpu.wait_dma2 semaphore(%run_scoped3A : memref<!tpu.dma_semaphore, #tpu.memory_space<semaphore_mem>>) src(%dma_wait3A_541 : memref<81920xf32, #tpu.memory_space<hbm>>) dst(%arg8 : memref<81920xf32, #tpu.memory_space<vmem>>)
      tpu.yield
    }) : () -> ()
    "tpu.region"() ({
      %run_scoped3A = tpu.sem_alloc : memref<!tpu.dma_semaphore, #tpu.memory_space<semaphore_mem>>
      %dma_start3A = arith.constant 0 : i32
      %dma_start3A_532 = tpu.memref_slice %arg3[%add3A, %dma_start3A] : memref<32x3712xf32, #tpu.memory_space<hbm>> -> memref<1x3712xf32, #tpu.memory_space<hbm>>
      %dma_start3A_533 = tpu.memref_squeeze %dma_start3A_532 : memref<1x3712xf32, #tpu.memory_space<hbm>> -> memref<3712xf32, #tpu.memory_space<hbm>>
      %dma_start3A_534 = arith.constant 0 : i32
      %dma_start3A_535 = tpu.memref_slice %arg3[%add3A, %dma_start3A_534] : memref<32x3712xf32, #tpu.memory_space<hbm>> -> memref<1x3712xf32, #tpu.memory_space<hbm>>
      %dma_start3A_536 = tpu.memref_squeeze %dma_start3A_535 : memref<1x3712xf32, #tpu.memory_space<hbm>> -> memref<3712xf32, #tpu.memory_space<hbm>>
      tpu.enqueue_dma source(%dma_start3A_536 : memref<3712xf32, #tpu.memory_space<hbm>>) target(%arg9 : memref<3712xf32, #tpu.memory_space<vmem>>) target_semaphore(%run_scoped3A : memref<!tpu.dma_semaphore, #tpu.memory_space<semaphore_mem>>)
      %dma_wait3A = arith.constant 0 : i32
      %dma_wait3A_537 = tpu.memref_slice %arg3[%add3A, %dma_wait3A] : memref<32x3712xf32, #tpu.memory_space<hbm>> -> memref<1x3712xf32, #tpu.memory_space<hbm>>
      %dma_wait3A_538 = tpu.memref_squeeze %dma_wait3A_537 : memref<1x3712xf32, #tpu.memory_space<hbm>> -> memref<3712xf32, #tpu.memory_space<hbm>>
      %dma_wait3A_539 = arith.constant 0 : i32
      %dma_wait3A_540 = tpu.memref_slice %arg3[%add3A, %dma_wait3A_539] : memref<32x3712xf32, #tpu.memory_space<hbm>> -> memref<1x3712xf32, #tpu.memory_space<hbm>>
      %dma_wait3A_541 = tpu.memref_squeeze %dma_wait3A_540 : memref<1x3712xf32, #tpu.memory_space<hbm>> -> memref<3712xf32, #tpu.memory_space<hbm>>
      tpu.wait_dma2 semaphore(%run_scoped3A : memref<!tpu.dma_semaphore, #tpu.memory_space<semaphore_mem>>) src(%dma_wait3A_541 : memref<3712xf32, #tpu.memory_space<hbm>>) dst(%arg9 : memref<3712xf32, #tpu.memory_space<vmem>>)
      tpu.yield
    }) : () -> ()
    "tpu.region"() ({
      %run_scoped3A = tpu.sem_alloc : memref<!tpu.dma_semaphore, #tpu.memory_space<semaphore_mem>>
      %dma_start3A = arith.constant 0 : i32
      %dma_start3A_532 = tpu.memref_slice %arg4[%add3A, %dma_start3A] : memref<32x128xf32, #tpu.memory_space<hbm>> -> memref<1x128xf32, #tpu.memory_space<hbm>>
      %dma_start3A_533 = tpu.memref_squeeze %dma_start3A_532 : memref<1x128xf32, #tpu.memory_space<hbm>> -> memref<128xf32, #tpu.memory_space<hbm>>
      %dma_start3A_534 = arith.constant 0 : i32
      %dma_start3A_535 = tpu.memref_slice %arg4[%add3A, %dma_start3A_534] : memref<32x128xf32, #tpu.memory_space<hbm>> -> memref<1x128xf32, #tpu.memory_space<hbm>>
      %dma_start3A_536 = tpu.memref_squeeze %dma_start3A_535 : memref<1x128xf32, #tpu.memory_space<hbm>> -> memref<128xf32, #tpu.memory_space<hbm>>
      tpu.enqueue_dma source(%dma_start3A_536 : memref<128xf32, #tpu.memory_space<hbm>>) target(%arg10 : memref<128xf32, #tpu.memory_space<vmem>>) target_semaphore(%run_scoped3A : memref<!tpu.dma_semaphore, #tpu.memory_space<semaphore_mem>>)
      %dma_wait3A = arith.constant 0 : i32
      %dma_wait3A_537 = tpu.memref_slice %arg4[%add3A, %dma_wait3A] : memref<32x128xf32, #tpu.memory_space<hbm>> -> memref<1x128xf32, #tpu.memory_space<hbm>>
      %dma_wait3A_538 = tpu.memref_squeeze %dma_wait3A_537 : memref<1x128xf32, #tpu.memory_space<hbm>> -> memref<128xf32, #tpu.memory_space<hbm>>
      %dma_wait3A_539 = arith.constant 0 : i32
      %dma_wait3A_540 = tpu.memref_slice %arg4[%add3A, %dma_wait3A_539] : memref<32x128xf32, #tpu.memory_space<hbm>> -> memref<1x128xf32, #tpu.memory_space<hbm>>
      %dma_wait3A_541 = tpu.memref_squeeze %dma_wait3A_540 : memref<1x128xf32, #tpu.memory_space<hbm>> -> memref<128xf32, #tpu.memory_space<hbm>>
      tpu.wait_dma2 semaphore(%run_scoped3A : memref<!tpu.dma_semaphore, #tpu.memory_space<semaphore_mem>>) src(%dma_wait3A_541 : memref<128xf32, #tpu.memory_space<hbm>>) dst(%arg10 : memref<128xf32, #tpu.memory_space<vmem>>)
      tpu.yield
    }) : () -> ()
    %broadcast_in_dim3A = arith.constant 0 : i32
    %broadcast_in_dim3A_1 = vector.broadcast %broadcast_in_dim3A : i32 to vector<16xi32>
    %swap3A = arith.constant 1024 : index
    %swap3A_2 = tpu.vector_load %arg12[%swap3A] {strides = array<i32>} : memref<1040xi32, #tpu.memory_space<vmem>>, vector<16xi32>,
    tpu.vector_store %arg12[%swap3A], %broadcast_in_dim3A_1 {strides = array<i32>} : memref<1040xi32, #tpu.memory_space<vmem>>, vector<16xi32>,
    %mul3A_3 = arith.constant 1024 : i32
    %mul3A_4 = vector.broadcast %mul3A_3 : i32 to vector<16xi32>
    %mul3A_5 = arith.muli %iota3A, %mul3A_4 : vector<16xi32>
    %broadcast_in_dim3A_6 = arith.constant 1 : i32
    %broadcast_in_dim3A_7 = vector.broadcast %broadcast_in_dim3A_6 : i32 to vector<16xi32>
    %scan3A = arith.constant 0 : i32
    %scan3A_8 = arith.constant 0 : i32
    %scan3A_9 = arith.constant 64 : i32
    %scan3A_10 = arith.addi %scan3A_8, %scan3A_9 : i32
    %scan3A_11 = arith.constant 1 : i32
    %scan3A_12 = scf.for %scan3A_532 = %scan3A_8 to %scan3A_10 step %scan3A_11 iter_args(%scan3A_533 = %scan3A) -> (i32)  : i32 {
      %broadcast_in_dim3A_534 = arith.constant 0 : i32
      %broadcast_in_dim3A_535 = vector.broadcast %broadcast_in_dim3A_534 : i32 to vector<16xi32>
      %mul3A_536 = arith.constant 16 : i32
      %mul3A_537 = arith.muli %scan3A_532, %mul3A_536 : i32
      %swap3A_538 = arith.index_cast %mul3A_537 : i32 to index
      %swap3A_539 = tpu.vector_load %arg11[%swap3A_538] {strides = array<i32>} : memref<16384xi32, #tpu.memory_space<vmem>>, vector<16xi32>,
      tpu.vector_store %arg11[%swap3A_538], %broadcast_in_dim3A_535 {strides = array<i32>} : memref<16384xi32, #tpu.memory_space<vmem>>, vector<16xi32>,
      %scan3A_540 = arith.constant 0 : i32
      scf.yield %scan3A_540 : i32
    }
    %scan3A_13 = arith.constant 64 : i32
    %scan3A_14 = arith.constant 0 : i32
    %scan3A_15 = arith.constant 0 : i32
    %scan3A_16 = arith.constant 80 : i32
    %scan3A_17 = arith.addi %scan3A_15, %scan3A_16 : i32
    %scan3A_18 = arith.constant 1 : i32
    %scan3A_19 = scf.for %scan3A_532 = %scan3A_15 to %scan3A_17 step %scan3A_18 iter_args(%scan3A_533 = %scan3A_14) -> (i32)  : i32 {
      %mul3A_534 = arith.constant 4 : i32
      %mul3A_535 = arith.muli %scan3A_532, %mul3A_534 : i32
      %add3A_536 = arith.constant 0 : i32
      %add3A_537 = arith.addi %mul3A_535, %add3A_536 : i32
      %mul3A_538 = arith.constant 256 : i32
      %mul3A_539 = arith.muli %add3A_537, %mul3A_538 : i32
      %get3A_540 = arith.index_cast %mul3A_539 : i32 to index
      %get3A_541 = tpu.vector_load %arg8[%get3A_540] {strides = array<i32>} : memref<81920xf32, #tpu.memory_space<vmem>>, vector<16xf32>,
      %bitcast_convert_type3A = tpu.bitcast %get3A_541 : vector<16xf32> -> vector<16xi32>
      %ge3A_542 = arith.constant 0 : i32
      %ge3A_543 = vector.broadcast %ge3A_542 : i32 to vector<16xi32>
      %ge3A_544 = arith.cmpi sge, %bitcast_convert_type3A, %ge3A_543 : vector<16xi32>
      %shift_right_logical3A = arith.constant 20 : i32
      %shift_right_logical3A_545 = vector.broadcast %shift_right_logical3A : i32 to vector<16xi32>
      %shift_right_logical3A_546 = arith.shrui %bitcast_convert_type3A, %shift_right_logical3A_545 : vector<16xi32>
      %and3A_547 = arith.constant 1023 : i32
      %and3A_548 = vector.broadcast %and3A_547 : i32 to vector<16xi32>
      %and3A_549 = arith.andi %shift_right_logical3A_546, %and3A_548 : vector<16xi32>
      %unique3A, %unique3A_550 = tpu.scan_count mask(%ge3A_544 : vector<16xi1>) value(%and3A_549 : vector<16xi32>) : vector<16xi1>, vector<16xi32>
      %and3A_551 = arith.andi %unique3A, %ge3A_544 : vector<16xi1>
      tpu.vector_store_idx %arg11[%and3A_549], %unique3A_550 masked %and3A_551 {add = true} : memref<16384xi32, #tpu.memory_space<vmem>>[vector<16xi32>], vector<16xi32>, vector<16xi1>
      %mul3A_552 = arith.constant 4 : i32
      %mul3A_553 = arith.muli %scan3A_532, %mul3A_552 : i32
      %add3A_554 = arith.constant 1 : i32
      %add3A_555 = arith.addi %mul3A_553, %add3A_554 : i32
      %mul3A_556 = arith.constant 256 : i32
      %mul3A_557 = arith.muli %add3A_555, %mul3A_556 : i32
      %get3A_558 = arith.index_cast %mul3A_557 : i32 to index
      %get3A_559 = tpu.vector_load %arg8[%get3A_558] {strides = array<i32>} : memref<81920xf32, #tpu.memory_space<vmem>>, vector<16xf32>,
      %bitcast_convert_type3A_560 = tpu.bitcast %get3A_559 : vector<16xf32> -> vector<16xi32>
      %ge3A_561 = arith.constant 0 : i32
      %ge3A_562 = vector.broadcast %ge3A_561 : i32 to vector<16xi32>
      %ge3A_563 = arith.cmpi sge, %bitcast_convert_type3A_560, %ge3A_562 : vector<16xi32>
      %shift_right_logical3A_564 = arith.constant 20 : i32
      %shift_right_logical3A_565 = vector.broadcast %shift_right_logical3A_564 : i32 to vector<16xi32>
      %shift_right_logical3A_566 = arith.shrui %bitcast_convert_type3A_560, %shift_right_logical3A_565 : vector<16xi32>
      %and3A_567 = arith.constant 1023 : i32
      %and3A_568 = vector.broadcast %and3A_567 : i32 to vector<16xi32>
      %and3A_569 = arith.andi %shift_right_logical3A_566, %and3A_568 : vector<16xi32>
      %unique3A_570, %unique3A_571 = tpu.scan_count mask(%ge3A_563 : vector<16xi1>) value(%and3A_569 : vector<16xi32>) : vector<16xi1>, vector<16xi32>
      %and3A_572 = arith.andi %unique3A_570, %ge3A_563 : vector<16xi1>
      tpu.vector_store_idx %arg11[%and3A_569], %unique3A_571 masked %and3A_572 {add = true} : memref<16384xi32, #tpu.memory_space<vmem>>[vector<16xi32>], vector<16xi32>, vector<16xi1>
      %mul3A_573 = arith.constant 4 : i32
      %mul3A_574 = arith.muli %scan3A_532, %mul3A_573 : i32
      %add3A_575 = arith.constant 2 : i32
      %add3A_576 = arith.addi %mul3A_574, %add3A_575 : i32
      %mul3A_577 = arith.constant 256 : i32
      %mul3A_578 = arith.muli %add3A_576, %mul3A_577 : i32
      %get3A_579 = arith.index_cast %mul3A_578 : i32 to index
      %get3A_580 = tpu.vector_load %arg8[%get3A_579] {strides = array<i32>} : memref<81920xf32, #tpu.memory_space<vmem>>, vector<16xf32>,
      %bitcast_convert_type3A_581 = tpu.bitcast %get3A_580 : vector<16xf32> -> vector<16xi32>
      %ge3A_582 = arith.constant 0 : i32
      %ge3A_583 = vector.broadcast %ge3A_582 : i32 to vector<16xi32>
      %ge3A_584 = arith.cmpi sge, %bitcast_convert_type3A_581, %ge3A_583 : vector<16xi32>
      %shift_right_logical3A_585 = arith.constant 20 : i32
      %shift_right_logical3A_586 = vector.broadcast %shift_right_logical3A_585 : i32 to vector<16xi32>
      %shift_right_logical3A_587 = arith.shrui %bitcast_convert_type3A_581, %shift_right_logical3A_586 : vector<16xi32>
      %and3A_588 = arith.constant 1023 : i32
      %and3A_589 = vector.broadcast %and3A_588 : i32 to vector<16xi32>
      %and3A_590 = arith.andi %shift_right_logical3A_587, %and3A_589 : vector<16xi32>
      %unique3A_591, %unique3A_592 = tpu.scan_count mask(%ge3A_584 : vector<16xi1>) value(%and3A_590 : vector<16xi32>) : vector<16xi1>, vector<16xi32>
      %and3A_593 = arith.andi %unique3A_591, %ge3A_584 : vector<16xi1>
      tpu.vector_store_idx %arg11[%and3A_590], %unique3A_592 masked %and3A_593 {add = true} : memref<16384xi32, #tpu.memory_space<vmem>>[vector<16xi32>], vector<16xi32>, vector<16xi1>
      %mul3A_594 = arith.constant 4 : i32
      %mul3A_595 = arith.muli %scan3A_532, %mul3A_594 : i32
      %add3A_596 = arith.constant 3 : i32
      %add3A_597 = arith.addi %mul3A_595, %add3A_596 : i32
      %mul3A_598 = arith.constant 256 : i32
      %mul3A_599 = arith.muli %add3A_597, %mul3A_598 : i32
      %get3A_600 = arith.index_cast %mul3A_599 : i32 to index
      %get3A_601 = tpu.vector_load %arg8[%get3A_600] {strides = array<i32>} : memref<81920xf32, #tpu.memory_space<vmem>>, vector<16xf32>,
      %bitcast_convert_type3A_602 = tpu.bitcast %get3A_601 : vector<16xf32> -> vector<16xi32>
      %ge3A_603 = arith.constant 0 : i32
      %ge3A_604 = vector.broadcast %ge3A_603 : i32 to vector<16xi32>
      %ge3A_605 = arith.cmpi sge, %bitcast_convert_type3A_602, %ge3A_604 : vector<16xi32>
      %shift_right_logical3A_606 = arith.constant 20 : i32
      %shift_right_logical3A_607 = vector.broadcast %shift_right_logical3A_606 : i32 to vector<16xi32>
      %shift_right_logical3A_608 = arith.shrui %bitcast_convert_type3A_602, %shift_right_logical3A_607 : vector<16xi32>
      %and3A_609 = arith.constant 1023 : i32
      %and3A_610 = vector.broadcast %and3A_609 : i32 to vector<16xi32>
      %and3A_611 = arith.andi %shift_right_logical3A_608, %and3A_610 : vector<16xi32>
      %unique3A_612, %unique3A_613 = tpu.scan_count mask(%ge3A_605 : vector<16xi1>) value(%and3A_611 : vector<16xi32>) : vector<16xi1>, vector<16xi32>
      %and3A_614 = arith.andi %unique3A_612, %ge3A_605 : vector<16xi1>
      tpu.vector_store_idx %arg11[%and3A_611], %unique3A_613 masked %and3A_614 {add = true} : memref<16384xi32, #tpu.memory_space<vmem>>[vector<16xi32>], vector<16xi32>, vector<16xi1>
      %scan3A_615 = arith.constant 0 : i32
      scf.yield %scan3A_615 : i32
    }
    %scan3A_20 = arith.constant 80 : i32
    %scan3A_21 = arith.constant 38 : i32
    %scan3A_22 = arith.constant 0 : i32
    %scan3A_23 = arith.constant -1 : i32
    %scan3A_24 = arith.constant 0 : i32
    %scan3A_25 = arith.constant 64 : i32
    %scan3A_26 = arith.addi %scan3A_24, %scan3A_25 : i32
    %scan3A_27 = arith.constant 1 : i32
    %scan3A_28:2 = scf.for %scan3A_532 = %scan3A_24 to %scan3A_26 step %scan3A_27 iter_args(%scan3A_533 = %scan3A_22, %scan3A_534 = %scan3A_23) -> (i32, i32)  : i32 {
      %sub3A_535 = arith.constant 63 : i32
      %sub3A_536 = arith.subi %sub3A_535, %scan3A_532 : i32
      %mul3A_537 = arith.constant 16 : i32
      %mul3A_538 = arith.muli %sub3A_536, %mul3A_537 : i32
      %get3A_539 = arith.index_cast %mul3A_538 : i32 to index
      %get3A_540 = tpu.vector_load %arg11[%get3A_539] {strides = array<i32>} : memref<16384xi32, #tpu.memory_space<vmem>>, vector<16xi32>,
      %rev3A = arith.constant 15 : i32
      %rev3A_541 = vector.broadcast %rev3A : i32 to vector<16xi32>
      %rev3A_542 = tpu.iota {dimensions = array<i32: 0>} : vector<16xi32>
      %rev3A_543 = arith.subi %rev3A_541, %rev3A_542 : vector<16xi32>
      %rev3A_544 = tpu.dynamic_gather %get3A_540[%rev3A_543] in [0] : vector<16xi32>, vector<16xi32> -> vector<16xi32>
      %broadcast_in_dim3A_545 = arith.constant true
      %broadcast_in_dim3A_546 = vector.broadcast %broadcast_in_dim3A_545 : i1 to vector<16xi1>
      %masked_cumsum3A_547 = tpu.scan <sum>, %rev3A_544 masked %broadcast_in_dim3A_546 : vector<16xi32>, vector<16xi1> -> vector<16xi32>
      %rev3A_548 = arith.constant 15 : i32
      %rev3A_549 = vector.broadcast %rev3A_548 : i32 to vector<16xi32>
      %rev3A_550 = tpu.iota {dimensions = array<i32: 0>} : vector<16xi32>
      %rev3A_551 = arith.subi %rev3A_549, %rev3A_550 : vector<16xi32>
      %rev3A_552 = tpu.dynamic_gather %masked_cumsum3A_547[%rev3A_551] in [0] : vector<16xi32>, vector<16xi32> -> vector<16xi32>
      %add3A_553 = vector.broadcast %scan3A_533 : i32 to vector<16xi32>
      %add3A_554 = arith.addi %rev3A_552, %add3A_553 : vector<16xi32>
      %mul3A_555 = arith.constant 16 : i32
      %mul3A_556 = arith.muli %sub3A_536, %mul3A_555 : i32
      %swap3A_557 = arith.index_cast %mul3A_556 : i32 to index
      %swap3A_558 = tpu.vector_load %arg12[%swap3A_557] {strides = array<i32>} : memref<1040xi32, #tpu.memory_space<vmem>>, vector<16xi32>,
      tpu.vector_store %arg12[%swap3A_557], %add3A_554 {strides = array<i32>} : memref<1040xi32, #tpu.memory_space<vmem>>, vector<16xi32>,
      %mul3A_559 = arith.constant 16 : i32
      %mul3A_560 = arith.muli %sub3A_536, %mul3A_559 : i32
      %add3A_561 = vector.broadcast %mul3A_560 : i32 to vector<16xi32>
      %add3A_562 = arith.addi %add3A_561, %iota3A : vector<16xi32>
      %ge3A_563 = vector.broadcast %scan3A_21 : i32 to vector<16xi32>
      %ge3A_564 = arith.cmpi sge, %add3A_554, %ge3A_563 : vector<16xi32>
      %jit3A_565 = arith.constant -1 : i32
      %broadcast_in_dim3A_566 = vector.broadcast %jit3A_565 : i32 to vector<16xi32>
      %select_n3A_567 = arith.select %ge3A_564, %add3A_562, %broadcast_in_dim3A_566 : vector<16xi1>, vector<16xi32>
      %reduce_max3A_568 = arith.constant true
      %reduce_max3A_569 = vector.broadcast %reduce_max3A_568 : i1 to vector<16xi1>
      %reduce_max3A_570 = arith.constant -2147483648 : i32
      %reduce_max3A_571 = vector.broadcast %reduce_max3A_570 : i32 to vector<16xi32>
      %reduce_max3A_572 = arith.xori %select_n3A_567, %reduce_max3A_571 : vector<16xi32>
      %reduce_max3A_573 = tpu.scan <max>, %reduce_max3A_572 masked %reduce_max3A_569 : vector<16xi32>, vector<16xi1> -> vector<16xi32>
      %reduce_max3A_574 = arith.xori %reduce_max3A_573, %reduce_max3A_571 : vector<16xi32>
      %reduce_max3A_575 = vector.extract %reduce_max3A_574[15] : i32 from vector<16xi32>
      %reduce_max3A_576 = arith.constant true
      %reduce_max3A_577 = vector.broadcast %reduce_max3A_576 : i1 to vector<16xi1>
      %reduce_max3A_578 = arith.constant -2147483648 : i32
      %reduce_max3A_579 = vector.broadcast %reduce_max3A_578 : i32 to vector<16xi32>
      %reduce_max3A_580 = arith.xori %add3A_554, %reduce_max3A_579 : vector<16xi32>
      %reduce_max3A_581 = tpu.scan <max>, %reduce_max3A_580 masked %reduce_max3A_577 : vector<16xi32>, vector<16xi1> -> vector<16xi32>
      %reduce_max3A_582 = arith.xori %reduce_max3A_581, %reduce_max3A_579 : vector<16xi32>
      %reduce_max3A_583 = vector.extract %reduce_max3A_582[15] : i32 from vector<16xi32>
      %max3A = arith.maxsi %scan3A_534, %reduce_max3A_575 : i32
      scf.yield %reduce_max3A_583, %max3A : i32, i32
    }
    %scan3A_29 = arith.constant 64 : i32
    %shift_left3A = arith.constant 20 : i32
    %shift_left3A_30 = arith.shli %scan3A_28#1, %shift_left3A : i32
    %scan3A_31 = arith.constant 0 : i32
    %scan3A_32 = arith.constant 0 : i32
    %scan3A_33 = arith.constant 1280 : i32
    %scan3A_34 = arith.addi %scan3A_32, %scan3A_33 : i32
    %scan3A_35 = arith.constant 1 : i32
    %scan3A_36 = scf.for %scan3A_532 = %scan3A_32 to %scan3A_34 step %scan3A_35 iter_args(%scan3A_533 = %scan3A_31) -> (i32)  : i32 {
      %mul3A_534 = arith.constant 4 : i32
      %mul3A_535 = arith.muli %scan3A_532, %mul3A_534 : i32
      %add3A_536 = arith.constant 0 : i32
      %add3A_537 = arith.addi %mul3A_535, %add3A_536 : i32
      %mul3A_538 = arith.constant 16 : i32
      %mul3A_539 = arith.muli %add3A_537, %mul3A_538 : i32
      %get3A_540 = arith.index_cast %mul3A_539 : i32 to index
      %get3A_541 = tpu.vector_load %arg8[%get3A_540] {strides = array<i32>} : memref<81920xf32, #tpu.memory_space<vmem>>, vector<16xf32>,
      %mul3A_542 = arith.constant 16 : i32
      %mul3A_543 = arith.muli %add3A_537, %mul3A_542 : i32
      %add3A_544 = vector.broadcast %mul3A_543 : i32 to vector<16xi32>
      %add3A_545 = arith.addi %add3A_544, %iota3A : vector<16xi32>
      %bitcast_convert_type3A = tpu.bitcast %get3A_541 : vector<16xf32> -> vector<16xi32>
      %ge3A_546 = arith.constant 0 : i32
      %ge3A_547 = vector.broadcast %ge3A_546 : i32 to vector<16xi32>
      %ge3A_548 = arith.cmpi sge, %bitcast_convert_type3A, %ge3A_547 : vector<16xi32>
      %ge3A_549 = vector.broadcast %shift_left3A_30 : i32 to vector<16xi32>
      %ge3A_550 = arith.cmpi sge, %bitcast_convert_type3A, %ge3A_549 : vector<16xi32>
      %and3A_551 = arith.andi %ge3A_548, %ge3A_550 : vector<16xi1>
      %min3A = arith.constant 4096 : i32
      %min3A_552 = arith.minsi %scan3A_533, %min3A : i32
      %le3A_553 = arith.constant 4096 : i32
      %le3A_554 = arith.cmpi sle, %scan3A_533, %le3A_553 : i32
      %and3A_555 = vector.broadcast %le3A_554 : i1 to vector<16xi1>
      %and3A_556 = arith.andi %and3A_551, %and3A_555 : vector<16xi1>
      %swap3A_557 = arith.index_cast %min3A_552 : i32 to index
      %swap3A_558 = tpu.vector_load %arg13[%swap3A_557] masked %and3A_556 {strides = array<i32>} : memref<4128xi32, #tpu.memory_space<vmem>>, vector<16xi32>, vector<16xi1>
      tpu.vector_store %arg13[%swap3A_557], %add3A_545 masked %and3A_556 {strides = array<i32>} : memref<4128xi32, #tpu.memory_space<vmem>>, vector<16xi32>, vector<16xi1>
      %all_reduce_population_count3A = tpu.all_reduce %and3A_551 {dim = 0 : i64, kind = #tpu.reduction_kind<sum>} : vector<16xi1> -> vector<16xi32>
      %slice3A = vector.extract_strided_slice %all_reduce_population_count3A {offsets = [0], sizes = [1], strides = [1]} : vector<16xi32> to vector<1xi32>
      %squeeze3A = vector.extract %slice3A[0] : i32 from vector<1xi32>
      %add3A_559 = arith.addi %scan3A_533, %squeeze3A : i32
      %mul3A_560 = arith.constant 4 : i32
      %mul3A_561 = arith.muli %scan3A_532, %mul3A_560 : i32
      %add3A_562 = arith.constant 1 : i32
      %add3A_563 = arith.addi %mul3A_561, %add3A_562 : i32
      %mul3A_564 = arith.constant 16 : i32
      %mul3A_565 = arith.muli %add3A_563, %mul3A_564 : i32
      %get3A_566 = arith.index_cast %mul3A_565 : i32 to index
      %get3A_567 = tpu.vector_load %arg8[%get3A_566] {strides = array<i32>} : memref<81920xf32, #tpu.memory_space<vmem>>, vector<16xf32>,
      %mul3A_568 = arith.constant 16 : i32
      %mul3A_569 = arith.muli %add3A_563, %mul3A_568 : i32
      %add3A_570 = vector.broadcast %mul3A_569 : i32 to vector<16xi32>
      %add3A_571 = arith.addi %add3A_570, %iota3A : vector<16xi32>
      %bitcast_convert_type3A_572 = tpu.bitcast %get3A_567 : vector<16xf32> -> vector<16xi32>
      %ge3A_573 = arith.constant 0 : i32
      %ge3A_574 = vector.broadcast %ge3A_573 : i32 to vector<16xi32>
      %ge3A_575 = arith.cmpi sge, %bitcast_convert_type3A_572, %ge3A_574 : vector<16xi32>
      %ge3A_576 = vector.broadcast %shift_left3A_30 : i32 to vector<16xi32>
      %ge3A_577 = arith.cmpi sge, %bitcast_convert_type3A_572, %ge3A_576 : vector<16xi32>
      %and3A_578 = arith.andi %ge3A_575, %ge3A_577 : vector<16xi1>
      %min3A_579 = arith.constant 4096 : i32
      %min3A_580 = arith.minsi %add3A_559, %min3A_579 : i32
      %le3A_581 = arith.constant 4096 : i32
      %le3A_582 = arith.cmpi sle, %add3A_559, %le3A_581 : i32
      %and3A_583 = vector.broadcast %le3A_582 : i1 to vector<16xi1>
      %and3A_584 = arith.andi %and3A_578, %and3A_583 : vector<16xi1>
      %swap3A_585 = arith.index_cast %min3A_580 : i32 to index
      %swap3A_586 = tpu.vector_load %arg13[%swap3A_585] masked %and3A_584 {strides = array<i32>} : memref<4128xi32, #tpu.memory_space<vmem>>, vector<16xi32>, vector<16xi1>
      tpu.vector_store %arg13[%swap3A_585], %add3A_571 masked %and3A_584 {strides = array<i32>} : memref<4128xi32, #tpu.memory_space<vmem>>, vector<16xi32>, vector<16xi1>
      %all_reduce_population_count3A_587 = tpu.all_reduce %and3A_578 {dim = 0 : i64, kind = #tpu.reduction_kind<sum>} : vector<16xi1> -> vector<16xi32>
      %slice3A_588 = vector.extract_strided_slice %all_reduce_population_count3A_587 {offsets = [0], sizes = [1], strides = [1]} : vector<16xi32> to vector<1xi32>
      %squeeze3A_589 = vector.extract %slice3A_588[0] : i32 from vector<1xi32>
      %add3A_590 = arith.addi %add3A_559, %squeeze3A_589 : i32
      %mul3A_591 = arith.constant 4 : i32
      %mul3A_592 = arith.muli %scan3A_532, %mul3A_591 : i32
      %add3A_593 = arith.constant 2 : i32
      %add3A_594 = arith.addi %mul3A_592, %add3A_593 : i32
      %mul3A_595 = arith.constant 16 : i32
      %mul3A_596 = arith.muli %add3A_594, %mul3A_595 : i32
      %get3A_597 = arith.index_cast %mul3A_596 : i32 to index
      %get3A_598 = tpu.vector_load %arg8[%get3A_597] {strides = array<i32>} : memref<81920xf32, #tpu.memory_space<vmem>>, vector<16xf32>,
      %mul3A_599 = arith.constant 16 : i32
      %mul3A_600 = arith.muli %add3A_594, %mul3A_599 : i32
      %add3A_601 = vector.broadcast %mul3A_600 : i32 to vector<16xi32>
      %add3A_602 = arith.addi %add3A_601, %iota3A : vector<16xi32>
      %bitcast_convert_type3A_603 = tpu.bitcast %get3A_598 : vector<16xf32> -> vector<16xi32>
      %ge3A_604 = arith.constant 0 : i32
      %ge3A_605 = vector.broadcast %ge3A_604 : i32 to vector<16xi32>
      %ge3A_606 = arith.cmpi sge, %bitcast_convert_type3A_603, %ge3A_605 : vector<16xi32>
      %ge3A_607 = vector.broadcast %shift_left3A_30 : i32 to vector<16xi32>
      %ge3A_608 = arith.cmpi sge, %bitcast_convert_type3A_603, %ge3A_607 : vector<16xi32>
      %and3A_609 = arith.andi %ge3A_606, %ge3A_608 : vector<16xi1>
      %min3A_610 = arith.constant 4096 : i32
      %min3A_611 = arith.minsi %add3A_590, %min3A_610 : i32
      %le3A_612 = arith.constant 4096 : i32
      %le3A_613 = arith.cmpi sle, %add3A_590, %le3A_612 : i32
      %and3A_614 = vector.broadcast %le3A_613 : i1 to vector<16xi1>
      %and3A_615 = arith.andi %and3A_609, %and3A_614 : vector<16xi1>
      %swap3A_616 = arith.index_cast %min3A_611 : i32 to index
      %swap3A_617 = tpu.vector_load %arg13[%swap3A_616] masked %and3A_615 {strides = array<i32>} : memref<4128xi32, #tpu.memory_space<vmem>>, vector<16xi32>, vector<16xi1>
      tpu.vector_store %arg13[%swap3A_616], %add3A_602 masked %and3A_615 {strides = array<i32>} : memref<4128xi32, #tpu.memory_space<vmem>>, vector<16xi32>, vector<16xi1>
      %all_reduce_population_count3A_618 = tpu.all_reduce %and3A_609 {dim = 0 : i64, kind = #tpu.reduction_kind<sum>} : vector<16xi1> -> vector<16xi32>
      %slice3A_619 = vector.extract_strided_slice %all_reduce_population_count3A_618 {offsets = [0], sizes = [1], strides = [1]} : vector<16xi32> to vector<1xi32>
      %squeeze3A_620 = vector.extract %slice3A_619[0] : i32 from vector<1xi32>
      %add3A_621 = arith.addi %add3A_590, %squeeze3A_620 : i32
      %mul3A_622 = arith.constant 4 : i32
      %mul3A_623 = arith.muli %scan3A_532, %mul3A_622 : i32
      %add3A_624 = arith.constant 3 : i32
      %add3A_625 = arith.addi %mul3A_623, %add3A_624 : i32
      %mul3A_626 = arith.constant 16 : i32
      %mul3A_627 = arith.muli %add3A_625, %mul3A_626 : i32
      %get3A_628 = arith.index_cast %mul3A_627 : i32 to index
      %get3A_629 = tpu.vector_load %arg8[%get3A_628] {strides = array<i32>} : memref<81920xf32, #tpu.memory_space<vmem>>, vector<16xf32>,
      %mul3A_630 = arith.constant 16 : i32
      %mul3A_631 = arith.muli %add3A_625, %mul3A_630 : i32
      %add3A_632 = vector.broadcast %mul3A_631 : i32 to vector<16xi32>
      %add3A_633 = arith.addi %add3A_632, %iota3A : vector<16xi32>
      %bitcast_convert_type3A_634 = tpu.bitcast %get3A_629 : vector<16xf32> -> vector<16xi32>
      %ge3A_635 = arith.constant 0 : i32
      %ge3A_636 = vector.broadcast %ge3A_635 : i32 to vector<16xi32>
      %ge3A_637 = arith.cmpi sge, %bitcast_convert_type3A_634, %ge3A_636 : vector<16xi32>
      %ge3A_638 = vector.broadcast %shift_left3A_30 : i32 to vector<16xi32>
      %ge3A_639 = arith.cmpi sge, %bitcast_convert_type3A_634, %ge3A_638 : vector<16xi32>
      %and3A_640 = arith.andi %ge3A_637, %ge3A_639 : vector<16xi1>
      %min3A_641 = arith.constant 4096 : i32
      %min3A_642 = arith.minsi %add3A_621, %min3A_641 : i32
      %le3A_643 = arith.constant 4096 : i32
      %le3A_644 = arith.cmpi sle, %add3A_621, %le3A_643 : i32
      %and3A_645 = vector.broadcast %le3A_644 : i1 to vector<16xi1>
      %and3A_646 = arith.andi %and3A_640, %and3A_645 : vector<16xi1>
      %swap3A_647 = arith.index_cast %min3A_642 : i32 to index
      %swap3A_648 = tpu.vector_load %arg13[%swap3A_647] masked %and3A_646 {strides = array<i32>} : memref<4128xi32, #tpu.memory_space<vmem>>, vector<16xi32>, vector<16xi1>
      tpu.vector_store %arg13[%swap3A_647], %add3A_633 masked %and3A_646 {strides = array<i32>} : memref<4128xi32, #tpu.memory_space<vmem>>, vector<16xi32>, vector<16xi1>
      %all_reduce_population_count3A_649 = tpu.all_reduce %and3A_640 {dim = 0 : i64, kind = #tpu.reduction_kind<sum>} : vector<16xi1> -> vector<16xi32>
      %slice3A_650 = vector.extract_strided_slice %all_reduce_population_count3A_649 {offsets = [0], sizes = [1], strides = [1]} : vector<16xi32> to vector<1xi32>
      %squeeze3A_651 = vector.extract %slice3A_650[0] : i32 from vector<1xi32>
      %add3A_652 = arith.addi %add3A_621, %squeeze3A_651 : i32
      scf.yield %add3A_652 : i32
    }
    %scan3A_37 = arith.constant 1280 : i32
    %ge3A = arith.constant 300 : i32
    %ge3A_38 = arith.cmpi sge, %scan3A_36, %ge3A : i32
    %le3A = arith.constant 4096 : i32
    %le3A_39 = arith.cmpi sle, %scan3A_36, %le3A : i32
    %and3A = arith.andi %ge3A_38, %le3A_39 : i1
    %convert_element_type3A = arith.extui %and3A : i1 to i32
    %cond3A = arith.constant 0 : i32
    %cond3A_40 = arith.cmpi ne, %convert_element_type3A, %cond3A : i32
    scf.if %cond3A_40 {
      %broadcast_in_dim3A_532 = arith.constant 81904 : i32
      %broadcast_in_dim3A_533 = vector.broadcast %broadcast_in_dim3A_532 : i32 to vector<16xi32>
      %swap3A_534 = arith.index_cast %scan3A_36 : i32 to index
      %swap3A_535 = tpu.vector_load %arg13[%swap3A_534] {strides = array<i32>} : memref<4128xi32, #tpu.memory_space<vmem>>, vector<16xi32>,
      tpu.vector_store %arg13[%swap3A_534], %broadcast_in_dim3A_533 {strides = array<i32>} : memref<4128xi32, #tpu.memory_space<vmem>>, vector<16xi32>,
      %add3A_536 = arith.constant 15 : i32
      %add3A_537 = arith.addi %scan3A_36, %add3A_536 : i32
      %jit3A_538 = arith.constant 16 : i32
      %div3A_539 = arith.divsi %add3A_537, %jit3A_538 : i32
      %sign3A_540 = arith.constant 0 : i32
      %sign3A_541 = arith.cmpi sgt, %add3A_537, %sign3A_540 : i32
      %sign3A_542 = arith.extui %sign3A_541 : i1 to i32
      %sign3A_543 = arith.constant 0 : i32
      %sign3A_544 = arith.cmpi slt, %add3A_537, %sign3A_543 : i32
      %sign3A_545 = arith.extui %sign3A_544 : i1 to i32
      %sign3A_546 = arith.subi %sign3A_542, %sign3A_545 : i32
      %sign3A_547 = arith.constant 0 : i32
      %sign3A_548 = arith.cmpi sgt, %jit3A_538, %sign3A_547 : i32
      %sign3A_549 = arith.extui %sign3A_548 : i1 to i32
      %sign3A_550 = arith.constant 0 : i32
      %sign3A_551 = arith.cmpi slt, %jit3A_538, %sign3A_550 : i32
      %sign3A_552 = arith.extui %sign3A_551 : i1 to i32
      %sign3A_553 = arith.subi %sign3A_549, %sign3A_552 : i32
      %ne3A_554 = arith.cmpi ne, %sign3A_546, %sign3A_553 : i32
      %rem3A_555 = arith.remsi %add3A_537, %jit3A_538 : i32
      %ne3A_556 = arith.constant 0 : i32
      %ne3A_557 = arith.cmpi ne, %rem3A_555, %ne3A_556 : i32
      %and3A_558 = arith.andi %ne3A_554, %ne3A_557 : i1
      %sub3A_559 = arith.constant 1 : i32
      %sub3A_560 = arith.subi %div3A_539, %sub3A_559 : i32
      %select_n3A_561 = arith.select %and3A_558, %sub3A_560, %div3A_539 : i32
      %scan3A_562 = arith.constant 0 : i32
      %scan3A_563 = arith.constant 0 : i32
      %scan3A_564 = arith.constant 64 : i32
      %scan3A_565 = arith.addi %scan3A_563, %scan3A_564 : i32
      %scan3A_566 = arith.constant 1 : i32
      %scan3A_567 = scf.for %scan3A_723 = %scan3A_563 to %scan3A_565 step %scan3A_566 iter_args(%scan3A_724 = %scan3A_562) -> (i32)  : i32 {
        %broadcast_in_dim3A_725 = arith.constant 0 : i32
        %broadcast_in_dim3A_726 = vector.broadcast %broadcast_in_dim3A_725 : i32 to vector<16xi32>
        %mul3A_727 = arith.constant 16 : i32
        %mul3A_728 = arith.muli %scan3A_723, %mul3A_727 : i32
        %swap3A_729 = arith.index_cast %mul3A_728 : i32 to index
        %swap3A_730 = tpu.vector_load %arg11[%swap3A_729] {strides = array<i32>} : memref<16384xi32, #tpu.memory_space<vmem>>, vector<16xi32>,
        tpu.vector_store %arg11[%swap3A_729], %broadcast_in_dim3A_726 {strides = array<i32>} : memref<16384xi32, #tpu.memory_space<vmem>>, vector<16xi32>,
        %scan3A_731 = arith.constant 0 : i32
        scf.yield %scan3A_731 : i32
      }
      %scan3A_568 = arith.constant 64 : i32
      %while3A_569 = arith.constant 0 : i32
      %while3A_570 = arith.constant 0 : i32
      %while3A_571 = arith.constant 0 : i32
      %while3A_572 = arith.constant 0 : i32
      %while3A_573 = arith.subi %select_n3A_561, %while3A_571 : i32
      %while3A_574 = arith.addi %while3A_571, %while3A_573 : i32
      %while3A_575 = arith.constant 1 : i32
      %while3A_576 = arith.divsi %while3A_573, %while3A_575 : i32
      %while3A_577 = arith.muli %while3A_576, %while3A_575 : i32
      %while3A_578 = arith.addi %while3A_571, %while3A_577 : i32
      %while3A_579 = arith.constant 1 : i32
      %while3A_580 = scf.for %while3A_723 = %while3A_571 to %while3A_578 step %while3A_579 iter_args(%while3A_724 = %while3A_572) -> (i32)  : i32 {
        %mul3A_725 = arith.constant 16 : i32
        %mul3A_726 = arith.muli %while3A_723, %mul3A_725 : i32
        %get3A_727 = arith.index_cast %mul3A_726 : i32 to index
        %get3A_728 = tpu.vector_load %arg13[%get3A_727] {strides = array<i32>} : memref<4128xi32, #tpu.memory_space<vmem>>, vector<16xi32>,
        %gather3A_729 = tpu.vector_load_idx %arg8[%get3A_728] : memref<81920xf32, #tpu.memory_space<vmem>>[vector<16xi32>], vector<16xf32>,
        %bitcast_convert_type3A = tpu.bitcast %gather3A_729 : vector<16xf32> -> vector<16xi32>
        %ge3A_730 = arith.constant 0 : i32
        %ge3A_731 = vector.broadcast %ge3A_730 : i32 to vector<16xi32>
        %ge3A_732 = arith.cmpi sge, %bitcast_convert_type3A, %ge3A_731 : vector<16xi32>
        %and3A_733 = vector.broadcast %while3A_569 : i32 to vector<16xi32>
        %and3A_734 = arith.andi %bitcast_convert_type3A, %and3A_733 : vector<16xi32>
        %eq3A = vector.broadcast %while3A_570 : i32 to vector<16xi32>
        %eq3A_735 = arith.cmpi eq, %and3A_734, %eq3A : vector<16xi32>
        %and3A_736 = arith.andi %ge3A_732, %eq3A_735 : vector<16xi1>
        %shift_right_logical3A = arith.constant 20 : i32
        %shift_right_logical3A_737 = vector.broadcast %shift_right_logical3A : i32 to vector<16xi32>
        %shift_right_logical3A_738 = arith.shrui %bitcast_convert_type3A, %shift_right_logical3A_737 : vector<16xi32>
        %and3A_739 = arith.constant 1023 : i32
        %and3A_740 = vector.broadcast %and3A_739 : i32 to vector<16xi32>
        %and3A_741 = arith.andi %shift_right_logical3A_738, %and3A_740 : vector<16xi32>
        %unique3A, %unique3A_742 = tpu.scan_count mask(%and3A_736 : vector<16xi1>) value(%and3A_741 : vector<16xi32>) : vector<16xi1>, vector<16xi32>
        %and3A_743 = arith.andi %unique3A, %and3A_736 : vector<16xi1>
        tpu.vector_store_idx %arg11[%and3A_741], %unique3A_742 masked %and3A_743 {add = true} : memref<16384xi32, #tpu.memory_space<vmem>>[vector<16xi32>], vector<16xi32>, vector<16xi1>
        %while3A_744 = arith.constant 0 : i32
        scf.yield %while3A_744 : i32
      }
      %while3A_581 = arith.constant 1 : i32
      %while3A_582 = scf.for %while3A_723 = %while3A_578 to %while3A_574 step %while3A_581 iter_args(%while3A_724 = %while3A_580) -> (i32)  : i32 {
        %mul3A_725 = arith.constant 16 : i32
        %mul3A_726 = arith.muli %while3A_723, %mul3A_725 : i32
        %get3A_727 = arith.index_cast %mul3A_726 : i32 to index
        %get3A_728 = tpu.vector_load %arg13[%get3A_727] {strides = array<i32>} : memref<4128xi32, #tpu.memory_space<vmem>>, vector<16xi32>,
        %gather3A_729 = tpu.vector_load_idx %arg8[%get3A_728] : memref<81920xf32, #tpu.memory_space<vmem>>[vector<16xi32>], vector<16xf32>,
        %bitcast_convert_type3A = tpu.bitcast %gather3A_729 : vector<16xf32> -> vector<16xi32>
        %ge3A_730 = arith.constant 0 : i32
        %ge3A_731 = vector.broadcast %ge3A_730 : i32 to vector<16xi32>
        %ge3A_732 = arith.cmpi sge, %bitcast_convert_type3A, %ge3A_731 : vector<16xi32>
        %and3A_733 = vector.broadcast %while3A_569 : i32 to vector<16xi32>
        %and3A_734 = arith.andi %bitcast_convert_type3A, %and3A_733 : vector<16xi32>
        %eq3A = vector.broadcast %while3A_570 : i32 to vector<16xi32>
        %eq3A_735 = arith.cmpi eq, %and3A_734, %eq3A : vector<16xi32>
        %and3A_736 = arith.andi %ge3A_732, %eq3A_735 : vector<16xi1>
        %shift_right_logical3A = arith.constant 20 : i32
        %shift_right_logical3A_737 = vector.broadcast %shift_right_logical3A : i32 to vector<16xi32>
        %shift_right_logical3A_738 = arith.shrui %bitcast_convert_type3A, %shift_right_logical3A_737 : vector<16xi32>
        %and3A_739 = arith.constant 1023 : i32
        %and3A_740 = vector.broadcast %and3A_739 : i32 to vector<16xi32>
        %and3A_741 = arith.andi %shift_right_logical3A_738, %and3A_740 : vector<16xi32>
        %unique3A, %unique3A_742 = tpu.scan_count mask(%and3A_736 : vector<16xi1>) value(%and3A_741 : vector<16xi32>) : vector<16xi1>, vector<16xi32>
        %and3A_743 = arith.andi %unique3A, %and3A_736 : vector<16xi1>
        tpu.vector_store_idx %arg11[%and3A_741], %unique3A_742 masked %and3A_743 {add = true} : memref<16384xi32, #tpu.memory_space<vmem>>[vector<16xi32>], vector<16xi32>, vector<16xi1>
        %while3A_744 = arith.constant 0 : i32
        scf.yield %while3A_744 : i32
      }
      %scan3A_583 = arith.constant 300 : i32
      %scan3A_584 = arith.constant 0 : i32
      %scan3A_585 = arith.constant -1 : i32
      %scan3A_586 = arith.constant 0 : i32
      %scan3A_587 = arith.constant 64 : i32
      %scan3A_588 = arith.addi %scan3A_586, %scan3A_587 : i32
      %scan3A_589 = arith.constant 1 : i32
      %scan3A_590:2 = scf.for %scan3A_723 = %scan3A_586 to %scan3A_588 step %scan3A_589 iter_args(%scan3A_724 = %scan3A_584, %scan3A_725 = %scan3A_585) -> (i32, i32)  : i32 {
        %sub3A_726 = arith.constant 63 : i32
        %sub3A_727 = arith.subi %sub3A_726, %scan3A_723 : i32
        %mul3A_728 = arith.constant 16 : i32
        %mul3A_729 = arith.muli %sub3A_727, %mul3A_728 : i32
        %get3A_730 = arith.index_cast %mul3A_729 : i32 to index
        %get3A_731 = tpu.vector_load %arg11[%get3A_730] {strides = array<i32>} : memref<16384xi32, #tpu.memory_space<vmem>>, vector<16xi32>,
        %rev3A = arith.constant 15 : i32
        %rev3A_732 = vector.broadcast %rev3A : i32 to vector<16xi32>
        %rev3A_733 = tpu.iota {dimensions = array<i32: 0>} : vector<16xi32>
        %rev3A_734 = arith.subi %rev3A_732, %rev3A_733 : vector<16xi32>
        %rev3A_735 = tpu.dynamic_gather %get3A_731[%rev3A_734] in [0] : vector<16xi32>, vector<16xi32> -> vector<16xi32>
        %broadcast_in_dim3A_736 = arith.constant true
        %broadcast_in_dim3A_737 = vector.broadcast %broadcast_in_dim3A_736 : i1 to vector<16xi1>
        %masked_cumsum3A_738 = tpu.scan <sum>, %rev3A_735 masked %broadcast_in_dim3A_737 : vector<16xi32>, vector<16xi1> -> vector<16xi32>
        %rev3A_739 = arith.constant 15 : i32
        %rev3A_740 = vector.broadcast %rev3A_739 : i32 to vector<16xi32>
        %rev3A_741 = tpu.iota {dimensions = array<i32: 0>} : vector<16xi32>
        %rev3A_742 = arith.subi %rev3A_740, %rev3A_741 : vector<16xi32>
        %rev3A_743 = tpu.dynamic_gather %masked_cumsum3A_738[%rev3A_742] in [0] : vector<16xi32>, vector<16xi32> -> vector<16xi32>
        %add3A_744 = vector.broadcast %scan3A_724 : i32 to vector<16xi32>
        %add3A_745 = arith.addi %rev3A_743, %add3A_744 : vector<16xi32>
        %mul3A_746 = arith.constant 16 : i32
        %mul3A_747 = arith.muli %sub3A_727, %mul3A_746 : i32
        %swap3A_748 = arith.index_cast %mul3A_747 : i32 to index
        %swap3A_749 = tpu.vector_load %arg12[%swap3A_748] {strides = array<i32>} : memref<1040xi32, #tpu.memory_space<vmem>>, vector<16xi32>,
        tpu.vector_store %arg12[%swap3A_748], %add3A_745 {strides = array<i32>} : memref<1040xi32, #tpu.memory_space<vmem>>, vector<16xi32>,
        %mul3A_750 = arith.constant 16 : i32
        %mul3A_751 = arith.muli %sub3A_727, %mul3A_750 : i32
        %add3A_752 = vector.broadcast %mul3A_751 : i32 to vector<16xi32>
        %add3A_753 = arith.addi %add3A_752, %iota3A : vector<16xi32>
        %ge3A_754 = vector.broadcast %scan3A_583 : i32 to vector<16xi32>
        %ge3A_755 = arith.cmpi sge, %add3A_745, %ge3A_754 : vector<16xi32>
        %jit3A_756 = arith.constant -1 : i32
        %broadcast_in_dim3A_757 = vector.broadcast %jit3A_756 : i32 to vector<16xi32>
        %select_n3A_758 = arith.select %ge3A_755, %add3A_753, %broadcast_in_dim3A_757 : vector<16xi1>, vector<16xi32>
        %reduce_max3A_759 = arith.constant true
        %reduce_max3A_760 = vector.broadcast %reduce_max3A_759 : i1 to vector<16xi1>
        %reduce_max3A_761 = arith.constant -2147483648 : i32
        %reduce_max3A_762 = vector.broadcast %reduce_max3A_761 : i32 to vector<16xi32>
        %reduce_max3A_763 = arith.xori %select_n3A_758, %reduce_max3A_762 : vector<16xi32>
        %reduce_max3A_764 = tpu.scan <max>, %reduce_max3A_763 masked %reduce_max3A_760 : vector<16xi32>, vector<16xi1> -> vector<16xi32>
        %reduce_max3A_765 = arith.xori %reduce_max3A_764, %reduce_max3A_762 : vector<16xi32>
        %reduce_max3A_766 = vector.extract %reduce_max3A_765[15] : i32 from vector<16xi32>
        %reduce_max3A_767 = arith.constant true
        %reduce_max3A_768 = vector.broadcast %reduce_max3A_767 : i1 to vector<16xi1>
        %reduce_max3A_769 = arith.constant -2147483648 : i32
        %reduce_max3A_770 = vector.broadcast %reduce_max3A_769 : i32 to vector<16xi32>
        %reduce_max3A_771 = arith.xori %add3A_745, %reduce_max3A_770 : vector<16xi32>
        %reduce_max3A_772 = tpu.scan <max>, %reduce_max3A_771 masked %reduce_max3A_768 : vector<16xi32>, vector<16xi1> -> vector<16xi32>
        %reduce_max3A_773 = arith.xori %reduce_max3A_772, %reduce_max3A_770 : vector<16xi32>
        %reduce_max3A_774 = vector.extract %reduce_max3A_773[15] : i32 from vector<16xi32>
        %max3A = arith.maxsi %scan3A_725, %reduce_max3A_766 : i32
        scf.yield %reduce_max3A_774, %max3A : i32, i32
      }
      %scan3A_591 = arith.constant 64 : i32
      %add3A_592 = arith.constant 1 : i32
      %add3A_593 = arith.addi %scan3A_590#1, %add3A_592 : i32
      %broadcast_in_dim3A_594 = arith.constant 0 : i32
      %broadcast_in_dim3A_595 = vector.broadcast %broadcast_in_dim3A_594 : i32 to vector<16xi32>
      %add3A_596 = vector.broadcast %add3A_593 : i32 to vector<16xi32>
      %add3A_597 = arith.addi %broadcast_in_dim3A_595, %add3A_596 : vector<16xi32>
      %gather3A_598 = tpu.vector_load_idx %arg12[%add3A_597] : memref<1040xi32, #tpu.memory_space<vmem>>[vector<16xi32>], vector<16xi32>,
      %reduce_max3A_599 = arith.constant true
      %reduce_max3A_600 = vector.broadcast %reduce_max3A_599 : i1 to vector<16xi1>
      %reduce_max3A_601 = arith.constant -2147483648 : i32
      %reduce_max3A_602 = vector.broadcast %reduce_max3A_601 : i32 to vector<16xi32>
      %reduce_max3A_603 = arith.xori %gather3A_598, %reduce_max3A_602 : vector<16xi32>
      %reduce_max3A_604 = tpu.scan <max>, %reduce_max3A_603 masked %reduce_max3A_600 : vector<16xi32>, vector<16xi1> -> vector<16xi32>
      %reduce_max3A_605 = arith.xori %reduce_max3A_604, %reduce_max3A_602 : vector<16xi32>
      %reduce_max3A_606 = vector.extract %reduce_max3A_605[15] : i32 from vector<16xi32>
      %shift_left3A_607 = arith.constant 20 : i32
      %shift_left3A_608 = arith.shli %scan3A_590#1, %shift_left3A_607 : i32
      %or3A_609 = arith.constant 0 : i32
      %or3A_610 = arith.ori %or3A_609, %shift_left3A_608 : i32
      %sub3A_611 = arith.constant 300 : i32
      %sub3A_612 = arith.subi %sub3A_611, %reduce_max3A_606 : i32
      %scan3A_613 = arith.constant 0 : i32
      %scan3A_614 = arith.constant 0 : i32
      %scan3A_615 = arith.constant 64 : i32
      %scan3A_616 = arith.addi %scan3A_614, %scan3A_615 : i32
      %scan3A_617 = arith.constant 1 : i32
      %scan3A_618 = scf.for %scan3A_723 = %scan3A_614 to %scan3A_616 step %scan3A_617 iter_args(%scan3A_724 = %scan3A_613) -> (i32)  : i32 {
        %broadcast_in_dim3A_725 = arith.constant 0 : i32
        %broadcast_in_dim3A_726 = vector.broadcast %broadcast_in_dim3A_725 : i32 to vector<16xi32>
        %mul3A_727 = arith.constant 16 : i32
        %mul3A_728 = arith.muli %scan3A_723, %mul3A_727 : i32
        %swap3A_729 = arith.index_cast %mul3A_728 : i32 to index
        %swap3A_730 = tpu.vector_load %arg11[%swap3A_729] {strides = array<i32>} : memref<16384xi32, #tpu.memory_space<vmem>>, vector<16xi32>,
        tpu.vector_store %arg11[%swap3A_729], %broadcast_in_dim3A_726 {strides = array<i32>} : memref<16384xi32, #tpu.memory_space<vmem>>, vector<16xi32>,
        %scan3A_731 = arith.constant 0 : i32
        scf.yield %scan3A_731 : i32
      }
      %scan3A_619 = arith.constant 64 : i32
      %while3A_620 = arith.constant 1072693248 : i32
      %while3A_621 = arith.constant 0 : i32
      %while3A_622 = arith.constant 0 : i32
      %while3A_623 = arith.subi %select_n3A_561, %while3A_621 : i32
      %while3A_624 = arith.addi %while3A_621, %while3A_623 : i32
      %while3A_625 = arith.constant 1 : i32
      %while3A_626 = arith.divsi %while3A_623, %while3A_625 : i32
      %while3A_627 = arith.muli %while3A_626, %while3A_625 : i32
      %while3A_628 = arith.addi %while3A_621, %while3A_627 : i32
      %while3A_629 = arith.constant 1 : i32
      %while3A_630 = scf.for %while3A_723 = %while3A_621 to %while3A_628 step %while3A_629 iter_args(%while3A_724 = %while3A_622) -> (i32)  : i32 {
        %mul3A_725 = arith.constant 16 : i32
        %mul3A_726 = arith.muli %while3A_723, %mul3A_725 : i32
        %get3A_727 = arith.index_cast %mul3A_726 : i32 to index
        %get3A_728 = tpu.vector_load %arg13[%get3A_727] {strides = array<i32>} : memref<4128xi32, #tpu.memory_space<vmem>>, vector<16xi32>,
        %gather3A_729 = tpu.vector_load_idx %arg8[%get3A_728] : memref<81920xf32, #tpu.memory_space<vmem>>[vector<16xi32>], vector<16xf32>,
        %bitcast_convert_type3A = tpu.bitcast %gather3A_729 : vector<16xf32> -> vector<16xi32>
        %ge3A_730 = arith.constant 0 : i32
        %ge3A_731 = vector.broadcast %ge3A_730 : i32 to vector<16xi32>
        %ge3A_732 = arith.cmpi sge, %bitcast_convert_type3A, %ge3A_731 : vector<16xi32>
        %and3A_733 = vector.broadcast %while3A_620 : i32 to vector<16xi32>
        %and3A_734 = arith.andi %bitcast_convert_type3A, %and3A_733 : vector<16xi32>
        %eq3A = vector.broadcast %or3A_610 : i32 to vector<16xi32>
        %eq3A_735 = arith.cmpi eq, %and3A_734, %eq3A : vector<16xi32>
        %and3A_736 = arith.andi %ge3A_732, %eq3A_735 : vector<16xi1>
        %shift_right_logical3A = arith.constant 10 : i32
        %shift_right_logical3A_737 = vector.broadcast %shift_right_logical3A : i32 to vector<16xi32>
        %shift_right_logical3A_738 = arith.shrui %bitcast_convert_type3A, %shift_right_logical3A_737 : vector<16xi32>
        %and3A_739 = arith.constant 1023 : i32
        %and3A_740 = vector.broadcast %and3A_739 : i32 to vector<16xi32>
        %and3A_741 = arith.andi %shift_right_logical3A_738, %and3A_740 : vector<16xi32>
        %unique3A, %unique3A_742 = tpu.scan_count mask(%and3A_736 : vector<16xi1>) value(%and3A_741 : vector<16xi32>) : vector<16xi1>, vector<16xi32>
        %and3A_743 = arith.andi %unique3A, %and3A_736 : vector<16xi1>
        tpu.vector_store_idx %arg11[%and3A_741], %unique3A_742 masked %and3A_743 {add = true} : memref<16384xi32, #tpu.memory_space<vmem>>[vector<16xi32>], vector<16xi32>, vector<16xi1>
        %while3A_744 = arith.constant 0 : i32
        scf.yield %while3A_744 : i32
      }
      %while3A_631 = arith.constant 1 : i32
      %while3A_632 = scf.for %while3A_723 = %while3A_628 to %while3A_624 step %while3A_631 iter_args(%while3A_724 = %while3A_630) -> (i32)  : i32 {
        %mul3A_725 = arith.constant 16 : i32
        %mul3A_726 = arith.muli %while3A_723, %mul3A_725 : i32
        %get3A_727 = arith.index_cast %mul3A_726 : i32 to index
        %get3A_728 = tpu.vector_load %arg13[%get3A_727] {strides = array<i32>} : memref<4128xi32, #tpu.memory_space<vmem>>, vector<16xi32>,
        %gather3A_729 = tpu.vector_load_idx %arg8[%get3A_728] : memref<81920xf32, #tpu.memory_space<vmem>>[vector<16xi32>], vector<16xf32>,
        %bitcast_convert_type3A = tpu.bitcast %gather3A_729 : vector<16xf32> -> vector<16xi32>
        %ge3A_730 = arith.constant 0 : i32
        %ge3A_731 = vector.broadcast %ge3A_730 : i32 to vector<16xi32>
        %ge3A_732 = arith.cmpi sge, %bitcast_convert_type3A, %ge3A_731 : vector<16xi32>
        %and3A_733 = vector.broadcast %while3A_620 : i32 to vector<16xi32>
        %and3A_734 = arith.andi %bitcast_convert_type3A, %and3A_733 : vector<16xi32>
        %eq3A = vector.broadcast %or3A_610 : i32 to vector<16xi32>
        %eq3A_735 = arith.cmpi eq, %and3A_734, %eq3A : vector<16xi32>
        %and3A_736 = arith.andi %ge3A_732, %eq3A_735 : vector<16xi1>
        %shift_right_logical3A = arith.constant 10 : i32
        %shift_right_logical3A_737 = vector.broadcast %shift_right_logical3A : i32 to vector<16xi32>
        %shift_right_logical3A_738 = arith.shrui %bitcast_convert_type3A, %shift_right_logical3A_737 : vector<16xi32>
        %and3A_739 = arith.constant 1023 : i32
        %and3A_740 = vector.broadcast %and3A_739 : i32 to vector<16xi32>
        %and3A_741 = arith.andi %shift_right_logical3A_738, %and3A_740 : vector<16xi32>
        %unique3A, %unique3A_742 = tpu.scan_count mask(%and3A_736 : vector<16xi1>) value(%and3A_741 : vector<16xi32>) : vector<16xi1>, vector<16xi32>
        %and3A_743 = arith.andi %unique3A, %and3A_736 : vector<16xi1>
        tpu.vector_store_idx %arg11[%and3A_741], %unique3A_742 masked %and3A_743 {add = true} : memref<16384xi32, #tpu.memory_space<vmem>>[vector<16xi32>], vector<16xi32>, vector<16xi1>
        %while3A_744 = arith.constant 0 : i32
        scf.yield %while3A_744 : i32
      }
      %scan3A_633 = arith.constant 0 : i32
      %scan3A_634 = arith.constant -1 : i32
      %scan3A_635 = arith.constant 0 : i32
      %scan3A_636 = arith.constant 64 : i32
      %scan3A_637 = arith.addi %scan3A_635, %scan3A_636 : i32
      %scan3A_638 = arith.constant 1 : i32
      %scan3A_639:2 = scf.for %scan3A_723 = %scan3A_635 to %scan3A_637 step %scan3A_638 iter_args(%scan3A_724 = %scan3A_633, %scan3A_725 = %scan3A_634) -> (i32, i32)  : i32 {
        %sub3A_726 = arith.constant 63 : i32
        %sub3A_727 = arith.subi %sub3A_726, %scan3A_723 : i32
        %mul3A_728 = arith.constant 16 : i32
        %mul3A_729 = arith.muli %sub3A_727, %mul3A_728 : i32
        %get3A_730 = arith.index_cast %mul3A_729 : i32 to index
        %get3A_731 = tpu.vector_load %arg11[%get3A_730] {strides = array<i32>} : memref<16384xi32, #tpu.memory_space<vmem>>, vector<16xi32>,
        %rev3A = arith.constant 15 : i32
        %rev3A_732 = vector.broadcast %rev3A : i32 to vector<16xi32>
        %rev3A_733 = tpu.iota {dimensions = array<i32: 0>} : vector<16xi32>
        %rev3A_734 = arith.subi %rev3A_732, %rev3A_733 : vector<16xi32>
        %rev3A_735 = tpu.dynamic_gather %get3A_731[%rev3A_734] in [0] : vector<16xi32>, vector<16xi32> -> vector<16xi32>
        %broadcast_in_dim3A_736 = arith.constant true
        %broadcast_in_dim3A_737 = vector.broadcast %broadcast_in_dim3A_736 : i1 to vector<16xi1>
        %masked_cumsum3A_738 = tpu.scan <sum>, %rev3A_735 masked %broadcast_in_dim3A_737 : vector<16xi32>, vector<16xi1> -> vector<16xi32>
        %rev3A_739 = arith.constant 15 : i32
        %rev3A_740 = vector.broadcast %rev3A_739 : i32 to vector<16xi32>
        %rev3A_741 = tpu.iota {dimensions = array<i32: 0>} : vector<16xi32>
        %rev3A_742 = arith.subi %rev3A_740, %rev3A_741 : vector<16xi32>
        %rev3A_743 = tpu.dynamic_gather %masked_cumsum3A_738[%rev3A_742] in [0] : vector<16xi32>, vector<16xi32> -> vector<16xi32>
        %add3A_744 = vector.broadcast %scan3A_724 : i32 to vector<16xi32>
        %add3A_745 = arith.addi %rev3A_743, %add3A_744 : vector<16xi32>
        %mul3A_746 = arith.constant 16 : i32
        %mul3A_747 = arith.muli %sub3A_727, %mul3A_746 : i32
        %swap3A_748 = arith.index_cast %mul3A_747 : i32 to index
        %swap3A_749 = tpu.vector_load %arg12[%swap3A_748] {strides = array<i32>} : memref<1040xi32, #tpu.memory_space<vmem>>, vector<16xi32>,
        tpu.vector_store %arg12[%swap3A_748], %add3A_745 {strides = array<i32>} : memref<1040xi32, #tpu.memory_space<vmem>>, vector<16xi32>,
        %mul3A_750 = arith.constant 16 : i32
        %mul3A_751 = arith.muli %sub3A_727, %mul3A_750 : i32
        %add3A_752 = vector.broadcast %mul3A_751 : i32 to vector<16xi32>
        %add3A_753 = arith.addi %add3A_752, %iota3A : vector<16xi32>
        %ge3A_754 = vector.broadcast %sub3A_612 : i32 to vector<16xi32>
        %ge3A_755 = arith.cmpi sge, %add3A_745, %ge3A_754 : vector<16xi32>
        %jit3A_756 = arith.constant -1 : i32
        %broadcast_in_dim3A_757 = vector.broadcast %jit3A_756 : i32 to vector<16xi32>
        %select_n3A_758 = arith.select %ge3A_755, %add3A_753, %broadcast_in_dim3A_757 : vector<16xi1>, vector<16xi32>
        %reduce_max3A_759 = arith.constant true
        %reduce_max3A_760 = vector.broadcast %reduce_max3A_759 : i1 to vector<16xi1>
        %reduce_max3A_761 = arith.constant -2147483648 : i32
        %reduce_max3A_762 = vector.broadcast %reduce_max3A_761 : i32 to vector<16xi32>
        %reduce_max3A_763 = arith.xori %select_n3A_758, %reduce_max3A_762 : vector<16xi32>
        %reduce_max3A_764 = tpu.scan <max>, %reduce_max3A_763 masked %reduce_max3A_760 : vector<16xi32>, vector<16xi1> -> vector<16xi32>
        %reduce_max3A_765 = arith.xori %reduce_max3A_764, %reduce_max3A_762 : vector<16xi32>
        %reduce_max3A_766 = vector.extract %reduce_max3A_765[15] : i32 from vector<16xi32>
        %reduce_max3A_767 = arith.constant true
        %reduce_max3A_768 = vector.broadcast %reduce_max3A_767 : i1 to vector<16xi1>
        %reduce_max3A_769 = arith.constant -2147483648 : i32
        %reduce_max3A_770 = vector.broadcast %reduce_max3A_769 : i32 to vector<16xi32>
        %reduce_max3A_771 = arith.xori %add3A_745, %reduce_max3A_770 : vector<16xi32>
        %reduce_max3A_772 = tpu.scan <max>, %reduce_max3A_771 masked %reduce_max3A_768 : vector<16xi32>, vector<16xi1> -> vector<16xi32>
        %reduce_max3A_773 = arith.xori %reduce_max3A_772, %reduce_max3A_770 : vector<16xi32>
        %reduce_max3A_774 = vector.extract %reduce_max3A_773[15] : i32 from vector<16xi32>
        %max3A = arith.maxsi %scan3A_725, %reduce_max3A_766 : i32
        scf.yield %reduce_max3A_774, %max3A : i32, i32
      }
      %scan3A_640 = arith.constant 64 : i32
      %add3A_641 = arith.constant 1 : i32
      %add3A_642 = arith.addi %scan3A_639#1, %add3A_641 : i32
      %broadcast_in_dim3A_643 = arith.constant 0 : i32
      %broadcast_in_dim3A_644 = vector.broadcast %broadcast_in_dim3A_643 : i32 to vector<16xi32>
      %add3A_645 = vector.broadcast %add3A_642 : i32 to vector<16xi32>
      %add3A_646 = arith.addi %broadcast_in_dim3A_644, %add3A_645 : vector<16xi32>
      %gather3A_647 = tpu.vector_load_idx %arg12[%add3A_646] : memref<1040xi32, #tpu.memory_space<vmem>>[vector<16xi32>], vector<16xi32>,
      %reduce_max3A_648 = arith.constant true
      %reduce_max3A_649 = vector.broadcast %reduce_max3A_648 : i1 to vector<16xi1>
      %reduce_max3A_650 = arith.constant -2147483648 : i32
      %reduce_max3A_651 = vector.broadcast %reduce_max3A_650 : i32 to vector<16xi32>
      %reduce_max3A_652 = arith.xori %gather3A_647, %reduce_max3A_651 : vector<16xi32>
      %reduce_max3A_653 = tpu.scan <max>, %reduce_max3A_652 masked %reduce_max3A_649 : vector<16xi32>, vector<16xi1> -> vector<16xi32>
      %reduce_max3A_654 = arith.xori %reduce_max3A_653, %reduce_max3A_651 : vector<16xi32>
      %reduce_max3A_655 = vector.extract %reduce_max3A_654[15] : i32 from vector<16xi32>
      %shift_left3A_656 = arith.constant 10 : i32
      %shift_left3A_657 = arith.shli %scan3A_639#1, %shift_left3A_656 : i32
      %or3A_658 = arith.ori %or3A_610, %shift_left3A_657 : i32
      %sub3A_659 = arith.subi %sub3A_612, %reduce_max3A_655 : i32
      %scan3A_660 = arith.constant 0 : i32
      %scan3A_661 = arith.constant 0 : i32
      %scan3A_662 = arith.constant 64 : i32
      %scan3A_663 = arith.addi %scan3A_661, %scan3A_662 : i32
      %scan3A_664 = arith.constant 1 : i32
      %scan3A_665 = scf.for %scan3A_723 = %scan3A_661 to %scan3A_663 step %scan3A_664 iter_args(%scan3A_724 = %scan3A_660) -> (i32)  : i32 {
        %broadcast_in_dim3A_725 = arith.constant 0 : i32
        %broadcast_in_dim3A_726 = vector.broadcast %broadcast_in_dim3A_725 : i32 to vector<16xi32>
        %mul3A_727 = arith.constant 16 : i32
        %mul3A_728 = arith.muli %scan3A_723, %mul3A_727 : i32
        %swap3A_729 = arith.index_cast %mul3A_728 : i32 to index
        %swap3A_730 = tpu.vector_load %arg11[%swap3A_729] {strides = array<i32>} : memref<16384xi32, #tpu.memory_space<vmem>>, vector<16xi32>,
        tpu.vector_store %arg11[%swap3A_729], %broadcast_in_dim3A_726 {strides = array<i32>} : memref<16384xi32, #tpu.memory_space<vmem>>, vector<16xi32>,
        %scan3A_731 = arith.constant 0 : i32
        scf.yield %scan3A_731 : i32
      }
      %scan3A_666 = arith.constant 64 : i32
      %while3A_667 = arith.constant 1073740800 : i32
      %while3A_668 = arith.constant 0 : i32
      %while3A_669 = arith.constant 0 : i32
      %while3A_670 = arith.subi %select_n3A_561, %while3A_668 : i32
      %while3A_671 = arith.addi %while3A_668, %while3A_670 : i32
      %while3A_672 = arith.constant 1 : i32
      %while3A_673 = arith.divsi %while3A_670, %while3A_672 : i32
      %while3A_674 = arith.muli %while3A_673, %while3A_672 : i32
      %while3A_675 = arith.addi %while3A_668, %while3A_674 : i32
      %while3A_676 = arith.constant 1 : i32
      %while3A_677 = scf.for %while3A_723 = %while3A_668 to %while3A_675 step %while3A_676 iter_args(%while3A_724 = %while3A_669) -> (i32)  : i32 {
        %mul3A_725 = arith.constant 16 : i32
        %mul3A_726 = arith.muli %while3A_723, %mul3A_725 : i32
        %get3A_727 = arith.index_cast %mul3A_726 : i32 to index
        %get3A_728 = tpu.vector_load %arg13[%get3A_727] {strides = array<i32>} : memref<4128xi32, #tpu.memory_space<vmem>>, vector<16xi32>,
        %gather3A_729 = tpu.vector_load_idx %arg8[%get3A_728] : memref<81920xf32, #tpu.memory_space<vmem>>[vector<16xi32>], vector<16xf32>,
        %bitcast_convert_type3A = tpu.bitcast %gather3A_729 : vector<16xf32> -> vector<16xi32>
        %ge3A_730 = arith.constant 0 : i32
        %ge3A_731 = vector.broadcast %ge3A_730 : i32 to vector<16xi32>
        %ge3A_732 = arith.cmpi sge, %bitcast_convert_type3A, %ge3A_731 : vector<16xi32>
        %and3A_733 = vector.broadcast %while3A_667 : i32 to vector<16xi32>
        %and3A_734 = arith.andi %bitcast_convert_type3A, %and3A_733 : vector<16xi32>
        %eq3A = vector.broadcast %or3A_658 : i32 to vector<16xi32>
        %eq3A_735 = arith.cmpi eq, %and3A_734, %eq3A : vector<16xi32>
        %and3A_736 = arith.andi %ge3A_732, %eq3A_735 : vector<16xi1>
        %shift_right_logical3A = arith.constant 0 : i32
        %shift_right_logical3A_737 = vector.broadcast %shift_right_logical3A : i32 to vector<16xi32>
        %shift_right_logical3A_738 = arith.shrui %bitcast_convert_type3A, %shift_right_logical3A_737 : vector<16xi32>
        %and3A_739 = arith.constant 1023 : i32
        %and3A_740 = vector.broadcast %and3A_739 : i32 to vector<16xi32>
        %and3A_741 = arith.andi %shift_right_logical3A_738, %and3A_740 : vector<16xi32>
        %unique3A, %unique3A_742 = tpu.scan_count mask(%and3A_736 : vector<16xi1>) value(%and3A_741 : vector<16xi32>) : vector<16xi1>, vector<16xi32>
        %and3A_743 = arith.andi %unique3A, %and3A_736 : vector<16xi1>
        tpu.vector_store_idx %arg11[%and3A_741], %unique3A_742 masked %and3A_743 {add = true} : memref<16384xi32, #tpu.memory_space<vmem>>[vector<16xi32>], vector<16xi32>, vector<16xi1>
        %while3A_744 = arith.constant 0 : i32
        scf.yield %while3A_744 : i32
      }
      %while3A_678 = arith.constant 1 : i32
      %while3A_679 = scf.for %while3A_723 = %while3A_675 to %while3A_671 step %while3A_678 iter_args(%while3A_724 = %while3A_677) -> (i32)  : i32 {
        %mul3A_725 = arith.constant 16 : i32
        %mul3A_726 = arith.muli %while3A_723, %mul3A_725 : i32
        %get3A_727 = arith.index_cast %mul3A_726 : i32 to index
        %get3A_728 = tpu.vector_load %arg13[%get3A_727] {strides = array<i32>} : memref<4128xi32, #tpu.memory_space<vmem>>, vector<16xi32>,
        %gather3A_729 = tpu.vector_load_idx %arg8[%get3A_728] : memref<81920xf32, #tpu.memory_space<vmem>>[vector<16xi32>], vector<16xf32>,
        %bitcast_convert_type3A = tpu.bitcast %gather3A_729 : vector<16xf32> -> vector<16xi32>
        %ge3A_730 = arith.constant 0 : i32
        %ge3A_731 = vector.broadcast %ge3A_730 : i32 to vector<16xi32>
        %ge3A_732 = arith.cmpi sge, %bitcast_convert_type3A, %ge3A_731 : vector<16xi32>
        %and3A_733 = vector.broadcast %while3A_667 : i32 to vector<16xi32>
        %and3A_734 = arith.andi %bitcast_convert_type3A, %and3A_733 : vector<16xi32>
        %eq3A = vector.broadcast %or3A_658 : i32 to vector<16xi32>
        %eq3A_735 = arith.cmpi eq, %and3A_734, %eq3A : vector<16xi32>
        %and3A_736 = arith.andi %ge3A_732, %eq3A_735 : vector<16xi1>
        %shift_right_logical3A = arith.constant 0 : i32
        %shift_right_logical3A_737 = vector.broadcast %shift_right_logical3A : i32 to vector<16xi32>
        %shift_right_logical3A_738 = arith.shrui %bitcast_convert_type3A, %shift_right_logical3A_737 : vector<16xi32>
        %and3A_739 = arith.constant 1023 : i32
        %and3A_740 = vector.broadcast %and3A_739 : i32 to vector<16xi32>
        %and3A_741 = arith.andi %shift_right_logical3A_738, %and3A_740 : vector<16xi32>
        %unique3A, %unique3A_742 = tpu.scan_count mask(%and3A_736 : vector<16xi1>) value(%and3A_741 : vector<16xi32>) : vector<16xi1>, vector<16xi32>
        %and3A_743 = arith.andi %unique3A, %and3A_736 : vector<16xi1>
        tpu.vector_store_idx %arg11[%and3A_741], %unique3A_742 masked %and3A_743 {add = true} : memref<16384xi32, #tpu.memory_space<vmem>>[vector<16xi32>], vector<16xi32>, vector<16xi1>
        %while3A_744 = arith.constant 0 : i32
        scf.yield %while3A_744 : i32
      }
      %scan3A_680 = arith.constant 0 : i32
      %scan3A_681 = arith.constant -1 : i32
      %scan3A_682 = arith.constant 0 : i32
      %scan3A_683 = arith.constant 64 : i32
      %scan3A_684 = arith.addi %scan3A_682, %scan3A_683 : i32
      %scan3A_685 = arith.constant 1 : i32
      %scan3A_686:2 = scf.for %scan3A_723 = %scan3A_682 to %scan3A_684 step %scan3A_685 iter_args(%scan3A_724 = %scan3A_680, %scan3A_725 = %scan3A_681) -> (i32, i32)  : i32 {
        %sub3A_726 = arith.constant 63 : i32
        %sub3A_727 = arith.subi %sub3A_726, %scan3A_723 : i32
        %mul3A_728 = arith.constant 16 : i32
        %mul3A_729 = arith.muli %sub3A_727, %mul3A_728 : i32
        %get3A_730 = arith.index_cast %mul3A_729 : i32 to index
        %get3A_731 = tpu.vector_load %arg11[%get3A_730] {strides = array<i32>} : memref<16384xi32, #tpu.memory_space<vmem>>, vector<16xi32>,
        %rev3A = arith.constant 15 : i32
        %rev3A_732 = vector.broadcast %rev3A : i32 to vector<16xi32>
        %rev3A_733 = tpu.iota {dimensions = array<i32: 0>} : vector<16xi32>
        %rev3A_734 = arith.subi %rev3A_732, %rev3A_733 : vector<16xi32>
        %rev3A_735 = tpu.dynamic_gather %get3A_731[%rev3A_734] in [0] : vector<16xi32>, vector<16xi32> -> vector<16xi32>
        %broadcast_in_dim3A_736 = arith.constant true
        %broadcast_in_dim3A_737 = vector.broadcast %broadcast_in_dim3A_736 : i1 to vector<16xi1>
        %masked_cumsum3A_738 = tpu.scan <sum>, %rev3A_735 masked %broadcast_in_dim3A_737 : vector<16xi32>, vector<16xi1> -> vector<16xi32>
        %rev3A_739 = arith.constant 15 : i32
        %rev3A_740 = vector.broadcast %rev3A_739 : i32 to vector<16xi32>
        %rev3A_741 = tpu.iota {dimensions = array<i32: 0>} : vector<16xi32>
        %rev3A_742 = arith.subi %rev3A_740, %rev3A_741 : vector<16xi32>
        %rev3A_743 = tpu.dynamic_gather %masked_cumsum3A_738[%rev3A_742] in [0] : vector<16xi32>, vector<16xi32> -> vector<16xi32>
        %add3A_744 = vector.broadcast %scan3A_724 : i32 to vector<16xi32>
        %add3A_745 = arith.addi %rev3A_743, %add3A_744 : vector<16xi32>
        %mul3A_746 = arith.constant 16 : i32
        %mul3A_747 = arith.muli %sub3A_727, %mul3A_746 : i32
        %swap3A_748 = arith.index_cast %mul3A_747 : i32 to index
        %swap3A_749 = tpu.vector_load %arg12[%swap3A_748] {strides = array<i32>} : memref<1040xi32, #tpu.memory_space<vmem>>, vector<16xi32>,
        tpu.vector_store %arg12[%swap3A_748], %add3A_745 {strides = array<i32>} : memref<1040xi32, #tpu.memory_space<vmem>>, vector<16xi32>,
        %mul3A_750 = arith.constant 16 : i32
        %mul3A_751 = arith.muli %sub3A_727, %mul3A_750 : i32
        %add3A_752 = vector.broadcast %mul3A_751 : i32 to vector<16xi32>
        %add3A_753 = arith.addi %add3A_752, %iota3A : vector<16xi32>
        %ge3A_754 = vector.broadcast %sub3A_659 : i32 to vector<16xi32>
        %ge3A_755 = arith.cmpi sge, %add3A_745, %ge3A_754 : vector<16xi32>
        %jit3A_756 = arith.constant -1 : i32
        %broadcast_in_dim3A_757 = vector.broadcast %jit3A_756 : i32 to vector<16xi32>
        %select_n3A_758 = arith.select %ge3A_755, %add3A_753, %broadcast_in_dim3A_757 : vector<16xi1>, vector<16xi32>
        %reduce_max3A_759 = arith.constant true
        %reduce_max3A_760 = vector.broadcast %reduce_max3A_759 : i1 to vector<16xi1>
        %reduce_max3A_761 = arith.constant -2147483648 : i32
        %reduce_max3A_762 = vector.broadcast %reduce_max3A_761 : i32 to vector<16xi32>
        %reduce_max3A_763 = arith.xori %select_n3A_758, %reduce_max3A_762 : vector<16xi32>
        %reduce_max3A_764 = tpu.scan <max>, %reduce_max3A_763 masked %reduce_max3A_760 : vector<16xi32>, vector<16xi1> -> vector<16xi32>
        %reduce_max3A_765 = arith.xori %reduce_max3A_764, %reduce_max3A_762 : vector<16xi32>
        %reduce_max3A_766 = vector.extract %reduce_max3A_765[15] : i32 from vector<16xi32>
        %reduce_max3A_767 = arith.constant true
        %reduce_max3A_768 = vector.broadcast %reduce_max3A_767 : i1 to vector<16xi1>
        %reduce_max3A_769 = arith.constant -2147483648 : i32
        %reduce_max3A_770 = vector.broadcast %reduce_max3A_769 : i32 to vector<16xi32>
        %reduce_max3A_771 = arith.xori %add3A_745, %reduce_max3A_770 : vector<16xi32>
        %reduce_max3A_772 = tpu.scan <max>, %reduce_max3A_771 masked %reduce_max3A_768 : vector<16xi32>, vector<16xi1> -> vector<16xi32>
        %reduce_max3A_773 = arith.xori %reduce_max3A_772, %reduce_max3A_770 : vector<16xi32>
        %reduce_max3A_774 = vector.extract %reduce_max3A_773[15] : i32 from vector<16xi32>
        %max3A = arith.maxsi %scan3A_725, %reduce_max3A_766 : i32
        scf.yield %reduce_max3A_774, %max3A : i32, i32
      }
      %scan3A_687 = arith.constant 64 : i32
      %add3A_688 = arith.constant 1 : i32
      %add3A_689 = arith.addi %scan3A_686#1, %add3A_688 : i32
      %broadcast_in_dim3A_690 = arith.constant 0 : i32
      %broadcast_in_dim3A_691 = vector.broadcast %broadcast_in_dim3A_690 : i32 to vector<16xi32>
      %add3A_692 = vector.broadcast %add3A_689 : i32 to vector<16xi32>
      %add3A_693 = arith.addi %broadcast_in_dim3A_691, %add3A_692 : vector<16xi32>
      %gather3A_694 = tpu.vector_load_idx %arg12[%add3A_693] : memref<1040xi32, #tpu.memory_space<vmem>>[vector<16xi32>], vector<16xi32>,
      %reduce_max3A_695 = arith.constant true
      %reduce_max3A_696 = vector.broadcast %reduce_max3A_695 : i1 to vector<16xi1>
      %reduce_max3A_697 = arith.constant -2147483648 : i32
      %reduce_max3A_698 = vector.broadcast %reduce_max3A_697 : i32 to vector<16xi32>
      %reduce_max3A_699 = arith.xori %gather3A_694, %reduce_max3A_698 : vector<16xi32>
      %reduce_max3A_700 = tpu.scan <max>, %reduce_max3A_699 masked %reduce_max3A_696 : vector<16xi32>, vector<16xi1> -> vector<16xi32>
      %reduce_max3A_701 = arith.xori %reduce_max3A_700, %reduce_max3A_698 : vector<16xi32>
      %reduce_max3A_702 = vector.extract %reduce_max3A_701[15] : i32 from vector<16xi32>
      %shift_left3A_703 = arith.constant 0 : i32
      %shift_left3A_704 = arith.shli %scan3A_686#1, %shift_left3A_703 : i32
      %or3A_705 = arith.ori %or3A_658, %shift_left3A_704 : i32
      %sub3A_706 = arith.subi %sub3A_659, %reduce_max3A_702 : i32
      %while3A_707 = arith.constant 0 : i32
      %while3A_708 = arith.constant 0 : i32
      %while3A_709 = arith.constant 0 : i32
      %while3A_710 = arith.subi %select_n3A_561, %while3A_707 : i32
      %while3A_711 = arith.addi %while3A_707, %while3A_710 : i32
      %while3A_712 = arith.constant 1 : i32
      %while3A_713 = arith.divsi %while3A_710, %while3A_712 : i32
      %while3A_714 = arith.muli %while3A_713, %while3A_712 : i32
      %while3A_715 = arith.addi %while3A_707, %while3A_714 : i32
      %while3A_716 = arith.constant 1 : i32
      %while3A_717:2 = scf.for %while3A_723 = %while3A_707 to %while3A_715 step %while3A_716 iter_args(%while3A_724 = %while3A_708, %while3A_725 = %while3A_709) -> (i32, i32)  : i32 {
        %mul3A_726 = arith.constant 16 : i32
        %mul3A_727 = arith.muli %while3A_723, %mul3A_726 : i32
        %get3A_728 = arith.index_cast %mul3A_727 : i32 to index
        %get3A_729 = tpu.vector_load %arg13[%get3A_728] {strides = array<i32>} : memref<4128xi32, #tpu.memory_space<vmem>>, vector<16xi32>,
        %gather3A_730 = tpu.vector_load_idx %arg8[%get3A_729] : memref<81920xf32, #tpu.memory_space<vmem>>[vector<16xi32>], vector<16xf32>,
        %bitcast_convert_type3A = tpu.bitcast %gather3A_730 : vector<16xf32> -> vector<16xi32>
        %ge3A_731 = arith.constant 0 : i32
        %ge3A_732 = vector.broadcast %ge3A_731 : i32 to vector<16xi32>
        %ge3A_733 = arith.cmpi sge, %bitcast_convert_type3A, %ge3A_732 : vector<16xi32>
        %gt3A_734 = vector.broadcast %or3A_705 : i32 to vector<16xi32>
        %gt3A_735 = arith.cmpi sgt, %bitcast_convert_type3A, %gt3A_734 : vector<16xi32>
        %and3A_736 = arith.andi %ge3A_733, %gt3A_735 : vector<16xi1>
        %eq3A = vector.broadcast %or3A_705 : i32 to vector<16xi32>
        %eq3A_737 = arith.cmpi eq, %bitcast_convert_type3A, %eq3A : vector<16xi32>
        %and3A_738 = arith.andi %ge3A_733, %eq3A_737 : vector<16xi1>
        %swap3A_739 = arith.index_cast %while3A_724 : i32 to index
        %swap3A_740 = tpu.vector_load %arg14[%swap3A_739] masked %and3A_736 {strides = array<i32>} : memref<320xi32, #tpu.memory_space<vmem>>, vector<16xi32>, vector<16xi1>
        tpu.vector_store %arg14[%swap3A_739], %get3A_729 masked %and3A_736 {strides = array<i32>} : memref<320xi32, #tpu.memory_space<vmem>>, vector<16xi32>, vector<16xi1>
        %all_reduce_population_count3A = tpu.all_reduce %and3A_736 {dim = 0 : i64, kind = #tpu.reduction_kind<sum>} : vector<16xi1> -> vector<16xi32>
        %slice3A = vector.extract_strided_slice %all_reduce_population_count3A {offsets = [0], sizes = [1], strides = [1]} : vector<16xi32> to vector<1xi32>
        %squeeze3A = vector.extract %slice3A[0] : i32 from vector<1xi32>
        %add3A_741 = arith.addi %while3A_724, %squeeze3A : i32
        %convert_element_type3A_742 = arith.extui %and3A_738 : vector<16xi1> to vector<16xi32>
        %broadcast_in_dim3A_743 = arith.constant true
        %broadcast_in_dim3A_744 = vector.broadcast %broadcast_in_dim3A_743 : i1 to vector<16xi1>
        %masked_cumsum3A_745 = tpu.scan <sum>, %convert_element_type3A_742 masked %broadcast_in_dim3A_744 : vector<16xi32>, vector<16xi1> -> vector<16xi32>
        %add3A_746 = vector.broadcast %while3A_725 : i32 to vector<16xi32>
        %add3A_747 = arith.addi %add3A_746, %masked_cumsum3A_745 : vector<16xi32>
        %le3A_748 = vector.broadcast %sub3A_706 : i32 to vector<16xi32>
        %le3A_749 = arith.cmpi sle, %add3A_747, %le3A_748 : vector<16xi32>
        %and3A_750 = arith.andi %and3A_738, %le3A_749 : vector<16xi1>
        %swap3A_751 = arith.index_cast %while3A_725 : i32 to index
        %swap3A_752 = tpu.vector_load %arg15[%swap3A_751] masked %and3A_750 {strides = array<i32>} : memref<320xi32, #tpu.memory_space<vmem>>, vector<16xi32>, vector<16xi1>
        tpu.vector_store %arg15[%swap3A_751], %get3A_729 masked %and3A_750 {strides = array<i32>} : memref<320xi32, #tpu.memory_space<vmem>>, vector<16xi32>, vector<16xi1>
        %all_reduce_population_count3A_753 = tpu.all_reduce %and3A_750 {dim = 0 : i64, kind = #tpu.reduction_kind<sum>} : vector<16xi1> -> vector<16xi32>
        %slice3A_754 = vector.extract_strided_slice %all_reduce_population_count3A_753 {offsets = [0], sizes = [1], strides = [1]} : vector<16xi32> to vector<1xi32>
        %squeeze3A_755 = vector.extract %slice3A_754[0] : i32 from vector<1xi32>
        %add3A_756 = arith.addi %while3A_725, %squeeze3A_755 : i32
        scf.yield %add3A_741, %add3A_756 : i32, i32
      }
      %while3A_718 = arith.constant 1 : i32
      %while3A_719:2 = scf.for %while3A_723 = %while3A_715 to %while3A_711 step %while3A_718 iter_args(%while3A_724 = %while3A_717#0, %while3A_725 = %while3A_717#1) -> (i32, i32)  : i32 {
        %mul3A_726 = arith.constant 16 : i32
        %mul3A_727 = arith.muli %while3A_723, %mul3A_726 : i32
        %get3A_728 = arith.index_cast %mul3A_727 : i32 to index
        %get3A_729 = tpu.vector_load %arg13[%get3A_728] {strides = array<i32>} : memref<4128xi32, #tpu.memory_space<vmem>>, vector<16xi32>,
        %gather3A_730 = tpu.vector_load_idx %arg8[%get3A_729] : memref<81920xf32, #tpu.memory_space<vmem>>[vector<16xi32>], vector<16xf32>,
        %bitcast_convert_type3A = tpu.bitcast %gather3A_730 : vector<16xf32> -> vector<16xi32>
        %ge3A_731 = arith.constant 0 : i32
        %ge3A_732 = vector.broadcast %ge3A_731 : i32 to vector<16xi32>
        %ge3A_733 = arith.cmpi sge, %bitcast_convert_type3A, %ge3A_732 : vector<16xi32>
        %gt3A_734 = vector.broadcast %or3A_705 : i32 to vector<16xi32>
        %gt3A_735 = arith.cmpi sgt, %bitcast_convert_type3A, %gt3A_734 : vector<16xi32>
        %and3A_736 = arith.andi %ge3A_733, %gt3A_735 : vector<16xi1>
        %eq3A = vector.broadcast %or3A_705 : i32 to vector<16xi32>
        %eq3A_737 = arith.cmpi eq, %bitcast_convert_type3A, %eq3A : vector<16xi32>
        %and3A_738 = arith.andi %ge3A_733, %eq3A_737 : vector<16xi1>
        %swap3A_739 = arith.index_cast %while3A_724 : i32 to index
        %swap3A_740 = tpu.vector_load %arg14[%swap3A_739] masked %and3A_736 {strides = array<i32>} : memref<320xi32, #tpu.memory_space<vmem>>, vector<16xi32>, vector<16xi1>
        tpu.vector_store %arg14[%swap3A_739], %get3A_729 masked %and3A_736 {strides = array<i32>} : memref<320xi32, #tpu.memory_space<vmem>>, vector<16xi32>, vector<16xi1>
        %all_reduce_population_count3A = tpu.all_reduce %and3A_736 {dim = 0 : i64, kind = #tpu.reduction_kind<sum>} : vector<16xi1> -> vector<16xi32>
        %slice3A = vector.extract_strided_slice %all_reduce_population_count3A {offsets = [0], sizes = [1], strides = [1]} : vector<16xi32> to vector<1xi32>
        %squeeze3A = vector.extract %slice3A[0] : i32 from vector<1xi32>
        %add3A_741 = arith.addi %while3A_724, %squeeze3A : i32
        %convert_element_type3A_742 = arith.extui %and3A_738 : vector<16xi1> to vector<16xi32>
        %broadcast_in_dim3A_743 = arith.constant true
        %broadcast_in_dim3A_744 = vector.broadcast %broadcast_in_dim3A_743 : i1 to vector<16xi1>
        %masked_cumsum3A_745 = tpu.scan <sum>, %convert_element_type3A_742 masked %broadcast_in_dim3A_744 : vector<16xi32>, vector<16xi1> -> vector<16xi32>
        %add3A_746 = vector.broadcast %while3A_725 : i32 to vector<16xi32>
        %add3A_747 = arith.addi %add3A_746, %masked_cumsum3A_745 : vector<16xi32>
        %le3A_748 = vector.broadcast %sub3A_706 : i32 to vector<16xi32>
        %le3A_749 = arith.cmpi sle, %add3A_747, %le3A_748 : vector<16xi32>
        %and3A_750 = arith.andi %and3A_738, %le3A_749 : vector<16xi1>
        %swap3A_751 = arith.index_cast %while3A_725 : i32 to index
        %swap3A_752 = tpu.vector_load %arg15[%swap3A_751] masked %and3A_750 {strides = array<i32>} : memref<320xi32, #tpu.memory_space<vmem>>, vector<16xi32>, vector<16xi1>
        tpu.vector_store %arg15[%swap3A_751], %get3A_729 masked %and3A_750 {strides = array<i32>} : memref<320xi32, #tpu.memory_space<vmem>>, vector<16xi32>, vector<16xi1>
        %all_reduce_population_count3A_753 = tpu.all_reduce %and3A_750 {dim = 0 : i64, kind = #tpu.reduction_kind<sum>} : vector<16xi1> -> vector<16xi32>
        %slice3A_754 = vector.extract_strided_slice %all_reduce_population_count3A_753 {offsets = [0], sizes = [1], strides = [1]} : vector<16xi32> to vector<1xi32>
        %squeeze3A_755 = vector.extract %slice3A_754[0] : i32 from vector<1xi32>
        %add3A_756 = arith.addi %while3A_725, %squeeze3A_755 : i32
        scf.yield %add3A_741, %add3A_756 : i32, i32
      }
      %swap3A_720 = arith.constant 0 : i32
      %swap3A_721 = arith.index_cast %swap3A_720 : i32 to index
      %swap3A_722 = memref.load %arg24[%swap3A_721] : memref<8xi32, #tpu.memory_space<smem>>
      memref.store %sub3A_706, %arg24[%swap3A_721] : memref<8xi32, #tpu.memory_space<smem>>
    } else {
    }
    %lt3A = arith.constant 300 : i32
    %lt3A_41 = arith.cmpi slt, %scan3A_36, %lt3A : i32
    %gt3A = arith.constant 4096 : i32
    %gt3A_42 = arith.cmpi sgt, %scan3A_36, %gt3A : i32
    %or3A = arith.ori %lt3A_41, %gt3A_42 : i1
    %convert_element_type3A_43 = arith.extui %or3A : i1 to i32
    %cond3A_44 = arith.constant 0 : i32
    %cond3A_45 = arith.cmpi ne, %convert_element_type3A_43, %cond3A_44 : i32
    scf.if %cond3A_45 {
      %scan3A_532 = arith.constant 0 : i32
      %scan3A_533 = arith.constant 0 : i32
      %scan3A_534 = arith.constant 1024 : i32
      %scan3A_535 = arith.addi %scan3A_533, %scan3A_534 : i32
      %scan3A_536 = arith.constant 1 : i32
      %scan3A_537 = scf.for %scan3A_669 = %scan3A_533 to %scan3A_535 step %scan3A_536 iter_args(%scan3A_670 = %scan3A_532) -> (i32)  : i32 {
        %broadcast_in_dim3A_671 = arith.constant 0 : i32
        %broadcast_in_dim3A_672 = vector.broadcast %broadcast_in_dim3A_671 : i32 to vector<16xi32>
        %mul3A_673 = arith.constant 16 : i32
        %mul3A_674 = arith.muli %scan3A_669, %mul3A_673 : i32
        %swap3A_675 = arith.index_cast %mul3A_674 : i32 to index
        %swap3A_676 = tpu.vector_load %arg11[%swap3A_675] {strides = array<i32>} : memref<16384xi32, #tpu.memory_space<vmem>>, vector<16xi32>,
        tpu.vector_store %arg11[%swap3A_675], %broadcast_in_dim3A_672 {strides = array<i32>} : memref<16384xi32, #tpu.memory_space<vmem>>, vector<16xi32>,
        %scan3A_677 = arith.constant 0 : i32
        scf.yield %scan3A_677 : i32
      }
      %scan3A_538 = arith.constant 1024 : i32
      %scan3A_539 = arith.constant 0 : i32
      %scan3A_540 = arith.constant 0 : i32
      %scan3A_541 = arith.constant 1280 : i32
      %scan3A_542 = arith.addi %scan3A_540, %scan3A_541 : i32
      %scan3A_543 = arith.constant 1 : i32
      %scan3A_544 = scf.for %scan3A_669 = %scan3A_540 to %scan3A_542 step %scan3A_543 iter_args(%scan3A_670 = %scan3A_539) -> (i32)  : i32 {
        %mul3A_671 = arith.constant 4 : i32
        %mul3A_672 = arith.muli %scan3A_669, %mul3A_671 : i32
        %add3A_673 = arith.constant 0 : i32
        %add3A_674 = arith.addi %mul3A_672, %add3A_673 : i32
        %mul3A_675 = arith.constant 16 : i32
        %mul3A_676 = arith.muli %add3A_674, %mul3A_675 : i32
        %get3A_677 = arith.index_cast %mul3A_676 : i32 to index
        %get3A_678 = tpu.vector_load %arg8[%get3A_677] {strides = array<i32>} : memref<81920xf32, #tpu.memory_space<vmem>>, vector<16xf32>,
        %mul3A_679 = arith.constant 16 : i32
        %mul3A_680 = arith.muli %add3A_674, %mul3A_679 : i32
        %add3A_681 = vector.broadcast %mul3A_680 : i32 to vector<16xi32>
        %add3A_682 = arith.addi %add3A_681, %iota3A : vector<16xi32>
        %bitcast_convert_type3A = tpu.bitcast %get3A_678 : vector<16xf32> -> vector<16xi32>
        %ge3A_683 = arith.constant 0 : i32
        %ge3A_684 = vector.broadcast %ge3A_683 : i32 to vector<16xi32>
        %ge3A_685 = arith.cmpi sge, %bitcast_convert_type3A, %ge3A_684 : vector<16xi32>
        %shift_right_logical3A = arith.constant 20 : i32
        %shift_right_logical3A_686 = vector.broadcast %shift_right_logical3A : i32 to vector<16xi32>
        %shift_right_logical3A_687 = arith.shrui %bitcast_convert_type3A, %shift_right_logical3A_686 : vector<16xi32>
        %and3A_688 = arith.constant 1023 : i32
        %and3A_689 = vector.broadcast %and3A_688 : i32 to vector<16xi32>
        %and3A_690 = arith.andi %shift_right_logical3A_687, %and3A_689 : vector<16xi32>
        %add3A_691 = arith.addi %mul3A_5, %and3A_690 : vector<16xi32>
        tpu.vector_store_idx %arg11[%add3A_691], %broadcast_in_dim3A_7 masked %ge3A_685 {add = true} : memref<16384xi32, #tpu.memory_space<vmem>>[vector<16xi32>], vector<16xi32>, vector<16xi1>
        %mul3A_692 = arith.constant 4 : i32
        %mul3A_693 = arith.muli %scan3A_669, %mul3A_692 : i32
        %add3A_694 = arith.constant 1 : i32
        %add3A_695 = arith.addi %mul3A_693, %add3A_694 : i32
        %mul3A_696 = arith.constant 16 : i32
        %mul3A_697 = arith.muli %add3A_695, %mul3A_696 : i32
        %get3A_698 = arith.index_cast %mul3A_697 : i32 to index
        %get3A_699 = tpu.vector_load %arg8[%get3A_698] {strides = array<i32>} : memref<81920xf32, #tpu.memory_space<vmem>>, vector<16xf32>,
        %mul3A_700 = arith.constant 16 : i32
        %mul3A_701 = arith.muli %add3A_695, %mul3A_700 : i32
        %add3A_702 = vector.broadcast %mul3A_701 : i32 to vector<16xi32>
        %add3A_703 = arith.addi %add3A_702, %iota3A : vector<16xi32>
        %bitcast_convert_type3A_704 = tpu.bitcast %get3A_699 : vector<16xf32> -> vector<16xi32>
        %ge3A_705 = arith.constant 0 : i32
        %ge3A_706 = vector.broadcast %ge3A_705 : i32 to vector<16xi32>
        %ge3A_707 = arith.cmpi sge, %bitcast_convert_type3A_704, %ge3A_706 : vector<16xi32>
        %shift_right_logical3A_708 = arith.constant 20 : i32
        %shift_right_logical3A_709 = vector.broadcast %shift_right_logical3A_708 : i32 to vector<16xi32>
        %shift_right_logical3A_710 = arith.shrui %bitcast_convert_type3A_704, %shift_right_logical3A_709 : vector<16xi32>
        %and3A_711 = arith.constant 1023 : i32
        %and3A_712 = vector.broadcast %and3A_711 : i32 to vector<16xi32>
        %and3A_713 = arith.andi %shift_right_logical3A_710, %and3A_712 : vector<16xi32>
        %add3A_714 = arith.addi %mul3A_5, %and3A_713 : vector<16xi32>
        tpu.vector_store_idx %arg11[%add3A_714], %broadcast_in_dim3A_7 masked %ge3A_707 {add = true} : memref<16384xi32, #tpu.memory_space<vmem>>[vector<16xi32>], vector<16xi32>, vector<16xi1>
        %mul3A_715 = arith.constant 4 : i32
        %mul3A_716 = arith.muli %scan3A_669, %mul3A_715 : i32
        %add3A_717 = arith.constant 2 : i32
        %add3A_718 = arith.addi %mul3A_716, %add3A_717 : i32
        %mul3A_719 = arith.constant 16 : i32
        %mul3A_720 = arith.muli %add3A_718, %mul3A_719 : i32
        %get3A_721 = arith.index_cast %mul3A_720 : i32 to index
        %get3A_722 = tpu.vector_load %arg8[%get3A_721] {strides = array<i32>} : memref<81920xf32, #tpu.memory_space<vmem>>, vector<16xf32>,
        %mul3A_723 = arith.constant 16 : i32
        %mul3A_724 = arith.muli %add3A_718, %mul3A_723 : i32
        %add3A_725 = vector.broadcast %mul3A_724 : i32 to vector<16xi32>
        %add3A_726 = arith.addi %add3A_725, %iota3A : vector<16xi32>
        %bitcast_convert_type3A_727 = tpu.bitcast %get3A_722 : vector<16xf32> -> vector<16xi32>
        %ge3A_728 = arith.constant 0 : i32
        %ge3A_729 = vector.broadcast %ge3A_728 : i32 to vector<16xi32>
        %ge3A_730 = arith.cmpi sge, %bitcast_convert_type3A_727, %ge3A_729 : vector<16xi32>
        %shift_right_logical3A_731 = arith.constant 20 : i32
        %shift_right_logical3A_732 = vector.broadcast %shift_right_logical3A_731 : i32 to vector<16xi32>
        %shift_right_logical3A_733 = arith.shrui %bitcast_convert_type3A_727, %shift_right_logical3A_732 : vector<16xi32>
        %and3A_734 = arith.constant 1023 : i32
        %and3A_735 = vector.broadcast %and3A_734 : i32 to vector<16xi32>
        %and3A_736 = arith.andi %shift_right_logical3A_733, %and3A_735 : vector<16xi32>
        %add3A_737 = arith.addi %mul3A_5, %and3A_736 : vector<16xi32>
        tpu.vector_store_idx %arg11[%add3A_737], %broadcast_in_dim3A_7 masked %ge3A_730 {add = true} : memref<16384xi32, #tpu.memory_space<vmem>>[vector<16xi32>], vector<16xi32>, vector<16xi1>
        %mul3A_738 = arith.constant 4 : i32
        %mul3A_739 = arith.muli %scan3A_669, %mul3A_738 : i32
        %add3A_740 = arith.constant 3 : i32
        %add3A_741 = arith.addi %mul3A_739, %add3A_740 : i32
        %mul3A_742 = arith.constant 16 : i32
        %mul3A_743 = arith.muli %add3A_741, %mul3A_742 : i32
        %get3A_744 = arith.index_cast %mul3A_743 : i32 to index
        %get3A_745 = tpu.vector_load %arg8[%get3A_744] {strides = array<i32>} : memref<81920xf32, #tpu.memory_space<vmem>>, vector<16xf32>,
        %mul3A_746 = arith.constant 16 : i32
        %mul3A_747 = arith.muli %add3A_741, %mul3A_746 : i32
        %add3A_748 = vector.broadcast %mul3A_747 : i32 to vector<16xi32>
        %add3A_749 = arith.addi %add3A_748, %iota3A : vector<16xi32>
        %bitcast_convert_type3A_750 = tpu.bitcast %get3A_745 : vector<16xf32> -> vector<16xi32>
        %ge3A_751 = arith.constant 0 : i32
        %ge3A_752 = vector.broadcast %ge3A_751 : i32 to vector<16xi32>
        %ge3A_753 = arith.cmpi sge, %bitcast_convert_type3A_750, %ge3A_752 : vector<16xi32>
        %shift_right_logical3A_754 = arith.constant 20 : i32
        %shift_right_logical3A_755 = vector.broadcast %shift_right_logical3A_754 : i32 to vector<16xi32>
        %shift_right_logical3A_756 = arith.shrui %bitcast_convert_type3A_750, %shift_right_logical3A_755 : vector<16xi32>
        %and3A_757 = arith.constant 1023 : i32
        %and3A_758 = vector.broadcast %and3A_757 : i32 to vector<16xi32>
        %and3A_759 = arith.andi %shift_right_logical3A_756, %and3A_758 : vector<16xi32>
        %add3A_760 = arith.addi %mul3A_5, %and3A_759 : vector<16xi32>
        tpu.vector_store_idx %arg11[%add3A_760], %broadcast_in_dim3A_7 masked %ge3A_753 {add = true} : memref<16384xi32, #tpu.memory_space<vmem>>[vector<16xi32>], vector<16xi32>, vector<16xi1>
        %scan3A_761 = arith.constant 0 : i32
        scf.yield %scan3A_761 : i32
      }
      %scan3A_545 = arith.constant 1280 : i32
      %scan3A_546 = arith.constant 300 : i32
      %scan3A_547 = arith.constant 0 : i32
      %scan3A_548 = arith.constant -1 : i32
      %scan3A_549 = arith.constant 0 : i32
      %scan3A_550 = arith.constant 64 : i32
      %scan3A_551 = arith.addi %scan3A_549, %scan3A_550 : i32
      %scan3A_552 = arith.constant 1 : i32
      %scan3A_553:2 = scf.for %scan3A_669 = %scan3A_549 to %scan3A_551 step %scan3A_552 iter_args(%scan3A_670 = %scan3A_547, %scan3A_671 = %scan3A_548) -> (i32, i32)  : i32 {
        %sub3A_672 = arith.constant 63 : i32
        %sub3A_673 = arith.subi %sub3A_672, %scan3A_669 : i32
        %broadcast_in_dim3A_674 = arith.constant 0 : i32
        %broadcast_in_dim3A_675 = vector.broadcast %broadcast_in_dim3A_674 : i32 to vector<16xi32>
        %mul3A_676 = arith.constant 16 : i32
        %mul3A_677 = arith.muli %sub3A_673, %mul3A_676 : i32
        %add3A_678 = arith.constant 0 : i32
        %add3A_679 = arith.addi %add3A_678, %mul3A_677 : i32
        %get3A_680 = arith.index_cast %add3A_679 : i32 to index
        %get3A_681 = tpu.vector_load %arg11[%get3A_680] {strides = array<i32>} : memref<16384xi32, #tpu.memory_space<vmem>>, vector<16xi32>,
        %add3A_682 = arith.addi %broadcast_in_dim3A_675, %get3A_681 : vector<16xi32>
        %mul3A_683 = arith.constant 16 : i32
        %mul3A_684 = arith.muli %sub3A_673, %mul3A_683 : i32
        %add3A_685 = arith.constant 1024 : i32
        %add3A_686 = arith.addi %add3A_685, %mul3A_684 : i32
        %get3A_687 = arith.index_cast %add3A_686 : i32 to index
        %get3A_688 = tpu.vector_load %arg11[%get3A_687] {strides = array<i32>} : memref<16384xi32, #tpu.memory_space<vmem>>, vector<16xi32>,
        %add3A_689 = arith.addi %add3A_682, %get3A_688 : vector<16xi32>
        %mul3A_690 = arith.constant 16 : i32
        %mul3A_691 = arith.muli %sub3A_673, %mul3A_690 : i32
        %add3A_692 = arith.constant 2048 : i32
        %add3A_693 = arith.addi %add3A_692, %mul3A_691 : i32
        %get3A_694 = arith.index_cast %add3A_693 : i32 to index
        %get3A_695 = tpu.vector_load %arg11[%get3A_694] {strides = array<i32>} : memref<16384xi32, #tpu.memory_space<vmem>>, vector<16xi32>,
        %add3A_696 = arith.addi %add3A_689, %get3A_695 : vector<16xi32>
        %mul3A_697 = arith.constant 16 : i32
        %mul3A_698 = arith.muli %sub3A_673, %mul3A_697 : i32
        %add3A_699 = arith.constant 3072 : i32
        %add3A_700 = arith.addi %add3A_699, %mul3A_698 : i32
        %get3A_701 = arith.index_cast %add3A_700 : i32 to index
        %get3A_702 = tpu.vector_load %arg11[%get3A_701] {strides = array<i32>} : memref<16384xi32, #tpu.memory_space<vmem>>, vector<16xi32>,
        %add3A_703 = arith.addi %add3A_696, %get3A_702 : vector<16xi32>
        %mul3A_704 = arith.constant 16 : i32
        %mul3A_705 = arith.muli %sub3A_673, %mul3A_704 : i32
        %add3A_706 = arith.constant 4096 : i32
        %add3A_707 = arith.addi %add3A_706, %mul3A_705 : i32
        %get3A_708 = arith.index_cast %add3A_707 : i32 to index
        %get3A_709 = tpu.vector_load %arg11[%get3A_708] {strides = array<i32>} : memref<16384xi32, #tpu.memory_space<vmem>>, vector<16xi32>,
        %add3A_710 = arith.addi %add3A_703, %get3A_709 : vector<16xi32>
        %mul3A_711 = arith.constant 16 : i32
        %mul3A_712 = arith.muli %sub3A_673, %mul3A_711 : i32
        %add3A_713 = arith.constant 5120 : i32
        %add3A_714 = arith.addi %add3A_713, %mul3A_712 : i32
        %get3A_715 = arith.index_cast %add3A_714 : i32 to index
        %get3A_716 = tpu.vector_load %arg11[%get3A_715] {strides = array<i32>} : memref<16384xi32, #tpu.memory_space<vmem>>, vector<16xi32>,
        %add3A_717 = arith.addi %add3A_710, %get3A_716 : vector<16xi32>
        %mul3A_718 = arith.constant 16 : i32
        %mul3A_719 = arith.muli %sub3A_673, %mul3A_718 : i32
        %add3A_720 = arith.constant 6144 : i32
        %add3A_721 = arith.addi %add3A_720, %mul3A_719 : i32
        %get3A_722 = arith.index_cast %add3A_721 : i32 to index
        %get3A_723 = tpu.vector_load %arg11[%get3A_722] {strides = array<i32>} : memref<16384xi32, #tpu.memory_space<vmem>>, vector<16xi32>,
        %add3A_724 = arith.addi %add3A_717, %get3A_723 : vector<16xi32>
        %mul3A_725 = arith.constant 16 : i32
        %mul3A_726 = arith.muli %sub3A_673, %mul3A_725 : i32
        %add3A_727 = arith.constant 7168 : i32
        %add3A_728 = arith.addi %add3A_727, %mul3A_726 : i32
        %get3A_729 = arith.index_cast %add3A_728 : i32 to index
        %get3A_730 = tpu.vector_load %arg11[%get3A_729] {strides = array<i32>} : memref<16384xi32, #tpu.memory_space<vmem>>, vector<16xi32>,
        %add3A_731 = arith.addi %add3A_724, %get3A_730 : vector<16xi32>
        %mul3A_732 = arith.constant 16 : i32
        %mul3A_733 = arith.muli %sub3A_673, %mul3A_732 : i32
        %add3A_734 = arith.constant 8192 : i32
        %add3A_735 = arith.addi %add3A_734, %mul3A_733 : i32
        %get3A_736 = arith.index_cast %add3A_735 : i32 to index
        %get3A_737 = tpu.vector_load %arg11[%get3A_736] {strides = array<i32>} : memref<16384xi32, #tpu.memory_space<vmem>>, vector<16xi32>,
        %add3A_738 = arith.addi %add3A_731, %get3A_737 : vector<16xi32>
        %mul3A_739 = arith.constant 16 : i32
        %mul3A_740 = arith.muli %sub3A_673, %mul3A_739 : i32
        %add3A_741 = arith.constant 9216 : i32
        %add3A_742 = arith.addi %add3A_741, %mul3A_740 : i32
        %get3A_743 = arith.index_cast %add3A_742 : i32 to index
        %get3A_744 = tpu.vector_load %arg11[%get3A_743] {strides = array<i32>} : memref<16384xi32, #tpu.memory_space<vmem>>, vector<16xi32>,
        %add3A_745 = arith.addi %add3A_738, %get3A_744 : vector<16xi32>
        %mul3A_746 = arith.constant 16 : i32
        %mul3A_747 = arith.muli %sub3A_673, %mul3A_746 : i32
        %add3A_748 = arith.constant 10240 : i32
        %add3A_749 = arith.addi %add3A_748, %mul3A_747 : i32
        %get3A_750 = arith.index_cast %add3A_749 : i32 to index
        %get3A_751 = tpu.vector_load %arg11[%get3A_750] {strides = array<i32>} : memref<16384xi32, #tpu.memory_space<vmem>>, vector<16xi32>,
        %add3A_752 = arith.addi %add3A_745, %get3A_751 : vector<16xi32>
        %mul3A_753 = arith.constant 16 : i32
        %mul3A_754 = arith.muli %sub3A_673, %mul3A_753 : i32
        %add3A_755 = arith.constant 11264 : i32
        %add3A_756 = arith.addi %add3A_755, %mul3A_754 : i32
        %get3A_757 = arith.index_cast %add3A_756 : i32 to index
        %get3A_758 = tpu.vector_load %arg11[%get3A_757] {strides = array<i32>} : memref<16384xi32, #tpu.memory_space<vmem>>, vector<16xi32>,
        %add3A_759 = arith.addi %add3A_752, %get3A_758 : vector<16xi32>
        %mul3A_760 = arith.constant 16 : i32
        %mul3A_761 = arith.muli %sub3A_673, %mul3A_760 : i32
        %add3A_762 = arith.constant 12288 : i32
        %add3A_763 = arith.addi %add3A_762, %mul3A_761 : i32
        %get3A_764 = arith.index_cast %add3A_763 : i32 to index
        %get3A_765 = tpu.vector_load %arg11[%get3A_764] {strides = array<i32>} : memref<16384xi32, #tpu.memory_space<vmem>>, vector<16xi32>,
        %add3A_766 = arith.addi %add3A_759, %get3A_765 : vector<16xi32>
        %mul3A_767 = arith.constant 16 : i32
        %mul3A_768 = arith.muli %sub3A_673, %mul3A_767 : i32
        %add3A_769 = arith.constant 13312 : i32
        %add3A_770 = arith.addi %add3A_769, %mul3A_768 : i32
        %get3A_771 = arith.index_cast %add3A_770 : i32 to index
        %get3A_772 = tpu.vector_load %arg11[%get3A_771] {strides = array<i32>} : memref<16384xi32, #tpu.memory_space<vmem>>, vector<16xi32>,
        %add3A_773 = arith.addi %add3A_766, %get3A_772 : vector<16xi32>
        %mul3A_774 = arith.constant 16 : i32
        %mul3A_775 = arith.muli %sub3A_673, %mul3A_774 : i32
        %add3A_776 = arith.constant 14336 : i32
        %add3A_777 = arith.addi %add3A_776, %mul3A_775 : i32
        %get3A_778 = arith.index_cast %add3A_777 : i32 to index
        %get3A_779 = tpu.vector_load %arg11[%get3A_778] {strides = array<i32>} : memref<16384xi32, #tpu.memory_space<vmem>>, vector<16xi32>,
        %add3A_780 = arith.addi %add3A_773, %get3A_779 : vector<16xi32>
        %mul3A_781 = arith.constant 16 : i32
        %mul3A_782 = arith.muli %sub3A_673, %mul3A_781 : i32
        %add3A_783 = arith.constant 15360 : i32
        %add3A_784 = arith.addi %add3A_783, %mul3A_782 : i32
        %get3A_785 = arith.index_cast %add3A_784 : i32 to index
        %get3A_786 = tpu.vector_load %arg11[%get3A_785] {strides = array<i32>} : memref<16384xi32, #tpu.memory_space<vmem>>, vector<16xi32>,
        %add3A_787 = arith.addi %add3A_780, %get3A_786 : vector<16xi32>
        %rev3A = arith.constant 15 : i32
        %rev3A_788 = vector.broadcast %rev3A : i32 to vector<16xi32>
        %rev3A_789 = tpu.iota {dimensions = array<i32: 0>} : vector<16xi32>
        %rev3A_790 = arith.subi %rev3A_788, %rev3A_789 : vector<16xi32>
        %rev3A_791 = tpu.dynamic_gather %add3A_787[%rev3A_790] in [0] : vector<16xi32>, vector<16xi32> -> vector<16xi32>
        %broadcast_in_dim3A_792 = arith.constant true
        %broadcast_in_dim3A_793 = vector.broadcast %broadcast_in_dim3A_792 : i1 to vector<16xi1>
        %masked_cumsum3A_794 = tpu.scan <sum>, %rev3A_791 masked %broadcast_in_dim3A_793 : vector<16xi32>, vector<16xi1> -> vector<16xi32>
        %rev3A_795 = arith.constant 15 : i32
        %rev3A_796 = vector.broadcast %rev3A_795 : i32 to vector<16xi32>
        %rev3A_797 = tpu.iota {dimensions = array<i32: 0>} : vector<16xi32>
        %rev3A_798 = arith.subi %rev3A_796, %rev3A_797 : vector<16xi32>
        %rev3A_799 = tpu.dynamic_gather %masked_cumsum3A_794[%rev3A_798] in [0] : vector<16xi32>, vector<16xi32> -> vector<16xi32>
        %add3A_800 = vector.broadcast %scan3A_670 : i32 to vector<16xi32>
        %add3A_801 = arith.addi %rev3A_799, %add3A_800 : vector<16xi32>
        %mul3A_802 = arith.constant 16 : i32
        %mul3A_803 = arith.muli %sub3A_673, %mul3A_802 : i32
        %swap3A_804 = arith.index_cast %mul3A_803 : i32 to index
        %swap3A_805 = tpu.vector_load %arg12[%swap3A_804] {strides = array<i32>} : memref<1040xi32, #tpu.memory_space<vmem>>, vector<16xi32>,
        tpu.vector_store %arg12[%swap3A_804], %add3A_801 {strides = array<i32>} : memref<1040xi32, #tpu.memory_space<vmem>>, vector<16xi32>,
        %mul3A_806 = arith.constant 16 : i32
        %mul3A_807 = arith.muli %sub3A_673, %mul3A_806 : i32
        %add3A_808 = vector.broadcast %mul3A_807 : i32 to vector<16xi32>
        %add3A_809 = arith.addi %add3A_808, %iota3A : vector<16xi32>
        %ge3A_810 = vector.broadcast %scan3A_546 : i32 to vector<16xi32>
        %ge3A_811 = arith.cmpi sge, %add3A_801, %ge3A_810 : vector<16xi32>
        %jit3A_812 = arith.constant -1 : i32
        %broadcast_in_dim3A_813 = vector.broadcast %jit3A_812 : i32 to vector<16xi32>
        %select_n3A_814 = arith.select %ge3A_811, %add3A_809, %broadcast_in_dim3A_813 : vector<16xi1>, vector<16xi32>
        %reduce_max3A_815 = arith.constant true
        %reduce_max3A_816 = vector.broadcast %reduce_max3A_815 : i1 to vector<16xi1>
        %reduce_max3A_817 = arith.constant -2147483648 : i32
        %reduce_max3A_818 = vector.broadcast %reduce_max3A_817 : i32 to vector<16xi32>
        %reduce_max3A_819 = arith.xori %select_n3A_814, %reduce_max3A_818 : vector<16xi32>
        %reduce_max3A_820 = tpu.scan <max>, %reduce_max3A_819 masked %reduce_max3A_816 : vector<16xi32>, vector<16xi1> -> vector<16xi32>
        %reduce_max3A_821 = arith.xori %reduce_max3A_820, %reduce_max3A_818 : vector<16xi32>
        %reduce_max3A_822 = vector.extract %reduce_max3A_821[15] : i32 from vector<16xi32>
        %reduce_max3A_823 = arith.constant true
        %reduce_max3A_824 = vector.broadcast %reduce_max3A_823 : i1 to vector<16xi1>
        %reduce_max3A_825 = arith.constant -2147483648 : i32
        %reduce_max3A_826 = vector.broadcast %reduce_max3A_825 : i32 to vector<16xi32>
        %reduce_max3A_827 = arith.xori %add3A_801, %reduce_max3A_826 : vector<16xi32>
        %reduce_max3A_828 = tpu.scan <max>, %reduce_max3A_827 masked %reduce_max3A_824 : vector<16xi32>, vector<16xi1> -> vector<16xi32>
        %reduce_max3A_829 = arith.xori %reduce_max3A_828, %reduce_max3A_826 : vector<16xi32>
        %reduce_max3A_830 = vector.extract %reduce_max3A_829[15] : i32 from vector<16xi32>
        %max3A = arith.maxsi %scan3A_671, %reduce_max3A_822 : i32
        scf.yield %reduce_max3A_830, %max3A : i32, i32
      }
      %scan3A_554 = arith.constant 64 : i32
      %shift_left3A_555 = arith.constant 20 : i32
      %shift_left3A_556 = arith.shli %scan3A_553#1, %shift_left3A_555 : i32
      %add3A_557 = arith.constant 1 : i32
      %add3A_558 = arith.addi %scan3A_553#1, %add3A_557 : i32
      %broadcast_in_dim3A_559 = arith.constant 0 : i32
      %broadcast_in_dim3A_560 = vector.broadcast %broadcast_in_dim3A_559 : i32 to vector<16xi32>
      %add3A_561 = vector.broadcast %add3A_558 : i32 to vector<16xi32>
      %add3A_562 = arith.addi %broadcast_in_dim3A_560, %add3A_561 : vector<16xi32>
      %gather3A_563 = tpu.vector_load_idx %arg12[%add3A_562] : memref<1040xi32, #tpu.memory_space<vmem>>[vector<16xi32>], vector<16xi32>,
      %reduce_max3A_564 = arith.constant true
      %reduce_max3A_565 = vector.broadcast %reduce_max3A_564 : i1 to vector<16xi1>
      %reduce_max3A_566 = arith.constant -2147483648 : i32
      %reduce_max3A_567 = vector.broadcast %reduce_max3A_566 : i32 to vector<16xi32>
      %reduce_max3A_568 = arith.xori %gather3A_563, %reduce_max3A_567 : vector<16xi32>
      %reduce_max3A_569 = tpu.scan <max>, %reduce_max3A_568 masked %reduce_max3A_565 : vector<16xi32>, vector<16xi1> -> vector<16xi32>
      %reduce_max3A_570 = arith.xori %reduce_max3A_569, %reduce_max3A_567 : vector<16xi32>
      %reduce_max3A_571 = vector.extract %reduce_max3A_570[15] : i32 from vector<16xi32>
      %sub3A_572 = arith.constant 300 : i32
      %sub3A_573 = arith.subi %sub3A_572, %reduce_max3A_571 : i32
      %scan3A_574 = arith.constant 0 : i32
      %scan3A_575 = arith.constant 0 : i32
      %scan3A_576 = arith.constant 1024 : i32
      %scan3A_577 = arith.addi %scan3A_575, %scan3A_576 : i32
      %scan3A_578 = arith.constant 1 : i32
      %scan3A_579 = scf.for %scan3A_669 = %scan3A_575 to %scan3A_577 step %scan3A_578 iter_args(%scan3A_670 = %scan3A_574) -> (i32)  : i32 {
        %broadcast_in_dim3A_671 = arith.constant 0 : i32
        %broadcast_in_dim3A_672 = vector.broadcast %broadcast_in_dim3A_671 : i32 to vector<16xi32>
        %mul3A_673 = arith.constant 16 : i32
        %mul3A_674 = arith.muli %scan3A_669, %mul3A_673 : i32
        %swap3A_675 = arith.index_cast %mul3A_674 : i32 to index
        %swap3A_676 = tpu.vector_load %arg11[%swap3A_675] {strides = array<i32>} : memref<16384xi32, #tpu.memory_space<vmem>>, vector<16xi32>,
        tpu.vector_store %arg11[%swap3A_675], %broadcast_in_dim3A_672 {strides = array<i32>} : memref<16384xi32, #tpu.memory_space<vmem>>, vector<16xi32>,
        %scan3A_677 = arith.constant 0 : i32
        scf.yield %scan3A_677 : i32
      }
      %scan3A_580 = arith.constant 1024 : i32
      %scan3A_581 = arith.constant 1072693248 : i32
      %scan3A_582 = arith.constant 0 : i32
      %scan3A_583 = arith.constant 0 : i32
      %scan3A_584 = arith.constant 5120 : i32
      %scan3A_585 = arith.addi %scan3A_583, %scan3A_584 : i32
      %scan3A_586 = arith.constant 1 : i32
      %scan3A_587 = scf.for %scan3A_669 = %scan3A_583 to %scan3A_585 step %scan3A_586 iter_args(%scan3A_670 = %scan3A_582) -> (i32)  : i32 {
        %mul3A_671 = arith.constant 16 : i32
        %mul3A_672 = arith.muli %scan3A_669, %mul3A_671 : i32
        %get3A_673 = arith.index_cast %mul3A_672 : i32 to index
        %get3A_674 = tpu.vector_load %arg8[%get3A_673] {strides = array<i32>} : memref<81920xf32, #tpu.memory_space<vmem>>, vector<16xf32>,
        %mul3A_675 = arith.constant 16 : i32
        %mul3A_676 = arith.muli %scan3A_669, %mul3A_675 : i32
        %add3A_677 = vector.broadcast %mul3A_676 : i32 to vector<16xi32>
        %add3A_678 = arith.addi %add3A_677, %iota3A : vector<16xi32>
        %bitcast_convert_type3A = tpu.bitcast %get3A_674 : vector<16xf32> -> vector<16xi32>
        %ge3A_679 = arith.constant 0 : i32
        %ge3A_680 = vector.broadcast %ge3A_679 : i32 to vector<16xi32>
        %ge3A_681 = arith.cmpi sge, %bitcast_convert_type3A, %ge3A_680 : vector<16xi32>
        %and3A_682 = vector.broadcast %scan3A_581 : i32 to vector<16xi32>
        %and3A_683 = arith.andi %bitcast_convert_type3A, %and3A_682 : vector<16xi32>
        %eq3A = vector.broadcast %shift_left3A_556 : i32 to vector<16xi32>
        %eq3A_684 = arith.cmpi eq, %and3A_683, %eq3A : vector<16xi32>
        %and3A_685 = arith.andi %ge3A_681, %eq3A_684 : vector<16xi1>
        %shift_right_logical3A = arith.constant 10 : i32
        %shift_right_logical3A_686 = vector.broadcast %shift_right_logical3A : i32 to vector<16xi32>
        %shift_right_logical3A_687 = arith.shrui %bitcast_convert_type3A, %shift_right_logical3A_686 : vector<16xi32>
        %and3A_688 = arith.constant 1023 : i32
        %and3A_689 = vector.broadcast %and3A_688 : i32 to vector<16xi32>
        %and3A_690 = arith.andi %shift_right_logical3A_687, %and3A_689 : vector<16xi32>
        %add3A_691 = arith.addi %mul3A_5, %and3A_690 : vector<16xi32>
        tpu.vector_store_idx %arg11[%add3A_691], %broadcast_in_dim3A_7 masked %and3A_685 {add = true} : memref<16384xi32, #tpu.memory_space<vmem>>[vector<16xi32>], vector<16xi32>, vector<16xi1>
        %scan3A_692 = arith.constant 0 : i32
        scf.yield %scan3A_692 : i32
      }
      %scan3A_588 = arith.constant 5120 : i32
      %scan3A_589 = arith.constant 0 : i32
      %scan3A_590 = arith.constant -1 : i32
      %scan3A_591 = arith.constant 0 : i32
      %scan3A_592 = arith.constant 64 : i32
      %scan3A_593 = arith.addi %scan3A_591, %scan3A_592 : i32
      %scan3A_594 = arith.constant 1 : i32
      %scan3A_595:2 = scf.for %scan3A_669 = %scan3A_591 to %scan3A_593 step %scan3A_594 iter_args(%scan3A_670 = %scan3A_589, %scan3A_671 = %scan3A_590) -> (i32, i32)  : i32 {
        %sub3A_672 = arith.constant 63 : i32
        %sub3A_673 = arith.subi %sub3A_672, %scan3A_669 : i32
        %broadcast_in_dim3A_674 = arith.constant 0 : i32
        %broadcast_in_dim3A_675 = vector.broadcast %broadcast_in_dim3A_674 : i32 to vector<16xi32>
        %mul3A_676 = arith.constant 16 : i32
        %mul3A_677 = arith.muli %sub3A_673, %mul3A_676 : i32
        %add3A_678 = arith.constant 0 : i32
        %add3A_679 = arith.addi %add3A_678, %mul3A_677 : i32
        %get3A_680 = arith.index_cast %add3A_679 : i32 to index
        %get3A_681 = tpu.vector_load %arg11[%get3A_680] {strides = array<i32>} : memref<16384xi32, #tpu.memory_space<vmem>>, vector<16xi32>,
        %add3A_682 = arith.addi %broadcast_in_dim3A_675, %get3A_681 : vector<16xi32>
        %mul3A_683 = arith.constant 16 : i32
        %mul3A_684 = arith.muli %sub3A_673, %mul3A_683 : i32
        %add3A_685 = arith.constant 1024 : i32
        %add3A_686 = arith.addi %add3A_685, %mul3A_684 : i32
        %get3A_687 = arith.index_cast %add3A_686 : i32 to index
        %get3A_688 = tpu.vector_load %arg11[%get3A_687] {strides = array<i32>} : memref<16384xi32, #tpu.memory_space<vmem>>, vector<16xi32>,
        %add3A_689 = arith.addi %add3A_682, %get3A_688 : vector<16xi32>
        %mul3A_690 = arith.constant 16 : i32
        %mul3A_691 = arith.muli %sub3A_673, %mul3A_690 : i32
        %add3A_692 = arith.constant 2048 : i32
        %add3A_693 = arith.addi %add3A_692, %mul3A_691 : i32
        %get3A_694 = arith.index_cast %add3A_693 : i32 to index
        %get3A_695 = tpu.vector_load %arg11[%get3A_694] {strides = array<i32>} : memref<16384xi32, #tpu.memory_space<vmem>>, vector<16xi32>,
        %add3A_696 = arith.addi %add3A_689, %get3A_695 : vector<16xi32>
        %mul3A_697 = arith.constant 16 : i32
        %mul3A_698 = arith.muli %sub3A_673, %mul3A_697 : i32
        %add3A_699 = arith.constant 3072 : i32
        %add3A_700 = arith.addi %add3A_699, %mul3A_698 : i32
        %get3A_701 = arith.index_cast %add3A_700 : i32 to index
        %get3A_702 = tpu.vector_load %arg11[%get3A_701] {strides = array<i32>} : memref<16384xi32, #tpu.memory_space<vmem>>, vector<16xi32>,
        %add3A_703 = arith.addi %add3A_696, %get3A_702 : vector<16xi32>
        %mul3A_704 = arith.constant 16 : i32
        %mul3A_705 = arith.muli %sub3A_673, %mul3A_704 : i32
        %add3A_706 = arith.constant 4096 : i32
        %add3A_707 = arith.addi %add3A_706, %mul3A_705 : i32
        %get3A_708 = arith.index_cast %add3A_707 : i32 to index
        %get3A_709 = tpu.vector_load %arg11[%get3A_708] {strides = array<i32>} : memref<16384xi32, #tpu.memory_space<vmem>>, vector<16xi32>,
        %add3A_710 = arith.addi %add3A_703, %get3A_709 : vector<16xi32>
        %mul3A_711 = arith.constant 16 : i32
        %mul3A_712 = arith.muli %sub3A_673, %mul3A_711 : i32
        %add3A_713 = arith.constant 5120 : i32
        %add3A_714 = arith.addi %add3A_713, %mul3A_712 : i32
        %get3A_715 = arith.index_cast %add3A_714 : i32 to index
        %get3A_716 = tpu.vector_load %arg11[%get3A_715] {strides = array<i32>} : memref<16384xi32, #tpu.memory_space<vmem>>, vector<16xi32>,
        %add3A_717 = arith.addi %add3A_710, %get3A_716 : vector<16xi32>
        %mul3A_718 = arith.constant 16 : i32
        %mul3A_719 = arith.muli %sub3A_673, %mul3A_718 : i32
        %add3A_720 = arith.constant 6144 : i32
        %add3A_721 = arith.addi %add3A_720, %mul3A_719 : i32
        %get3A_722 = arith.index_cast %add3A_721 : i32 to index
        %get3A_723 = tpu.vector_load %arg11[%get3A_722] {strides = array<i32>} : memref<16384xi32, #tpu.memory_space<vmem>>, vector<16xi32>,
        %add3A_724 = arith.addi %add3A_717, %get3A_723 : vector<16xi32>
        %mul3A_725 = arith.constant 16 : i32
        %mul3A_726 = arith.muli %sub3A_673, %mul3A_725 : i32
        %add3A_727 = arith.constant 7168 : i32
        %add3A_728 = arith.addi %add3A_727, %mul3A_726 : i32
        %get3A_729 = arith.index_cast %add3A_728 : i32 to index
        %get3A_730 = tpu.vector_load %arg11[%get3A_729] {strides = array<i32>} : memref<16384xi32, #tpu.memory_space<vmem>>, vector<16xi32>,
        %add3A_731 = arith.addi %add3A_724, %get3A_730 : vector<16xi32>
        %mul3A_732 = arith.constant 16 : i32
        %mul3A_733 = arith.muli %sub3A_673, %mul3A_732 : i32
        %add3A_734 = arith.constant 8192 : i32
        %add3A_735 = arith.addi %add3A_734, %mul3A_733 : i32
        %get3A_736 = arith.index_cast %add3A_735 : i32 to index
        %get3A_737 = tpu.vector_load %arg11[%get3A_736] {strides = array<i32>} : memref<16384xi32, #tpu.memory_space<vmem>>, vector<16xi32>,
        %add3A_738 = arith.addi %add3A_731, %get3A_737 : vector<16xi32>
        %mul3A_739 = arith.constant 16 : i32
        %mul3A_740 = arith.muli %sub3A_673, %mul3A_739 : i32
        %add3A_741 = arith.constant 9216 : i32
        %add3A_742 = arith.addi %add3A_741, %mul3A_740 : i32
        %get3A_743 = arith.index_cast %add3A_742 : i32 to index
        %get3A_744 = tpu.vector_load %arg11[%get3A_743] {strides = array<i32>} : memref<16384xi32, #tpu.memory_space<vmem>>, vector<16xi32>,
        %add3A_745 = arith.addi %add3A_738, %get3A_744 : vector<16xi32>
        %mul3A_746 = arith.constant 16 : i32
        %mul3A_747 = arith.muli %sub3A_673, %mul3A_746 : i32
        %add3A_748 = arith.constant 10240 : i32
        %add3A_749 = arith.addi %add3A_748, %mul3A_747 : i32
        %get3A_750 = arith.index_cast %add3A_749 : i32 to index
        %get3A_751 = tpu.vector_load %arg11[%get3A_750] {strides = array<i32>} : memref<16384xi32, #tpu.memory_space<vmem>>, vector<16xi32>,
        %add3A_752 = arith.addi %add3A_745, %get3A_751 : vector<16xi32>
        %mul3A_753 = arith.constant 16 : i32
        %mul3A_754 = arith.muli %sub3A_673, %mul3A_753 : i32
        %add3A_755 = arith.constant 11264 : i32
        %add3A_756 = arith.addi %add3A_755, %mul3A_754 : i32
        %get3A_757 = arith.index_cast %add3A_756 : i32 to index
        %get3A_758 = tpu.vector_load %arg11[%get3A_757] {strides = array<i32>} : memref<16384xi32, #tpu.memory_space<vmem>>, vector<16xi32>,
        %add3A_759 = arith.addi %add3A_752, %get3A_758 : vector<16xi32>
        %mul3A_760 = arith.constant 16 : i32
        %mul3A_761 = arith.muli %sub3A_673, %mul3A_760 : i32
        %add3A_762 = arith.constant 12288 : i32
        %add3A_763 = arith.addi %add3A_762, %mul3A_761 : i32
        %get3A_764 = arith.index_cast %add3A_763 : i32 to index
        %get3A_765 = tpu.vector_load %arg11[%get3A_764] {strides = array<i32>} : memref<16384xi32, #tpu.memory_space<vmem>>, vector<16xi32>,
        %add3A_766 = arith.addi %add3A_759, %get3A_765 : vector<16xi32>
        %mul3A_767 = arith.constant 16 : i32
        %mul3A_768 = arith.muli %sub3A_673, %mul3A_767 : i32
        %add3A_769 = arith.constant 13312 : i32
        %add3A_770 = arith.addi %add3A_769, %mul3A_768 : i32
        %get3A_771 = arith.index_cast %add3A_770 : i32 to index
        %get3A_772 = tpu.vector_load %arg11[%get3A_771] {strides = array<i32>} : memref<16384xi32, #tpu.memory_space<vmem>>, vector<16xi32>,
        %add3A_773 = arith.addi %add3A_766, %get3A_772 : vector<16xi32>
        %mul3A_774 = arith.constant 16 : i32
        %mul3A_775 = arith.muli %sub3A_673, %mul3A_774 : i32
        %add3A_776 = arith.constant 14336 : i32
        %add3A_777 = arith.addi %add3A_776, %mul3A_775 : i32
        %get3A_778 = arith.index_cast %add3A_777 : i32 to index
        %get3A_779 = tpu.vector_load %arg11[%get3A_778] {strides = array<i32>} : memref<16384xi32, #tpu.memory_space<vmem>>, vector<16xi32>,
        %add3A_780 = arith.addi %add3A_773, %get3A_779 : vector<16xi32>
        %mul3A_781 = arith.constant 16 : i32
        %mul3A_782 = arith.muli %sub3A_673, %mul3A_781 : i32
        %add3A_783 = arith.constant 15360 : i32
        %add3A_784 = arith.addi %add3A_783, %mul3A_782 : i32
        %get3A_785 = arith.index_cast %add3A_784 : i32 to index
        %get3A_786 = tpu.vector_load %arg11[%get3A_785] {strides = array<i32>} : memref<16384xi32, #tpu.memory_space<vmem>>, vector<16xi32>,
        %add3A_787 = arith.addi %add3A_780, %get3A_786 : vector<16xi32>
        %rev3A = arith.constant 15 : i32
        %rev3A_788 = vector.broadcast %rev3A : i32 to vector<16xi32>
        %rev3A_789 = tpu.iota {dimensions = array<i32: 0>} : vector<16xi32>
        %rev3A_790 = arith.subi %rev3A_788, %rev3A_789 : vector<16xi32>
        %rev3A_791 = tpu.dynamic_gather %add3A_787[%rev3A_790] in [0] : vector<16xi32>, vector<16xi32> -> vector<16xi32>
        %broadcast_in_dim3A_792 = arith.constant true
        %broadcast_in_dim3A_793 = vector.broadcast %broadcast_in_dim3A_792 : i1 to vector<16xi1>
        %masked_cumsum3A_794 = tpu.scan <sum>, %rev3A_791 masked %broadcast_in_dim3A_793 : vector<16xi32>, vector<16xi1> -> vector<16xi32>
        %rev3A_795 = arith.constant 15 : i32
        %rev3A_796 = vector.broadcast %rev3A_795 : i32 to vector<16xi32>
        %rev3A_797 = tpu.iota {dimensions = array<i32: 0>} : vector<16xi32>
        %rev3A_798 = arith.subi %rev3A_796, %rev3A_797 : vector<16xi32>
        %rev3A_799 = tpu.dynamic_gather %masked_cumsum3A_794[%rev3A_798] in [0] : vector<16xi32>, vector<16xi32> -> vector<16xi32>
        %add3A_800 = vector.broadcast %scan3A_670 : i32 to vector<16xi32>
        %add3A_801 = arith.addi %rev3A_799, %add3A_800 : vector<16xi32>
        %mul3A_802 = arith.constant 16 : i32
        %mul3A_803 = arith.muli %sub3A_673, %mul3A_802 : i32
        %swap3A_804 = arith.index_cast %mul3A_803 : i32 to index
        %swap3A_805 = tpu.vector_load %arg12[%swap3A_804] {strides = array<i32>} : memref<1040xi32, #tpu.memory_space<vmem>>, vector<16xi32>,
        tpu.vector_store %arg12[%swap3A_804], %add3A_801 {strides = array<i32>} : memref<1040xi32, #tpu.memory_space<vmem>>, vector<16xi32>,
        %mul3A_806 = arith.constant 16 : i32
        %mul3A_807 = arith.muli %sub3A_673, %mul3A_806 : i32
        %add3A_808 = vector.broadcast %mul3A_807 : i32 to vector<16xi32>
        %add3A_809 = arith.addi %add3A_808, %iota3A : vector<16xi32>
        %ge3A_810 = vector.broadcast %sub3A_573 : i32 to vector<16xi32>
        %ge3A_811 = arith.cmpi sge, %add3A_801, %ge3A_810 : vector<16xi32>
        %jit3A_812 = arith.constant -1 : i32
        %broadcast_in_dim3A_813 = vector.broadcast %jit3A_812 : i32 to vector<16xi32>
        %select_n3A_814 = arith.select %ge3A_811, %add3A_809, %broadcast_in_dim3A_813 : vector<16xi1>, vector<16xi32>
        %reduce_max3A_815 = arith.constant true
        %reduce_max3A_816 = vector.broadcast %reduce_max3A_815 : i1 to vector<16xi1>
        %reduce_max3A_817 = arith.constant -2147483648 : i32
        %reduce_max3A_818 = vector.broadcast %reduce_max3A_817 : i32 to vector<16xi32>
        %reduce_max3A_819 = arith.xori %select_n3A_814, %reduce_max3A_818 : vector<16xi32>
        %reduce_max3A_820 = tpu.scan <max>, %reduce_max3A_819 masked %reduce_max3A_816 : vector<16xi32>, vector<16xi1> -> vector<16xi32>
        %reduce_max3A_821 = arith.xori %reduce_max3A_820, %reduce_max3A_818 : vector<16xi32>
        %reduce_max3A_822 = vector.extract %reduce_max3A_821[15] : i32 from vector<16xi32>
        %reduce_max3A_823 = arith.constant true
        %reduce_max3A_824 = vector.broadcast %reduce_max3A_823 : i1 to vector<16xi1>
        %reduce_max3A_825 = arith.constant -2147483648 : i32
        %reduce_max3A_826 = vector.broadcast %reduce_max3A_825 : i32 to vector<16xi32>
        %reduce_max3A_827 = arith.xori %add3A_801, %reduce_max3A_826 : vector<16xi32>
        %reduce_max3A_828 = tpu.scan <max>, %reduce_max3A_827 masked %reduce_max3A_824 : vector<16xi32>, vector<16xi1> -> vector<16xi32>
        %reduce_max3A_829 = arith.xori %reduce_max3A_828, %reduce_max3A_826 : vector<16xi32>
        %reduce_max3A_830 = vector.extract %reduce_max3A_829[15] : i32 from vector<16xi32>
        %max3A = arith.maxsi %scan3A_671, %reduce_max3A_822 : i32
        scf.yield %reduce_max3A_830, %max3A : i32, i32
      }
      %scan3A_596 = arith.constant 64 : i32
      %add3A_597 = arith.constant 1 : i32
      %add3A_598 = arith.addi %scan3A_595#1, %add3A_597 : i32
      %broadcast_in_dim3A_599 = arith.constant 0 : i32
      %broadcast_in_dim3A_600 = vector.broadcast %broadcast_in_dim3A_599 : i32 to vector<16xi32>
      %add3A_601 = vector.broadcast %add3A_598 : i32 to vector<16xi32>
      %add3A_602 = arith.addi %broadcast_in_dim3A_600, %add3A_601 : vector<16xi32>
      %gather3A_603 = tpu.vector_load_idx %arg12[%add3A_602] : memref<1040xi32, #tpu.memory_space<vmem>>[vector<16xi32>], vector<16xi32>,
      %reduce_max3A_604 = arith.constant true
      %reduce_max3A_605 = vector.broadcast %reduce_max3A_604 : i1 to vector<16xi1>
      %reduce_max3A_606 = arith.constant -2147483648 : i32
      %reduce_max3A_607 = vector.broadcast %reduce_max3A_606 : i32 to vector<16xi32>
      %reduce_max3A_608 = arith.xori %gather3A_603, %reduce_max3A_607 : vector<16xi32>
      %reduce_max3A_609 = tpu.scan <max>, %reduce_max3A_608 masked %reduce_max3A_605 : vector<16xi32>, vector<16xi1> -> vector<16xi32>
      %reduce_max3A_610 = arith.xori %reduce_max3A_609, %reduce_max3A_607 : vector<16xi32>
      %reduce_max3A_611 = vector.extract %reduce_max3A_610[15] : i32 from vector<16xi32>
      %shift_left3A_612 = arith.constant 10 : i32
      %shift_left3A_613 = arith.shli %scan3A_595#1, %shift_left3A_612 : i32
      %or3A_614 = arith.ori %shift_left3A_556, %shift_left3A_613 : i32
      %sub3A_615 = arith.subi %sub3A_573, %reduce_max3A_611 : i32
      %scan3A_616 = arith.constant 0 : i32
      %scan3A_617 = arith.constant 0 : i32
      %scan3A_618 = arith.constant 1024 : i32
      %scan3A_619 = arith.addi %scan3A_617, %scan3A_618 : i32
      %scan3A_620 = arith.constant 1 : i32
      %scan3A_621 = scf.for %scan3A_669 = %scan3A_617 to %scan3A_619 step %scan3A_620 iter_args(%scan3A_670 = %scan3A_616) -> (i32)  : i32 {
        %broadcast_in_dim3A_671 = arith.constant 0 : i32
        %broadcast_in_dim3A_672 = vector.broadcast %broadcast_in_dim3A_671 : i32 to vector<16xi32>
        %mul3A_673 = arith.constant 16 : i32
        %mul3A_674 = arith.muli %scan3A_669, %mul3A_673 : i32
        %swap3A_675 = arith.index_cast %mul3A_674 : i32 to index
        %swap3A_676 = tpu.vector_load %arg11[%swap3A_675] {strides = array<i32>} : memref<16384xi32, #tpu.memory_space<vmem>>, vector<16xi32>,
        tpu.vector_store %arg11[%swap3A_675], %broadcast_in_dim3A_672 {strides = array<i32>} : memref<16384xi32, #tpu.memory_space<vmem>>, vector<16xi32>,
        %scan3A_677 = arith.constant 0 : i32
        scf.yield %scan3A_677 : i32
      }
      %scan3A_622 = arith.constant 1024 : i32
      %scan3A_623 = arith.constant 1073740800 : i32
      %scan3A_624 = arith.constant 0 : i32
      %scan3A_625 = arith.constant 0 : i32
      %scan3A_626 = arith.constant 5120 : i32
      %scan3A_627 = arith.addi %scan3A_625, %scan3A_626 : i32
      %scan3A_628 = arith.constant 1 : i32
      %scan3A_629 = scf.for %scan3A_669 = %scan3A_625 to %scan3A_627 step %scan3A_628 iter_args(%scan3A_670 = %scan3A_624) -> (i32)  : i32 {
        %mul3A_671 = arith.constant 16 : i32
        %mul3A_672 = arith.muli %scan3A_669, %mul3A_671 : i32
        %get3A_673 = arith.index_cast %mul3A_672 : i32 to index
        %get3A_674 = tpu.vector_load %arg8[%get3A_673] {strides = array<i32>} : memref<81920xf32, #tpu.memory_space<vmem>>, vector<16xf32>,
        %mul3A_675 = arith.constant 16 : i32
        %mul3A_676 = arith.muli %scan3A_669, %mul3A_675 : i32
        %add3A_677 = vector.broadcast %mul3A_676 : i32 to vector<16xi32>
        %add3A_678 = arith.addi %add3A_677, %iota3A : vector<16xi32>
        %bitcast_convert_type3A = tpu.bitcast %get3A_674 : vector<16xf32> -> vector<16xi32>
        %ge3A_679 = arith.constant 0 : i32
        %ge3A_680 = vector.broadcast %ge3A_679 : i32 to vector<16xi32>
        %ge3A_681 = arith.cmpi sge, %bitcast_convert_type3A, %ge3A_680 : vector<16xi32>
        %and3A_682 = vector.broadcast %scan3A_623 : i32 to vector<16xi32>
        %and3A_683 = arith.andi %bitcast_convert_type3A, %and3A_682 : vector<16xi32>
        %eq3A = vector.broadcast %or3A_614 : i32 to vector<16xi32>
        %eq3A_684 = arith.cmpi eq, %and3A_683, %eq3A : vector<16xi32>
        %and3A_685 = arith.andi %ge3A_681, %eq3A_684 : vector<16xi1>
        %shift_right_logical3A = arith.constant 0 : i32
        %shift_right_logical3A_686 = vector.broadcast %shift_right_logical3A : i32 to vector<16xi32>
        %shift_right_logical3A_687 = arith.shrui %bitcast_convert_type3A, %shift_right_logical3A_686 : vector<16xi32>
        %and3A_688 = arith.constant 1023 : i32
        %and3A_689 = vector.broadcast %and3A_688 : i32 to vector<16xi32>
        %and3A_690 = arith.andi %shift_right_logical3A_687, %and3A_689 : vector<16xi32>
        %add3A_691 = arith.addi %mul3A_5, %and3A_690 : vector<16xi32>
        tpu.vector_store_idx %arg11[%add3A_691], %broadcast_in_dim3A_7 masked %and3A_685 {add = true} : memref<16384xi32, #tpu.memory_space<vmem>>[vector<16xi32>], vector<16xi32>, vector<16xi1>
        %scan3A_692 = arith.constant 0 : i32
        scf.yield %scan3A_692 : i32
      }
      %scan3A_630 = arith.constant 5120 : i32
      %scan3A_631 = arith.constant 0 : i32
      %scan3A_632 = arith.constant -1 : i32
      %scan3A_633 = arith.constant 0 : i32
      %scan3A_634 = arith.constant 64 : i32
      %scan3A_635 = arith.addi %scan3A_633, %scan3A_634 : i32
      %scan3A_636 = arith.constant 1 : i32
      %scan3A_637:2 = scf.for %scan3A_669 = %scan3A_633 to %scan3A_635 step %scan3A_636 iter_args(%scan3A_670 = %scan3A_631, %scan3A_671 = %scan3A_632) -> (i32, i32)  : i32 {
        %sub3A_672 = arith.constant 63 : i32
        %sub3A_673 = arith.subi %sub3A_672, %scan3A_669 : i32
        %broadcast_in_dim3A_674 = arith.constant 0 : i32
        %broadcast_in_dim3A_675 = vector.broadcast %broadcast_in_dim3A_674 : i32 to vector<16xi32>
        %mul3A_676 = arith.constant 16 : i32
        %mul3A_677 = arith.muli %sub3A_673, %mul3A_676 : i32
        %add3A_678 = arith.constant 0 : i32
        %add3A_679 = arith.addi %add3A_678, %mul3A_677 : i32
        %get3A_680 = arith.index_cast %add3A_679 : i32 to index
        %get3A_681 = tpu.vector_load %arg11[%get3A_680] {strides = array<i32>} : memref<16384xi32, #tpu.memory_space<vmem>>, vector<16xi32>,
        %add3A_682 = arith.addi %broadcast_in_dim3A_675, %get3A_681 : vector<16xi32>
        %mul3A_683 = arith.constant 16 : i32
        %mul3A_684 = arith.muli %sub3A_673, %mul3A_683 : i32
        %add3A_685 = arith.constant 1024 : i32
        %add3A_686 = arith.addi %add3A_685, %mul3A_684 : i32
        %get3A_687 = arith.index_cast %add3A_686 : i32 to index
        %get3A_688 = tpu.vector_load %arg11[%get3A_687] {strides = array<i32>} : memref<16384xi32, #tpu.memory_space<vmem>>, vector<16xi32>,
        %add3A_689 = arith.addi %add3A_682, %get3A_688 : vector<16xi32>
        %mul3A_690 = arith.constant 16 : i32
        %mul3A_691 = arith.muli %sub3A_673, %mul3A_690 : i32
        %add3A_692 = arith.constant 2048 : i32
        %add3A_693 = arith.addi %add3A_692, %mul3A_691 : i32
        %get3A_694 = arith.index_cast %add3A_693 : i32 to index
        %get3A_695 = tpu.vector_load %arg11[%get3A_694] {strides = array<i32>} : memref<16384xi32, #tpu.memory_space<vmem>>, vector<16xi32>,
        %add3A_696 = arith.addi %add3A_689, %get3A_695 : vector<16xi32>
        %mul3A_697 = arith.constant 16 : i32
        %mul3A_698 = arith.muli %sub3A_673, %mul3A_697 : i32
        %add3A_699 = arith.constant 3072 : i32
        %add3A_700 = arith.addi %add3A_699, %mul3A_698 : i32
        %get3A_701 = arith.index_cast %add3A_700 : i32 to index
        %get3A_702 = tpu.vector_load %arg11[%get3A_701] {strides = array<i32>} : memref<16384xi32, #tpu.memory_space<vmem>>, vector<16xi32>,
        %add3A_703 = arith.addi %add3A_696, %get3A_702 : vector<16xi32>
        %mul3A_704 = arith.constant 16 : i32
        %mul3A_705 = arith.muli %sub3A_673, %mul3A_704 : i32
        %add3A_706 = arith.constant 4096 : i32
        %add3A_707 = arith.addi %add3A_706, %mul3A_705 : i32
        %get3A_708 = arith.index_cast %add3A_707 : i32 to index
        %get3A_709 = tpu.vector_load %arg11[%get3A_708] {strides = array<i32>} : memref<16384xi32, #tpu.memory_space<vmem>>, vector<16xi32>,
        %add3A_710 = arith.addi %add3A_703, %get3A_709 : vector<16xi32>
        %mul3A_711 = arith.constant 16 : i32
        %mul3A_712 = arith.muli %sub3A_673, %mul3A_711 : i32
        %add3A_713 = arith.constant 5120 : i32
        %add3A_714 = arith.addi %add3A_713, %mul3A_712 : i32
        %get3A_715 = arith.index_cast %add3A_714 : i32 to index
        %get3A_716 = tpu.vector_load %arg11[%get3A_715] {strides = array<i32>} : memref<16384xi32, #tpu.memory_space<vmem>>, vector<16xi32>,
        %add3A_717 = arith.addi %add3A_710, %get3A_716 : vector<16xi32>
        %mul3A_718 = arith.constant 16 : i32
        %mul3A_719 = arith.muli %sub3A_673, %mul3A_718 : i32
        %add3A_720 = arith.constant 6144 : i32
        %add3A_721 = arith.addi %add3A_720, %mul3A_719 : i32
        %get3A_722 = arith.index_cast %add3A_721 : i32 to index
        %get3A_723 = tpu.vector_load %arg11[%get3A_722] {strides = array<i32>} : memref<16384xi32, #tpu.memory_space<vmem>>, vector<16xi32>,
        %add3A_724 = arith.addi %add3A_717, %get3A_723 : vector<16xi32>
        %mul3A_725 = arith.constant 16 : i32
        %mul3A_726 = arith.muli %sub3A_673, %mul3A_725 : i32
        %add3A_727 = arith.constant 7168 : i32
        %add3A_728 = arith.addi %add3A_727, %mul3A_726 : i32
        %get3A_729 = arith.index_cast %add3A_728 : i32 to index
        %get3A_730 = tpu.vector_load %arg11[%get3A_729] {strides = array<i32>} : memref<16384xi32, #tpu.memory_space<vmem>>, vector<16xi32>,
        %add3A_731 = arith.addi %add3A_724, %get3A_730 : vector<16xi32>
        %mul3A_732 = arith.constant 16 : i32
        %mul3A_733 = arith.muli %sub3A_673, %mul3A_732 : i32
        %add3A_734 = arith.constant 8192 : i32
        %add3A_735 = arith.addi %add3A_734, %mul3A_733 : i32
        %get3A_736 = arith.index_cast %add3A_735 : i32 to index
        %get3A_737 = tpu.vector_load %arg11[%get3A_736] {strides = array<i32>} : memref<16384xi32, #tpu.memory_space<vmem>>, vector<16xi32>,
        %add3A_738 = arith.addi %add3A_731, %get3A_737 : vector<16xi32>
        %mul3A_739 = arith.constant 16 : i32
        %mul3A_740 = arith.muli %sub3A_673, %mul3A_739 : i32
        %add3A_741 = arith.constant 9216 : i32
        %add3A_742 = arith.addi %add3A_741, %mul3A_740 : i32
        %get3A_743 = arith.index_cast %add3A_742 : i32 to index
        %get3A_744 = tpu.vector_load %arg11[%get3A_743] {strides = array<i32>} : memref<16384xi32, #tpu.memory_space<vmem>>, vector<16xi32>,
        %add3A_745 = arith.addi %add3A_738, %get3A_744 : vector<16xi32>
        %mul3A_746 = arith.constant 16 : i32
        %mul3A_747 = arith.muli %sub3A_673, %mul3A_746 : i32
        %add3A_748 = arith.constant 10240 : i32
        %add3A_749 = arith.addi %add3A_748, %mul3A_747 : i32
        %get3A_750 = arith.index_cast %add3A_749 : i32 to index
        %get3A_751 = tpu.vector_load %arg11[%get3A_750] {strides = array<i32>} : memref<16384xi32, #tpu.memory_space<vmem>>, vector<16xi32>,
        %add3A_752 = arith.addi %add3A_745, %get3A_751 : vector<16xi32>
        %mul3A_753 = arith.constant 16 : i32
        %mul3A_754 = arith.muli %sub3A_673, %mul3A_753 : i32
        %add3A_755 = arith.constant 11264 : i32
        %add3A_756 = arith.addi %add3A_755, %mul3A_754 : i32
        %get3A_757 = arith.index_cast %add3A_756 : i32 to index
        %get3A_758 = tpu.vector_load %arg11[%get3A_757] {strides = array<i32>} : memref<16384xi32, #tpu.memory_space<vmem>>, vector<16xi32>,
        %add3A_759 = arith.addi %add3A_752, %get3A_758 : vector<16xi32>
        %mul3A_760 = arith.constant 16 : i32
        %mul3A_761 = arith.muli %sub3A_673, %mul3A_760 : i32
        %add3A_762 = arith.constant 12288 : i32
        %add3A_763 = arith.addi %add3A_762, %mul3A_761 : i32
        %get3A_764 = arith.index_cast %add3A_763 : i32 to index
        %get3A_765 = tpu.vector_load %arg11[%get3A_764] {strides = array<i32>} : memref<16384xi32, #tpu.memory_space<vmem>>, vector<16xi32>,
        %add3A_766 = arith.addi %add3A_759, %get3A_765 : vector<16xi32>
        %mul3A_767 = arith.constant 16 : i32
        %mul3A_768 = arith.muli %sub3A_673, %mul3A_767 : i32
        %add3A_769 = arith.constant 13312 : i32
        %add3A_770 = arith.addi %add3A_769, %mul3A_768 : i32
        %get3A_771 = arith.index_cast %add3A_770 : i32 to index
        %get3A_772 = tpu.vector_load %arg11[%get3A_771] {strides = array<i32>} : memref<16384xi32, #tpu.memory_space<vmem>>, vector<16xi32>,
        %add3A_773 = arith.addi %add3A_766, %get3A_772 : vector<16xi32>
        %mul3A_774 = arith.constant 16 : i32
        %mul3A_775 = arith.muli %sub3A_673, %mul3A_774 : i32
        %add3A_776 = arith.constant 14336 : i32
        %add3A_777 = arith.addi %add3A_776, %mul3A_775 : i32
        %get3A_778 = arith.index_cast %add3A_777 : i32 to index
        %get3A_779 = tpu.vector_load %arg11[%get3A_778] {strides = array<i32>} : memref<16384xi32, #tpu.memory_space<vmem>>, vector<16xi32>,
        %add3A_780 = arith.addi %add3A_773, %get3A_779 : vector<16xi32>
        %mul3A_781 = arith.constant 16 : i32
        %mul3A_782 = arith.muli %sub3A_673, %mul3A_781 : i32
        %add3A_783 = arith.constant 15360 : i32
        %add3A_784 = arith.addi %add3A_783, %mul3A_782 : i32
        %get3A_785 = arith.index_cast %add3A_784 : i32 to index
        %get3A_786 = tpu.vector_load %arg11[%get3A_785] {strides = array<i32>} : memref<16384xi32, #tpu.memory_space<vmem>>, vector<16xi32>,
        %add3A_787 = arith.addi %add3A_780, %get3A_786 : vector<16xi32>
        %rev3A = arith.constant 15 : i32
        %rev3A_788 = vector.broadcast %rev3A : i32 to vector<16xi32>
        %rev3A_789 = tpu.iota {dimensions = array<i32: 0>} : vector<16xi32>
        %rev3A_790 = arith.subi %rev3A_788, %rev3A_789 : vector<16xi32>
        %rev3A_791 = tpu.dynamic_gather %add3A_787[%rev3A_790] in [0] : vector<16xi32>, vector<16xi32> -> vector<16xi32>
        %broadcast_in_dim3A_792 = arith.constant true
        %broadcast_in_dim3A_793 = vector.broadcast %broadcast_in_dim3A_792 : i1 to vector<16xi1>
        %masked_cumsum3A_794 = tpu.scan <sum>, %rev3A_791 masked %broadcast_in_dim3A_793 : vector<16xi32>, vector<16xi1> -> vector<16xi32>
        %rev3A_795 = arith.constant 15 : i32
        %rev3A_796 = vector.broadcast %rev3A_795 : i32 to vector<16xi32>
        %rev3A_797 = tpu.iota {dimensions = array<i32: 0>} : vector<16xi32>
        %rev3A_798 = arith.subi %rev3A_796, %rev3A_797 : vector<16xi32>
        %rev3A_799 = tpu.dynamic_gather %masked_cumsum3A_794[%rev3A_798] in [0] : vector<16xi32>, vector<16xi32> -> vector<16xi32>
        %add3A_800 = vector.broadcast %scan3A_670 : i32 to vector<16xi32>
        %add3A_801 = arith.addi %rev3A_799, %add3A_800 : vector<16xi32>
        %mul3A_802 = arith.constant 16 : i32
        %mul3A_803 = arith.muli %sub3A_673, %mul3A_802 : i32
        %swap3A_804 = arith.index_cast %mul3A_803 : i32 to index
        %swap3A_805 = tpu.vector_load %arg12[%swap3A_804] {strides = array<i32>} : memref<1040xi32, #tpu.memory_space<vmem>>, vector<16xi32>,
        tpu.vector_store %arg12[%swap3A_804], %add3A_801 {strides = array<i32>} : memref<1040xi32, #tpu.memory_space<vmem>>, vector<16xi32>,
        %mul3A_806 = arith.constant 16 : i32
        %mul3A_807 = arith.muli %sub3A_673, %mul3A_806 : i32
        %add3A_808 = vector.broadcast %mul3A_807 : i32 to vector<16xi32>
        %add3A_809 = arith.addi %add3A_808, %iota3A : vector<16xi32>
        %ge3A_810 = vector.broadcast %sub3A_615 : i32 to vector<16xi32>
        %ge3A_811 = arith.cmpi sge, %add3A_801, %ge3A_810 : vector<16xi32>
        %jit3A_812 = arith.constant -1 : i32
        %broadcast_in_dim3A_813 = vector.broadcast %jit3A_812 : i32 to vector<16xi32>
        %select_n3A_814 = arith.select %ge3A_811, %add3A_809, %broadcast_in_dim3A_813 : vector<16xi1>, vector<16xi32>
        %reduce_max3A_815 = arith.constant true
        %reduce_max3A_816 = vector.broadcast %reduce_max3A_815 : i1 to vector<16xi1>
        %reduce_max3A_817 = arith.constant -2147483648 : i32
        %reduce_max3A_818 = vector.broadcast %reduce_max3A_817 : i32 to vector<16xi32>
        %reduce_max3A_819 = arith.xori %select_n3A_814, %reduce_max3A_818 : vector<16xi32>
        %reduce_max3A_820 = tpu.scan <max>, %reduce_max3A_819 masked %reduce_max3A_816 : vector<16xi32>, vector<16xi1> -> vector<16xi32>
        %reduce_max3A_821 = arith.xori %reduce_max3A_820, %reduce_max3A_818 : vector<16xi32>
        %reduce_max3A_822 = vector.extract %reduce_max3A_821[15] : i32 from vector<16xi32>
        %reduce_max3A_823 = arith.constant true
        %reduce_max3A_824 = vector.broadcast %reduce_max3A_823 : i1 to vector<16xi1>
        %reduce_max3A_825 = arith.constant -2147483648 : i32
        %reduce_max3A_826 = vector.broadcast %reduce_max3A_825 : i32 to vector<16xi32>
        %reduce_max3A_827 = arith.xori %add3A_801, %reduce_max3A_826 : vector<16xi32>
        %reduce_max3A_828 = tpu.scan <max>, %reduce_max3A_827 masked %reduce_max3A_824 : vector<16xi32>, vector<16xi1> -> vector<16xi32>
        %reduce_max3A_829 = arith.xori %reduce_max3A_828, %reduce_max3A_826 : vector<16xi32>
        %reduce_max3A_830 = vector.extract %reduce_max3A_829[15] : i32 from vector<16xi32>
        %max3A = arith.maxsi %scan3A_671, %reduce_max3A_822 : i32
        scf.yield %reduce_max3A_830, %max3A : i32, i32
      }
      %scan3A_638 = arith.constant 64 : i32
      %add3A_639 = arith.constant 1 : i32
      %add3A_640 = arith.addi %scan3A_637#1, %add3A_639 : i32
      %broadcast_in_dim3A_641 = arith.constant 0 : i32
      %broadcast_in_dim3A_642 = vector.broadcast %broadcast_in_dim3A_641 : i32 to vector<16xi32>
      %add3A_643 = vector.broadcast %add3A_640 : i32 to vector<16xi32>
      %add3A_644 = arith.addi %broadcast_in_dim3A_642, %add3A_643 : vector<16xi32>
      %gather3A_645 = tpu.vector_load_idx %arg12[%add3A_644] : memref<1040xi32, #tpu.memory_space<vmem>>[vector<16xi32>], vector<16xi32>,
      %reduce_max3A_646 = arith.constant true
      %reduce_max3A_647 = vector.broadcast %reduce_max3A_646 : i1 to vector<16xi1>
      %reduce_max3A_648 = arith.constant -2147483648 : i32
      %reduce_max3A_649 = vector.broadcast %reduce_max3A_648 : i32 to vector<16xi32>
      %reduce_max3A_650 = arith.xori %gather3A_645, %reduce_max3A_649 : vector<16xi32>
      %reduce_max3A_651 = tpu.scan <max>, %reduce_max3A_650 masked %reduce_max3A_647 : vector<16xi32>, vector<16xi1> -> vector<16xi32>
      %reduce_max3A_652 = arith.xori %reduce_max3A_651, %reduce_max3A_649 : vector<16xi32>
      %reduce_max3A_653 = vector.extract %reduce_max3A_652[15] : i32 from vector<16xi32>
      %shift_left3A_654 = arith.constant 0 : i32
      %shift_left3A_655 = arith.shli %scan3A_637#1, %shift_left3A_654 : i32
      %or3A_656 = arith.ori %or3A_614, %shift_left3A_655 : i32
      %sub3A_657 = arith.subi %sub3A_615, %reduce_max3A_653 : i32
      %scan3A_658 = arith.constant 0 : i32
      %scan3A_659 = arith.constant 0 : i32
      %scan3A_660 = arith.constant 0 : i32
      %scan3A_661 = arith.constant 5120 : i32
      %scan3A_662 = arith.addi %scan3A_660, %scan3A_661 : i32
      %scan3A_663 = arith.constant 1 : i32
      %scan3A_664:2 = scf.for %scan3A_669 = %scan3A_660 to %scan3A_662 step %scan3A_663 iter_args(%scan3A_670 = %scan3A_658, %scan3A_671 = %scan3A_659) -> (i32, i32)  : i32 {
        %mul3A_672 = arith.constant 16 : i32
        %mul3A_673 = arith.muli %scan3A_669, %mul3A_672 : i32
        %get3A_674 = arith.index_cast %mul3A_673 : i32 to index
        %get3A_675 = tpu.vector_load %arg8[%get3A_674] {strides = array<i32>} : memref<81920xf32, #tpu.memory_space<vmem>>, vector<16xf32>,
        %mul3A_676 = arith.constant 16 : i32
        %mul3A_677 = arith.muli %scan3A_669, %mul3A_676 : i32
        %add3A_678 = vector.broadcast %mul3A_677 : i32 to vector<16xi32>
        %add3A_679 = arith.addi %add3A_678, %iota3A : vector<16xi32>
        %bitcast_convert_type3A = tpu.bitcast %get3A_675 : vector<16xf32> -> vector<16xi32>
        %ge3A_680 = arith.constant 0 : i32
        %ge3A_681 = vector.broadcast %ge3A_680 : i32 to vector<16xi32>
        %ge3A_682 = arith.cmpi sge, %bitcast_convert_type3A, %ge3A_681 : vector<16xi32>
        %gt3A_683 = vector.broadcast %or3A_656 : i32 to vector<16xi32>
        %gt3A_684 = arith.cmpi sgt, %bitcast_convert_type3A, %gt3A_683 : vector<16xi32>
        %and3A_685 = arith.andi %ge3A_682, %gt3A_684 : vector<16xi1>
        %eq3A = vector.broadcast %or3A_656 : i32 to vector<16xi32>
        %eq3A_686 = arith.cmpi eq, %bitcast_convert_type3A, %eq3A : vector<16xi32>
        %and3A_687 = arith.andi %ge3A_682, %eq3A_686 : vector<16xi1>
        %swap3A_688 = arith.index_cast %scan3A_670 : i32 to index
        %swap3A_689 = tpu.vector_load %arg14[%swap3A_688] masked %and3A_685 {strides = array<i32>} : memref<320xi32, #tpu.memory_space<vmem>>, vector<16xi32>, vector<16xi1>
        tpu.vector_store %arg14[%swap3A_688], %add3A_679 masked %and3A_685 {strides = array<i32>} : memref<320xi32, #tpu.memory_space<vmem>>, vector<16xi32>, vector<16xi1>
        %all_reduce_population_count3A = tpu.all_reduce %and3A_685 {dim = 0 : i64, kind = #tpu.reduction_kind<sum>} : vector<16xi1> -> vector<16xi32>
        %slice3A = vector.extract_strided_slice %all_reduce_population_count3A {offsets = [0], sizes = [1], strides = [1]} : vector<16xi32> to vector<1xi32>
        %squeeze3A = vector.extract %slice3A[0] : i32 from vector<1xi32>
        %add3A_690 = arith.addi %scan3A_670, %squeeze3A : i32
        %convert_element_type3A_691 = arith.extui %and3A_687 : vector<16xi1> to vector<16xi32>
        %broadcast_in_dim3A_692 = arith.constant true
        %broadcast_in_dim3A_693 = vector.broadcast %broadcast_in_dim3A_692 : i1 to vector<16xi1>
        %masked_cumsum3A_694 = tpu.scan <sum>, %convert_element_type3A_691 masked %broadcast_in_dim3A_693 : vector<16xi32>, vector<16xi1> -> vector<16xi32>
        %add3A_695 = vector.broadcast %scan3A_671 : i32 to vector<16xi32>
        %add3A_696 = arith.addi %add3A_695, %masked_cumsum3A_694 : vector<16xi32>
        %le3A_697 = vector.broadcast %sub3A_657 : i32 to vector<16xi32>
        %le3A_698 = arith.cmpi sle, %add3A_696, %le3A_697 : vector<16xi32>
        %and3A_699 = arith.andi %and3A_687, %le3A_698 : vector<16xi1>
        %swap3A_700 = arith.index_cast %scan3A_671 : i32 to index
        %swap3A_701 = tpu.vector_load %arg15[%swap3A_700] masked %and3A_699 {strides = array<i32>} : memref<320xi32, #tpu.memory_space<vmem>>, vector<16xi32>, vector<16xi1>
        tpu.vector_store %arg15[%swap3A_700], %add3A_679 masked %and3A_699 {strides = array<i32>} : memref<320xi32, #tpu.memory_space<vmem>>, vector<16xi32>, vector<16xi1>
        %all_reduce_population_count3A_702 = tpu.all_reduce %and3A_699 {dim = 0 : i64, kind = #tpu.reduction_kind<sum>} : vector<16xi1> -> vector<16xi32>
        %slice3A_703 = vector.extract_strided_slice %all_reduce_population_count3A_702 {offsets = [0], sizes = [1], strides = [1]} : vector<16xi32> to vector<1xi32>
        %squeeze3A_704 = vector.extract %slice3A_703[0] : i32 from vector<1xi32>
        %add3A_705 = arith.addi %scan3A_671, %squeeze3A_704 : i32
        scf.yield %add3A_690, %add3A_705 : i32, i32
      }
      %scan3A_665 = arith.constant 5120 : i32
      %swap3A_666 = arith.constant 0 : i32
      %swap3A_667 = arith.index_cast %swap3A_666 : i32 to index
      %swap3A_668 = memref.load %arg24[%swap3A_667] : memref<8xi32, #tpu.memory_space<smem>>
      memref.store %sub3A_657, %arg24[%swap3A_667] : memref<8xi32, #tpu.memory_space<smem>>
    } else {
    }
    %get3A = arith.constant 0 : i32
    %get3A_46 = arith.index_cast %get3A : i32 to index
    %get3A_47 = memref.load %arg24[%get3A_46] : memref<8xi32, #tpu.memory_space<smem>>
    %sub3A = arith.constant 300 : i32
    %sub3A_48 = arith.subi %sub3A, %get3A_47 : i32
    %add3A_49 = arith.constant 15 : i32
    %add3A_50 = arith.addi %get3A_47, %add3A_49 : i32
    %jit3A = arith.constant 16 : i32
    %div3A = arith.divsi %add3A_50, %jit3A : i32
    %sign3A = arith.constant 0 : i32
    %sign3A_51 = arith.cmpi sgt, %add3A_50, %sign3A : i32
    %sign3A_52 = arith.extui %sign3A_51 : i1 to i32
    %sign3A_53 = arith.constant 0 : i32
    %sign3A_54 = arith.cmpi slt, %add3A_50, %sign3A_53 : i32
    %sign3A_55 = arith.extui %sign3A_54 : i1 to i32
    %sign3A_56 = arith.subi %sign3A_52, %sign3A_55 : i32
    %sign3A_57 = arith.constant 0 : i32
    %sign3A_58 = arith.cmpi sgt, %jit3A, %sign3A_57 : i32
    %sign3A_59 = arith.extui %sign3A_58 : i1 to i32
    %sign3A_60 = arith.constant 0 : i32
    %sign3A_61 = arith.cmpi slt, %jit3A, %sign3A_60 : i32
    %sign3A_62 = arith.extui %sign3A_61 : i1 to i32
    %sign3A_63 = arith.subi %sign3A_59, %sign3A_62 : i32
    %ne3A = arith.cmpi ne, %sign3A_56, %sign3A_63 : i32
    %rem3A = arith.remsi %add3A_50, %jit3A : i32
    %ne3A_64 = arith.constant 0 : i32
    %ne3A_65 = arith.cmpi ne, %rem3A, %ne3A_64 : i32
    %and3A_66 = arith.andi %ne3A, %ne3A_65 : i1
    %sub3A_67 = arith.constant 1 : i32
    %sub3A_68 = arith.subi %div3A, %sub3A_67 : i32
    %select_n3A = arith.select %and3A_66, %sub3A_68, %div3A : i32
    %while3A = arith.constant 0 : i32
    %while3A_69 = arith.constant 0 : i32
    %while3A_70 = arith.subi %select_n3A, %while3A : i32
    %while3A_71 = arith.addi %while3A, %while3A_70 : i32
    %while3A_72 = arith.constant 1 : i32
    %while3A_73 = arith.divsi %while3A_70, %while3A_72 : i32
    %while3A_74 = arith.muli %while3A_73, %while3A_72 : i32
    %while3A_75 = arith.addi %while3A, %while3A_74 : i32
    %while3A_76 = arith.constant 1 : i32
    %while3A_77 = scf.for %while3A_532 = %while3A to %while3A_75 step %while3A_76 iter_args(%while3A_533 = %while3A_69) -> (i32)  : i32 {
      %mul3A_534 = arith.constant 16 : i32
      %mul3A_535 = arith.muli %while3A_532, %mul3A_534 : i32
      %get3A_536 = arith.index_cast %mul3A_535 : i32 to index
      %get3A_537 = tpu.vector_load %arg15[%get3A_536] {strides = array<i32>} : memref<320xi32, #tpu.memory_space<vmem>>, vector<16xi32>,
      %mul3A_538 = arith.constant 16 : i32
      %mul3A_539 = arith.muli %while3A_532, %mul3A_538 : i32
      %add3A_540 = vector.broadcast %mul3A_539 : i32 to vector<16xi32>
      %add3A_541 = arith.addi %add3A_540, %iota3A : vector<16xi32>
      %lt3A_542 = vector.broadcast %get3A_47 : i32 to vector<16xi32>
      %lt3A_543 = arith.cmpi slt, %add3A_541, %lt3A_542 : vector<16xi32>
      %mul3A_544 = arith.constant 16 : i32
      %mul3A_545 = arith.muli %while3A_532, %mul3A_544 : i32
      %add3A_546 = arith.addi %sub3A_48, %mul3A_545 : i32
      %swap3A_547 = arith.index_cast %add3A_546 : i32 to index
      %swap3A_548 = tpu.vector_load %arg14[%swap3A_547] masked %lt3A_543 {strides = array<i32>} : memref<320xi32, #tpu.memory_space<vmem>>, vector<16xi32>, vector<16xi1>
      tpu.vector_store %arg14[%swap3A_547], %get3A_537 masked %lt3A_543 {strides = array<i32>} : memref<320xi32, #tpu.memory_space<vmem>>, vector<16xi32>, vector<16xi1>
      %while3A_549 = arith.constant 0 : i32
      scf.yield %while3A_549 : i32
    }
    %while3A_78 = arith.constant 1 : i32
    %while3A_79 = scf.for %while3A_532 = %while3A_75 to %while3A_71 step %while3A_78 iter_args(%while3A_533 = %while3A_77) -> (i32)  : i32 {
      %mul3A_534 = arith.constant 16 : i32
      %mul3A_535 = arith.muli %while3A_532, %mul3A_534 : i32
      %get3A_536 = arith.index_cast %mul3A_535 : i32 to index
      %get3A_537 = tpu.vector_load %arg15[%get3A_536] {strides = array<i32>} : memref<320xi32, #tpu.memory_space<vmem>>, vector<16xi32>,
      %mul3A_538 = arith.constant 16 : i32
      %mul3A_539 = arith.muli %while3A_532, %mul3A_538 : i32
      %add3A_540 = vector.broadcast %mul3A_539 : i32 to vector<16xi32>
      %add3A_541 = arith.addi %add3A_540, %iota3A : vector<16xi32>
      %lt3A_542 = vector.broadcast %get3A_47 : i32 to vector<16xi32>
      %lt3A_543 = arith.cmpi slt, %add3A_541, %lt3A_542 : vector<16xi32>
      %mul3A_544 = arith.constant 16 : i32
      %mul3A_545 = arith.muli %while3A_532, %mul3A_544 : i32
      %add3A_546 = arith.addi %sub3A_48, %mul3A_545 : i32
      %swap3A_547 = arith.index_cast %add3A_546 : i32 to index
      %swap3A_548 = tpu.vector_load %arg14[%swap3A_547] masked %lt3A_543 {strides = array<i32>} : memref<320xi32, #tpu.memory_space<vmem>>, vector<16xi32>, vector<16xi1>
      tpu.vector_store %arg14[%swap3A_547], %get3A_537 masked %lt3A_543 {strides = array<i32>} : memref<320xi32, #tpu.memory_space<vmem>>, vector<16xi32>, vector<16xi1>
      %while3A_549 = arith.constant 0 : i32
      scf.yield %while3A_549 : i32
    }
    %broadcast_in_dim3A_80 = arith.constant 81904 : i32
    %broadcast_in_dim3A_81 = vector.broadcast %broadcast_in_dim3A_80 : i32 to vector<16xi32>
    %swap3A_82 = arith.constant 300 : index
    %swap3A_83 = tpu.vector_load %arg14[%swap3A_82] {strides = array<i32>} : memref<320xi32, #tpu.memory_space<vmem>>, vector<16xi32>,
    tpu.vector_store %arg14[%swap3A_82], %broadcast_in_dim3A_81 {strides = array<i32>} : memref<320xi32, #tpu.memory_space<vmem>>, vector<16xi32>,
    %get3A_84 = arith.constant 0 : index
    %get3A_85 = tpu.vector_load %arg14[%get3A_84] {strides = array<i32>} : memref<320xi32, #tpu.memory_space<vmem>>, vector<16xi32>,
    %gather3A = tpu.vector_load_idx %arg8[%get3A_85] : memref<81920xf32, #tpu.memory_space<vmem>>[vector<16xi32>], vector<16xf32>,
    %swap3A_86 = arith.constant 0 : index
    %swap3A_87 = tpu.vector_load %arg16[%swap3A_86] {strides = array<i32>} : memref<304xf32, #tpu.memory_space<vmem>>, vector<16xf32>,
    tpu.vector_store %arg16[%swap3A_86], %gather3A {strides = array<i32>} : memref<304xf32, #tpu.memory_space<vmem>>, vector<16xf32>,
    %get3A_88 = arith.constant 16 : index
    %get3A_89 = tpu.vector_load %arg14[%get3A_88] {strides = array<i32>} : memref<320xi32, #tpu.memory_space<vmem>>, vector<16xi32>,
    %gather3A_90 = tpu.vector_load_idx %arg8[%get3A_89] : memref<81920xf32, #tpu.memory_space<vmem>>[vector<16xi32>], vector<16xf32>,
    %swap3A_91 = arith.constant 16 : index
    %swap3A_92 = tpu.vector_load %arg16[%swap3A_91] {strides = array<i32>} : memref<304xf32, #tpu.memory_space<vmem>>, vector<16xf32>,
    tpu.vector_store %arg16[%swap3A_91], %gather3A_90 {strides = array<i32>} : memref<304xf32, #tpu.memory_space<vmem>>, vector<16xf32>,
    %get3A_93 = arith.constant 32 : index
    %get3A_94 = tpu.vector_load %arg14[%get3A_93] {strides = array<i32>} : memref<320xi32, #tpu.memory_space<vmem>>, vector<16xi32>,
    %gather3A_95 = tpu.vector_load_idx %arg8[%get3A_94] : memref<81920xf32, #tpu.memory_space<vmem>>[vector<16xi32>], vector<16xf32>,
    %swap3A_96 = arith.constant 32 : index
    %swap3A_97 = tpu.vector_load %arg16[%swap3A_96] {strides = array<i32>} : memref<304xf32, #tpu.memory_space<vmem>>, vector<16xf32>,
    tpu.vector_store %arg16[%swap3A_96], %gather3A_95 {strides = array<i32>} : memref<304xf32, #tpu.memory_space<vmem>>, vector<16xf32>,
    %get3A_98 = arith.constant 48 : index
    %get3A_99 = tpu.vector_load %arg14[%get3A_98] {strides = array<i32>} : memref<320xi32, #tpu.memory_space<vmem>>, vector<16xi32>,
    %gather3A_100 = tpu.vector_load_idx %arg8[%get3A_99] : memref<81920xf32, #tpu.memory_space<vmem>>[vector<16xi32>], vector<16xf32>,
    %swap3A_101 = arith.constant 48 : index
    %swap3A_102 = tpu.vector_load %arg16[%swap3A_101] {strides = array<i32>} : memref<304xf32, #tpu.memory_space<vmem>>, vector<16xf32>,
    tpu.vector_store %arg16[%swap3A_101], %gather3A_100 {strides = array<i32>} : memref<304xf32, #tpu.memory_space<vmem>>, vector<16xf32>,
    %get3A_103 = arith.constant 64 : index
    %get3A_104 = tpu.vector_load %arg14[%get3A_103] {strides = array<i32>} : memref<320xi32, #tpu.memory_space<vmem>>, vector<16xi32>,
    %gather3A_105 = tpu.vector_load_idx %arg8[%get3A_104] : memref<81920xf32, #tpu.memory_space<vmem>>[vector<16xi32>], vector<16xf32>,
    %swap3A_106 = arith.constant 64 : index
    %swap3A_107 = tpu.vector_load %arg16[%swap3A_106] {strides = array<i32>} : memref<304xf32, #tpu.memory_space<vmem>>, vector<16xf32>,
    tpu.vector_store %arg16[%swap3A_106], %gather3A_105 {strides = array<i32>} : memref<304xf32, #tpu.memory_space<vmem>>, vector<16xf32>,
    %get3A_108 = arith.constant 80 : index
    %get3A_109 = tpu.vector_load %arg14[%get3A_108] {strides = array<i32>} : memref<320xi32, #tpu.memory_space<vmem>>, vector<16xi32>,
    %gather3A_110 = tpu.vector_load_idx %arg8[%get3A_109] : memref<81920xf32, #tpu.memory_space<vmem>>[vector<16xi32>], vector<16xf32>,
    %swap3A_111 = arith.constant 80 : index
    %swap3A_112 = tpu.vector_load %arg16[%swap3A_111] {strides = array<i32>} : memref<304xf32, #tpu.memory_space<vmem>>, vector<16xf32>,
    tpu.vector_store %arg16[%swap3A_111], %gather3A_110 {strides = array<i32>} : memref<304xf32, #tpu.memory_space<vmem>>, vector<16xf32>,
    %get3A_113 = arith.constant 96 : index
    %get3A_114 = tpu.vector_load %arg14[%get3A_113] {strides = array<i32>} : memref<320xi32, #tpu.memory_space<vmem>>, vector<16xi32>,
    %gather3A_115 = tpu.vector_load_idx %arg8[%get3A_114] : memref<81920xf32, #tpu.memory_space<vmem>>[vector<16xi32>], vector<16xf32>,
    %swap3A_116 = arith.constant 96 : index
    %swap3A_117 = tpu.vector_load %arg16[%swap3A_116] {strides = array<i32>} : memref<304xf32, #tpu.memory_space<vmem>>, vector<16xf32>,
    tpu.vector_store %arg16[%swap3A_116], %gather3A_115 {strides = array<i32>} : memref<304xf32, #tpu.memory_space<vmem>>, vector<16xf32>,
    %get3A_118 = arith.constant 112 : index
    %get3A_119 = tpu.vector_load %arg14[%get3A_118] {strides = array<i32>} : memref<320xi32, #tpu.memory_space<vmem>>, vector<16xi32>,
    %gather3A_120 = tpu.vector_load_idx %arg8[%get3A_119] : memref<81920xf32, #tpu.memory_space<vmem>>[vector<16xi32>], vector<16xf32>,
    %swap3A_121 = arith.constant 112 : index
    %swap3A_122 = tpu.vector_load %arg16[%swap3A_121] {strides = array<i32>} : memref<304xf32, #tpu.memory_space<vmem>>, vector<16xf32>,
    tpu.vector_store %arg16[%swap3A_121], %gather3A_120 {strides = array<i32>} : memref<304xf32, #tpu.memory_space<vmem>>, vector<16xf32>,
    %get3A_123 = arith.constant 128 : index
    %get3A_124 = tpu.vector_load %arg14[%get3A_123] {strides = array<i32>} : memref<320xi32, #tpu.memory_space<vmem>>, vector<16xi32>,
    %gather3A_125 = tpu.vector_load_idx %arg8[%get3A_124] : memref<81920xf32, #tpu.memory_space<vmem>>[vector<16xi32>], vector<16xf32>,
    %swap3A_126 = arith.constant 128 : index
    %swap3A_127 = tpu.vector_load %arg16[%swap3A_126] {strides = array<i32>} : memref<304xf32, #tpu.memory_space<vmem>>, vector<16xf32>,
    tpu.vector_store %arg16[%swap3A_126], %gather3A_125 {strides = array<i32>} : memref<304xf32, #tpu.memory_space<vmem>>, vector<16xf32>,
    %get3A_128 = arith.constant 144 : index
    %get3A_129 = tpu.vector_load %arg14[%get3A_128] {strides = array<i32>} : memref<320xi32, #tpu.memory_space<vmem>>, vector<16xi32>,
    %gather3A_130 = tpu.vector_load_idx %arg8[%get3A_129] : memref<81920xf32, #tpu.memory_space<vmem>>[vector<16xi32>], vector<16xf32>,
    %swap3A_131 = arith.constant 144 : index
    %swap3A_132 = tpu.vector_load %arg16[%swap3A_131] {strides = array<i32>} : memref<304xf32, #tpu.memory_space<vmem>>, vector<16xf32>,
    tpu.vector_store %arg16[%swap3A_131], %gather3A_130 {strides = array<i32>} : memref<304xf32, #tpu.memory_space<vmem>>, vector<16xf32>,
    %get3A_133 = arith.constant 160 : index
    %get3A_134 = tpu.vector_load %arg14[%get3A_133] {strides = array<i32>} : memref<320xi32, #tpu.memory_space<vmem>>, vector<16xi32>,
    %gather3A_135 = tpu.vector_load_idx %arg8[%get3A_134] : memref<81920xf32, #tpu.memory_space<vmem>>[vector<16xi32>], vector<16xf32>,
    %swap3A_136 = arith.constant 160 : index
    %swap3A_137 = tpu.vector_load %arg16[%swap3A_136] {strides = array<i32>} : memref<304xf32, #tpu.memory_space<vmem>>, vector<16xf32>,
    tpu.vector_store %arg16[%swap3A_136], %gather3A_135 {strides = array<i32>} : memref<304xf32, #tpu.memory_space<vmem>>, vector<16xf32>,
    %get3A_138 = arith.constant 176 : index
    %get3A_139 = tpu.vector_load %arg14[%get3A_138] {strides = array<i32>} : memref<320xi32, #tpu.memory_space<vmem>>, vector<16xi32>,
    %gather3A_140 = tpu.vector_load_idx %arg8[%get3A_139] : memref<81920xf32, #tpu.memory_space<vmem>>[vector<16xi32>], vector<16xf32>,
    %swap3A_141 = arith.constant 176 : index
    %swap3A_142 = tpu.vector_load %arg16[%swap3A_141] {strides = array<i32>} : memref<304xf32, #tpu.memory_space<vmem>>, vector<16xf32>,
    tpu.vector_store %arg16[%swap3A_141], %gather3A_140 {strides = array<i32>} : memref<304xf32, #tpu.memory_space<vmem>>, vector<16xf32>,
    %get3A_143 = arith.constant 192 : index
    %get3A_144 = tpu.vector_load %arg14[%get3A_143] {strides = array<i32>} : memref<320xi32, #tpu.memory_space<vmem>>, vector<16xi32>,
    %gather3A_145 = tpu.vector_load_idx %arg8[%get3A_144] : memref<81920xf32, #tpu.memory_space<vmem>>[vector<16xi32>], vector<16xf32>,
    %swap3A_146 = arith.constant 192 : index
    %swap3A_147 = tpu.vector_load %arg16[%swap3A_146] {strides = array<i32>} : memref<304xf32, #tpu.memory_space<vmem>>, vector<16xf32>,
    tpu.vector_store %arg16[%swap3A_146], %gather3A_145 {strides = array<i32>} : memref<304xf32, #tpu.memory_space<vmem>>, vector<16xf32>,
    %get3A_148 = arith.constant 208 : index
    %get3A_149 = tpu.vector_load %arg14[%get3A_148] {strides = array<i32>} : memref<320xi32, #tpu.memory_space<vmem>>, vector<16xi32>,
    %gather3A_150 = tpu.vector_load_idx %arg8[%get3A_149] : memref<81920xf32, #tpu.memory_space<vmem>>[vector<16xi32>], vector<16xf32>,
    %swap3A_151 = arith.constant 208 : index
    %swap3A_152 = tpu.vector_load %arg16[%swap3A_151] {strides = array<i32>} : memref<304xf32, #tpu.memory_space<vmem>>, vector<16xf32>,
    tpu.vector_store %arg16[%swap3A_151], %gather3A_150 {strides = array<i32>} : memref<304xf32, #tpu.memory_space<vmem>>, vector<16xf32>,
    %get3A_153 = arith.constant 224 : index
    %get3A_154 = tpu.vector_load %arg14[%get3A_153] {strides = array<i32>} : memref<320xi32, #tpu.memory_space<vmem>>, vector<16xi32>,
    %gather3A_155 = tpu.vector_load_idx %arg8[%get3A_154] : memref<81920xf32, #tpu.memory_space<vmem>>[vector<16xi32>], vector<16xf32>,
    %swap3A_156 = arith.constant 224 : index
    %swap3A_157 = tpu.vector_load %arg16[%swap3A_156] {strides = array<i32>} : memref<304xf32, #tpu.memory_space<vmem>>, vector<16xf32>,
    tpu.vector_store %arg16[%swap3A_156], %gather3A_155 {strides = array<i32>} : memref<304xf32, #tpu.memory_space<vmem>>, vector<16xf32>,
    %get3A_158 = arith.constant 240 : index
    %get3A_159 = tpu.vector_load %arg14[%get3A_158] {strides = array<i32>} : memref<320xi32, #tpu.memory_space<vmem>>, vector<16xi32>,
    %gather3A_160 = tpu.vector_load_idx %arg8[%get3A_159] : memref<81920xf32, #tpu.memory_space<vmem>>[vector<16xi32>], vector<16xf32>,
    %swap3A_161 = arith.constant 240 : index
    %swap3A_162 = tpu.vector_load %arg16[%swap3A_161] {strides = array<i32>} : memref<304xf32, #tpu.memory_space<vmem>>, vector<16xf32>,
    tpu.vector_store %arg16[%swap3A_161], %gather3A_160 {strides = array<i32>} : memref<304xf32, #tpu.memory_space<vmem>>, vector<16xf32>,
    %get3A_163 = arith.constant 256 : index
    %get3A_164 = tpu.vector_load %arg14[%get3A_163] {strides = array<i32>} : memref<320xi32, #tpu.memory_space<vmem>>, vector<16xi32>,
    %gather3A_165 = tpu.vector_load_idx %arg8[%get3A_164] : memref<81920xf32, #tpu.memory_space<vmem>>[vector<16xi32>], vector<16xf32>,
    %swap3A_166 = arith.constant 256 : index
    %swap3A_167 = tpu.vector_load %arg16[%swap3A_166] {strides = array<i32>} : memref<304xf32, #tpu.memory_space<vmem>>, vector<16xf32>,
    tpu.vector_store %arg16[%swap3A_166], %gather3A_165 {strides = array<i32>} : memref<304xf32, #tpu.memory_space<vmem>>, vector<16xf32>,
    %get3A_168 = arith.constant 272 : index
    %get3A_169 = tpu.vector_load %arg14[%get3A_168] {strides = array<i32>} : memref<320xi32, #tpu.memory_space<vmem>>, vector<16xi32>,
    %gather3A_170 = tpu.vector_load_idx %arg8[%get3A_169] : memref<81920xf32, #tpu.memory_space<vmem>>[vector<16xi32>], vector<16xf32>,
    %swap3A_171 = arith.constant 272 : index
    %swap3A_172 = tpu.vector_load %arg16[%swap3A_171] {strides = array<i32>} : memref<304xf32, #tpu.memory_space<vmem>>, vector<16xf32>,
    tpu.vector_store %arg16[%swap3A_171], %gather3A_170 {strides = array<i32>} : memref<304xf32, #tpu.memory_space<vmem>>, vector<16xf32>,
    %get3A_173 = arith.constant 288 : index
    %get3A_174 = tpu.vector_load %arg14[%get3A_173] {strides = array<i32>} : memref<320xi32, #tpu.memory_space<vmem>>, vector<16xi32>,
    %gather3A_175 = tpu.vector_load_idx %arg8[%get3A_174] : memref<81920xf32, #tpu.memory_space<vmem>>[vector<16xi32>], vector<16xf32>,
    %swap3A_176 = arith.constant 288 : index
    %swap3A_177 = tpu.vector_load %arg16[%swap3A_176] {strides = array<i32>} : memref<304xf32, #tpu.memory_space<vmem>>, vector<16xf32>,
    tpu.vector_store %arg16[%swap3A_176], %gather3A_175 {strides = array<i32>} : memref<304xf32, #tpu.memory_space<vmem>>, vector<16xf32>,
    %scan3A_178 = arith.constant 0 : i32
    %scan3A_179 = arith.constant 0 : i32
    %scan3A_180 = arith.constant 19 : i32
    %scan3A_181 = arith.addi %scan3A_179, %scan3A_180 : i32
    %scan3A_182 = arith.constant 1 : i32
    %scan3A_183 = scf.for %scan3A_532 = %scan3A_179 to %scan3A_181 step %scan3A_182 iter_args(%scan3A_533 = %scan3A_178) -> (i32)  : i32 {
      %mul3A_534 = arith.constant 16 : i32
      %mul3A_535 = arith.muli %scan3A_532, %mul3A_534 : i32
      %get3A_536 = arith.index_cast %mul3A_535 : i32 to index
      %get3A_537 = tpu.vector_load %arg16[%get3A_536] {strides = array<i32>} : memref<304xf32, #tpu.memory_space<vmem>>, vector<16xf32>,
      %bitcast_convert_type3A = tpu.bitcast %get3A_537 : vector<16xf32> -> vector<16xi32>
      %ge3A_538 = arith.constant 0 : i32
      %ge3A_539 = vector.broadcast %ge3A_538 : i32 to vector<16xi32>
      %ge3A_540 = arith.cmpi sge, %bitcast_convert_type3A, %ge3A_539 : vector<16xi32>
      %sub3A_541 = arith.constant 1073741824 : i32
      %sub3A_542 = vector.broadcast %sub3A_541 : i32 to vector<16xi32>
      %sub3A_543 = arith.subi %sub3A_542, %bitcast_convert_type3A : vector<16xi32>
      %jit3A_544 = arith.constant 1342177280 : i32
      %broadcast_in_dim3A_545 = vector.broadcast %jit3A_544 : i32 to vector<16xi32>
      %select_n3A_546 = arith.select %ge3A_540, %sub3A_543, %broadcast_in_dim3A_545 : vector<16xi1>, vector<16xi32>
      %mul3A_547 = arith.constant 16 : i32
      %mul3A_548 = arith.muli %scan3A_532, %mul3A_547 : i32
      %swap3A_549 = arith.index_cast %mul3A_548 : i32 to index
      %swap3A_550 = tpu.vector_load %arg17[%swap3A_549] {strides = array<i32>} : memref<304xi32, #tpu.memory_space<vmem>>, vector<16xi32>,
      tpu.vector_store %arg17[%swap3A_549], %select_n3A_546 {strides = array<i32>} : memref<304xi32, #tpu.memory_space<vmem>>, vector<16xi32>,
      %mul3A_551 = arith.constant 16 : i32
      %mul3A_552 = arith.muli %scan3A_532, %mul3A_551 : i32
      %add3A_553 = vector.broadcast %mul3A_552 : i32 to vector<16xi32>
      %add3A_554 = arith.addi %add3A_553, %iota3A : vector<16xi32>
      %mul3A_555 = arith.constant 16 : i32
      %mul3A_556 = arith.muli %scan3A_532, %mul3A_555 : i32
      %swap3A_557 = arith.index_cast %mul3A_556 : i32 to index
      %swap3A_558 = tpu.vector_load %arg19[%swap3A_557] {strides = array<i32>} : memref<304xi32, #tpu.memory_space<vmem>>, vector<16xi32>,
      tpu.vector_store %arg19[%swap3A_557], %add3A_554 {strides = array<i32>} : memref<304xi32, #tpu.memory_space<vmem>>, vector<16xi32>,
      %scan3A_559 = arith.constant 0 : i32
      scf.yield %scan3A_559 : i32
    }
    %scan3A_184 = arith.constant 19 : i32
    %broadcast_in_dim3A_185 = arith.constant 0 : i32
    %broadcast_in_dim3A_186 = vector.broadcast %broadcast_in_dim3A_185 : i32 to vector<16xi32>
    %swap3A_187 = arith.constant 0 : index
    %swap3A_188 = tpu.vector_load %arg11[%swap3A_187] {strides = array<i32>} : memref<16384xi32, #tpu.memory_space<vmem>>, vector<16xi32>,
    tpu.vector_store %arg11[%swap3A_187], %broadcast_in_dim3A_186 {strides = array<i32>} : memref<16384xi32, #tpu.memory_space<vmem>>, vector<16xi32>,
    %broadcast_in_dim3A_189 = arith.constant 0 : i32
    %broadcast_in_dim3A_190 = vector.broadcast %broadcast_in_dim3A_189 : i32 to vector<16xi32>
    %swap3A_191 = arith.constant 16 : index
    %swap3A_192 = tpu.vector_load %arg11[%swap3A_191] {strides = array<i32>} : memref<16384xi32, #tpu.memory_space<vmem>>, vector<16xi32>,
    tpu.vector_store %arg11[%swap3A_191], %broadcast_in_dim3A_190 {strides = array<i32>} : memref<16384xi32, #tpu.memory_space<vmem>>, vector<16xi32>,
    %scan3A_193 = arith.constant 0 : i32
    %scan3A_194 = arith.constant 0 : i32
    %scan3A_195 = arith.constant 19 : i32
    %scan3A_196 = arith.addi %scan3A_194, %scan3A_195 : i32
    %scan3A_197 = arith.constant 1 : i32
    %scan3A_198 = scf.for %scan3A_532 = %scan3A_194 to %scan3A_196 step %scan3A_197 iter_args(%scan3A_533 = %scan3A_193) -> (i32)  : i32 {
      %mul3A_534 = arith.constant 16 : i32
      %mul3A_535 = arith.muli %scan3A_532, %mul3A_534 : i32
      %get3A_536 = arith.index_cast %mul3A_535 : i32 to index
      %get3A_537 = tpu.vector_load %arg17[%get3A_536] {strides = array<i32>} : memref<304xi32, #tpu.memory_space<vmem>>, vector<16xi32>,
      %shift_right_logical3A = arith.constant 0 : i32
      %shift_right_logical3A_538 = vector.broadcast %shift_right_logical3A : i32 to vector<16xi32>
      %shift_right_logical3A_539 = arith.shrui %get3A_537, %shift_right_logical3A_538 : vector<16xi32>
      %and3A_540 = arith.constant 31 : i32
      %and3A_541 = vector.broadcast %and3A_540 : i32 to vector<16xi32>
      %and3A_542 = arith.andi %shift_right_logical3A_539, %and3A_541 : vector<16xi32>
      %broadcast_in_dim3A_543 = arith.constant true
      %broadcast_in_dim3A_544 = vector.broadcast %broadcast_in_dim3A_543 : i1 to vector<16xi1>
      %unique3A, %unique3A_545 = tpu.scan_count mask(%broadcast_in_dim3A_544 : vector<16xi1>) value(%and3A_542 : vector<16xi32>) : vector<16xi1>, vector<16xi32>
      tpu.vector_store_idx %arg11[%and3A_542], %unique3A_545 masked %unique3A {add = true} : memref<16384xi32, #tpu.memory_space<vmem>>[vector<16xi32>], vector<16xi32>, vector<16xi1>
      %scan3A_546 = arith.constant 0 : i32
      scf.yield %scan3A_546 : i32
    }
    %scan3A_199 = arith.constant 19 : i32
    %get3A_200 = arith.constant 0 : index
    %get3A_201 = tpu.vector_load %arg11[%get3A_200] {strides = array<i32>} : memref<16384xi32, #tpu.memory_space<vmem>>, vector<16xi32>,
    %get3A_202 = arith.constant 16 : index
    %get3A_203 = tpu.vector_load %arg11[%get3A_202] {strides = array<i32>} : memref<16384xi32, #tpu.memory_space<vmem>>, vector<16xi32>,
    %broadcast_in_dim3A_204 = arith.constant true
    %broadcast_in_dim3A_205 = vector.broadcast %broadcast_in_dim3A_204 : i1 to vector<16xi1>
    %masked_cumsum3A = tpu.scan <sum>, %get3A_201 masked %broadcast_in_dim3A_205 : vector<16xi32>, vector<16xi1> -> vector<16xi32>
    %broadcast_in_dim3A_206 = arith.constant true
    %broadcast_in_dim3A_207 = vector.broadcast %broadcast_in_dim3A_206 : i1 to vector<16xi1>
    %masked_cumsum3A_208 = tpu.scan <sum>, %get3A_203 masked %broadcast_in_dim3A_207 : vector<16xi32>, vector<16xi1> -> vector<16xi32>
    %sub3A_209 = arith.subi %masked_cumsum3A, %get3A_201 : vector<16xi32>
    %swap3A_210 = arith.constant 0 : index
    %swap3A_211 = tpu.vector_load %arg12[%swap3A_210] {strides = array<i32>} : memref<1040xi32, #tpu.memory_space<vmem>>, vector<16xi32>,
    tpu.vector_store %arg12[%swap3A_210], %sub3A_209 {strides = array<i32>} : memref<1040xi32, #tpu.memory_space<vmem>>, vector<16xi32>,
    %sub3A_212 = arith.subi %masked_cumsum3A_208, %get3A_203 : vector<16xi32>
    %reduce_max3A = arith.constant true
    %reduce_max3A_213 = vector.broadcast %reduce_max3A : i1 to vector<16xi1>
    %reduce_max3A_214 = arith.constant -2147483648 : i32
    %reduce_max3A_215 = vector.broadcast %reduce_max3A_214 : i32 to vector<16xi32>
    %reduce_max3A_216 = arith.xori %masked_cumsum3A, %reduce_max3A_215 : vector<16xi32>
    %reduce_max3A_217 = tpu.scan <max>, %reduce_max3A_216 masked %reduce_max3A_213 : vector<16xi32>, vector<16xi1> -> vector<16xi32>
    %reduce_max3A_218 = arith.xori %reduce_max3A_217, %reduce_max3A_215 : vector<16xi32>
    %reduce_max3A_219 = vector.extract %reduce_max3A_218[15] : i32 from vector<16xi32>
    %add3A_220 = vector.broadcast %reduce_max3A_219 : i32 to vector<16xi32>
    %add3A_221 = arith.addi %sub3A_212, %add3A_220 : vector<16xi32>
    %swap3A_222 = arith.constant 16 : index
    %swap3A_223 = tpu.vector_load %arg12[%swap3A_222] {strides = array<i32>} : memref<1040xi32, #tpu.memory_space<vmem>>, vector<16xi32>,
    tpu.vector_store %arg12[%swap3A_222], %add3A_221 {strides = array<i32>} : memref<1040xi32, #tpu.memory_space<vmem>>, vector<16xi32>,
    %scan3A_224 = arith.constant 0 : i32
    %scan3A_225 = arith.constant 0 : i32
    %scan3A_226 = arith.constant 19 : i32
    %scan3A_227 = arith.addi %scan3A_225, %scan3A_226 : i32
    %scan3A_228 = arith.constant 1 : i32
    %scan3A_229 = scf.for %scan3A_532 = %scan3A_225 to %scan3A_227 step %scan3A_228 iter_args(%scan3A_533 = %scan3A_224) -> (i32)  : i32 {
      %mul3A_534 = arith.constant 16 : i32
      %mul3A_535 = arith.muli %scan3A_532, %mul3A_534 : i32
      %get3A_536 = arith.index_cast %mul3A_535 : i32 to index
      %get3A_537 = tpu.vector_load %arg17[%get3A_536] {strides = array<i32>} : memref<304xi32, #tpu.memory_space<vmem>>, vector<16xi32>,
      %mul3A_538 = arith.constant 16 : i32
      %mul3A_539 = arith.muli %scan3A_532, %mul3A_538 : i32
      %get3A_540 = arith.index_cast %mul3A_539 : i32 to index
      %get3A_541 = tpu.vector_load %arg19[%get3A_540] {strides = array<i32>} : memref<304xi32, #tpu.memory_space<vmem>>, vector<16xi32>,
      %shift_right_logical3A = arith.constant 0 : i32
      %shift_right_logical3A_542 = vector.broadcast %shift_right_logical3A : i32 to vector<16xi32>
      %shift_right_logical3A_543 = arith.shrui %get3A_537, %shift_right_logical3A_542 : vector<16xi32>
      %and3A_544 = arith.constant 31 : i32
      %and3A_545 = vector.broadcast %and3A_544 : i32 to vector<16xi32>
      %and3A_546 = arith.andi %shift_right_logical3A_543, %and3A_545 : vector<16xi32>
      %gather3A_547 = tpu.vector_load_idx %arg12[%and3A_546] : memref<1040xi32, #tpu.memory_space<vmem>>[vector<16xi32>], vector<16xi32>,
      %broadcast_in_dim3A_548 = arith.constant true
      %broadcast_in_dim3A_549 = vector.broadcast %broadcast_in_dim3A_548 : i1 to vector<16xi1>
      %unique3A, %unique3A_550 = tpu.scan_count mask(%broadcast_in_dim3A_549 : vector<16xi1>) value(%and3A_546 : vector<16xi32>) : vector<16xi1>, vector<16xi32>
      %add3A_551 = arith.addi %gather3A_547, %unique3A_550 : vector<16xi32>
      %sub3A_552 = arith.constant 1 : i32
      %sub3A_553 = vector.broadcast %sub3A_552 : i32 to vector<16xi32>
      %sub3A_554 = arith.subi %add3A_551, %sub3A_553 : vector<16xi32>
      tpu.vector_store_idx %arg18[%sub3A_554], %get3A_537 : memref<304xi32, #tpu.memory_space<vmem>>[vector<16xi32>], vector<16xi32>,
      tpu.vector_store_idx %arg20[%sub3A_554], %get3A_541 : memref<304xi32, #tpu.memory_space<vmem>>[vector<16xi32>], vector<16xi32>,
      tpu.vector_store_idx %arg12[%and3A_546], %unique3A_550 masked %unique3A {add = true} : memref<1040xi32, #tpu.memory_space<vmem>>[vector<16xi32>], vector<16xi32>, vector<16xi1>
      %scan3A_555 = arith.constant 0 : i32
      scf.yield %scan3A_555 : i32
    }
    %scan3A_230 = arith.constant 19 : i32
    %broadcast_in_dim3A_231 = arith.constant 0 : i32
    %broadcast_in_dim3A_232 = vector.broadcast %broadcast_in_dim3A_231 : i32 to vector<16xi32>
    %swap3A_233 = arith.constant 0 : index
    %swap3A_234 = tpu.vector_load %arg11[%swap3A_233] {strides = array<i32>} : memref<16384xi32, #tpu.memory_space<vmem>>, vector<16xi32>,
    tpu.vector_store %arg11[%swap3A_233], %broadcast_in_dim3A_232 {strides = array<i32>} : memref<16384xi32, #tpu.memory_space<vmem>>, vector<16xi32>,
    %broadcast_in_dim3A_235 = arith.constant 0 : i32
    %broadcast_in_dim3A_236 = vector.broadcast %broadcast_in_dim3A_235 : i32 to vector<16xi32>
    %swap3A_237 = arith.constant 16 : index
    %swap3A_238 = tpu.vector_load %arg11[%swap3A_237] {strides = array<i32>} : memref<16384xi32, #tpu.memory_space<vmem>>, vector<16xi32>,
    tpu.vector_store %arg11[%swap3A_237], %broadcast_in_dim3A_236 {strides = array<i32>} : memref<16384xi32, #tpu.memory_space<vmem>>, vector<16xi32>,
    %scan3A_239 = arith.constant 0 : i32
    %scan3A_240 = arith.constant 0 : i32
    %scan3A_241 = arith.constant 19 : i32
    %scan3A_242 = arith.addi %scan3A_240, %scan3A_241 : i32
    %scan3A_243 = arith.constant 1 : i32
    %scan3A_244 = scf.for %scan3A_532 = %scan3A_240 to %scan3A_242 step %scan3A_243 iter_args(%scan3A_533 = %scan3A_239) -> (i32)  : i32 {
      %mul3A_534 = arith.constant 16 : i32
      %mul3A_535 = arith.muli %scan3A_532, %mul3A_534 : i32
      %get3A_536 = arith.index_cast %mul3A_535 : i32 to index
      %get3A_537 = tpu.vector_load %arg18[%get3A_536] {strides = array<i32>} : memref<304xi32, #tpu.memory_space<vmem>>, vector<16xi32>,
      %shift_right_logical3A = arith.constant 5 : i32
      %shift_right_logical3A_538 = vector.broadcast %shift_right_logical3A : i32 to vector<16xi32>
      %shift_right_logical3A_539 = arith.shrui %get3A_537, %shift_right_logical3A_538 : vector<16xi32>
      %and3A_540 = arith.constant 31 : i32
      %and3A_541 = vector.broadcast %and3A_540 : i32 to vector<16xi32>
      %and3A_542 = arith.andi %shift_right_logical3A_539, %and3A_541 : vector<16xi32>
      %broadcast_in_dim3A_543 = arith.constant true
      %broadcast_in_dim3A_544 = vector.broadcast %broadcast_in_dim3A_543 : i1 to vector<16xi1>
      %unique3A, %unique3A_545 = tpu.scan_count mask(%broadcast_in_dim3A_544 : vector<16xi1>) value(%and3A_542 : vector<16xi32>) : vector<16xi1>, vector<16xi32>
      tpu.vector_store_idx %arg11[%and3A_542], %unique3A_545 masked %unique3A {add = true} : memref<16384xi32, #tpu.memory_space<vmem>>[vector<16xi32>], vector<16xi32>, vector<16xi1>
      %scan3A_546 = arith.constant 0 : i32
      scf.yield %scan3A_546 : i32
    }
    %scan3A_245 = arith.constant 19 : i32
    %get3A_246 = arith.constant 0 : index
    %get3A_247 = tpu.vector_load %arg11[%get3A_246] {strides = array<i32>} : memref<16384xi32, #tpu.memory_space<vmem>>, vector<16xi32>,
    %get3A_248 = arith.constant 16 : index
    %get3A_249 = tpu.vector_load %arg11[%get3A_248] {strides = array<i32>} : memref<16384xi32, #tpu.memory_space<vmem>>, vector<16xi32>,
    %broadcast_in_dim3A_250 = arith.constant true
    %broadcast_in_dim3A_251 = vector.broadcast %broadcast_in_dim3A_250 : i1 to vector<16xi1>
    %masked_cumsum3A_252 = tpu.scan <sum>, %get3A_247 masked %broadcast_in_dim3A_251 : vector<16xi32>, vector<16xi1> -> vector<16xi32>
    %broadcast_in_dim3A_253 = arith.constant true
    %broadcast_in_dim3A_254 = vector.broadcast %broadcast_in_dim3A_253 : i1 to vector<16xi1>
    %masked_cumsum3A_255 = tpu.scan <sum>, %get3A_249 masked %broadcast_in_dim3A_254 : vector<16xi32>, vector<16xi1> -> vector<16xi32>
    %sub3A_256 = arith.subi %masked_cumsum3A_252, %get3A_247 : vector<16xi32>
    %swap3A_257 = arith.constant 0 : index
    %swap3A_258 = tpu.vector_load %arg12[%swap3A_257] {strides = array<i32>} : memref<1040xi32, #tpu.memory_space<vmem>>, vector<16xi32>,
    tpu.vector_store %arg12[%swap3A_257], %sub3A_256 {strides = array<i32>} : memref<1040xi32, #tpu.memory_space<vmem>>, vector<16xi32>,
    %sub3A_259 = arith.subi %masked_cumsum3A_255, %get3A_249 : vector<16xi32>
    %reduce_max3A_260 = arith.constant true
    %reduce_max3A_261 = vector.broadcast %reduce_max3A_260 : i1 to vector<16xi1>
    %reduce_max3A_262 = arith.constant -2147483648 : i32
    %reduce_max3A_263 = vector.broadcast %reduce_max3A_262 : i32 to vector<16xi32>
    %reduce_max3A_264 = arith.xori %masked_cumsum3A_252, %reduce_max3A_263 : vector<16xi32>
    %reduce_max3A_265 = tpu.scan <max>, %reduce_max3A_264 masked %reduce_max3A_261 : vector<16xi32>, vector<16xi1> -> vector<16xi32>
    %reduce_max3A_266 = arith.xori %reduce_max3A_265, %reduce_max3A_263 : vector<16xi32>
    %reduce_max3A_267 = vector.extract %reduce_max3A_266[15] : i32 from vector<16xi32>
    %add3A_268 = vector.broadcast %reduce_max3A_267 : i32 to vector<16xi32>
    %add3A_269 = arith.addi %sub3A_259, %add3A_268 : vector<16xi32>
    %swap3A_270 = arith.constant 16 : index
    %swap3A_271 = tpu.vector_load %arg12[%swap3A_270] {strides = array<i32>} : memref<1040xi32, #tpu.memory_space<vmem>>, vector<16xi32>,
    tpu.vector_store %arg12[%swap3A_270], %add3A_269 {strides = array<i32>} : memref<1040xi32, #tpu.memory_space<vmem>>, vector<16xi32>,
    %scan3A_272 = arith.constant 0 : i32
    %scan3A_273 = arith.constant 0 : i32
    %scan3A_274 = arith.constant 19 : i32
    %scan3A_275 = arith.addi %scan3A_273, %scan3A_274 : i32
    %scan3A_276 = arith.constant 1 : i32
    %scan3A_277 = scf.for %scan3A_532 = %scan3A_273 to %scan3A_275 step %scan3A_276 iter_args(%scan3A_533 = %scan3A_272) -> (i32)  : i32 {
      %mul3A_534 = arith.constant 16 : i32
      %mul3A_535 = arith.muli %scan3A_532, %mul3A_534 : i32
      %get3A_536 = arith.index_cast %mul3A_535 : i32 to index
      %get3A_537 = tpu.vector_load %arg18[%get3A_536] {strides = array<i32>} : memref<304xi32, #tpu.memory_space<vmem>>, vector<16xi32>,
      %mul3A_538 = arith.constant 16 : i32
      %mul3A_539 = arith.muli %scan3A_532, %mul3A_538 : i32
      %get3A_540 = arith.index_cast %mul3A_539 : i32 to index
      %get3A_541 = tpu.vector_load %arg20[%get3A_540] {strides = array<i32>} : memref<304xi32, #tpu.memory_space<vmem>>, vector<16xi32>,
      %shift_right_logical3A = arith.constant 5 : i32
      %shift_right_logical3A_542 = vector.broadcast %shift_right_logical3A : i32 to vector<16xi32>
      %shift_right_logical3A_543 = arith.shrui %get3A_537, %shift_right_logical3A_542 : vector<16xi32>
      %and3A_544 = arith.constant 31 : i32
      %and3A_545 = vector.broadcast %and3A_544 : i32 to vector<16xi32>
      %and3A_546 = arith.andi %shift_right_logical3A_543, %and3A_545 : vector<16xi32>
      %gather3A_547 = tpu.vector_load_idx %arg12[%and3A_546] : memref<1040xi32, #tpu.memory_space<vmem>>[vector<16xi32>], vector<16xi32>,
      %broadcast_in_dim3A_548 = arith.constant true
      %broadcast_in_dim3A_549 = vector.broadcast %broadcast_in_dim3A_548 : i1 to vector<16xi1>
      %unique3A, %unique3A_550 = tpu.scan_count mask(%broadcast_in_dim3A_549 : vector<16xi1>) value(%and3A_546 : vector<16xi32>) : vector<16xi1>, vector<16xi32>
      %add3A_551 = arith.addi %gather3A_547, %unique3A_550 : vector<16xi32>
      %sub3A_552 = arith.constant 1 : i32
      %sub3A_553 = vector.broadcast %sub3A_552 : i32 to vector<16xi32>
      %sub3A_554 = arith.subi %add3A_551, %sub3A_553 : vector<16xi32>
      tpu.vector_store_idx %arg17[%sub3A_554], %get3A_537 : memref<304xi32, #tpu.memory_space<vmem>>[vector<16xi32>], vector<16xi32>,
      tpu.vector_store_idx %arg19[%sub3A_554], %get3A_541 : memref<304xi32, #tpu.memory_space<vmem>>[vector<16xi32>], vector<16xi32>,
      tpu.vector_store_idx %arg12[%and3A_546], %unique3A_550 masked %unique3A {add = true} : memref<1040xi32, #tpu.memory_space<vmem>>[vector<16xi32>], vector<16xi32>, vector<16xi1>
      %scan3A_555 = arith.constant 0 : i32
      scf.yield %scan3A_555 : i32
    }
    %scan3A_278 = arith.constant 19 : i32
    %broadcast_in_dim3A_279 = arith.constant 0 : i32
    %broadcast_in_dim3A_280 = vector.broadcast %broadcast_in_dim3A_279 : i32 to vector<16xi32>
    %swap3A_281 = arith.constant 0 : index
    %swap3A_282 = tpu.vector_load %arg11[%swap3A_281] {strides = array<i32>} : memref<16384xi32, #tpu.memory_space<vmem>>, vector<16xi32>,
    tpu.vector_store %arg11[%swap3A_281], %broadcast_in_dim3A_280 {strides = array<i32>} : memref<16384xi32, #tpu.memory_space<vmem>>, vector<16xi32>,
    %broadcast_in_dim3A_283 = arith.constant 0 : i32
    %broadcast_in_dim3A_284 = vector.broadcast %broadcast_in_dim3A_283 : i32 to vector<16xi32>
    %swap3A_285 = arith.constant 16 : index
    %swap3A_286 = tpu.vector_load %arg11[%swap3A_285] {strides = array<i32>} : memref<16384xi32, #tpu.memory_space<vmem>>, vector<16xi32>,
    tpu.vector_store %arg11[%swap3A_285], %broadcast_in_dim3A_284 {strides = array<i32>} : memref<16384xi32, #tpu.memory_space<vmem>>, vector<16xi32>,
    %scan3A_287 = arith.constant 0 : i32
    %scan3A_288 = arith.constant 0 : i32
    %scan3A_289 = arith.constant 19 : i32
    %scan3A_290 = arith.addi %scan3A_288, %scan3A_289 : i32
    %scan3A_291 = arith.constant 1 : i32
    %scan3A_292 = scf.for %scan3A_532 = %scan3A_288 to %scan3A_290 step %scan3A_291 iter_args(%scan3A_533 = %scan3A_287) -> (i32)  : i32 {
      %mul3A_534 = arith.constant 16 : i32
      %mul3A_535 = arith.muli %scan3A_532, %mul3A_534 : i32
      %get3A_536 = arith.index_cast %mul3A_535 : i32 to index
      %get3A_537 = tpu.vector_load %arg17[%get3A_536] {strides = array<i32>} : memref<304xi32, #tpu.memory_space<vmem>>, vector<16xi32>,
      %shift_right_logical3A = arith.constant 10 : i32
      %shift_right_logical3A_538 = vector.broadcast %shift_right_logical3A : i32 to vector<16xi32>
      %shift_right_logical3A_539 = arith.shrui %get3A_537, %shift_right_logical3A_538 : vector<16xi32>
      %and3A_540 = arith.constant 31 : i32
      %and3A_541 = vector.broadcast %and3A_540 : i32 to vector<16xi32>
      %and3A_542 = arith.andi %shift_right_logical3A_539, %and3A_541 : vector<16xi32>
      %broadcast_in_dim3A_543 = arith.constant true
      %broadcast_in_dim3A_544 = vector.broadcast %broadcast_in_dim3A_543 : i1 to vector<16xi1>
      %unique3A, %unique3A_545 = tpu.scan_count mask(%broadcast_in_dim3A_544 : vector<16xi1>) value(%and3A_542 : vector<16xi32>) : vector<16xi1>, vector<16xi32>
      tpu.vector_store_idx %arg11[%and3A_542], %unique3A_545 masked %unique3A {add = true} : memref<16384xi32, #tpu.memory_space<vmem>>[vector<16xi32>], vector<16xi32>, vector<16xi1>
      %scan3A_546 = arith.constant 0 : i32
      scf.yield %scan3A_546 : i32
    }
    %scan3A_293 = arith.constant 19 : i32
    %get3A_294 = arith.constant 0 : index
    %get3A_295 = tpu.vector_load %arg11[%get3A_294] {strides = array<i32>} : memref<16384xi32, #tpu.memory_space<vmem>>, vector<16xi32>,
    %get3A_296 = arith.constant 16 : index
    %get3A_297 = tpu.vector_load %arg11[%get3A_296] {strides = array<i32>} : memref<16384xi32, #tpu.memory_space<vmem>>, vector<16xi32>,
    %broadcast_in_dim3A_298 = arith.constant true
    %broadcast_in_dim3A_299 = vector.broadcast %broadcast_in_dim3A_298 : i1 to vector<16xi1>
    %masked_cumsum3A_300 = tpu.scan <sum>, %get3A_295 masked %broadcast_in_dim3A_299 : vector<16xi32>, vector<16xi1> -> vector<16xi32>
    %broadcast_in_dim3A_301 = arith.constant true
    %broadcast_in_dim3A_302 = vector.broadcast %broadcast_in_dim3A_301 : i1 to vector<16xi1>
    %masked_cumsum3A_303 = tpu.scan <sum>, %get3A_297 masked %broadcast_in_dim3A_302 : vector<16xi32>, vector<16xi1> -> vector<16xi32>
    %sub3A_304 = arith.subi %masked_cumsum3A_300, %get3A_295 : vector<16xi32>
    %swap3A_305 = arith.constant 0 : index
    %swap3A_306 = tpu.vector_load %arg12[%swap3A_305] {strides = array<i32>} : memref<1040xi32, #tpu.memory_space<vmem>>, vector<16xi32>,
    tpu.vector_store %arg12[%swap3A_305], %sub3A_304 {strides = array<i32>} : memref<1040xi32, #tpu.memory_space<vmem>>, vector<16xi32>,
    %sub3A_307 = arith.subi %masked_cumsum3A_303, %get3A_297 : vector<16xi32>
    %reduce_max3A_308 = arith.constant true
    %reduce_max3A_309 = vector.broadcast %reduce_max3A_308 : i1 to vector<16xi1>
    %reduce_max3A_310 = arith.constant -2147483648 : i32
    %reduce_max3A_311 = vector.broadcast %reduce_max3A_310 : i32 to vector<16xi32>
    %reduce_max3A_312 = arith.xori %masked_cumsum3A_300, %reduce_max3A_311 : vector<16xi32>
    %reduce_max3A_313 = tpu.scan <max>, %reduce_max3A_312 masked %reduce_max3A_309 : vector<16xi32>, vector<16xi1> -> vector<16xi32>
    %reduce_max3A_314 = arith.xori %reduce_max3A_313, %reduce_max3A_311 : vector<16xi32>
    %reduce_max3A_315 = vector.extract %reduce_max3A_314[15] : i32 from vector<16xi32>
    %add3A_316 = vector.broadcast %reduce_max3A_315 : i32 to vector<16xi32>
    %add3A_317 = arith.addi %sub3A_307, %add3A_316 : vector<16xi32>
    %swap3A_318 = arith.constant 16 : index
    %swap3A_319 = tpu.vector_load %arg12[%swap3A_318] {strides = array<i32>} : memref<1040xi32, #tpu.memory_space<vmem>>, vector<16xi32>,
    tpu.vector_store %arg12[%swap3A_318], %add3A_317 {strides = array<i32>} : memref<1040xi32, #tpu.memory_space<vmem>>, vector<16xi32>,
    %scan3A_320 = arith.constant 0 : i32
    %scan3A_321 = arith.constant 0 : i32
    %scan3A_322 = arith.constant 19 : i32
    %scan3A_323 = arith.addi %scan3A_321, %scan3A_322 : i32
    %scan3A_324 = arith.constant 1 : i32
    %scan3A_325 = scf.for %scan3A_532 = %scan3A_321 to %scan3A_323 step %scan3A_324 iter_args(%scan3A_533 = %scan3A_320) -> (i32)  : i32 {
      %mul3A_534 = arith.constant 16 : i32
      %mul3A_535 = arith.muli %scan3A_532, %mul3A_534 : i32
      %get3A_536 = arith.index_cast %mul3A_535 : i32 to index
      %get3A_537 = tpu.vector_load %arg17[%get3A_536] {strides = array<i32>} : memref<304xi32, #tpu.memory_space<vmem>>, vector<16xi32>,
      %mul3A_538 = arith.constant 16 : i32
      %mul3A_539 = arith.muli %scan3A_532, %mul3A_538 : i32
      %get3A_540 = arith.index_cast %mul3A_539 : i32 to index
      %get3A_541 = tpu.vector_load %arg19[%get3A_540] {strides = array<i32>} : memref<304xi32, #tpu.memory_space<vmem>>, vector<16xi32>,
      %shift_right_logical3A = arith.constant 10 : i32
      %shift_right_logical3A_542 = vector.broadcast %shift_right_logical3A : i32 to vector<16xi32>
      %shift_right_logical3A_543 = arith.shrui %get3A_537, %shift_right_logical3A_542 : vector<16xi32>
      %and3A_544 = arith.constant 31 : i32
      %and3A_545 = vector.broadcast %and3A_544 : i32 to vector<16xi32>
      %and3A_546 = arith.andi %shift_right_logical3A_543, %and3A_545 : vector<16xi32>
      %gather3A_547 = tpu.vector_load_idx %arg12[%and3A_546] : memref<1040xi32, #tpu.memory_space<vmem>>[vector<16xi32>], vector<16xi32>,
      %broadcast_in_dim3A_548 = arith.constant true
      %broadcast_in_dim3A_549 = vector.broadcast %broadcast_in_dim3A_548 : i1 to vector<16xi1>
      %unique3A, %unique3A_550 = tpu.scan_count mask(%broadcast_in_dim3A_549 : vector<16xi1>) value(%and3A_546 : vector<16xi32>) : vector<16xi1>, vector<16xi32>
      %add3A_551 = arith.addi %gather3A_547, %unique3A_550 : vector<16xi32>
      %sub3A_552 = arith.constant 1 : i32
      %sub3A_553 = vector.broadcast %sub3A_552 : i32 to vector<16xi32>
      %sub3A_554 = arith.subi %add3A_551, %sub3A_553 : vector<16xi32>
      tpu.vector_store_idx %arg18[%sub3A_554], %get3A_537 : memref<304xi32, #tpu.memory_space<vmem>>[vector<16xi32>], vector<16xi32>,
      tpu.vector_store_idx %arg20[%sub3A_554], %get3A_541 : memref<304xi32, #tpu.memory_space<vmem>>[vector<16xi32>], vector<16xi32>,
      tpu.vector_store_idx %arg12[%and3A_546], %unique3A_550 masked %unique3A {add = true} : memref<1040xi32, #tpu.memory_space<vmem>>[vector<16xi32>], vector<16xi32>, vector<16xi1>
      %scan3A_555 = arith.constant 0 : i32
      scf.yield %scan3A_555 : i32
    }
    %scan3A_326 = arith.constant 19 : i32
    %broadcast_in_dim3A_327 = arith.constant 0 : i32
    %broadcast_in_dim3A_328 = vector.broadcast %broadcast_in_dim3A_327 : i32 to vector<16xi32>
    %swap3A_329 = arith.constant 0 : index
    %swap3A_330 = tpu.vector_load %arg11[%swap3A_329] {strides = array<i32>} : memref<16384xi32, #tpu.memory_space<vmem>>, vector<16xi32>,
    tpu.vector_store %arg11[%swap3A_329], %broadcast_in_dim3A_328 {strides = array<i32>} : memref<16384xi32, #tpu.memory_space<vmem>>, vector<16xi32>,
    %broadcast_in_dim3A_331 = arith.constant 0 : i32
    %broadcast_in_dim3A_332 = vector.broadcast %broadcast_in_dim3A_331 : i32 to vector<16xi32>
    %swap3A_333 = arith.constant 16 : index
    %swap3A_334 = tpu.vector_load %arg11[%swap3A_333] {strides = array<i32>} : memref<16384xi32, #tpu.memory_space<vmem>>, vector<16xi32>,
    tpu.vector_store %arg11[%swap3A_333], %broadcast_in_dim3A_332 {strides = array<i32>} : memref<16384xi32, #tpu.memory_space<vmem>>, vector<16xi32>,
    %scan3A_335 = arith.constant 0 : i32
    %scan3A_336 = arith.constant 0 : i32
    %scan3A_337 = arith.constant 19 : i32
    %scan3A_338 = arith.addi %scan3A_336, %scan3A_337 : i32
    %scan3A_339 = arith.constant 1 : i32
    %scan3A_340 = scf.for %scan3A_532 = %scan3A_336 to %scan3A_338 step %scan3A_339 iter_args(%scan3A_533 = %scan3A_335) -> (i32)  : i32 {
      %mul3A_534 = arith.constant 16 : i32
      %mul3A_535 = arith.muli %scan3A_532, %mul3A_534 : i32
      %get3A_536 = arith.index_cast %mul3A_535 : i32 to index
      %get3A_537 = tpu.vector_load %arg18[%get3A_536] {strides = array<i32>} : memref<304xi32, #tpu.memory_space<vmem>>, vector<16xi32>,
      %shift_right_logical3A = arith.constant 15 : i32
      %shift_right_logical3A_538 = vector.broadcast %shift_right_logical3A : i32 to vector<16xi32>
      %shift_right_logical3A_539 = arith.shrui %get3A_537, %shift_right_logical3A_538 : vector<16xi32>
      %and3A_540 = arith.constant 31 : i32
      %and3A_541 = vector.broadcast %and3A_540 : i32 to vector<16xi32>
      %and3A_542 = arith.andi %shift_right_logical3A_539, %and3A_541 : vector<16xi32>
      %broadcast_in_dim3A_543 = arith.constant true
      %broadcast_in_dim3A_544 = vector.broadcast %broadcast_in_dim3A_543 : i1 to vector<16xi1>
      %unique3A, %unique3A_545 = tpu.scan_count mask(%broadcast_in_dim3A_544 : vector<16xi1>) value(%and3A_542 : vector<16xi32>) : vector<16xi1>, vector<16xi32>
      tpu.vector_store_idx %arg11[%and3A_542], %unique3A_545 masked %unique3A {add = true} : memref<16384xi32, #tpu.memory_space<vmem>>[vector<16xi32>], vector<16xi32>, vector<16xi1>
      %scan3A_546 = arith.constant 0 : i32
      scf.yield %scan3A_546 : i32
    }
    %scan3A_341 = arith.constant 19 : i32
    %get3A_342 = arith.constant 0 : index
    %get3A_343 = tpu.vector_load %arg11[%get3A_342] {strides = array<i32>} : memref<16384xi32, #tpu.memory_space<vmem>>, vector<16xi32>,
    %get3A_344 = arith.constant 16 : index
    %get3A_345 = tpu.vector_load %arg11[%get3A_344] {strides = array<i32>} : memref<16384xi32, #tpu.memory_space<vmem>>, vector<16xi32>,
    %broadcast_in_dim3A_346 = arith.constant true
    %broadcast_in_dim3A_347 = vector.broadcast %broadcast_in_dim3A_346 : i1 to vector<16xi1>
    %masked_cumsum3A_348 = tpu.scan <sum>, %get3A_343 masked %broadcast_in_dim3A_347 : vector<16xi32>, vector<16xi1> -> vector<16xi32>
    %broadcast_in_dim3A_349 = arith.constant true
    %broadcast_in_dim3A_350 = vector.broadcast %broadcast_in_dim3A_349 : i1 to vector<16xi1>
    %masked_cumsum3A_351 = tpu.scan <sum>, %get3A_345 masked %broadcast_in_dim3A_350 : vector<16xi32>, vector<16xi1> -> vector<16xi32>
    %sub3A_352 = arith.subi %masked_cumsum3A_348, %get3A_343 : vector<16xi32>
    %swap3A_353 = arith.constant 0 : index
    %swap3A_354 = tpu.vector_load %arg12[%swap3A_353] {strides = array<i32>} : memref<1040xi32, #tpu.memory_space<vmem>>, vector<16xi32>,
    tpu.vector_store %arg12[%swap3A_353], %sub3A_352 {strides = array<i32>} : memref<1040xi32, #tpu.memory_space<vmem>>, vector<16xi32>,
    %sub3A_355 = arith.subi %masked_cumsum3A_351, %get3A_345 : vector<16xi32>
    %reduce_max3A_356 = arith.constant true
    %reduce_max3A_357 = vector.broadcast %reduce_max3A_356 : i1 to vector<16xi1>
    %reduce_max3A_358 = arith.constant -2147483648 : i32
    %reduce_max3A_359 = vector.broadcast %reduce_max3A_358 : i32 to vector<16xi32>
    %reduce_max3A_360 = arith.xori %masked_cumsum3A_348, %reduce_max3A_359 : vector<16xi32>
    %reduce_max3A_361 = tpu.scan <max>, %reduce_max3A_360 masked %reduce_max3A_357 : vector<16xi32>, vector<16xi1> -> vector<16xi32>
    %reduce_max3A_362 = arith.xori %reduce_max3A_361, %reduce_max3A_359 : vector<16xi32>
    %reduce_max3A_363 = vector.extract %reduce_max3A_362[15] : i32 from vector<16xi32>
    %add3A_364 = vector.broadcast %reduce_max3A_363 : i32 to vector<16xi32>
    %add3A_365 = arith.addi %sub3A_355, %add3A_364 : vector<16xi32>
    %swap3A_366 = arith.constant 16 : index
    %swap3A_367 = tpu.vector_load %arg12[%swap3A_366] {strides = array<i32>} : memref<1040xi32, #tpu.memory_space<vmem>>, vector<16xi32>,
    tpu.vector_store %arg12[%swap3A_366], %add3A_365 {strides = array<i32>} : memref<1040xi32, #tpu.memory_space<vmem>>, vector<16xi32>,
    %scan3A_368 = arith.constant 0 : i32
    %scan3A_369 = arith.constant 0 : i32
    %scan3A_370 = arith.constant 19 : i32
    %scan3A_371 = arith.addi %scan3A_369, %scan3A_370 : i32
    %scan3A_372 = arith.constant 1 : i32
    %scan3A_373 = scf.for %scan3A_532 = %scan3A_369 to %scan3A_371 step %scan3A_372 iter_args(%scan3A_533 = %scan3A_368) -> (i32)  : i32 {
      %mul3A_534 = arith.constant 16 : i32
      %mul3A_535 = arith.muli %scan3A_532, %mul3A_534 : i32
      %get3A_536 = arith.index_cast %mul3A_535 : i32 to index
      %get3A_537 = tpu.vector_load %arg18[%get3A_536] {strides = array<i32>} : memref<304xi32, #tpu.memory_space<vmem>>, vector<16xi32>,
      %mul3A_538 = arith.constant 16 : i32
      %mul3A_539 = arith.muli %scan3A_532, %mul3A_538 : i32
      %get3A_540 = arith.index_cast %mul3A_539 : i32 to index
      %get3A_541 = tpu.vector_load %arg20[%get3A_540] {strides = array<i32>} : memref<304xi32, #tpu.memory_space<vmem>>, vector<16xi32>,
      %shift_right_logical3A = arith.constant 15 : i32
      %shift_right_logical3A_542 = vector.broadcast %shift_right_logical3A : i32 to vector<16xi32>
      %shift_right_logical3A_543 = arith.shrui %get3A_537, %shift_right_logical3A_542 : vector<16xi32>
      %and3A_544 = arith.constant 31 : i32
      %and3A_545 = vector.broadcast %and3A_544 : i32 to vector<16xi32>
      %and3A_546 = arith.andi %shift_right_logical3A_543, %and3A_545 : vector<16xi32>
      %gather3A_547 = tpu.vector_load_idx %arg12[%and3A_546] : memref<1040xi32, #tpu.memory_space<vmem>>[vector<16xi32>], vector<16xi32>,
      %broadcast_in_dim3A_548 = arith.constant true
      %broadcast_in_dim3A_549 = vector.broadcast %broadcast_in_dim3A_548 : i1 to vector<16xi1>
      %unique3A, %unique3A_550 = tpu.scan_count mask(%broadcast_in_dim3A_549 : vector<16xi1>) value(%and3A_546 : vector<16xi32>) : vector<16xi1>, vector<16xi32>
      %add3A_551 = arith.addi %gather3A_547, %unique3A_550 : vector<16xi32>
      %sub3A_552 = arith.constant 1 : i32
      %sub3A_553 = vector.broadcast %sub3A_552 : i32 to vector<16xi32>
      %sub3A_554 = arith.subi %add3A_551, %sub3A_553 : vector<16xi32>
      tpu.vector_store_idx %arg17[%sub3A_554], %get3A_537 : memref<304xi32, #tpu.memory_space<vmem>>[vector<16xi32>], vector<16xi32>,
      tpu.vector_store_idx %arg19[%sub3A_554], %get3A_541 : memref<304xi32, #tpu.memory_space<vmem>>[vector<16xi32>], vector<16xi32>,
      tpu.vector_store_idx %arg12[%and3A_546], %unique3A_550 masked %unique3A {add = true} : memref<1040xi32, #tpu.memory_space<vmem>>[vector<16xi32>], vector<16xi32>, vector<16xi1>
      %scan3A_555 = arith.constant 0 : i32
      scf.yield %scan3A_555 : i32
    }
    %scan3A_374 = arith.constant 19 : i32
    %broadcast_in_dim3A_375 = arith.constant 0 : i32
    %broadcast_in_dim3A_376 = vector.broadcast %broadcast_in_dim3A_375 : i32 to vector<16xi32>
    %swap3A_377 = arith.constant 0 : index
    %swap3A_378 = tpu.vector_load %arg11[%swap3A_377] {strides = array<i32>} : memref<16384xi32, #tpu.memory_space<vmem>>, vector<16xi32>,
    tpu.vector_store %arg11[%swap3A_377], %broadcast_in_dim3A_376 {strides = array<i32>} : memref<16384xi32, #tpu.memory_space<vmem>>, vector<16xi32>,
    %broadcast_in_dim3A_379 = arith.constant 0 : i32
    %broadcast_in_dim3A_380 = vector.broadcast %broadcast_in_dim3A_379 : i32 to vector<16xi32>
    %swap3A_381 = arith.constant 16 : index
    %swap3A_382 = tpu.vector_load %arg11[%swap3A_381] {strides = array<i32>} : memref<16384xi32, #tpu.memory_space<vmem>>, vector<16xi32>,
    tpu.vector_store %arg11[%swap3A_381], %broadcast_in_dim3A_380 {strides = array<i32>} : memref<16384xi32, #tpu.memory_space<vmem>>, vector<16xi32>,
    %scan3A_383 = arith.constant 0 : i32
    %scan3A_384 = arith.constant 0 : i32
    %scan3A_385 = arith.constant 19 : i32
    %scan3A_386 = arith.addi %scan3A_384, %scan3A_385 : i32
    %scan3A_387 = arith.constant 1 : i32
    %scan3A_388 = scf.for %scan3A_532 = %scan3A_384 to %scan3A_386 step %scan3A_387 iter_args(%scan3A_533 = %scan3A_383) -> (i32)  : i32 {
      %mul3A_534 = arith.constant 16 : i32
      %mul3A_535 = arith.muli %scan3A_532, %mul3A_534 : i32
      %get3A_536 = arith.index_cast %mul3A_535 : i32 to index
      %get3A_537 = tpu.vector_load %arg17[%get3A_536] {strides = array<i32>} : memref<304xi32, #tpu.memory_space<vmem>>, vector<16xi32>,
      %shift_right_logical3A = arith.constant 20 : i32
      %shift_right_logical3A_538 = vector.broadcast %shift_right_logical3A : i32 to vector<16xi32>
      %shift_right_logical3A_539 = arith.shrui %get3A_537, %shift_right_logical3A_538 : vector<16xi32>
      %and3A_540 = arith.constant 31 : i32
      %and3A_541 = vector.broadcast %and3A_540 : i32 to vector<16xi32>
      %and3A_542 = arith.andi %shift_right_logical3A_539, %and3A_541 : vector<16xi32>
      %broadcast_in_dim3A_543 = arith.constant true
      %broadcast_in_dim3A_544 = vector.broadcast %broadcast_in_dim3A_543 : i1 to vector<16xi1>
      %unique3A, %unique3A_545 = tpu.scan_count mask(%broadcast_in_dim3A_544 : vector<16xi1>) value(%and3A_542 : vector<16xi32>) : vector<16xi1>, vector<16xi32>
      tpu.vector_store_idx %arg11[%and3A_542], %unique3A_545 masked %unique3A {add = true} : memref<16384xi32, #tpu.memory_space<vmem>>[vector<16xi32>], vector<16xi32>, vector<16xi1>
      %scan3A_546 = arith.constant 0 : i32
      scf.yield %scan3A_546 : i32
    }
    %scan3A_389 = arith.constant 19 : i32
    %get3A_390 = arith.constant 0 : index
    %get3A_391 = tpu.vector_load %arg11[%get3A_390] {strides = array<i32>} : memref<16384xi32, #tpu.memory_space<vmem>>, vector<16xi32>,
    %get3A_392 = arith.constant 16 : index
    %get3A_393 = tpu.vector_load %arg11[%get3A_392] {strides = array<i32>} : memref<16384xi32, #tpu.memory_space<vmem>>, vector<16xi32>,
    %broadcast_in_dim3A_394 = arith.constant true
    %broadcast_in_dim3A_395 = vector.broadcast %broadcast_in_dim3A_394 : i1 to vector<16xi1>
    %masked_cumsum3A_396 = tpu.scan <sum>, %get3A_391 masked %broadcast_in_dim3A_395 : vector<16xi32>, vector<16xi1> -> vector<16xi32>
    %broadcast_in_dim3A_397 = arith.constant true
    %broadcast_in_dim3A_398 = vector.broadcast %broadcast_in_dim3A_397 : i1 to vector<16xi1>
    %masked_cumsum3A_399 = tpu.scan <sum>, %get3A_393 masked %broadcast_in_dim3A_398 : vector<16xi32>, vector<16xi1> -> vector<16xi32>
    %sub3A_400 = arith.subi %masked_cumsum3A_396, %get3A_391 : vector<16xi32>
    %swap3A_401 = arith.constant 0 : index
    %swap3A_402 = tpu.vector_load %arg12[%swap3A_401] {strides = array<i32>} : memref<1040xi32, #tpu.memory_space<vmem>>, vector<16xi32>,
    tpu.vector_store %arg12[%swap3A_401], %sub3A_400 {strides = array<i32>} : memref<1040xi32, #tpu.memory_space<vmem>>, vector<16xi32>,
    %sub3A_403 = arith.subi %masked_cumsum3A_399, %get3A_393 : vector<16xi32>
    %reduce_max3A_404 = arith.constant true
    %reduce_max3A_405 = vector.broadcast %reduce_max3A_404 : i1 to vector<16xi1>
    %reduce_max3A_406 = arith.constant -2147483648 : i32
    %reduce_max3A_407 = vector.broadcast %reduce_max3A_406 : i32 to vector<16xi32>
    %reduce_max3A_408 = arith.xori %masked_cumsum3A_396, %reduce_max3A_407 : vector<16xi32>
    %reduce_max3A_409 = tpu.scan <max>, %reduce_max3A_408 masked %reduce_max3A_405 : vector<16xi32>, vector<16xi1> -> vector<16xi32>
    %reduce_max3A_410 = arith.xori %reduce_max3A_409, %reduce_max3A_407 : vector<16xi32>
    %reduce_max3A_411 = vector.extract %reduce_max3A_410[15] : i32 from vector<16xi32>
    %add3A_412 = vector.broadcast %reduce_max3A_411 : i32 to vector<16xi32>
    %add3A_413 = arith.addi %sub3A_403, %add3A_412 : vector<16xi32>
    %swap3A_414 = arith.constant 16 : index
    %swap3A_415 = tpu.vector_load %arg12[%swap3A_414] {strides = array<i32>} : memref<1040xi32, #tpu.memory_space<vmem>>, vector<16xi32>,
    tpu.vector_store %arg12[%swap3A_414], %add3A_413 {strides = array<i32>} : memref<1040xi32, #tpu.memory_space<vmem>>, vector<16xi32>,
    %scan3A_416 = arith.constant 0 : i32
    %scan3A_417 = arith.constant 0 : i32
    %scan3A_418 = arith.constant 19 : i32
    %scan3A_419 = arith.addi %scan3A_417, %scan3A_418 : i32
    %scan3A_420 = arith.constant 1 : i32
    %scan3A_421 = scf.for %scan3A_532 = %scan3A_417 to %scan3A_419 step %scan3A_420 iter_args(%scan3A_533 = %scan3A_416) -> (i32)  : i32 {
      %mul3A_534 = arith.constant 16 : i32
      %mul3A_535 = arith.muli %scan3A_532, %mul3A_534 : i32
      %get3A_536 = arith.index_cast %mul3A_535 : i32 to index
      %get3A_537 = tpu.vector_load %arg17[%get3A_536] {strides = array<i32>} : memref<304xi32, #tpu.memory_space<vmem>>, vector<16xi32>,
      %mul3A_538 = arith.constant 16 : i32
      %mul3A_539 = arith.muli %scan3A_532, %mul3A_538 : i32
      %get3A_540 = arith.index_cast %mul3A_539 : i32 to index
      %get3A_541 = tpu.vector_load %arg19[%get3A_540] {strides = array<i32>} : memref<304xi32, #tpu.memory_space<vmem>>, vector<16xi32>,
      %shift_right_logical3A = arith.constant 20 : i32
      %shift_right_logical3A_542 = vector.broadcast %shift_right_logical3A : i32 to vector<16xi32>
      %shift_right_logical3A_543 = arith.shrui %get3A_537, %shift_right_logical3A_542 : vector<16xi32>
      %and3A_544 = arith.constant 31 : i32
      %and3A_545 = vector.broadcast %and3A_544 : i32 to vector<16xi32>
      %and3A_546 = arith.andi %shift_right_logical3A_543, %and3A_545 : vector<16xi32>
      %gather3A_547 = tpu.vector_load_idx %arg12[%and3A_546] : memref<1040xi32, #tpu.memory_space<vmem>>[vector<16xi32>], vector<16xi32>,
      %broadcast_in_dim3A_548 = arith.constant true
      %broadcast_in_dim3A_549 = vector.broadcast %broadcast_in_dim3A_548 : i1 to vector<16xi1>
      %unique3A, %unique3A_550 = tpu.scan_count mask(%broadcast_in_dim3A_549 : vector<16xi1>) value(%and3A_546 : vector<16xi32>) : vector<16xi1>, vector<16xi32>
      %add3A_551 = arith.addi %gather3A_547, %unique3A_550 : vector<16xi32>
      %sub3A_552 = arith.constant 1 : i32
      %sub3A_553 = vector.broadcast %sub3A_552 : i32 to vector<16xi32>
      %sub3A_554 = arith.subi %add3A_551, %sub3A_553 : vector<16xi32>
      tpu.vector_store_idx %arg18[%sub3A_554], %get3A_537 : memref<304xi32, #tpu.memory_space<vmem>>[vector<16xi32>], vector<16xi32>,
      tpu.vector_store_idx %arg20[%sub3A_554], %get3A_541 : memref<304xi32, #tpu.memory_space<vmem>>[vector<16xi32>], vector<16xi32>,
      tpu.vector_store_idx %arg12[%and3A_546], %unique3A_550 masked %unique3A {add = true} : memref<1040xi32, #tpu.memory_space<vmem>>[vector<16xi32>], vector<16xi32>, vector<16xi1>
      %scan3A_555 = arith.constant 0 : i32
      scf.yield %scan3A_555 : i32
    }
    %scan3A_422 = arith.constant 19 : i32
    %broadcast_in_dim3A_423 = arith.constant 0 : i32
    %broadcast_in_dim3A_424 = vector.broadcast %broadcast_in_dim3A_423 : i32 to vector<16xi32>
    %swap3A_425 = arith.constant 0 : index
    %swap3A_426 = tpu.vector_load %arg11[%swap3A_425] {strides = array<i32>} : memref<16384xi32, #tpu.memory_space<vmem>>, vector<16xi32>,
    tpu.vector_store %arg11[%swap3A_425], %broadcast_in_dim3A_424 {strides = array<i32>} : memref<16384xi32, #tpu.memory_space<vmem>>, vector<16xi32>,
    %broadcast_in_dim3A_427 = arith.constant 0 : i32
    %broadcast_in_dim3A_428 = vector.broadcast %broadcast_in_dim3A_427 : i32 to vector<16xi32>
    %swap3A_429 = arith.constant 16 : index
    %swap3A_430 = tpu.vector_load %arg11[%swap3A_429] {strides = array<i32>} : memref<16384xi32, #tpu.memory_space<vmem>>, vector<16xi32>,
    tpu.vector_store %arg11[%swap3A_429], %broadcast_in_dim3A_428 {strides = array<i32>} : memref<16384xi32, #tpu.memory_space<vmem>>, vector<16xi32>,
    %scan3A_431 = arith.constant 0 : i32
    %scan3A_432 = arith.constant 0 : i32
    %scan3A_433 = arith.constant 19 : i32
    %scan3A_434 = arith.addi %scan3A_432, %scan3A_433 : i32
    %scan3A_435 = arith.constant 1 : i32
    %scan3A_436 = scf.for %scan3A_532 = %scan3A_432 to %scan3A_434 step %scan3A_435 iter_args(%scan3A_533 = %scan3A_431) -> (i32)  : i32 {
      %mul3A_534 = arith.constant 16 : i32
      %mul3A_535 = arith.muli %scan3A_532, %mul3A_534 : i32
      %get3A_536 = arith.index_cast %mul3A_535 : i32 to index
      %get3A_537 = tpu.vector_load %arg18[%get3A_536] {strides = array<i32>} : memref<304xi32, #tpu.memory_space<vmem>>, vector<16xi32>,
      %shift_right_logical3A = arith.constant 25 : i32
      %shift_right_logical3A_538 = vector.broadcast %shift_right_logical3A : i32 to vector<16xi32>
      %shift_right_logical3A_539 = arith.shrui %get3A_537, %shift_right_logical3A_538 : vector<16xi32>
      %and3A_540 = arith.constant 31 : i32
      %and3A_541 = vector.broadcast %and3A_540 : i32 to vector<16xi32>
      %and3A_542 = arith.andi %shift_right_logical3A_539, %and3A_541 : vector<16xi32>
      %broadcast_in_dim3A_543 = arith.constant true
      %broadcast_in_dim3A_544 = vector.broadcast %broadcast_in_dim3A_543 : i1 to vector<16xi1>
      %unique3A, %unique3A_545 = tpu.scan_count mask(%broadcast_in_dim3A_544 : vector<16xi1>) value(%and3A_542 : vector<16xi32>) : vector<16xi1>, vector<16xi32>
      tpu.vector_store_idx %arg11[%and3A_542], %unique3A_545 masked %unique3A {add = true} : memref<16384xi32, #tpu.memory_space<vmem>>[vector<16xi32>], vector<16xi32>, vector<16xi1>
      %scan3A_546 = arith.constant 0 : i32
      scf.yield %scan3A_546 : i32
    }
    %scan3A_437 = arith.constant 19 : i32
    %get3A_438 = arith.constant 0 : index
    %get3A_439 = tpu.vector_load %arg11[%get3A_438] {strides = array<i32>} : memref<16384xi32, #tpu.memory_space<vmem>>, vector<16xi32>,
    %get3A_440 = arith.constant 16 : index
    %get3A_441 = tpu.vector_load %arg11[%get3A_440] {strides = array<i32>} : memref<16384xi32, #tpu.memory_space<vmem>>, vector<16xi32>,
    %broadcast_in_dim3A_442 = arith.constant true
    %broadcast_in_dim3A_443 = vector.broadcast %broadcast_in_dim3A_442 : i1 to vector<16xi1>
    %masked_cumsum3A_444 = tpu.scan <sum>, %get3A_439 masked %broadcast_in_dim3A_443 : vector<16xi32>, vector<16xi1> -> vector<16xi32>
    %broadcast_in_dim3A_445 = arith.constant true
    %broadcast_in_dim3A_446 = vector.broadcast %broadcast_in_dim3A_445 : i1 to vector<16xi1>
    %masked_cumsum3A_447 = tpu.scan <sum>, %get3A_441 masked %broadcast_in_dim3A_446 : vector<16xi32>, vector<16xi1> -> vector<16xi32>
    %sub3A_448 = arith.subi %masked_cumsum3A_444, %get3A_439 : vector<16xi32>
    %swap3A_449 = arith.constant 0 : index
    %swap3A_450 = tpu.vector_load %arg12[%swap3A_449] {strides = array<i32>} : memref<1040xi32, #tpu.memory_space<vmem>>, vector<16xi32>,
    tpu.vector_store %arg12[%swap3A_449], %sub3A_448 {strides = array<i32>} : memref<1040xi32, #tpu.memory_space<vmem>>, vector<16xi32>,
    %sub3A_451 = arith.subi %masked_cumsum3A_447, %get3A_441 : vector<16xi32>
    %reduce_max3A_452 = arith.constant true
    %reduce_max3A_453 = vector.broadcast %reduce_max3A_452 : i1 to vector<16xi1>
    %reduce_max3A_454 = arith.constant -2147483648 : i32
    %reduce_max3A_455 = vector.broadcast %reduce_max3A_454 : i32 to vector<16xi32>
    %reduce_max3A_456 = arith.xori %masked_cumsum3A_444, %reduce_max3A_455 : vector<16xi32>
    %reduce_max3A_457 = tpu.scan <max>, %reduce_max3A_456 masked %reduce_max3A_453 : vector<16xi32>, vector<16xi1> -> vector<16xi32>
    %reduce_max3A_458 = arith.xori %reduce_max3A_457, %reduce_max3A_455 : vector<16xi32>
    %reduce_max3A_459 = vector.extract %reduce_max3A_458[15] : i32 from vector<16xi32>
    %add3A_460 = vector.broadcast %reduce_max3A_459 : i32 to vector<16xi32>
    %add3A_461 = arith.addi %sub3A_451, %add3A_460 : vector<16xi32>
    %swap3A_462 = arith.constant 16 : index
    %swap3A_463 = tpu.vector_load %arg12[%swap3A_462] {strides = array<i32>} : memref<1040xi32, #tpu.memory_space<vmem>>, vector<16xi32>,
    tpu.vector_store %arg12[%swap3A_462], %add3A_461 {strides = array<i32>} : memref<1040xi32, #tpu.memory_space<vmem>>, vector<16xi32>,
    %scan3A_464 = arith.constant 0 : i32
    %scan3A_465 = arith.constant 0 : i32
    %scan3A_466 = arith.constant 19 : i32
    %scan3A_467 = arith.addi %scan3A_465, %scan3A_466 : i32
    %scan3A_468 = arith.constant 1 : i32
    %scan3A_469 = scf.for %scan3A_532 = %scan3A_465 to %scan3A_467 step %scan3A_468 iter_args(%scan3A_533 = %scan3A_464) -> (i32)  : i32 {
      %mul3A_534 = arith.constant 16 : i32
      %mul3A_535 = arith.muli %scan3A_532, %mul3A_534 : i32
      %get3A_536 = arith.index_cast %mul3A_535 : i32 to index
      %get3A_537 = tpu.vector_load %arg18[%get3A_536] {strides = array<i32>} : memref<304xi32, #tpu.memory_space<vmem>>, vector<16xi32>,
      %mul3A_538 = arith.constant 16 : i32
      %mul3A_539 = arith.muli %scan3A_532, %mul3A_538 : i32
      %get3A_540 = arith.index_cast %mul3A_539 : i32 to index
      %get3A_541 = tpu.vector_load %arg20[%get3A_540] {strides = array<i32>} : memref<304xi32, #tpu.memory_space<vmem>>, vector<16xi32>,
      %shift_right_logical3A = arith.constant 25 : i32
      %shift_right_logical3A_542 = vector.broadcast %shift_right_logical3A : i32 to vector<16xi32>
      %shift_right_logical3A_543 = arith.shrui %get3A_537, %shift_right_logical3A_542 : vector<16xi32>
      %and3A_544 = arith.constant 31 : i32
      %and3A_545 = vector.broadcast %and3A_544 : i32 to vector<16xi32>
      %and3A_546 = arith.andi %shift_right_logical3A_543, %and3A_545 : vector<16xi32>
      %gather3A_547 = tpu.vector_load_idx %arg12[%and3A_546] : memref<1040xi32, #tpu.memory_space<vmem>>[vector<16xi32>], vector<16xi32>,
      %broadcast_in_dim3A_548 = arith.constant true
      %broadcast_in_dim3A_549 = vector.broadcast %broadcast_in_dim3A_548 : i1 to vector<16xi1>
      %unique3A, %unique3A_550 = tpu.scan_count mask(%broadcast_in_dim3A_549 : vector<16xi1>) value(%and3A_546 : vector<16xi32>) : vector<16xi1>, vector<16xi32>
      %add3A_551 = arith.addi %gather3A_547, %unique3A_550 : vector<16xi32>
      %sub3A_552 = arith.constant 1 : i32
      %sub3A_553 = vector.broadcast %sub3A_552 : i32 to vector<16xi32>
      %sub3A_554 = arith.subi %add3A_551, %sub3A_553 : vector<16xi32>
      tpu.vector_store_idx %arg17[%sub3A_554], %get3A_537 : memref<304xi32, #tpu.memory_space<vmem>>[vector<16xi32>], vector<16xi32>,
      tpu.vector_store_idx %arg19[%sub3A_554], %get3A_541 : memref<304xi32, #tpu.memory_space<vmem>>[vector<16xi32>], vector<16xi32>,
      tpu.vector_store_idx %arg12[%and3A_546], %unique3A_550 masked %unique3A {add = true} : memref<1040xi32, #tpu.memory_space<vmem>>[vector<16xi32>], vector<16xi32>, vector<16xi1>
      %scan3A_555 = arith.constant 0 : i32
      scf.yield %scan3A_555 : i32
    }
    %scan3A_470 = arith.constant 19 : i32
    %broadcast_in_dim3A_471 = arith.constant 0 : i32
    %broadcast_in_dim3A_472 = vector.broadcast %broadcast_in_dim3A_471 : i32 to vector<16xi32>
    %swap3A_473 = arith.constant 0 : index
    %swap3A_474 = tpu.vector_load %arg11[%swap3A_473] {strides = array<i32>} : memref<16384xi32, #tpu.memory_space<vmem>>, vector<16xi32>,
    tpu.vector_store %arg11[%swap3A_473], %broadcast_in_dim3A_472 {strides = array<i32>} : memref<16384xi32, #tpu.memory_space<vmem>>, vector<16xi32>,
    %broadcast_in_dim3A_475 = arith.constant 0 : i32
    %broadcast_in_dim3A_476 = vector.broadcast %broadcast_in_dim3A_475 : i32 to vector<16xi32>
    %swap3A_477 = arith.constant 16 : index
    %swap3A_478 = tpu.vector_load %arg11[%swap3A_477] {strides = array<i32>} : memref<16384xi32, #tpu.memory_space<vmem>>, vector<16xi32>,
    tpu.vector_store %arg11[%swap3A_477], %broadcast_in_dim3A_476 {strides = array<i32>} : memref<16384xi32, #tpu.memory_space<vmem>>, vector<16xi32>,
    %scan3A_479 = arith.constant 0 : i32
    %scan3A_480 = arith.constant 0 : i32
    %scan3A_481 = arith.constant 19 : i32
    %scan3A_482 = arith.addi %scan3A_480, %scan3A_481 : i32
    %scan3A_483 = arith.constant 1 : i32
    %scan3A_484 = scf.for %scan3A_532 = %scan3A_480 to %scan3A_482 step %scan3A_483 iter_args(%scan3A_533 = %scan3A_479) -> (i32)  : i32 {
      %mul3A_534 = arith.constant 16 : i32
      %mul3A_535 = arith.muli %scan3A_532, %mul3A_534 : i32
      %get3A_536 = arith.index_cast %mul3A_535 : i32 to index
      %get3A_537 = tpu.vector_load %arg17[%get3A_536] {strides = array<i32>} : memref<304xi32, #tpu.memory_space<vmem>>, vector<16xi32>,
      %shift_right_logical3A = arith.constant 30 : i32
      %shift_right_logical3A_538 = vector.broadcast %shift_right_logical3A : i32 to vector<16xi32>
      %shift_right_logical3A_539 = arith.shrui %get3A_537, %shift_right_logical3A_538 : vector<16xi32>
      %and3A_540 = arith.constant 31 : i32
      %and3A_541 = vector.broadcast %and3A_540 : i32 to vector<16xi32>
      %and3A_542 = arith.andi %shift_right_logical3A_539, %and3A_541 : vector<16xi32>
      %broadcast_in_dim3A_543 = arith.constant true
      %broadcast_in_dim3A_544 = vector.broadcast %broadcast_in_dim3A_543 : i1 to vector<16xi1>
      %unique3A, %unique3A_545 = tpu.scan_count mask(%broadcast_in_dim3A_544 : vector<16xi1>) value(%and3A_542 : vector<16xi32>) : vector<16xi1>, vector<16xi32>
      tpu.vector_store_idx %arg11[%and3A_542], %unique3A_545 masked %unique3A {add = true} : memref<16384xi32, #tpu.memory_space<vmem>>[vector<16xi32>], vector<16xi32>, vector<16xi1>
      %scan3A_546 = arith.constant 0 : i32
      scf.yield %scan3A_546 : i32
    }
    %scan3A_485 = arith.constant 19 : i32
    %get3A_486 = arith.constant 0 : index
    %get3A_487 = tpu.vector_load %arg11[%get3A_486] {strides = array<i32>} : memref<16384xi32, #tpu.memory_space<vmem>>, vector<16xi32>,
    %get3A_488 = arith.constant 16 : index
    %get3A_489 = tpu.vector_load %arg11[%get3A_488] {strides = array<i32>} : memref<16384xi32, #tpu.memory_space<vmem>>, vector<16xi32>,
    %broadcast_in_dim3A_490 = arith.constant true
    %broadcast_in_dim3A_491 = vector.broadcast %broadcast_in_dim3A_490 : i1 to vector<16xi1>
    %masked_cumsum3A_492 = tpu.scan <sum>, %get3A_487 masked %broadcast_in_dim3A_491 : vector<16xi32>, vector<16xi1> -> vector<16xi32>
    %broadcast_in_dim3A_493 = arith.constant true
    %broadcast_in_dim3A_494 = vector.broadcast %broadcast_in_dim3A_493 : i1 to vector<16xi1>
    %masked_cumsum3A_495 = tpu.scan <sum>, %get3A_489 masked %broadcast_in_dim3A_494 : vector<16xi32>, vector<16xi1> -> vector<16xi32>
    %sub3A_496 = arith.subi %masked_cumsum3A_492, %get3A_487 : vector<16xi32>
    %swap3A_497 = arith.constant 0 : index
    %swap3A_498 = tpu.vector_load %arg12[%swap3A_497] {strides = array<i32>} : memref<1040xi32, #tpu.memory_space<vmem>>, vector<16xi32>,
    tpu.vector_store %arg12[%swap3A_497], %sub3A_496 {strides = array<i32>} : memref<1040xi32, #tpu.memory_space<vmem>>, vector<16xi32>,
    %sub3A_499 = arith.subi %masked_cumsum3A_495, %get3A_489 : vector<16xi32>
    %reduce_max3A_500 = arith.constant true
    %reduce_max3A_501 = vector.broadcast %reduce_max3A_500 : i1 to vector<16xi1>
    %reduce_max3A_502 = arith.constant -2147483648 : i32
    %reduce_max3A_503 = vector.broadcast %reduce_max3A_502 : i32 to vector<16xi32>
    %reduce_max3A_504 = arith.xori %masked_cumsum3A_492, %reduce_max3A_503 : vector<16xi32>
    %reduce_max3A_505 = tpu.scan <max>, %reduce_max3A_504 masked %reduce_max3A_501 : vector<16xi32>, vector<16xi1> -> vector<16xi32>
    %reduce_max3A_506 = arith.xori %reduce_max3A_505, %reduce_max3A_503 : vector<16xi32>
    %reduce_max3A_507 = vector.extract %reduce_max3A_506[15] : i32 from vector<16xi32>
    %add3A_508 = vector.broadcast %reduce_max3A_507 : i32 to vector<16xi32>
    %add3A_509 = arith.addi %sub3A_499, %add3A_508 : vector<16xi32>
    %swap3A_510 = arith.constant 16 : index
    %swap3A_511 = tpu.vector_load %arg12[%swap3A_510] {strides = array<i32>} : memref<1040xi32, #tpu.memory_space<vmem>>, vector<16xi32>,
    tpu.vector_store %arg12[%swap3A_510], %add3A_509 {strides = array<i32>} : memref<1040xi32, #tpu.memory_space<vmem>>, vector<16xi32>,
    %scan3A_512 = arith.constant 0 : i32
    %scan3A_513 = arith.constant 0 : i32
    %scan3A_514 = arith.constant 19 : i32
    %scan3A_515 = arith.addi %scan3A_513, %scan3A_514 : i32
    %scan3A_516 = arith.constant 1 : i32
    %scan3A_517 = scf.for %scan3A_532 = %scan3A_513 to %scan3A_515 step %scan3A_516 iter_args(%scan3A_533 = %scan3A_512) -> (i32)  : i32 {
      %mul3A_534 = arith.constant 16 : i32
      %mul3A_535 = arith.muli %scan3A_532, %mul3A_534 : i32
      %get3A_536 = arith.index_cast %mul3A_535 : i32 to index
      %get3A_537 = tpu.vector_load %arg17[%get3A_536] {strides = array<i32>} : memref<304xi32, #tpu.memory_space<vmem>>, vector<16xi32>,
      %mul3A_538 = arith.constant 16 : i32
      %mul3A_539 = arith.muli %scan3A_532, %mul3A_538 : i32
      %get3A_540 = arith.index_cast %mul3A_539 : i32 to index
      %get3A_541 = tpu.vector_load %arg19[%get3A_540] {strides = array<i32>} : memref<304xi32, #tpu.memory_space<vmem>>, vector<16xi32>,
      %shift_right_logical3A = arith.constant 30 : i32
      %shift_right_logical3A_542 = vector.broadcast %shift_right_logical3A : i32 to vector<16xi32>
      %shift_right_logical3A_543 = arith.shrui %get3A_537, %shift_right_logical3A_542 : vector<16xi32>
      %and3A_544 = arith.constant 31 : i32
      %and3A_545 = vector.broadcast %and3A_544 : i32 to vector<16xi32>
      %and3A_546 = arith.andi %shift_right_logical3A_543, %and3A_545 : vector<16xi32>
      %gather3A_547 = tpu.vector_load_idx %arg12[%and3A_546] : memref<1040xi32, #tpu.memory_space<vmem>>[vector<16xi32>], vector<16xi32>,
      %broadcast_in_dim3A_548 = arith.constant true
      %broadcast_in_dim3A_549 = vector.broadcast %broadcast_in_dim3A_548 : i1 to vector<16xi1>
      %unique3A, %unique3A_550 = tpu.scan_count mask(%broadcast_in_dim3A_549 : vector<16xi1>) value(%and3A_546 : vector<16xi32>) : vector<16xi1>, vector<16xi32>
      %add3A_551 = arith.addi %gather3A_547, %unique3A_550 : vector<16xi32>
      %sub3A_552 = arith.constant 1 : i32
      %sub3A_553 = vector.broadcast %sub3A_552 : i32 to vector<16xi32>
      %sub3A_554 = arith.subi %add3A_551, %sub3A_553 : vector<16xi32>
      tpu.vector_store_idx %arg18[%sub3A_554], %get3A_537 : memref<304xi32, #tpu.memory_space<vmem>>[vector<16xi32>], vector<16xi32>,
      tpu.vector_store_idx %arg20[%sub3A_554], %get3A_541 : memref<304xi32, #tpu.memory_space<vmem>>[vector<16xi32>], vector<16xi32>,
      tpu.vector_store_idx %arg12[%and3A_546], %unique3A_550 masked %unique3A {add = true} : memref<1040xi32, #tpu.memory_space<vmem>>[vector<16xi32>], vector<16xi32>, vector<16xi1>
      %scan3A_555 = arith.constant 0 : i32
      scf.yield %scan3A_555 : i32
    }
    %scan3A_518 = arith.constant 19 : i32
    %broadcast_in_dim3A_519 = arith.constant 1 : i32
    %broadcast_in_dim3A_520 = vector.broadcast %broadcast_in_dim3A_519 : i32 to vector<16xi32>
    %gather3A_521 = tpu.vector_load_idx %arg10[%broadcast_in_dim3A_520] : memref<128xf32, #tpu.memory_space<vmem>>[vector<16xi32>], vector<16xf32>,
    %broadcast_in_dim3A_522 = arith.constant 2 : i32
    %broadcast_in_dim3A_523 = vector.broadcast %broadcast_in_dim3A_522 : i32 to vector<16xi32>
    %gather3A_524 = tpu.vector_load_idx %arg10[%broadcast_in_dim3A_523] : memref<128xf32, #tpu.memory_space<vmem>>[vector<16xi32>], vector<16xf32>,
    %scan3A_525 = arith.constant 0 : i32
    %scan3A_526 = arith.constant 0 : i32
    %scan3A_527 = arith.constant 19 : i32
    %scan3A_528 = arith.addi %scan3A_526, %scan3A_527 : i32
    %scan3A_529 = arith.constant 1 : i32
    %scan3A_530 = scf.for %scan3A_532 = %scan3A_526 to %scan3A_528 step %scan3A_529 iter_args(%scan3A_533 = %scan3A_525) -> (i32)  : i32 {
      %mul3A_534 = arith.constant 16 : i32
      %mul3A_535 = arith.muli %scan3A_532, %mul3A_534 : i32
      %get3A_536 = arith.index_cast %mul3A_535 : i32 to index
      %get3A_537 = tpu.vector_load %arg20[%get3A_536] {strides = array<i32>} : memref<304xi32, #tpu.memory_space<vmem>>, vector<16xi32>,
      %gather3A_538 = tpu.vector_load_idx %arg16[%get3A_537] : memref<304xf32, #tpu.memory_space<vmem>>[vector<16xi32>], vector<16xf32>,
      %gather3A_539 = tpu.vector_load_idx %arg14[%get3A_537] : memref<320xi32, #tpu.memory_space<vmem>>[vector<16xi32>], vector<16xi32>,
      %jit3A_540 = arith.constant 91 : i32
      %div3A_541 = vector.broadcast %jit3A_540 : i32 to vector<16xi32>
      %div3A_542 = arith.divsi %gather3A_539, %div3A_541 : vector<16xi32>
      %sign3A_543 = arith.constant 0 : i32
      %sign3A_544 = vector.broadcast %sign3A_543 : i32 to vector<16xi32>
      %sign3A_545 = arith.cmpi sgt, %gather3A_539, %sign3A_544 : vector<16xi32>
      %sign3A_546 = arith.extui %sign3A_545 : vector<16xi1> to vector<16xi32>
      %sign3A_547 = arith.constant 0 : i32
      %sign3A_548 = vector.broadcast %sign3A_547 : i32 to vector<16xi32>
      %sign3A_549 = arith.cmpi slt, %gather3A_539, %sign3A_548 : vector<16xi32>
      %sign3A_550 = arith.extui %sign3A_549 : vector<16xi1> to vector<16xi32>
      %sign3A_551 = arith.subi %sign3A_546, %sign3A_550 : vector<16xi32>
      %sign3A_552 = arith.constant 0 : i32
      %sign3A_553 = arith.cmpi sgt, %jit3A_540, %sign3A_552 : i32
      %sign3A_554 = arith.extui %sign3A_553 : i1 to i32
      %sign3A_555 = arith.constant 0 : i32
      %sign3A_556 = arith.cmpi slt, %jit3A_540, %sign3A_555 : i32
      %sign3A_557 = arith.extui %sign3A_556 : i1 to i32
      %sign3A_558 = arith.subi %sign3A_554, %sign3A_557 : i32
      %ne3A_559 = vector.broadcast %sign3A_558 : i32 to vector<16xi32>
      %ne3A_560 = arith.cmpi ne, %sign3A_551, %ne3A_559 : vector<16xi32>
      %rem3A_561 = vector.broadcast %jit3A_540 : i32 to vector<16xi32>
      %rem3A_562 = arith.remsi %gather3A_539, %rem3A_561 : vector<16xi32>
      %ne3A_563 = arith.constant 0 : i32
      %ne3A_564 = vector.broadcast %ne3A_563 : i32 to vector<16xi32>
      %ne3A_565 = arith.cmpi ne, %rem3A_562, %ne3A_564 : vector<16xi32>
      %and3A_566 = arith.andi %ne3A_560, %ne3A_565 : vector<16xi1>
      %sub3A_567 = arith.constant 1 : i32
      %sub3A_568 = vector.broadcast %sub3A_567 : i32 to vector<16xi32>
      %sub3A_569 = arith.subi %div3A_542, %sub3A_568 : vector<16xi32>
      %select_n3A_570 = arith.select %and3A_566, %sub3A_569, %div3A_542 : vector<16xi1>, vector<16xi32>
      %mul3A_571 = arith.constant 91 : i32
      %mul3A_572 = vector.broadcast %mul3A_571 : i32 to vector<16xi32>
      %mul3A_573 = arith.muli %select_n3A_570, %mul3A_572 : vector<16xi32>
      %sub3A_574 = arith.subi %gather3A_539, %mul3A_573 : vector<16xi32>
      %mul3A_575 = arith.constant 16 : i32
      %mul3A_576 = arith.muli %scan3A_532, %mul3A_575 : i32
      %swap3A_577 = arith.index_cast %mul3A_576 : i32 to index
      %swap3A_578 = tpu.vector_load %arg21[%swap3A_577] {strides = array<i32>} : memref<384xf32, #tpu.memory_space<vmem>>, vector<16xf32>,
      tpu.vector_store %arg21[%swap3A_577], %gather3A_538 {strides = array<i32>} : memref<384xf32, #tpu.memory_space<vmem>>, vector<16xf32>,
      %mul3A_579 = arith.constant 16 : i32
      %mul3A_580 = arith.muli %scan3A_532, %mul3A_579 : i32
      %swap3A_581 = arith.index_cast %mul3A_580 : i32 to index
      %swap3A_582 = tpu.vector_load %arg22[%swap3A_581] {strides = array<i32>} : memref<384xi32, #tpu.memory_space<vmem>>, vector<16xi32>,
      tpu.vector_store %arg22[%swap3A_581], %sub3A_574 {strides = array<i32>} : memref<384xi32, #tpu.memory_space<vmem>>, vector<16xi32>,
      %mul3A_583 = arith.constant 4 : i32
      %mul3A_584 = vector.broadcast %mul3A_583 : i32 to vector<16xi32>
      %mul3A_585 = arith.muli %select_n3A_570, %mul3A_584 : vector<16xi32>
      %gather3A_586 = tpu.vector_load_idx %arg9[%mul3A_585] : memref<3712xf32, #tpu.memory_space<vmem>>[vector<16xi32>], vector<16xf32>,
      %add3A_587 = arith.constant 1 : i32
      %add3A_588 = vector.broadcast %add3A_587 : i32 to vector<16xi32>
      %add3A_589 = arith.addi %mul3A_585, %add3A_588 : vector<16xi32>
      %gather3A_590 = tpu.vector_load_idx %arg9[%add3A_589] : memref<3712xf32, #tpu.memory_space<vmem>>[vector<16xi32>], vector<16xf32>,
      %add3A_591 = arith.constant 2 : i32
      %add3A_592 = vector.broadcast %add3A_591 : i32 to vector<16xi32>
      %add3A_593 = arith.addi %mul3A_585, %add3A_592 : vector<16xi32>
      %gather3A_594 = tpu.vector_load_idx %arg9[%add3A_593] : memref<3712xf32, #tpu.memory_space<vmem>>[vector<16xi32>], vector<16xf32>,
      %mul3A_595 = arith.constant 5.000000e-01 : f32
      %mul3A_596 = vector.broadcast %mul3A_595 : f32 to vector<16xf32>
      %mul3A_597 = arith.mulf %mul3A_596, %gather3A_594 : vector<16xf32>
      %add3A_598 = arith.constant 3 : i32
      %add3A_599 = vector.broadcast %add3A_598 : i32 to vector<16xi32>
      %add3A_600 = arith.addi %mul3A_585, %add3A_599 : vector<16xi32>
      %gather3A_601 = tpu.vector_load_idx %arg9[%add3A_600] : memref<3712xf32, #tpu.memory_space<vmem>>[vector<16xi32>], vector<16xf32>,
      %mul3A_602 = arith.constant 5.000000e-01 : f32
      %mul3A_603 = vector.broadcast %mul3A_602 : f32 to vector<16xf32>
      %mul3A_604 = arith.mulf %mul3A_603, %gather3A_601 : vector<16xf32>
      %mul3A_605 = arith.constant 16 : i32
      %mul3A_606 = arith.muli %scan3A_532, %mul3A_605 : i32
      %add3A_607 = vector.broadcast %mul3A_606 : i32 to vector<16xi32>
      %add3A_608 = arith.addi %add3A_607, %iota3A : vector<16xi32>
      %mul3A_609 = arith.constant 4 : i32
      %mul3A_610 = vector.broadcast %mul3A_609 : i32 to vector<16xi32>
      %mul3A_611 = arith.muli %add3A_608, %mul3A_610 : vector<16xi32>
      %sub3A_612 = arith.subf %gather3A_586, %mul3A_597 : vector<16xf32>
      %mul3A_613 = arith.mulf %sub3A_612, %gather3A_521 : vector<16xf32>
      tpu.vector_store_idx %arg23[%mul3A_611], %mul3A_613 : memref<1280xf32, #tpu.memory_space<vmem>>[vector<16xi32>], vector<16xf32>,
      %add3A_614 = arith.constant 1 : i32
      %add3A_615 = vector.broadcast %add3A_614 : i32 to vector<16xi32>
      %add3A_616 = arith.addi %mul3A_611, %add3A_615 : vector<16xi32>
      %sub3A_617 = arith.subf %gather3A_590, %mul3A_604 : vector<16xf32>
      %mul3A_618 = arith.mulf %sub3A_617, %gather3A_524 : vector<16xf32>
      tpu.vector_store_idx %arg23[%add3A_616], %mul3A_618 : memref<1280xf32, #tpu.memory_space<vmem>>[vector<16xi32>], vector<16xf32>,
      %add3A_619 = arith.constant 2 : i32
      %add3A_620 = vector.broadcast %add3A_619 : i32 to vector<16xi32>
      %add3A_621 = arith.addi %mul3A_611, %add3A_620 : vector<16xi32>
      %add3A_622 = arith.addf %gather3A_586, %mul3A_597 : vector<16xf32>
      %mul3A_623 = arith.mulf %add3A_622, %gather3A_521 : vector<16xf32>
      tpu.vector_store_idx %arg23[%add3A_621], %mul3A_623 : memref<1280xf32, #tpu.memory_space<vmem>>[vector<16xi32>], vector<16xf32>,
      %add3A_624 = arith.constant 3 : i32
      %add3A_625 = vector.broadcast %add3A_624 : i32 to vector<16xi32>
      %add3A_626 = arith.addi %mul3A_611, %add3A_625 : vector<16xi32>
      %add3A_627 = arith.addf %gather3A_590, %mul3A_604 : vector<16xf32>
      %mul3A_628 = arith.mulf %add3A_627, %gather3A_524 : vector<16xf32>
      tpu.vector_store_idx %arg23[%add3A_626], %mul3A_628 : memref<1280xf32, #tpu.memory_space<vmem>>[vector<16xi32>], vector<16xf32>,
      %scan3A_629 = arith.constant 0 : i32
      scf.yield %scan3A_629 : i32
    }
    %scan3A_531 = arith.constant 19 : i32
    "tpu.region"() ({
      %run_scoped3A = tpu.sem_alloc : memref<!tpu.dma_semaphore, #tpu.memory_space<semaphore_mem>>
      %dma_start3A = arith.constant 0 : i32
      %dma_start3A_532 = tpu.memref_slice %arg5[%add3A, %dma_start3A] : memref<32x384xf32, #tpu.memory_space<hbm>> -> memref<1x384xf32, #tpu.memory_space<hbm>>
      %dma_start3A_533 = tpu.memref_squeeze %dma_start3A_532 : memref<1x384xf32, #tpu.memory_space<hbm>> -> memref<384xf32, #tpu.memory_space<hbm>>
      %dma_start3A_534 = arith.constant 0 : i32
      %dma_start3A_535 = tpu.memref_slice %arg5[%add3A, %dma_start3A_534] : memref<32x384xf32, #tpu.memory_space<hbm>> -> memref<1x384xf32, #tpu.memory_space<hbm>>
      %dma_start3A_536 = tpu.memref_squeeze %dma_start3A_535 : memref<1x384xf32, #tpu.memory_space<hbm>> -> memref<384xf32, #tpu.memory_space<hbm>>
      tpu.enqueue_dma source(%arg21 : memref<384xf32, #tpu.memory_space<vmem>>) target(%dma_start3A_536 : memref<384xf32, #tpu.memory_space<hbm>>) target_semaphore(%run_scoped3A : memref<!tpu.dma_semaphore, #tpu.memory_space<semaphore_mem>>)
      %dma_wait3A = arith.constant 0 : i32
      %dma_wait3A_537 = tpu.memref_slice %arg5[%add3A, %dma_wait3A] : memref<32x384xf32, #tpu.memory_space<hbm>> -> memref<1x384xf32, #tpu.memory_space<hbm>>
      %dma_wait3A_538 = tpu.memref_squeeze %dma_wait3A_537 : memref<1x384xf32, #tpu.memory_space<hbm>> -> memref<384xf32, #tpu.memory_space<hbm>>
      %dma_wait3A_539 = arith.constant 0 : i32
      %dma_wait3A_540 = tpu.memref_slice %arg5[%add3A, %dma_wait3A_539] : memref<32x384xf32, #tpu.memory_space<hbm>> -> memref<1x384xf32, #tpu.memory_space<hbm>>
      %dma_wait3A_541 = tpu.memref_squeeze %dma_wait3A_540 : memref<1x384xf32, #tpu.memory_space<hbm>> -> memref<384xf32, #tpu.memory_space<hbm>>
      tpu.wait_dma2 semaphore(%run_scoped3A : memref<!tpu.dma_semaphore, #tpu.memory_space<semaphore_mem>>) src(%arg21 : memref<384xf32, #tpu.memory_space<vmem>>) dst(%dma_wait3A_541 : memref<384xf32, #tpu.memory_space<hbm>>)
      tpu.yield
    }) : () -> ()
    "tpu.region"() ({
      %run_scoped3A = tpu.sem_alloc : memref<!tpu.dma_semaphore, #tpu.memory_space<semaphore_mem>>
      %dma_start3A = arith.constant 0 : i32
      %dma_start3A_532 = tpu.memref_slice %arg6[%add3A, %dma_start3A] : memref<32x384xi32, #tpu.memory_space<hbm>> -> memref<1x384xi32, #tpu.memory_space<hbm>>
      %dma_start3A_533 = tpu.memref_squeeze %dma_start3A_532 : memref<1x384xi32, #tpu.memory_space<hbm>> -> memref<384xi32, #tpu.memory_space<hbm>>
      %dma_start3A_534 = arith.constant 0 : i32
      %dma_start3A_535 = tpu.memref_slice %arg6[%add3A, %dma_start3A_534] : memref<32x384xi32, #tpu.memory_space<hbm>> -> memref<1x384xi32, #tpu.memory_space<hbm>>
      %dma_start3A_536 = tpu.memref_squeeze %dma_start3A_535 : memref<1x384xi32, #tpu.memory_space<hbm>> -> memref<384xi32, #tpu.memory_space<hbm>>
      tpu.enqueue_dma source(%arg22 : memref<384xi32, #tpu.memory_space<vmem>>) target(%dma_start3A_536 : memref<384xi32, #tpu.memory_space<hbm>>) target_semaphore(%run_scoped3A : memref<!tpu.dma_semaphore, #tpu.memory_space<semaphore_mem>>)
      %dma_wait3A = arith.constant 0 : i32
      %dma_wait3A_537 = tpu.memref_slice %arg6[%add3A, %dma_wait3A] : memref<32x384xi32, #tpu.memory_space<hbm>> -> memref<1x384xi32, #tpu.memory_space<hbm>>
      %dma_wait3A_538 = tpu.memref_squeeze %dma_wait3A_537 : memref<1x384xi32, #tpu.memory_space<hbm>> -> memref<384xi32, #tpu.memory_space<hbm>>
      %dma_wait3A_539 = arith.constant 0 : i32
      %dma_wait3A_540 = tpu.memref_slice %arg6[%add3A, %dma_wait3A_539] : memref<32x384xi32, #tpu.memory_space<hbm>> -> memref<1x384xi32, #tpu.memory_space<hbm>>
      %dma_wait3A_541 = tpu.memref_squeeze %dma_wait3A_540 : memref<1x384xi32, #tpu.memory_space<hbm>> -> memref<384xi32, #tpu.memory_space<hbm>>
      tpu.wait_dma2 semaphore(%run_scoped3A : memref<!tpu.dma_semaphore, #tpu.memory_space<semaphore_mem>>) src(%arg22 : memref<384xi32, #tpu.memory_space<vmem>>) dst(%dma_wait3A_541 : memref<384xi32, #tpu.memory_space<hbm>>)
      tpu.yield
    }) : () -> ()
    "tpu.region"() ({
      %run_scoped3A = tpu.sem_alloc : memref<!tpu.dma_semaphore, #tpu.memory_space<semaphore_mem>>
      %dma_start3A = arith.constant 0 : i32
      %dma_start3A_532 = tpu.memref_slice %arg7[%add3A, %dma_start3A] : memref<32x1280xf32, #tpu.memory_space<hbm>> -> memref<1x1280xf32, #tpu.memory_space<hbm>>
      %dma_start3A_533 = tpu.memref_squeeze %dma_start3A_532 : memref<1x1280xf32, #tpu.memory_space<hbm>> -> memref<1280xf32, #tpu.memory_space<hbm>>
      %dma_start3A_534 = arith.constant 0 : i32
      %dma_start3A_535 = tpu.memref_slice %arg7[%add3A, %dma_start3A_534] : memref<32x1280xf32, #tpu.memory_space<hbm>> -> memref<1x1280xf32, #tpu.memory_space<hbm>>
      %dma_start3A_536 = tpu.memref_squeeze %dma_start3A_535 : memref<1x1280xf32, #tpu.memory_space<hbm>> -> memref<1280xf32, #tpu.memory_space<hbm>>
      tpu.enqueue_dma source(%arg23 : memref<1280xf32, #tpu.memory_space<vmem>>) target(%dma_start3A_536 : memref<1280xf32, #tpu.memory_space<hbm>>) target_semaphore(%run_scoped3A : memref<!tpu.dma_semaphore, #tpu.memory_space<semaphore_mem>>)
      %dma_wait3A = arith.constant 0 : i32
      %dma_wait3A_537 = tpu.memref_slice %arg7[%add3A, %dma_wait3A] : memref<32x1280xf32, #tpu.memory_space<hbm>> -> memref<1x1280xf32, #tpu.memory_space<hbm>>
      %dma_wait3A_538 = tpu.memref_squeeze %dma_wait3A_537 : memref<1x1280xf32, #tpu.memory_space<hbm>> -> memref<1280xf32, #tpu.memory_space<hbm>>
      %dma_wait3A_539 = arith.constant 0 : i32
      %dma_wait3A_540 = tpu.memref_slice %arg7[%add3A, %dma_wait3A_539] : memref<32x1280xf32, #tpu.memory_space<hbm>> -> memref<1x1280xf32, #tpu.memory_space<hbm>>
      %dma_wait3A_541 = tpu.memref_squeeze %dma_wait3A_540 : memref<1x1280xf32, #tpu.memory_space<hbm>> -> memref<1280xf32, #tpu.memory_space<hbm>>
      tpu.wait_dma2 semaphore(%run_scoped3A : memref<!tpu.dma_semaphore, #tpu.memory_space<semaphore_mem>>) src(%arg23 : memref<1280xf32, #tpu.memory_space<vmem>>) dst(%dma_wait3A_541 : memref<1280xf32, #tpu.memory_space<hbm>>)
      tpu.yield
    }) : () -> ()
    return
  }
}

</mosaic_0001>

<sc_bundles>
// kernel: kernel.3.cloned.1.call-start
scs
__scs_entry_jumppad:
0x0: {  	(pc) =	sbr.rel $0x88, $3  }
0x1: {  	(tag) =	ssettag $0x0;
	lr =	simm.s32 $0x1  }
0x2: {  	[smem:$0x3F9E] =	sst lr;
	_ =	strace $0xD0000000  }
0x3: {  	_ = 	snop  }
0x4: {  	_ = 	snop  }
0x5: {  	_ = 	snop  }
0x6: {  	_ = 	snop  }
0x7: {  	_ = 	snop  }
__scs_overlays_trampoline_lowered:
0x8: {  	[smem:$0x3FAD] =	sst s0  }
0x9: {  	[smem:$0x3FAE] =	sst s1  }
0xa: {  	[smem:$0x3FAF] =	sst s2  }
0xb: {  	[smem:$0x3FB0] =	sst s3  }
0xc: {  	[smem:$0x3FB1] =	sst s4  }
0xd: {  	[smem:$0x3FB2] =	sst s5  }
0xe: {  	[smem:$0x3FB3] =	sst s6  }
0xf: {  	[smem:$0x3FB4] =	sst s7  }
0x10: {  	[smem:$0x3FB5] =	sst s8  }
0x11: {  	[smem:$0x3FB6] =	sst s9;
	s0 =	simm.s32 @!p0 $0x0  }
0x12: {  	s1 =	sld [smem:$0x3F9C];
	s0 =	simm.s32 @p0 $0x1  }
0x13: {  	[smem:$0x3FB7] =	sst s0;
	s0 =	simm.s32 @!p1 $0x0  }
0x14: {  	s2 =	sld [smem:$0x3F9B];
	s0 =	simm.s32 @p1 $0x1  }
0x15: {  	[smem:$0x3FB8] =	sst s0;
	s0 =	simm.s32 @!p2 $0x0  }
0x16: {  	s3 =	sld [smem:$0x3FDB];
	s0 =	simm.s32 @p2 $0x1  }
0x17: {  	s4 =	simm.s32 $0x1BF5;
	[smem:$0x3FBA] =	sst s0  }
0x18: {  	s0 =	sld [smem:$0x3F9D];
	_ =	swait.ge [sflag:s4], $0x0  }
0x19: {  	s7 =	sld [smem:$0x3F9E]  }
0x1a: {  	s8 =	sadd.s32 $0xFFFFE003, lr  }
0x1b: {  	s9 =	sadd.s32 $0xFFFFFEF7, lr;
	s5 =	simm.s32 $0xFFFFFFFF;
	p2 =	slt.u32 s8, $0xFFFFF086  }
0x1c: {  	p1 =	slt.u32 s9, $0xF7A;
	s5 =	simm.s32 @!p2 $0x0  }
0x1d: {  	s5 =	simm.s32 @p1 $0x1;
	p0 =	seq.s32 s7, s2  }
0x1e: {  	s7 =	smul.u32 @!p0 $0xF7A, s2;
	p2 =	seq.s32 @!p0 s5, $0x0  }
0x1f: {  	s9 =	smul.u32 $0xF7A, s1;
	s8 =	simm.s32 @!p0 $0x1BF5;
	p2 =	por !p2, p0  }
0x20: {  	[sflag:s8] =	ssyncset.s32 @!p0 $0xFFFFF086;
	s6 =	sadd.s32 @!p0 s3, s7;
	s7 =	simm.s32 @!p0 $0x108  }
0x21: {  	s3 =	sadd.s32 s3, s9;
	s6 =	sadd.s32 @!p0 $0x88, s6;
	s7 =	simm.s32 @p2 $0x1082  }
0x22: {  	[simem:s7], [sflag:s8] =	dma.local @!p0 [hbm:s6], $0xF7A  }
0x23: {  	s9 =	sor.u32 $0xD0000000, s2;
	s6 =	simm.s32 $0x108;
	_ =	swait.ge @!p0 [sflag:s8], $0x0  }
0x24: {  	s3 =	sadd.s32 $0x88, s3;
	s6 =	simm.s32 @!p1 $0x1082;
	[sflag:s4] =	ssyncset.s32 $0xFFFFF086  }
0x25: {  	[simem:s6], [sflag:s4] =	dma.local [hbm:s3], $0xF7A  }
0x26: {  	[smem:$0x3F9E] =	sst s1;
	(tag) =	ssettag s2;
	_ =	strace s9  }
0x27: {  	s1 =	sld [smem:$0x3FAE]  }
0x28: {  	s2 =	sld [smem:$0x3FAF]  }
0x29: {  	s4 =	sld [smem:$0x3FB1]  }
0x2a: {  	p0 =	seq.s32 s5, $0x0;
	s5 =	sld [smem:$0x3FB2]  }
0x2b: {  	s6 =	sld [smem:$0x3FB3]  }
0x2c: {  	s7 =	sld [smem:$0x3FB4]  }
0x2d: {  	s3 =	simm.s32 $0x108;
	s8 =	sld [smem:$0x3FB5]  }
0x2e: {  	s3 =	simm.s32 @!p0 $0x1082;
	s9 =	sld [smem:$0x3FB6]  }
0x2f: {  	lr =	sadd.s32 s0, s3;
	s0 =	sld [smem:$0x3FAD]  }
0x30: {  	s3 =	sld [smem:$0x3FB0]  }
0x31: {  	[smem:$0x3FB9] =	sst s10  }
0x32: {  	s10 =	sld [smem:$0x3FB7];
	_ =	sdelay $0x3  }
0x33: {  	p0 =	seq.s32 s10, $0x1;
	s10 =	sld [smem:$0x3FB9];
	_ =	sdelay $0x3  }
0x34: {  	[smem:$0x3FB9] =	sst s10  }
0x35: {  	s10 =	sld [smem:$0x3FB8];
	_ =	sdelay $0x3  }
0x36: {  	p1 =	seq.s32 s10, $0x1;
	s10 =	sld [smem:$0x3FB9];
	_ =	sdelay $0x3  }
0x37: {  	[smem:$0x3FB9] =	sst s10  }
0x38: {  	s10 =	sld [smem:$0x3FBA]  }
0x39: {  	_ = 	snop;
	(pc) =	sbr.ind lr, $3  }
0x3a: {  	_ = 	snop  }
0x3b: {  	_ = 	snop  }
0x3c: {  	p2 =	seq.s32 s10, $0x1;
	s10 =	sld [smem:$0x3FB9]  }
0x3d: {  	_ =	shalt  }
0x3e: {  	_ =	shalt  }
0x3f: {  	_ =	shalt  }
0x40: {  	_ =	shalt  }
0x41: {  	_ =	shalt  }
0x42: {  	_ =	shalt  }
0x43: {  	_ =	shalt  }
0x44: {  	_ =	shalt  }
0x45: {  	_ =	shalt  }
0x46: {  	_ =	shalt  }
0x47: {  	_ =	shalt  }
0x48: {  	_ =	shalt  }
0x49: {  	_ =	shalt  }
0x4a: {  	_ =	shalt  }
0x4b: {  	_ =	shalt  }
0x4c: {  	_ =	shalt  }
0x4d: {  	_ =	shalt  }
0x4e: {  	_ =	shalt  }
0x4f: {  	_ =	shalt  }
0x50: {  	_ =	shalt  }
0x51: {  	_ =	shalt  }
0x52: {  	_ =	shalt  }
0x53: {  	_ =	shalt  }
0x54: {  	_ =	shalt  }
0x55: {  	_ =	shalt  }
0x56: {  	_ =	shalt  }
0x57: {  	_ =	shalt  }
0x58: {  	_ =	shalt  }
0x59: {  	_ =	shalt  }
0x5a: {  	_ =	shalt  }
0x5b: {  	_ =	shalt  }
0x5c: {  	_ =	shalt  }
0x5d: {  	_ =	shalt  }
0x5e: {  	_ =	shalt  }
0x5f: {  	_ =	shalt  }
0x60: {  	_ =	shalt  }
0x61: {  	_ =	shalt  }
0x62: {  	_ =	shalt  }
0x63: {  	_ =	shalt  }
0x64: {  	_ =	shalt  }
0x65: {  	_ =	shalt  }
0x66: {  	_ =	shalt  }
0x67: {  	_ =	shalt  }
0x68: {  	_ =	shalt  }
0x69: {  	_ =	shalt  }
0x6a: {  	_ =	shalt  }
0x6b: {  	_ =	shalt  }
0x6c: {  	_ =	shalt  }
0x6d: {  	_ =	shalt  }
0x6e: {  	_ =	shalt  }
0x6f: {  	_ =	shalt  }
0x70: {  	_ =	shalt  }
0x71: {  	_ =	shalt  }
0x72: {  	_ =	shalt  }
0x73: {  	_ =	shalt  }
0x74: {  	_ =	shalt  }
0x75: {  	_ =	shalt  }
0x76: {  	_ =	shalt  }
0x77: {  	_ =	shalt  }
0x78: {  	_ =	shalt  }
0x79: {  	_ =	shalt  }
0x7a: {  	_ =	shalt  }
0x7b: {  	_ =	shalt  }
0x7c: {  	_ =	shalt  }
0x7d: {  	_ =	shalt  }
0x7e: {  	_ =	shalt  }
0x7f: {  	_ =	shalt  }
0x80: {  	_ =	shalt  }
0x81: {  	_ =	shalt  }
0x82: {  	_ =	shalt  }
0x83: {  	_ =	shalt  }
0x84: {  	_ =	shalt  }
0x85: {  	_ =	shalt  }
0x86: {  	_ =	shalt  }
0x87: {  	_ =	shalt  }
.Lfunc_end0:
.L_simem_size_0:
called_computation_lowered:
.L_overlay_start_0:
0x88: {  	s2 =	sld [smem:$0x3FD9]  }
0x89: {  	s3 =	sld [smem:$0x3FFE];
	_ =	sdelay $0x1  }
0x8a: {  	s1 =	srdreg.scid  }
0x8b: {  	s0 =	sand.u32 $0x1, s1  }
0x8c: {  	s14 =	sshll.u32 s0, $0xA;
	s2 =	sadd.s32 s3, s2  }
0x8d: {  	s2 =	sadd.s32 s2, s14  }
0x8e: {  	[smem:$0x3FC5] =	sst s2  }
0x8f: {  	_ = 	snop  }
0x90: {  	s2 =	sld [smem:$0x3FD0];
	_ =	sdelay $0x2  }
0x91: {  	s15 =	simm.s32 $0xA;
	s4 =	simm.s32 $0x10  }
0x92: {  	[smem:s4], [sflag:s15] =	dma.local [hbm:s2], $0x1  }
0x93: {  	_ =	swait.eq [sflag:s15], $0x1  }
0x94: {  	s16 =	sld [smem:$0x10];
	[sflag:s15] =	ssyncset.done $0x0  }
0x95: {  	s17 =	sld [smem:$0x11];
	[sflag:s15] =	ssyncadd.s32 $0xFFFFFFFF  }
0x96: {  	s18 =	sld [smem:$0x12];
	(tm) =	ssettm $0x1  }
0x97: {  	s5 =	sld [smem:$0x3FFB];
	_ =	sdelay $0x3  }
0x98: {  	_ =	strace s5  }
0x99: {  	s5 =	sld [smem:$0x3FFC];
	_ =	sdelay $0x3  }
0x9a: {  	_ =	strace s5  }
0x9b: {  	s5 =	sld [smem:$0x3FFD];
	_ =	sdelay $0x3  }
0x9c: {  	_ =	strace s5  }
0x9d: {  	_ =	strace $0x8FFFFFFF  }
0x9e: {  	s19 =	sld [smem:$0x3FDB];
	_ =	sdelay $0x1  }
0x9f: {  	s6 =	simm.s32 $_scs_section_size  }
0xa0: {  	s7 =	simm.s32 $_size__tile_overlayer_lowered;
	s8 =	simm.s32 $_tile_overlayer_lowered  }
0xa1: {  	s22 =	simm.s32 $0x1BFF;
	s21 =	sshll.u32 s8, $0x1;
	s5 =	sadd.s32 s6, s19  }
0xa2: {  	s9 =	simm.s32 $0x0;
	s20 =	sshll.u32 s7, $0x1;
	s7 =	sadd.s32 s21, s5  }
0xa3: {  	[timem:s9], [sflag:s22] =	dma.local [hbm:s7], s20  }
0xa4: {  	_ =	swait.ge [sflag:s22], s20  }
0xa5: {  	s6 =	ssub.s32 $0x0, s20;
	[sflag:s22] =	ssyncset.done $0x0  }
0xa6: {  	[sflag:s22] =	ssyncadd.s32 s6;
	_ =	sdelay $0x1  }
0xa7: {  	s23 =	simm.s32 $0x1B8B  }
0xa8: {  	_ =	swait.ge [sflag:s23], $0x1  }
0xa9: {  	[sflag:s23] =	ssyncset.done $0x0  }
0xaa: {  	s25 =	simm.s32 $0x1B8E;
	s24 =	sld [smem:$0x3FFE];
	[sflag:s23] =	ssyncadd.s32 $0xFFFFFFFF  }
0xab: {  	s26 =	simm.s32 $execute0_lowered;
	[smem:$0x3FD2] =	sst s25  }
0xac: {  	s7 =	sshll.u32 s26, $0x1;
	_ =	strace $0x80000046;
	[dreg:$0x1] =	wrdreg $0xFFFFFFFF  }
0xad: {  	s28 =	simm.s32 $_size_execute0_lowered;
	s5 =	sadd.s32 s5, s7;
	[dreg:$0x0] =	wrdreg $0x0  }
0xae: {  	s7 =	sshll.u32 s28, $0x1;
	[dreg:$0x2] =	wrdreg s5  }
0xaf: {  	[dreg:$0x3] =	wrdreg s7  }
0xb0: {  	[dreg:$0x4] =	wrdreg $0xC0  }
0xb1: {  	_ =	task [dreg:s9], $0x5FFFF  }
0xb2: {  	[dreg:$0x1] =	wrdreg $0xFFFFFFFF  }
0xb3: {  	[dreg:$0x0] =	wrdreg $0x60  }
0xb4: {  	[dreg:$0x2] =	wrdreg s24  }
0xb5: {  	[dreg:$0x3] =	wrdreg s16  }
0xb6: {  	[dreg:$0x4] =	wrdreg s17  }
0xb7: {  	[dreg:$0x5] =	wrdreg s18  }
0xb8: {  	[dreg:$0x6] =	wrdreg $0x9  }
0xb9: {  	_ =	task.clear_ibuf [dreg:s9], $0x7FFFF;
	_ =	strace $0x90000046  }
0xba: {  	s29 =	simm.s32 $0x9;
	_ =	strace $0x80000048  }
0xbb: {  	_ =	swait.ge [sflag:s29], $0x1  }
0xbc: {  	[sflag:s29] =	ssyncadd.s32 $0xFFFFFFFF  }
0xbd: {  	_ =	strace $0x90000048  }
0xbe: {  	_ =	sfence  }
0xbf: {  	s30 =	sld [smem:$0x0];
	_ =	sdelay $0x2  }
0xc0: {  	s31 =	sshll.u32 s1, $0xD;
	s1 =	sshrl.u32 s1, $0x2  }
0xc1: {  	s3 =	sand.u32 $0x4000, s31;
	s1 =	sadd.s32 s1, s30  }
0xc2: {  	s0 =	sor.u32 s3, s0;
	s1 =	sshll.u32 s1, $0x11  }
0xc3: {  	s0 =	sor.u32 s1, s0  }
0xc4: {  	s0 =	sadd.s32 $0x8F2B, s0  }
0xc5: {  	[sflag:s0] =	ssyncadd.remote.s32 $0x1  }
0xc6: {  	_ =	sfence.sel $0xFFFF  }
0xc7: {  	[dreg:$0x0] =	wrdreg $0xFFFFFFFF;
	(pc) =	sbr.abs _section_cstart, $3  }
0xc8: {  	[dreg:$0x1] =	wrdreg $0xFFFFFFFF  }
0xc9: {  	_ =	task.clear_ibuf [dreg:s9], $0x2FFFF;
	_ =	strace $0x9FFFFFFF  }
0xca: {  	(tm) =	ssettm $0x7FFFFFFF  }
0xcb: {  	_ =	shalt  }
tec
execute0_lowered:
.L_overlay_start_1:
0x0: {  	(tag) =	ssettag $0x1  }
0x1: {  	s0 =	rddreg [dreg:$0x0]  }
0x2: {  	s1 =	rddreg [dreg:$0x1]  }
0x3: {  	s7 =	rddreg [dreg:$0x2]  }
0x4: {  	s8 =	rddreg [dreg:$0x3]  }
0x5: {  	s2 =	srdreg.scid;
	s5 =	stileid.u32;
	s13 =	simm.s32 $0x14000  }
0x6: {  	s15 =	simm.s32 $0x14F00;
	s16 =	simm.s32 $0x18F00;
	s30 =	simm.s32 $0x1A700  }
0x7: {  	s31 =	simm.s32 $0x1A400;
	s3 =	sand.u32 $0x1, s2;
	s4 =	sshrl.u32 s5, $0x2  }
0x8: {  	s17 =	sshll.u32 s5, $0x8;
	s2 =	simm.s32 $0x0;
	s9 =	smul.u32 $0xA0000, s4  }
0x9: {  	s18 =	sshll.u32 s3, $0x7;
	s6 =	sand.u32 $0x300, s17;
	s19 =	smul.u32 $0x7400, s4  }
0xa: {  	[smem:$0x7FF] =	sst s2;
	s10 =	sshll.u32 s4, $0xA;
	s12 =	smul.u32 $0xC00, s4  }
0xb: {  	s3 =	ssub.s32 $0x2, s3;
	s21 =	smul.u32 $0x2800, s4;
	s4 =	simm.s32 $0x1  }
0xc: {  	s17 =	simm.s32 $0x1AA00;
	s6 =	sor.u32 s18, s6;
	_ =	strace $0x80000047  }
0xd: {  	s11 =	sshrl.u32 s3, $0x1;
	s18 =	simm.s32 $0x1AD00;
	[dreg:$0x5] =	wrdreg s30  }
0xe: {  	[dreg:$0x6] =	wrdreg s31;
	s9 =	sor.u32 s9, s6;
	s5 =	sor.u32 s19, s6  }
0xf: {  	s10 =	sor.u32 s10, s6;
	s20 =	ssub.s32 s3, s11;
	s24 =	sor.u32 s12, s6  }
0x10: {  	s26 =	sor.u32 s21, s6;
	s3 =	simm.s32 $0x400;
	s19 =	simm.s32 $0x1A880  }
0x11: {  	s21 =	simm.s32 $0x1B180;
	s9 =	sshrl.u32 s9, $0x3;
	s5 =	sshrl.u32 s5, $0x3  }
0x12: {  	s10 =	sshrl.u32 s10, $0x3;
	s25 =	sshrl.u32 s24, $0x3;
	s29 =	smax.u32 s20, $0x1  }
0x13: {  	v0 =	vlaneseq.u32;
	v1 =	vimm.s32 $0x0;
	s9 =	sadd.s32 s9, s0;
	s1 =	sadd.s32 s1, s25;
	[dreg:$0xd] =	wrdreg s29  }
0x14: {  	vm0 =	vmxor vm0, vm0;
	v4 =	vimm.s32 $0x13FF0;
	v7 =	vimm.s32 $0xECA86420;
	s5 =	sadd.s32 s5, s0;
	s22 =	sadd.s32 $0x4800, s9;
	[dreg:$0xa] =	wrdreg s1  }
0x15: {  	v5 =	vimm.s32 $0x1;
	v6 =	vimm.s32 $0x2;
	vm1 =	vcmask $0xB08;
	s0 =	sadd.s32 s10, s0;
	s23 =	sadd.s32 $0xE00, s5;
	[dreg:$0x7] =	wrdreg s22  }
0x16: {  	vm2 =	vcmask $0x1310;
	vm3 =	vcmask $0x1B18;
	vm4 =	vcmask $0x300;
	s6 =	simm.s32 $0x0;
	s0 =	sadd.s32 $0x54800, s0;
	[dreg:$0x8] =	wrdreg s23  }
0x17: {  	vm5 =	vcmask $0x2320;
	v2 =	vmul.u32 $0xFFFFFFFF, v0;
	v7 =	vunpack.c.l.s4.s8 v7;
	s28 =	sshrl.u32 s26, $0x3;
	[dreg:$0x9] =	wrdreg s0;
	s0 =	sadd.s32 s7, s25  }
0x18: {  	vm6 =	vcmask $0x2B28;
	vm7 =	vcmask $0x3330;
	vm8 =	vcmask $0x3B38;
	s20 =	simm.s32 $0x1AB80;
	[dreg:$0xb] =	wrdreg s0;
	s0 =	sadd.s32 s8, s28  }
0x19: {  	v3 =	vor.u32 $0x80000000, v0;
	v2 =	vadd.s32 $0xF, v2;
	v7 =	vunpack.c.0.s8.s32 v7;
	s1 =	simm.s32 $0x80;
	s5 =	simm.s32 $0x14E80;
	[dreg:$0xc] =	wrdreg s0  }
.LBB2_1:
0x1a: {  	s0 =	rddreg [dreg:$0x7]  }
0x1b: {  	[tilespmem:s2], [sflag:$0x1] =	stream.strided.gather [hbm4b:s0+s1], $0x14000, s3, s1, $0x38;
	[tilespmem:$0x1B680] =	vst v63  }
0x1c: {  	_ =	swait.ge [sflag:s4], $0x14000  }
0x1d: {  	[sflag:s4] =	ssyncset.done $0x0  }
0x1e: {  	s30 =	rddreg [dreg:$0x8];
	[sflag:s4] =	ssyncadd.s32 $0xFFFEC000  }
0x1f: {  	[tilespmem:s13], [sflag:$0x1] =	stream.strided.gather [hbm4b:s30+s1], $0xE80, s3, s1, $0x38;
	[tilespmem:$0x1B680] =	vst v63  }
0x20: {  	_ =	swait.ge [sflag:s4], $0xE80  }
0x21: {  	[sflag:s4] =	ssyncset.done $0x0  }
0x22: {  	s31 =	rddreg [dreg:$0x9];
	[sflag:s4] =	ssyncadd.s32 $0xFFFFF180  }
0x23: {  	[tilespmem:s5], [sflag:$0x1] =	stream.linear.gather [hbm4b:s31+s2], $0x80, $0x38;
	[tilespmem:$0x1B680] =	vst v63  }
0x24: {  	_ =	swait.ge [sflag:s4], $0x80  }
0x25: {  	[sflag:s4] =	ssyncset.done $0x0  }
0x26: {  	[sflag:s4] =	ssyncadd.s32 $0xFFFFFF80  }
0x27: {  	s0 =	simm.s32 $0x40;
	s1 =	simm.s32 $0x0;
	[tilespmem:$0x19300] =	vst v1  }
.LBB2_2:
0x28: {  	p0 =	sne.s32 s0, $0xFC0;
	[tilespmem:s1+$0x14F00] =	vst v1;
	s1 =	smov.u32 s0;
	s0 =	sadd.s32 $0x40, s0  }
.Ltmp0:
0x29: {  	(pc) =	sbr.rel @p0 .LBB2_2-.Ltmp0, $2  }
0x2a: {  	_ =	sdelay $0x2  }
0x2b: {  	s1 =	sshra.s32 s1, $0x2  }
0x2c: {  	[tilespmem:s1+$0x14F00] =	vst v1;
	s0 =	simm.s32 $0x0;
	s1 =	simm.s32 $0x0  }
.LBB2_4:
0x2d: {  	s22 =	sshra.s32 s1, $0x2  }
0x2e: {  	v8 =	vld [tilespmem:s22+$0x0];
	_ =	sdelay $0x4  }
0x2f: {  	v9 =	vshrl.u32 v8, $0x14  }
0x30: {  	vm9 =	vgt.s32 v8, $0xFFFFFFFF;
	v8 =	vand.u32 $0x3FF, v9  }
0x31: {  	(xrf1) =	vunique.msk.u32 vm9, v8;
	_ =	sdelay $0xd  }
0x32: {  	_, v57, vm10 =	vpop (xrf1)  }
0x33: {  	vm9 =	vmand vm9, vm10;
	_ =	sdelay $0x5  }
0x34: {  	[tilespmem:v8+s15+$0x0] =	vst.idx.add.s32.msk vm9, v57  }
0x35: {  	v8 =	vld [tilespmem:s22+$0x100];
	_ =	sdelay $0x4  }
0x36: {  	v58 =	vshrl.u32 v8, $0x14  }
0x37: {  	vm9 =	vgt.s32 v8, $0xFFFFFFFF;
	v8 =	vand.u32 $0x3FF, v58  }
0x38: {  	(xrf1) =	vunique.msk.u32 vm9, v8;
	_ =	sdelay $0xd  }
0x39: {  	_, v59, vm10 =	vpop (xrf1)  }
0x3a: {  	vm9 =	vmand vm9, vm10;
	_ =	sdelay $0x5  }
0x3b: {  	[tilespmem:v8+s15+$0x0] =	vst.idx.add.s32.msk vm9, v59  }
0x3c: {  	v8 =	vld [tilespmem:s22+$0x200];
	_ =	sdelay $0x4  }
0x3d: {  	v60 =	vshrl.u32 v8, $0x14  }
0x3e: {  	vm9 =	vgt.s32 v8, $0xFFFFFFFF;
	v8 =	vand.u32 $0x3FF, v60  }
0x3f: {  	(xrf1) =	vunique.msk.u32 vm9, v8;
	_ =	sdelay $0xd  }
0x40: {  	_, v61, vm10 =	vpop (xrf1)  }
0x41: {  	vm9 =	vmand vm9, vm10;
	_ =	sdelay $0x5  }
0x42: {  	[tilespmem:v8+s15+$0x0] =	vst.idx.add.s32.msk vm9, v61  }
0x43: {  	v8 =	vld [tilespmem:s22+$0x300];
	_ =	sdelay $0x4  }
0x44: {  	v62 =	vshrl.u32 v8, $0x14  }
0x45: {  	vm9 =	vgt.s32 v8, $0xFFFFFFFF;
	v8 =	vand.u32 $0x3FF, v62  }
0x46: {  	(xrf1) =	vunique.msk.u32 vm9, v8;
	_ =	sdelay $0xd  }
0x47: {  	_, v63, vm10 =	vpop (xrf1)  }
0x48: {  	vm9 =	vmand vm9, vm10  }
0x49: {  	p0 =	sne.s32 s1, $0x4F000  }
.Ltmp1:
0x4a: {  	_ = 	snop;
	(pc) =	sbr.rel @p0 .LBB2_4-.Ltmp1, $2  }
0x4b: {  	_ =	sdelay $0x2  }
0x4c: {  	s1 =	sadd.s32 $0x1000, s1;
	[tilespmem:v8+s15+$0x0] =	vst.idx.add.s32.msk vm9, v63  }
0x4d: {  	s1 =	simm.s32 $0x152F0  }
0x4e: {  	v8 =	vld [tilespmem:s1+$0x0];
	_ =	sdelay $0x4  }
0x4f: {  	v8 =	vperm.xlane v8, v2;
	_ =	sdelay $0x1  }
0x50: {  	(xrf0) =	vadd.scan.msk.s32 $0xffff, v8;
	_ =	sdelay $0x5  }
0x51: {  	v8, _, _ =	vpop (xrf0)  }
0x52: {  	v8 =	vperm.xlane v8, v2;
	_ =	sdelay $0x1  }
0x53: {  	s31 =	simm.s32 $0x3F0;
	v8 =	vadd.s32 s0, v8  }
0x54: {  	v9 =	vor.u32 s31, v3;
	vm9 =	vgt.s32 v8, $0x25;
	v10 =	vxor.u32 $0x80000000, v8  }
0x55: {  	(xrf0) =	vmax.scan.msk.u32 $0xffff, v10;
	v9 =	vnsel vm9, $0x7FFFFFFF, v9  }
0x56: {  	(xrf0) =	vmax.scan.msk.u32 $0xffff, v9;
	_ =	sdelay $0x4  }
0x57: {  	s26 =	simm.s32 $0x192F0;
	s25 =	simm.s32 $0x3E0;
	s29 =	simm.s32 $0x3C0;
	v9, _, _ =	vpop (xrf0)  }
0x58: {  	s28 =	simm.s32 $0x152E0;
	s1 =	simm.s32 $0xFFFFFFFF;
	s0 =	simm.s32 $0x3D0;
	[tilespmem:s26+$0x0] =	vst v8;
	v8, _, _ =	vpop (xrf0);
	(v2sf) =	vpush v9, $0xF  }
.LBB2_6:
0x59: {  	s22 =	smov.u32 s1  }
0x5a: {  	p0 =	sne.s32 s29, $0x0;
	v9 =	vld [tilespmem:s28+$0x0];
	(v2sf) =	vpush v8, $0xF;
	_ =	sdelay $0x4  }
0x5b: {  	v8 =	vperm.xlane v9, v2;
	_ =	sdelay $0x1  }
0x5c: {  	(xrf0) =	vadd.scan.msk.s32 $0xffff, v8;
	_ =	sdelay $0x5  }
0x5d: {  	v8, _, _ =	vpop (xrf0)  }
0x5e: {  	v8 =	vperm.xlane v8, v2;
	s1 =	spop (v2sf)  }
0x5f: {  	s1 =	sxor.u32 $0x80000000, s1;
	s30 =	spop (v2sf)  }
0x60: {  	s26 =	sadd.s32 $0xFFFFFFF0, s26;
	v8 =	vadd.s32 s1, v8;
	s1 =	sxor.u32 $0x80000000, s30  }
0x61: {  	v9 =	vor.u32 s25, v3;
	s25 =	smov.u32 s0;
	s0 =	smov.u32 s29;
	[tilespmem:s26+$0x0] =	vst v8;
	vm9 =	vgt.s32 v8, $0x25;
	v8 =	vxor.u32 $0x80000000, v8;
	p1 =	sgt.s32 s22, s1  }
0x62: {  	v9 =	vnsel vm9, $0x7FFFFFFF, v9;
	(xrf0) =	vmax.scan.msk.u32 $0xffff, v8;
	s1 =	smov.u32 @p1 s22  }
0x63: {  	(xrf0) =	vmax.scan.msk.u32 $0xffff, v9;
	_ =	sdelay $0x1  }
.Ltmp2:
0x64: {  	(pc) =	sbr.rel @p0 .LBB2_6-.Ltmp2, $3  }
0x65: {  	_ =	sdelay $0x1  }
0x66: {  	v9, _, _ =	vpop (xrf0)  }
0x67: {  	s28 =	sadd.s32 $0xFFFFFFF0, s28;
	s29 =	sadd.s32 $0xFFFFFFF0, s29;
	v8, _, _ =	vpop (xrf0);
	(v2sf) =	vpush v9, $0xF  }
0x68: {  	v9 =	vld [tilespmem:s28+$0x0];
	_ =	sdelay $0x4  }
0x69: {  	v9 =	vperm.xlane v9, v2;
	_ =	sdelay $0x1  }
0x6a: {  	(xrf0) =	vadd.scan.msk.s32 $0xffff, v9;
	_ =	sdelay $0x5  }
0x6b: {  	v9, _, _ =	vpop (xrf0)  }
0x6c: {  	v9 =	vperm.xlane v9, v2;
	s22 =	spop (v2sf)  }
0x6d: {  	s22 =	sxor.u32 $0x80000000, s22  }
0x6e: {  	v9 =	vadd.s32 s22, v9  }
0x6f: {  	v10 =	vxor.u32 $0x80000000, v9  }
0x70: {  	(xrf0) =	vmax.scan.msk.u32 $0xffff, v10;
	_ =	sdelay $0x5  }
0x71: {  	(v2sf) =	vpush v8, $0xF;
	s7 =	sadd.s32 $0xFFFFFFF0, s26;
	v8, _, _ =	vpop (xrf0)  }
0x72: {  	s8 =	sadd.s32 $0xFFFFFFF0, s28;
	[tilespmem:s7+$0x0] =	vst v9;
	(v2sf) =	vpush v8, $0xF  }
0x73: {  	v8 =	vld [tilespmem:s8+$0x0];
	_ =	sdelay $0x3  }
0x74: {  	vm9 =	vgt.s32 v9, $0x25;
	v9 =	vor.u32 s25, v3  }
0x75: {  	v9 =	vnsel vm9, $0x7FFFFFFF, v9;
	v8 =	vperm.xlane v8, v2  }
0x76: {  	(xrf0) =	vmax.scan.msk.u32 $0xffff, v9  }
0x77: {  	(xrf0) =	vadd.scan.msk.s32 $0xffff, v8;
	_ =	sdelay $0x4  }
0x78: {  	v8, _, _ =	vpop (xrf0)  }
0x79: {  	s9 =	spop (v2sf);
	v9, _, _ =	vpop (xrf0)  }
0x7a: {  	v9 =	vperm.xlane v9, v2;
	s10 =	spop (v2sf)  }
0x7b: {  	s26 =	sxor.u32 $0x80000000, s10  }
0x7c: {  	v9 =	vadd.s32 s26, v9  }
0x7d: {  	v10 =	vor.u32 s0, v3;
	vm9 =	vgt.s32 v9, $0x25;
	v11 =	vxor.u32 $0x80000000, v9  }
0x7e: {  	(xrf0) =	vmax.scan.msk.u32 $0xffff, v11;
	v10 =	vnsel vm9, $0x7FFFFFFF, v10  }
0x7f: {  	(xrf0) =	vmax.scan.msk.u32 $0xffff, v10;
	_ =	sdelay $0x4  }
0x80: {  	(v2sf) =	vpush v8, $0xF;
	v8, _, _ =	vpop (xrf0)  }
0x81: {  	v10, _, _ =	vpop (xrf0);
	(v2sf) =	vpush v8, $0xF  }
0x82: {  	(v2sf) =	vpush v10, $0xF;
	_ =	sdelay $0xb  }
0x83: {  	s0 =	sxor.u32 $0x80000000, s9  }
0x84: {  	s22 =	sadd.s32 $0xFFFFFFF0, s7;
	p0 =	sgt.s32 s1, s0;
	s11 =	spop (v2sf)  }
0x85: {  	s0 =	smov.u32 @p0 s1;
	s1 =	sxor.u32 $0x80000000, s11;
	s12 =	spop (v2sf)  }
0x86: {  	s25 =	simm.s32 $0x20;
	[tilespmem:s22+$0x0] =	vst v9;
	p0 =	sgt.s32 s0, s1;
	s14 =	spop (v2sf)  }
0x87: {  	v9 =	vld [tilespmem:s25+$0xFFFFFFE0];
	s1 =	smov.u32 @p0 s0;
	s0 =	sxor.u32 $0x80000000, s14  }
0x88: {  	p0 =	sgt.s32 s1, s0  }
0x89: {  	s0 =	smov.u32 @p0 s1  }
0x8a: {  	s0 =	sshll.u32 s0, $0x14  }
0x8b: {  	v8 =	vmov s0  }
0x8c: {  	vm11 =	vmmov vm0;
	vm9 =	vgt.s32 v9, $0xFFFFFFFF;
	p0 =	por $0x1, $0x1;
	vm10 =	vge.s32 v9, v8  }
0x8d: {  	p1 =	por $0x1, $0x1;
	s23 =	simm.s32 $0x0;
	vm11 =	vmneg @p0 vm11;
	s0 =	simm.s32 $0x0;
	vm9 =	vmand vm9, vm10  }
0x8e: {  	v9 =	vor.u32 s23, v0;
	s0 =	simm.s32 @!p1 $0x1000;
	vm10 =	vmand vm11, vm9;
	v10 =	vmpcnt.ones.xlane vm9  }
0x8f: {  	[tilespmem:s0+$0x19380] =	vst.msk vm10, v9  }
0x90: {  	v9 =	vld [tilespmem:s25+$0xFFFFFFF0];
	(v2sf) =	vpush v10, $0x0;
	_ =	sdelay $0x4  }
0x91: {  	vm9 =	vgt.s32 v9, $0xFFFFFFFF;
	vm10 =	vge.s32 v9, v8  }
0x92: {  	vm9 =	vmand vm9, vm10  }
0x93: {  	v9 =	vmpcnt.ones.xlane vm9;
	_ =	sdelay $0x1  }
0x94: {  	(v2sf) =	vpush v9, $0x0;
	_ =	sdelay $0x5  }
0x95: {  	s24 =	spop (v2sf)  }
0x96: {  	s0 =	sadd.s32 $0x0, s24  }
0x97: {  	vm10 =	vmmov vm0;
	p0 =	slt.s32 s0, $0x1001  }
0x98: {  	s26 =	simm.s32 $0x10;
	p1 =	slt.s32 s0, $0x1000;
	s22 =	smov.u32 s0;
	vm10 =	vmneg @p0 vm10  }
0x99: {  	v9 =	vor.u32 s26, v0;
	s22 =	simm.s32 @!p1 $0x1000;
	vm9 =	vmand vm9, vm10  }
0x9a: {  	[tilespmem:s22+$0x19380] =	vst.msk vm9, v9  }
0x9b: {  	v9 =	vld [tilespmem:s25+$0x0];
	_ =	sdelay $0x2  }
0x9c: {  	s28 =	spop (v2sf)  }
0x9d: {  	s0 =	sadd.s32 s0, s28  }
0x9e: {  	vm11 =	vmmov vm0;
	vm9 =	vgt.s32 v9, $0xFFFFFFFF;
	vm10 =	vge.s32 v9, v8;
	p0 =	slt.s32 s0, $0x1001  }
0x9f: {  	s29 =	simm.s32 $0x20;
	p1 =	slt.s32 s0, $0x1000;
	s22 =	smov.u32 s0;
	vm9 =	vmand vm9, vm10;
	vm11 =	vmneg @p0 vm11  }
0xa0: {  	v9 =	vor.u32 s29, v0;
	s22 =	simm.s32 @!p1 $0x1000;
	vm10 =	vmand vm9, vm11;
	v10 =	vmpcnt.ones.xlane vm9  }
0xa1: {  	[tilespmem:s22+$0x19380] =	vst.msk vm10, v9  }
0xa2: {  	v9 =	vld [tilespmem:s25+$0x10];
	(v2sf) =	vpush v10, $0x0;
	_ =	sdelay $0x4  }
0xa3: {  	vm9 =	vgt.s32 v9, $0xFFFFFFFF;
	vm10 =	vge.s32 v9, v8  }
0xa4: {  	vm9 =	vmand vm9, vm10  }
0xa5: {  	v9 =	vmpcnt.ones.xlane vm9;
	_ =	sdelay $0x1  }
0xa6: {  	(v2sf) =	vpush v9, $0x0;
	_ =	sdelay $0x5  }
0xa7: {  	s30 =	spop (v2sf)  }
0xa8: {  	s1 =	sadd.s32 s0, s30  }
0xa9: {  	vm10 =	vmmov vm0;
	p0 =	slt.s32 s1, $0x1001  }
0xaa: {  	s31 =	simm.s32 $0x30;
	p1 =	slt.s32 s1, $0x1000;
	s22 =	smov.u32 s1;
	vm10 =	vmneg @p0 vm10  }
0xab: {  	v9 =	vor.u32 s31, v0;
	s22 =	simm.s32 @!p1 $0x1000;
	vm9 =	vmand vm9, vm10  }
0xac: {  	s26 =	simm.s32 $0x60;
	[tilespmem:s22+$0x19380] =	vst.msk vm9, v9  }
0xad: {  	v9 =	vld [tilespmem:s26+$0xFFFFFFE0];
	_ =	sdelay $0x2  }
0xae: {  	s25 =	simm.s32 $0x70;
	s0 =	simm.s32 $0xB0;
	s22 =	spop (v2sf)  }
.LBB2_8:
0xaf: {  	p0 =	sne.s32 s0, $0x13FF0  }
0xb0: {  	s1 =	sadd.s32 s1, s22;
	s28 =	smov.u32 s0;
	s0 =	sadd.s32 $0x40, s0;
	vm9 =	vgt.s32 v9, $0xFFFFFFFF;
	vm10 =	vge.s32 v9, v8  }
0xb1: {  	s22 =	sadd.s32 $0xFFFFFFD0, s25;
	p1 =	slt.s32 s1, $0x1000;
	p2 =	slt.s32 s1, $0x1001;
	vm9 =	vmand vm9, vm10;
	vm10 =	vmmov vm0  }
0xb2: {  	v9 =	vor.u32 s22, v0;
	s22 =	smov.u32 s1;
	vm10 =	vmneg @p2 vm10  }
0xb3: {  	s22 =	simm.s32 @!p1 $0x1000;
	v10 =	vmpcnt.ones.xlane vm9;
	vm10 =	vmand vm10, vm9  }
0xb4: {  	[tilespmem:s22+$0x19380] =	vst.msk vm10, v9  }
0xb5: {  	v9 =	vld [tilespmem:s26+$0xFFFFFFF0];
	(v2sf) =	vpush v10, $0x0;
	_ =	sdelay $0x4  }
0xb6: {  	vm9 =	vgt.s32 v9, $0xFFFFFFFF;
	vm10 =	vge.s32 v9, v8  }
0xb7: {  	vm9 =	vmand vm9, vm10  }
0xb8: {  	v9 =	vmpcnt.ones.xlane vm9;
	_ =	sdelay $0x1  }
0xb9: {  	(v2sf) =	vpush v9, $0x0;
	_ =	sdelay $0x5  }
0xba: {  	s22 =	spop (v2sf)  }
0xbb: {  	s1 =	sadd.s32 s1, s22  }
0xbc: {  	vm10 =	vmmov vm0;
	p1 =	slt.s32 s1, $0x1000;
	p2 =	slt.s32 s1, $0x1001;
	s29 =	smov.u32 s1  }
0xbd: {  	s22 =	sadd.s32 $0xFFFFFFE0, s25;
	s29 =	simm.s32 @!p1 $0x1000;
	vm10 =	vmneg @p2 vm10  }
0xbe: {  	v9 =	vor.u32 s22, v0;
	vm9 =	vmand vm9, vm10  }
0xbf: {  	[tilespmem:s29+$0x19380] =	vst.msk vm9, v9  }
0xc0: {  	v9 =	vld [tilespmem:s26+$0x0];
	_ =	sdelay $0x3  }
0xc1: {  	s22 =	spop (v2sf)  }
0xc2: {  	s1 =	sadd.s32 s1, s22;
	vm9 =	vgt.s32 v9, $0xFFFFFFFF;
	vm10 =	vge.s32 v9, v8  }
0xc3: {  	p1 =	slt.s32 s1, $0x1000;
	p2 =	slt.s32 s1, $0x1001;
	s29 =	smov.u32 s1;
	vm9 =	vmand vm9, vm10;
	vm10 =	vmmov vm0  }
0xc4: {  	s22 =	sadd.s32 $0xFFFFFFF0, s25;
	s29 =	simm.s32 @!p1 $0x1000;
	vm10 =	vmneg @p2 vm10  }
0xc5: {  	v9 =	vor.u32 s22, v0;
	v10 =	vmpcnt.ones.xlane vm9;
	vm10 =	vmand vm9, vm10  }
0xc6: {  	[tilespmem:s29+$0x19380] =	vst.msk vm10, v9  }
0xc7: {  	v9 =	vld [tilespmem:s26+$0x10];
	(v2sf) =	vpush v10, $0x0;
	_ =	sdelay $0x4  }
0xc8: {  	vm9 =	vgt.s32 v9, $0xFFFFFFFF;
	vm10 =	vge.s32 v9, v8  }
0xc9: {  	vm9 =	vmand vm9, vm10  }
0xca: {  	v9 =	vmpcnt.ones.xlane vm9;
	_ =	sdelay $0x1  }
0xcb: {  	(v2sf) =	vpush v9, $0x0;
	_ =	sdelay $0x5  }
0xcc: {  	s22 =	spop (v2sf)  }
0xcd: {  	s1 =	sadd.s32 s1, s22  }
0xce: {  	vm10 =	vmmov vm0;
	p1 =	slt.s32 s1, $0x1000;
	p2 =	slt.s32 s1, $0x1001;
	s22 =	smov.u32 s1  }
0xcf: {  	s22 =	simm.s32 @!p1 $0x1000;
	vm10 =	vmneg @p2 vm10  }
0xd0: {  	v9 =	vor.u32 s25, v0;
	s25 =	smov.u32 s28;
	vm9 =	vmand vm9, vm10  }
.Ltmp3:
0xd1: {  	s26 =	sadd.s32 $0x40, s26;
	[tilespmem:s22+$0x19380] =	vst.msk vm9, v9;
	(pc) =	sbr.rel @p0 .LBB2_8-.Ltmp3, $2  }
0xd2: {  	v9 =	vld [tilespmem:s26+$0xFFFFFFE0];
	_ =	sdelay $0x2  }
0xd3: {  	s22 =	spop (v2sf)  }
0xd4: {  	s0 =	sadd.s32 s1, s22  }
0xd5: {  	vm11 =	vmmov vm0;
	vm9 =	vgt.s32 v9, $0xFFFFFFFF;
	vm10 =	vge.s32 v9, v8;
	p0 =	slt.s32 s0, $0x1001  }
0xd6: {  	s14 =	sadd.s32 $0xFFFFFFD0, s25;
	p1 =	slt.s32 s0, $0x1000;
	s22 =	smov.u32 s0;
	vm9 =	vmand vm9, vm10;
	vm11 =	vmneg @p0 vm11  }
0xd7: {  	v59 =	vor.u32 s14, v0;
	s22 =	simm.s32 @!p1 $0x1000;
	vm10 =	vmand vm11, vm9;
	v10 =	vmpcnt.ones.xlane vm9  }
0xd8: {  	[tilespmem:s22+$0x19380] =	vst.msk vm10, v59  }
0xd9: {  	v9 =	vld [tilespmem:s26+$0xFFFFFFF0];
	(v2sf) =	vpush v10, $0x0;
	_ =	sdelay $0x4  }
0xda: {  	vm9 =	vgt.s32 v9, $0xFFFFFFFF;
	vm10 =	vge.s32 v9, v8  }
0xdb: {  	vm9 =	vmand vm9, vm10  }
0xdc: {  	v60 =	vmpcnt.ones.xlane vm9;
	_ =	sdelay $0x1  }
0xdd: {  	(v2sf) =	vpush v60, $0x0;
	_ =	sdelay $0x5  }
0xde: {  	s22 =	spop (v2sf)  }
0xdf: {  	s0 =	sadd.s32 s0, s22  }
0xe0: {  	vm10 =	vmmov vm0;
	p0 =	slt.s32 s0, $0x1001  }
0xe1: {  	s23 =	sadd.s32 $0xFFFFFFE0, s25;
	p1 =	slt.s32 s0, $0x1000;
	s22 =	smov.u32 s0;
	vm10 =	vmneg @p0 vm10  }
0xe2: {  	v61 =	vor.u32 s23, v0;
	s22 =	simm.s32 @!p1 $0x1000;
	vm9 =	vmand vm9, vm10  }
0xe3: {  	[tilespmem:s22+$0x19380] =	vst.msk vm9, v61  }
0xe4: {  	v9 =	vld [tilespmem:s26+$0x0];
	_ =	sdelay $0x2  }
0xe5: {  	s24 =	spop (v2sf)  }
0xe6: {  	s0 =	sadd.s32 s0, s24  }
0xe7: {  	vm11 =	vmmov vm0;
	vm9 =	vgt.s32 v9, $0xFFFFFFFF;
	vm10 =	vge.s32 v9, v8;
	p0 =	slt.s32 s0, $0x1001  }
0xe8: {  	s28 =	sadd.s32 $0xFFFFFFF0, s25;
	p1 =	slt.s32 s0, $0x1000;
	s22 =	smov.u32 s0;
	vm9 =	vmand vm9, vm10;
	vm11 =	vmneg @p0 vm11  }
0xe9: {  	v62 =	vor.u32 s28, v0;
	s22 =	simm.s32 @!p1 $0x1000;
	vm10 =	vmand vm9, vm11  }
0xea: {  	[tilespmem:s22+$0x19380] =	vst.msk vm10, v62  }
0xeb: {  	v9 =	vld [tilespmem:s26+$0x10];
	_ =	sdelay $0x4  }
0xec: {  	vm10 =	vgt.s32 v9, $0xFFFFFFFF;
	vm11 =	vge.s32 v9, v8  }
0xed: {  	v8 =	vmpcnt.ones.xlane vm9;
	vm9 =	vmand vm10, vm11  }
0xee: {  	v63 =	vmpcnt.ones.xlane vm9  }
0xef: {  	(v2sf) =	vpush v8, $0x0  }
0xf0: {  	(v2sf) =	vpush v63, $0x0;
	_ =	sdelay $0xd  }
0xf1: {  	s29 =	spop (v2sf)  }
0xf2: {  	s0 =	sadd.s32 s0, s29;
	s30 =	spop (v2sf)  }
0xf3: {  	s1 =	sadd.s32 s0, s30  }
0xf4: {  	vm10 =	vmmov vm0;
	p0 =	slt.s32 s0, $0x1001;
	s31 =	sadd.s32 $0xFFFFFED4, s1  }
0xf5: {  	vm10 =	vmneg @p0 vm10;
	p0 =	sgt.u32 s31, $0xED4  }
.Ltmp4:
0xf6: {  	_ = 	snop;
	(pc) =	sbr.rel @p0 .LBB2_36-.Ltmp4, $4  }
0xf7: {  	_ = 	snop  }
0xf8: {  	p1 =	slt.s32 s0, $0x1000  }
0xf9: {  	v8 =	vor.u32 s25, v0;
	s0 =	simm.s32 @!p1 $0x1000;
	vm9 =	vmand vm9, vm10  }
0xfa: {  	[tilespmem:s0+$0x19380] =	vst.msk vm9, v8;
	s0 =	simm.s32 $0x0  }
0xfb: {  	[tilespmem:s1+$0x19380] =	vst v4;
	s0 =	simm.s32 $0x40;
	s22 =	simm.s32 $0x0  }
.LBB2_11:
0xfc: {  	p0 =	seq.s32 s0, $0xFC0;
	[tilespmem:s22+$0x14F00] =	vst v1;
	s22 =	smov.u32 s0;
	s0 =	sadd.s32 $0x40, s0  }
.Ltmp5:
0xfd: {  	(pc) =	sbr.rel @!p0 .LBB2_11-.Ltmp5, $2  }
0xfe: {  	_ =	sdelay $0x2  }
0xff: {  	s22 =	sshra.s32 s22, $0x2  }
0x100: {  	s0 =	sadd.s32 $0xF, s1  }
0x101: {  	s25 =	sshrl.u32 s0, $0x4  }
0x102: {  	[tilespmem:s22+$0x14F00] =	vst v1;
	s1 =	simm.s32 $0x19380;
	s22 =	smov.u32 s25  }
.LBB2_13:
0x103: {  	v8 =	vld [tilespmem:s1+$0x0];
	_ =	sdelay $0x6  }
0x104: {  	s0 =	simm.s32 $0x0  }
0x105: {  	v8 =	vld.idx.msk [tilespmem:v8+s0+$0x0], $0xffff;
	_ =	sdelay $0x4  }
0x106: {  	v9 =	vshrl.u32 v8, $0x14  }
0x107: {  	vm9 =	vgt.s32 v8, $0xFFFFFFFF;
	v8 =	vand.u32 $0x3FF, v9  }
0x108: {  	(xrf1) =	vunique.msk.u32 vm9, v8;
	_ =	sdelay $0xd  }
0x109: {  	_, v63, vm10 =	vpop (xrf1)  }
0x10a: {  	vm9 =	vmand vm9, vm10  }
0x10b: {  	p0 =	sne.s32 s22, $0x1  }
.Ltmp6:
0x10c: {  	_ = 	snop;
	(pc) =	sbr.rel @p0 .LBB2_13-.Ltmp6, $2  }
0x10d: {  	_ =	sdelay $0x2  }
0x10e: {  	s1 =	sadd.s32 $0x10, s1;
	s22 =	sadd.s32 $0xFFFFFFFF, s22;
	[tilespmem:v8+s15+$0x0] =	vst.idx.add.s32.msk vm9, v63  }
0x10f: {  	s1 =	simm.s32 $0x152F0  }
0x110: {  	v8 =	vld [tilespmem:s1+$0x0];
	_ =	sdelay $0x4  }
0x111: {  	v8 =	vperm.xlane v8, v2;
	_ =	sdelay $0x1  }
0x112: {  	(xrf0) =	vadd.scan.msk.s32 $0xffff, v8;
	_ =	sdelay $0x5  }
0x113: {  	v8, _, _ =	vpop (xrf0)  }
0x114: {  	v8 =	vperm.xlane v8, v2;
	_ =	sdelay $0x1  }
0x115: {  	s31 =	simm.s32 $0x3F0;
	v8 =	vadd.s32 s0, v8  }
0x116: {  	v9 =	vor.u32 s31, v3;
	vm9 =	vgt.s32 v8, $0x12B;
	v10 =	vxor.u32 $0x80000000, v8  }
0x117: {  	(xrf0) =	vmax.scan.msk.u32 $0xffff, v10;
	v9 =	vnsel vm9, $0x7FFFFFFF, v9  }
0x118: {  	(xrf0) =	vmax.scan.msk.u32 $0xffff, v9;
	_ =	sdelay $0x4  }
0x119: {  	s28 =	simm.s32 $0x192F0;
	s26 =	simm.s32 $0x3E0;
	s30 =	simm.s32 $0x3C0;
	v9, _, _ =	vpop (xrf0)  }
0x11a: {  	s29 =	simm.s32 $0x152E0;
	s1 =	simm.s32 $0xFFFFFFFF;
	s0 =	simm.s32 $0x3D0;
	[tilespmem:s28+$0x0] =	vst v8;
	v8, _, _ =	vpop (xrf0);
	(v2sf) =	vpush v9, $0xF  }
.LBB2_15:
0x11b: {  	s22 =	smov.u32 s1  }
0x11c: {  	p0 =	sne.s32 s30, $0x0;
	v9 =	vld [tilespmem:s29+$0x0];
	(v2sf) =	vpush v8, $0xF;
	_ =	sdelay $0x4  }
0x11d: {  	v8 =	vperm.xlane v9, v2;
	_ =	sdelay $0x1  }
0x11e: {  	(xrf0) =	vadd.scan.msk.s32 $0xffff, v8;
	_ =	sdelay $0x5  }
0x11f: {  	v8, _, _ =	vpop (xrf0)  }
0x120: {  	v8 =	vperm.xlane v8, v2;
	s1 =	spop (v2sf)  }
0x121: {  	s1 =	sxor.u32 $0x80000000, s1;
	s31 =	spop (v2sf)  }
0x122: {  	s28 =	sadd.s32 $0xFFFFFFF0, s28;
	v8 =	vadd.s32 s1, v8;
	s1 =	sxor.u32 $0x80000000, s31  }
0x123: {  	v9 =	vor.u32 s26, v3;
	s26 =	smov.u32 s0;
	s0 =	smov.u32 s30;
	[tilespmem:s28+$0x0] =	vst v8;
	vm9 =	vgt.s32 v8, $0x12B;
	v8 =	vxor.u32 $0x80000000, v8;
	p1 =	sgt.s32 s22, s1  }
0x124: {  	v9 =	vnsel vm9, $0x7FFFFFFF, v9;
	(xrf0) =	vmax.scan.msk.u32 $0xffff, v8;
	s1 =	smov.u32 @p1 s22  }
0x125: {  	(xrf0) =	vmax.scan.msk.u32 $0xffff, v9;
	_ =	sdelay $0x1  }
.Ltmp7:
0x126: {  	(pc) =	sbr.rel @p0 .LBB2_15-.Ltmp7, $3  }
0x127: {  	_ =	sdelay $0x1  }
0x128: {  	v9, _, _ =	vpop (xrf0)  }
0x129: {  	s29 =	sadd.s32 $0xFFFFFFF0, s29;
	s30 =	sadd.s32 $0xFFFFFFF0, s30;
	v8, _, _ =	vpop (xrf0);
	(v2sf) =	vpush v9, $0xF  }
0x12a: {  	v9 =	vld [tilespmem:s29+$0x0];
	_ =	sdelay $0x4  }
0x12b: {  	v9 =	vperm.xlane v9, v2;
	_ =	sdelay $0x1  }
0x12c: {  	(xrf0) =	vadd.scan.msk.s32 $0xffff, v9;
	_ =	sdelay $0x5  }
0x12d: {  	v9, _, _ =	vpop (xrf0)  }
0x12e: {  	v9 =	vperm.xlane v9, v2;
	s22 =	spop (v2sf)  }
0x12f: {  	s22 =	sxor.u32 $0x80000000, s22  }
0x130: {  	v9 =	vadd.s32 s22, v9  }
0x131: {  	v10 =	vxor.u32 $0x80000000, v9  }
0x132: {  	(xrf0) =	vmax.scan.msk.u32 $0xffff, v10;
	_ =	sdelay $0x5  }
0x133: {  	(v2sf) =	vpush v8, $0xF;
	s12 =	sadd.s32 $0xFFFFFFF0, s28;
	v8, _, _ =	vpop (xrf0)  }
0x134: {  	s14 =	sadd.s32 $0xFFFFFFF0, s29;
	[tilespmem:s12+$0x0] =	vst v9;
	(v2sf) =	vpush v8, $0xF  }
0x135: {  	v8 =	vld [tilespmem:s14+$0x0];
	_ =	sdelay $0x3  }
0x136: {  	vm9 =	vgt.s32 v9, $0x12B;
	v9 =	vor.u32 s26, v3  }
0x137: {  	v9 =	vnsel vm9, $0x7FFFFFFF, v9;
	v8 =	vperm.xlane v8, v2  }
0x138: {  	(xrf0) =	vmax.scan.msk.u32 $0xffff, v9  }
0x139: {  	(xrf0) =	vadd.scan.msk.s32 $0xffff, v8;
	_ =	sdelay $0x4  }
0x13a: {  	v8, _, _ =	vpop (xrf0)  }
0x13b: {  	s23 =	spop (v2sf);
	v9, _, _ =	vpop (xrf0)  }
0x13c: {  	v9 =	vperm.xlane v9, v2;
	s24 =	spop (v2sf)  }
0x13d: {  	s28 =	sxor.u32 $0x80000000, s24  }
0x13e: {  	v9 =	vadd.s32 s28, v9  }
0x13f: {  	v10 =	vor.u32 s0, v3;
	vm9 =	vgt.s32 v9, $0x12B;
	v11 =	vxor.u32 $0x80000000, v9  }
0x140: {  	(xrf0) =	vmax.scan.msk.u32 $0xffff, v11;
	v10 =	vnsel vm9, $0x7FFFFFFF, v10  }
0x141: {  	(xrf0) =	vmax.scan.msk.u32 $0xffff, v10;
	_ =	sdelay $0x4  }
0x142: {  	(v2sf) =	vpush v8, $0xF;
	v8, _, _ =	vpop (xrf0)  }
0x143: {  	(v2sf) =	vpush v8, $0xF;
	v8, _, _ =	vpop (xrf0)  }
0x144: {  	(v2sf) =	vpush v8, $0xF;
	_ =	sdelay $0xb  }
0x145: {  	s0 =	sxor.u32 $0x80000000, s23  }
0x146: {  	p0 =	sgt.s32 s1, s0;
	s29 =	spop (v2sf)  }
0x147: {  	s0 =	smov.u32 @p0 s1;
	s1 =	sxor.u32 $0x80000000, s29;
	s30 =	spop (v2sf)  }
0x148: {  	p0 =	sgt.s32 s0, s1;
	s26 =	spop (v2sf)  }
0x149: {  	s1 =	smov.u32 @p0 s0;
	s0 =	sxor.u32 $0x80000000, s26  }
0x14a: {  	p0 =	sgt.s32 s1, s0  }
0x14b: {  	s0 =	smov.u32 @p0 s1  }
0x14c: {  	s1 =	sadd.s32 $0x1, s0  }
0x14d: {  	v8 =	vmov s1;
	_ =	sdelay $0x2  }
0x14e: {  	s31 =	sadd.s32 $0xFFFFFFF0, s12  }
0x14f: {  	[tilespmem:s31+$0x0] =	vst v9  }
0x150: {  	s22 =	simm.s32 $0x0;
	s1 =	simm.s32 $0x40;
	v8 =	vld.idx.msk [tilespmem:v8+s16+$0x0], $0xffff  }
.LBB2_17:
0x151: {  	p0 =	seq.s32 s1, $0xFC0;
	[tilespmem:s22+$0x14F00] =	vst v1;
	s22 =	smov.u32 s1;
	s1 =	sadd.s32 $0x40, s1  }
.Ltmp8:
0x152: {  	(pc) =	sbr.rel @!p0 .LBB2_17-.Ltmp8, $2  }
0x153: {  	_ =	sdelay $0x2  }
0x154: {  	s22 =	sshra.s32 s22, $0x2  }
0x155: {  	v8 =	vxor.u32 $0x80000000, v8  }
0x156: {  	(xrf0) =	vmax.scan.msk.u32 $0xffff, v8;
	_ =	sdelay $0x5  }
0x157: {  	v8, _, _ =	vpop (xrf0)  }
0x158: {  	(v2sf) =	vpush v8, $0xF;
	_ =	sdelay $0xe  }
0x159: {  	s1 =	spop (v2sf)  }
0x15a: {  	s26 =	sshll.u32 s0, $0x14;
	s1 =	sxor.u32 $0x80000000, s1  }
0x15b: {  	[tilespmem:s22+$0x14F00] =	vst v1;
	s0 =	simm.s32 $0x19380;
	v8 =	vmov s26;
	s28 =	ssub.s32 $0x12C, s1;
	s1 =	smov.u32 s25  }
.LBB2_19:
0x15c: {  	v9 =	vld [tilespmem:s0+$0x0];
	_ =	sdelay $0x7  }
0x15d: {  	v9 =	vld.idx.msk [tilespmem:v9+s2+$0x0], $0xffff;
	_ =	sdelay $0x4  }
0x15e: {  	v10 =	vand.u32 $0x3FF00000, v9  }
0x15f: {  	vm9 =	vgt.s32 v9, $0xFFFFFFFF;
	v9 =	vshrl.u32 v9, $0xA;
	vm10 =	veq.s32 v10, v8  }
0x160: {  	v9 =	vand.u32 $0x3FF, v9;
	vm9 =	vmand vm9, vm10  }
0x161: {  	(xrf1) =	vunique.msk.u32 vm9, v9;
	_ =	sdelay $0xd  }
0x162: {  	_, v10, vm10 =	vpop (xrf1)  }
0x163: {  	vm9 =	vmand vm9, vm10  }
0x164: {  	p0 =	seq.s32 s1, $0x1  }
.Ltmp9:
0x165: {  	_ = 	snop;
	(pc) =	sbr.rel @!p0 .LBB2_19-.Ltmp9, $2  }
0x166: {  	_ =	sdelay $0x2  }
0x167: {  	s0 =	sadd.s32 $0x10, s0;
	s1 =	sadd.s32 $0xFFFFFFFF, s1;
	[tilespmem:v9+s15+$0x0] =	vst.idx.add.s32.msk vm9, v10  }
0x168: {  	s30 =	simm.s32 $0x152F0  }
0x169: {  	v9 =	vld [tilespmem:s30+$0x0];
	_ =	sdelay $0x4  }
0x16a: {  	v9 =	vperm.xlane v9, v2;
	_ =	sdelay $0x1  }
0x16b: {  	(xrf0) =	vadd.scan.msk.s32 $0xffff, v9;
	_ =	sdelay $0x5  }
0x16c: {  	v9, _, _ =	vpop (xrf0)  }
0x16d: {  	v9 =	vperm.xlane v9, v2  }
0x16e: {  	s1 =	simm.s32 $0x0  }
0x16f: {  	v8 =	vmov s28;
	s22 =	simm.s32 $0x3F0;
	v9 =	vadd.s32 s1, v9  }
0x170: {  	v10 =	vor.u32 s22, v3;
	vm9 =	vlt.s32 v9, v8;
	v11 =	vxor.u32 $0x80000000, v9  }
0x171: {  	(xrf0) =	vmax.scan.msk.u32 $0xffff, v11;
	v10 =	vsel vm9, $0x7FFFFFFF, v10  }
0x172: {  	(xrf0) =	vmax.scan.msk.u32 $0xffff, v10;
	_ =	sdelay $0x4  }
0x173: {  	s0 =	simm.s32 $0xFFFFFFFF;
	s29 =	simm.s32 $0x192F0;
	s31 =	simm.s32 $0x152E0;
	v10, _, _ =	vpop (xrf0)  }
0x174: {  	s30 =	simm.s32 $0x3E0;
	s22 =	simm.s32 $0x3C0;
	s1 =	simm.s32 $0x3D0;
	[tilespmem:s29+$0x0] =	vst v9;
	v9, _, _ =	vpop (xrf0);
	(v2sf) =	vpush v10, $0xF  }
.LBB2_21:
0x175: {  	s23 =	smov.u32 s0  }
0x176: {  	p0 =	sne.s32 s22, $0x0;
	v10 =	vld [tilespmem:s31+$0x0];
	(v2sf) =	vpush v9, $0xF;
	_ =	sdelay $0x4  }
0x177: {  	v9 =	vperm.xlane v10, v2;
	_ =	sdelay $0x1  }
0x178: {  	(xrf0) =	vadd.scan.msk.s32 $0xffff, v9;
	_ =	sdelay $0x5  }
0x179: {  	v9, _, _ =	vpop (xrf0)  }
0x17a: {  	v9 =	vperm.xlane v9, v2;
	s0 =	spop (v2sf)  }
0x17b: {  	s0 =	sxor.u32 $0x80000000, s0;
	s3 =	spop (v2sf)  }
0x17c: {  	s29 =	sadd.s32 $0xFFFFFFF0, s29;
	v9 =	vadd.s32 s0, v9;
	s0 =	sxor.u32 $0x80000000, s3  }
0x17d: {  	v10 =	vor.u32 s30, v3;
	s30 =	smov.u32 s1;
	s1 =	smov.u32 s22;
	[tilespmem:s29+$0x0] =	vst v9;
	vm9 =	vlt.s32 v9, v8;
	v9 =	vxor.u32 $0x80000000, v9;
	p1 =	sgt.s32 s23, s0  }
0x17e: {  	v10 =	vsel vm9, $0x7FFFFFFF, v10;
	(xrf0) =	vmax.scan.msk.u32 $0xffff, v9;
	s0 =	smov.u32 @p1 s23  }
0x17f: {  	(xrf0) =	vmax.scan.msk.u32 $0xffff, v10;
	_ =	sdelay $0x1  }
.Ltmp10:
0x180: {  	(pc) =	sbr.rel @p0 .LBB2_21-.Ltmp10, $3  }
0x181: {  	_ =	sdelay $0x1  }
0x182: {  	v10, _, _ =	vpop (xrf0)  }
0x183: {  	s31 =	sadd.s32 $0xFFFFFFF0, s31;
	s22 =	sadd.s32 $0xFFFFFFF0, s22;
	v9, _, _ =	vpop (xrf0);
	(v2sf) =	vpush v10, $0xF  }
0x184: {  	v10 =	vld [tilespmem:s31+$0x0];
	_ =	sdelay $0x4  }
0x185: {  	v10 =	vperm.xlane v10, v2;
	_ =	sdelay $0x1  }
0x186: {  	(xrf0) =	vadd.scan.msk.s32 $0xffff, v10;
	_ =	sdelay $0x5  }
0x187: {  	v10, _, _ =	vpop (xrf0)  }
0x188: {  	v10 =	vperm.xlane v10, v2;
	s3 =	spop (v2sf)  }
0x189: {  	s3 =	sxor.u32 $0x80000000, s3  }
0x18a: {  	v10 =	vadd.s32 s3, v10  }
0x18b: {  	v11 =	vxor.u32 $0x80000000, v10  }
0x18c: {  	(xrf0) =	vmax.scan.msk.u32 $0xffff, v11;
	_ =	sdelay $0x5  }
0x18d: {  	(v2sf) =	vpush v9, $0xF;
	s12 =	sadd.s32 $0xFFFFFFF0, s29;
	v9, _, _ =	vpop (xrf0)  }
0x18e: {  	s22 =	sadd.s32 $0xFFFFFFF0, s31;
	[tilespmem:s12+$0x0] =	vst v10;
	(v2sf) =	vpush v9, $0xF  }
0x18f: {  	v9 =	vld [tilespmem:s22+$0x0];
	_ =	sdelay $0x3  }
0x190: {  	vm9 =	vlt.s32 v10, v8;
	v10 =	vor.u32 s30, v3  }
0x191: {  	v10 =	vsel vm9, $0x7FFFFFFF, v10;
	v9 =	vperm.xlane v9, v2  }
0x192: {  	(xrf0) =	vmax.scan.msk.u32 $0xffff, v10  }
0x193: {  	(xrf0) =	vadd.scan.msk.s32 $0xffff, v9;
	_ =	sdelay $0x4  }
0x194: {  	v9, _, _ =	vpop (xrf0)  }
0x195: {  	s14 =	spop (v2sf);
	v10, _, _ =	vpop (xrf0)  }
0x196: {  	v10 =	vperm.xlane v10, v2;
	s23 =	spop (v2sf)  }
0x197: {  	s23 =	sxor.u32 $0x80000000, s23  }
0x198: {  	v10 =	vadd.s32 s23, v10  }
0x199: {  	vm9 =	vlt.s32 v10, v8;
	v8 =	vor.u32 s1, v3;
	v11 =	vxor.u32 $0x80000000, v10  }
0x19a: {  	(xrf0) =	vmax.scan.msk.u32 $0xffff, v11;
	v8 =	vsel vm9, $0x7FFFFFFF, v8  }
0x19b: {  	(xrf0) =	vmax.scan.msk.u32 $0xffff, v8;
	_ =	sdelay $0x4  }
0x19c: {  	(v2sf) =	vpush v9, $0xF;
	v8, _, _ =	vpop (xrf0)  }
0x19d: {  	v9, _, _ =	vpop (xrf0);
	(v2sf) =	vpush v8, $0xF  }
0x19e: {  	(v2sf) =	vpush v9, $0xF;
	_ =	sdelay $0xb  }
0x19f: {  	s1 =	sxor.u32 $0x80000000, s14  }
0x1a0: {  	p0 =	sgt.s32 s0, s1;
	s24 =	spop (v2sf)  }
0x1a1: {  	s1 =	smov.u32 @p0 s0;
	s22 =	sxor.u32 $0x80000000, s24;
	s29 =	spop (v2sf)  }
0x1a2: {  	p0 =	sgt.s32 s1, s22;
	s0 =	spop (v2sf)  }
0x1a3: {  	s22 =	smov.u32 @p0 s1;
	s0 =	sxor.u32 $0x80000000, s0  }
0x1a4: {  	p0 =	sgt.s32 s22, s0  }
0x1a5: {  	s0 =	smov.u32 @p0 s22  }
0x1a6: {  	s30 =	sadd.s32 $0x1, s0  }
0x1a7: {  	v8 =	vmov s30;
	_ =	sdelay $0x2  }
0x1a8: {  	s31 =	sadd.s32 $0xFFFFFFF0, s12  }
0x1a9: {  	[tilespmem:s31+$0x0] =	vst v10  }
0x1aa: {  	s1 =	simm.s32 $0x40;
	s22 =	simm.s32 $0x0;
	v8 =	vld.idx.msk [tilespmem:v8+s16+$0x0], $0xffff  }
.LBB2_23:
0x1ab: {  	p0 =	seq.s32 s1, $0xFC0;
	[tilespmem:s22+$0x14F00] =	vst v1;
	s3 =	smov.u32 s1;
	s1 =	sadd.s32 $0x40, s1  }
.Ltmp11:
0x1ac: {  	(pc) =	sbr.rel @!p0 .LBB2_23-.Ltmp11, $2  }
0x1ad: {  	_ =	sdelay $0x2  }
0x1ae: {  	s22 =	sshra.s32 s3, $0x2  }
0x1af: {  	v8 =	vxor.u32 $0x80000000, v8  }
0x1b0: {  	(xrf0) =	vmax.scan.msk.u32 $0xffff, v8;
	_ =	sdelay $0x5  }
0x1b1: {  	v8, _, _ =	vpop (xrf0)  }
0x1b2: {  	(v2sf) =	vpush v8, $0xF;
	_ =	sdelay $0xe  }
0x1b3: {  	s0 =	sshll.u32 s0, $0xA;
	s1 =	spop (v2sf)  }
0x1b4: {  	s29 =	sor.u32 s26, s0;
	s1 =	sxor.u32 $0x80000000, s1  }
0x1b5: {  	[tilespmem:s22+$0x14F00] =	vst v1;
	s0 =	simm.s32 $0x19380;
	v8 =	vmov s29;
	s26 =	ssub.s32 s28, s1;
	s1 =	smov.u32 s25  }
.LBB2_25:
0x1b6: {  	v9 =	vld [tilespmem:s0+$0x0];
	_ =	sdelay $0x7  }
0x1b7: {  	v9 =	vld.idx.msk [tilespmem:v9+s2+$0x0], $0xffff;
	_ =	sdelay $0x4  }
0x1b8: {  	v10 =	vand.u32 $0x3FFFFC00, v9  }
0x1b9: {  	vm9 =	vgt.s32 v9, $0xFFFFFFFF;
	vm10 =	veq.s32 v10, v8  }
0x1ba: {  	v9 =	vand.u32 $0x3FF, v9;
	vm9 =	vmand vm9, vm10  }
0x1bb: {  	(xrf1) =	vunique.msk.u32 vm9, v9;
	_ =	sdelay $0xd  }
0x1bc: {  	_, v10, vm10 =	vpop (xrf1)  }
0x1bd: {  	vm9 =	vmand vm9, vm10  }
0x1be: {  	p0 =	seq.s32 s1, $0x1  }
.Ltmp12:
0x1bf: {  	_ = 	snop;
	(pc) =	sbr.rel @!p0 .LBB2_25-.Ltmp12, $2  }
0x1c0: {  	_ =	sdelay $0x2  }
0x1c1: {  	s0 =	sadd.s32 $0x10, s0;
	s1 =	sadd.s32 $0xFFFFFFFF, s1;
	[tilespmem:v9+s15+$0x0] =	vst.idx.add.s32.msk vm9, v10  }
0x1c2: {  	s30 =	simm.s32 $0x152F0  }
0x1c3: {  	v9 =	vld [tilespmem:s30+$0x0];
	_ =	sdelay $0x4  }
0x1c4: {  	v9 =	vperm.xlane v9, v2;
	_ =	sdelay $0x1  }
0x1c5: {  	(xrf0) =	vadd.scan.msk.s32 $0xffff, v9;
	_ =	sdelay $0x5  }
0x1c6: {  	v9, _, _ =	vpop (xrf0)  }
0x1c7: {  	v9 =	vperm.xlane v9, v2  }
0x1c8: {  	s1 =	simm.s32 $0x0  }
0x1c9: {  	v8 =	vmov s26;
	s22 =	simm.s32 $0x3F0;
	v9 =	vadd.s32 s1, v9  }
0x1ca: {  	v10 =	vor.u32 s22, v3;
	vm9 =	vlt.s32 v9, v8;
	v11 =	vxor.u32 $0x80000000, v9  }
0x1cb: {  	(xrf0) =	vmax.scan.msk.u32 $0xffff, v11;
	v10 =	vsel vm9, $0x7FFFFFFF, v10  }
0x1cc: {  	(xrf0) =	vmax.scan.msk.u32 $0xffff, v10;
	_ =	sdelay $0x4  }
0x1cd: {  	s0 =	simm.s32 $0xFFFFFFFF;
	s28 =	simm.s32 $0x192F0;
	s31 =	simm.s32 $0x152E0;
	v10, _, _ =	vpop (xrf0)  }
0x1ce: {  	s30 =	simm.s32 $0x3E0;
	s22 =	simm.s32 $0x3C0;
	s1 =	simm.s32 $0x3D0;
	[tilespmem:s28+$0x0] =	vst v9;
	v9, _, _ =	vpop (xrf0);
	(v2sf) =	vpush v10, $0xF  }
.LBB2_27:
0x1cf: {  	s3 =	smov.u32 s0  }
0x1d0: {  	p0 =	sne.s32 s22, $0x0;
	v10 =	vld [tilespmem:s31+$0x0];
	(v2sf) =	vpush v9, $0xF;
	_ =	sdelay $0x4  }
0x1d1: {  	v9 =	vperm.xlane v10, v2;
	_ =	sdelay $0x1  }
0x1d2: {  	(xrf0) =	vadd.scan.msk.s32 $0xffff, v9;
	_ =	sdelay $0x5  }
0x1d3: {  	v9, _, _ =	vpop (xrf0)  }
0x1d4: {  	v9 =	vperm.xlane v9, v2;
	s0 =	spop (v2sf)  }
0x1d5: {  	s0 =	sxor.u32 $0x80000000, s0;
	s23 =	spop (v2sf)  }
0x1d6: {  	s28 =	sadd.s32 $0xFFFFFFF0, s28;
	v9 =	vadd.s32 s0, v9;
	s0 =	sxor.u32 $0x80000000, s23  }
0x1d7: {  	v10 =	vor.u32 s30, v3;
	s30 =	smov.u32 s1;
	s1 =	smov.u32 s22;
	[tilespmem:s28+$0x0] =	vst v9;
	vm9 =	vlt.s32 v9, v8;
	v9 =	vxor.u32 $0x80000000, v9;
	p1 =	sgt.s32 s3, s0  }
0x1d8: {  	v10 =	vsel vm9, $0x7FFFFFFF, v10;
	(xrf0) =	vmax.scan.msk.u32 $0xffff, v9;
	s0 =	smov.u32 @p1 s3  }
0x1d9: {  	(xrf0) =	vmax.scan.msk.u32 $0xffff, v10;
	_ =	sdelay $0x1  }
.Ltmp13:
0x1da: {  	(pc) =	sbr.rel @p0 .LBB2_27-.Ltmp13, $3  }
0x1db: {  	_ =	sdelay $0x1  }
0x1dc: {  	v10, _, _ =	vpop (xrf0)  }
0x1dd: {  	s31 =	sadd.s32 $0xFFFFFFF0, s31;
	s22 =	sadd.s32 $0xFFFFFFF0, s22;
	v9, _, _ =	vpop (xrf0);
	(v2sf) =	vpush v10, $0xF  }
0x1de: {  	v10 =	vld [tilespmem:s31+$0x0];
	_ =	sdelay $0x4  }
0x1df: {  	v10 =	vperm.xlane v10, v2;
	_ =	sdelay $0x1  }
0x1e0: {  	(xrf0) =	vadd.scan.msk.s32 $0xffff, v10;
	_ =	sdelay $0x5  }
0x1e1: {  	v10, _, _ =	vpop (xrf0)  }
0x1e2: {  	v10 =	vperm.xlane v10, v2;
	s3 =	spop (v2sf)  }
0x1e3: {  	s3 =	sxor.u32 $0x80000000, s3  }
0x1e4: {  	v10 =	vadd.s32 s3, v10  }
0x1e5: {  	v11 =	vxor.u32 $0x80000000, v10  }
0x1e6: {  	(xrf0) =	vmax.scan.msk.u32 $0xffff, v11;
	_ =	sdelay $0x5  }
0x1e7: {  	(v2sf) =	vpush v9, $0xF;
	s12 =	sadd.s32 $0xFFFFFFF0, s28;
	v9, _, _ =	vpop (xrf0)  }
0x1e8: {  	s22 =	sadd.s32 $0xFFFFFFF0, s31;
	[tilespmem:s12+$0x0] =	vst v10;
	(v2sf) =	vpush v9, $0xF  }
0x1e9: {  	v9 =	vld [tilespmem:s22+$0x0];
	_ =	sdelay $0x3  }
0x1ea: {  	vm9 =	vlt.s32 v10, v8;
	v10 =	vor.u32 s30, v3  }
0x1eb: {  	v10 =	vsel vm9, $0x7FFFFFFF, v10;
	v9 =	vperm.xlane v9, v2  }
0x1ec: {  	(xrf0) =	vmax.scan.msk.u32 $0xffff, v10  }
0x1ed: {  	(xrf0) =	vadd.scan.msk.s32 $0xffff, v9;
	_ =	sdelay $0x4  }
0x1ee: {  	v9, _, _ =	vpop (xrf0)  }
0x1ef: {  	s14 =	spop (v2sf);
	v10, _, _ =	vpop (xrf0)  }
0x1f0: {  	v10 =	vperm.xlane v10, v2;
	s23 =	spop (v2sf)  }
0x1f1: {  	s23 =	sxor.u32 $0x80000000, s23  }
0x1f2: {  	v10 =	vadd.s32 s23, v10  }
0x1f3: {  	vm9 =	vlt.s32 v10, v8;
	v8 =	vor.u32 s1, v3;
	v11 =	vxor.u32 $0x80000000, v10  }
0x1f4: {  	(xrf0) =	vmax.scan.msk.u32 $0xffff, v11;
	v8 =	vsel vm9, $0x7FFFFFFF, v8  }
0x1f5: {  	(xrf0) =	vmax.scan.msk.u32 $0xffff, v8;
	_ =	sdelay $0x4  }
0x1f6: {  	(v2sf) =	vpush v9, $0xF;
	v8, _, _ =	vpop (xrf0)  }
0x1f7: {  	v9, _, _ =	vpop (xrf0);
	(v2sf) =	vpush v8, $0xF  }
0x1f8: {  	(v2sf) =	vpush v9, $0xF;
	_ =	sdelay $0xb  }
0x1f9: {  	s1 =	sxor.u32 $0x80000000, s14  }
0x1fa: {  	p0 =	sgt.s32 s0, s1;
	s23 =	spop (v2sf)  }
0x1fb: {  	s1 =	smov.u32 @p0 s0;
	s0 =	sxor.u32 $0x80000000, s23;
	s24 =	spop (v2sf)  }
0x1fc: {  	p0 =	sgt.s32 s1, s0;
	s22 =	spop (v2sf)  }
0x1fd: {  	s0 =	smov.u32 @p0 s1;
	s1 =	sxor.u32 $0x80000000, s22  }
0x1fe: {  	p0 =	sgt.s32 s0, s1  }
0x1ff: {  	s1 =	smov.u32 @p0 s0  }
0x200: {  	s0 =	sadd.s32 $0x1, s1  }
0x201: {  	v8 =	vmov s0;
	_ =	sdelay $0x2  }
0x202: {  	s30 =	sadd.s32 $0xFFFFFFF0, s12  }
0x203: {  	[tilespmem:s30+$0x0] =	vst v10  }
0x204: {  	v8 =	vld.idx.msk [tilespmem:v8+s16+$0x0], $0xffff;
	_ =	sdelay $0x4  }
0x205: {  	v8 =	vxor.u32 $0x80000000, v8  }
0x206: {  	(xrf0) =	vmax.scan.msk.u32 $0xffff, v8;
	_ =	sdelay $0x5  }
0x207: {  	v8, _, _ =	vpop (xrf0)  }
0x208: {  	(v2sf) =	vpush v8, $0xF;
	_ =	sdelay $0xc  }
0x209: {  	p2 =	seq.s32 s25, $0x1  }
.Ltmp14:
0x20a: {  	_ = 	snop;
	(pc) =	sbr.rel @p2 .LBB2_29-.Ltmp14, $4  }
0x20b: {  	s31 =	spop (v2sf)  }
0x20c: {  	s28 =	simm.s32 $0x0;
	s0 =	sxor.u32 $0x80000000, s31  }
0x20d: {  	p1 =	por $0x0, $0x0;
	s1 =	sor.u32 s29, s1;
	s26 =	ssub.s32 s26, s0  }
0x20e: {  	p0 =	por $0x0, $0x0;
	v9 =	vmov s1;
	s1 =	sadd.s32 $0xFFFFFFFF, s25;
	s0 =	simm.s32 $0x19380;
	v8 =	vmov s26  }
0x20f: {  	v10 =	vld [tilespmem:s0+$0x0];
	_ =	sdelay $0x2  }
0x210: {  	p2 =	seq.s32 s1, $0x1  }
.Ltmp15:
0x211: {  	_ = 	snop;
	(pc) =	sbr.rel @p2 .LBB2_31-.Ltmp15, $2  }
0x212: {  	_ =	sdelay $0x2  }
0x213: {  	s22 =	sadd.s32 $0xFFFFFFFF, s1;
	p0 =	por $0x1, $0x1;
	v11 =	vld.idx.msk [tilespmem:v10+s2+$0x0], $0xffff  }
0x214: {  	_ =	sdelay $0x3  }
0x215: {  	vm9 =	vgt.s32 v11, $0xFFFFFFFF;
	vm10 =	veq.s32 v9, v11  }
0x216: {  	vm10 =	vmand vm9, vm10  }
0x217: {  	v12 =	vsel vm10, $0x1, v1  }
0x218: {  	(xrf0) =	vadd.scan.msk.s32 $0xffff, v12;
	_ =	sdelay $0x5  }
0x219: {  	v12, _, _ =	vpop (xrf0)  }
0x21a: {  	vm11 =	vlt.s32 v9, v11;
	v11 =	vadd.s32 s28, v12  }
0x21b: {  	vm9 =	vmand vm9, vm11;
	vm11 =	vle.s32 v11, v8  }
0x21c: {  	v11 =	vmpcnt.ones.xlane vm9;
	vm10 =	vmand vm10, vm11  }
0x21d: {  	[tilespmem:s28+$0x1A400] =	vst.msk vm9, v10;
	v63 =	vmpcnt.ones.xlane vm10  }
0x21e: {  	s1 =	simm.s32 $0x19390;
	[tilespmem:s28+$0x1A580] =	vst.msk vm10, v10;
	(v2sf) =	vpush v11, $0x0  }
0x21f: {  	v10 =	vld [tilespmem:s1+$0x0];
	(v2sf) =	vpush v63, $0x0;
	_ =	sdelay $0x3  }
0x220: {  	p2 =	seq.s32 s22, $0x1  }
.Ltmp16:
0x221: {  	_ = 	snop;
	(pc) =	sbr.rel @p2 .LBB2_33-.Ltmp16, $3  }
0x222: {  	_ =	sdelay $0x1  }
0x223: {  	s22 =	sadd.s32 $0xFFFFFFFF, s22;
	v11 =	vld.idx.msk [tilespmem:v10+s2+$0x0], $0xffff  }
0x224: {  	p1 =	por $0x1, $0x1;
	s25 =	simm.s32 $0x0;
	s29 =	simm.s32 $0x0  }
.LBB2_34:
0x225: {  	p2 =	seq.s32 s22, $0x1;
	_ =	sdelay $0x2  }
0x226: {  	vm9 =	vgt.s32 v11, $0xFFFFFFFF;
	vm10 =	veq.s32 v9, v11  }
0x227: {  	vm10 =	vmand vm9, vm10;
	s3 =	spop (v2sf)  }
0x228: {  	v12 =	vsel vm10, $0x1, v1;
	s25 =	sadd.s32 s25, s3;
	s3 =	spop (v2sf)  }
0x229: {  	(xrf0) =	vadd.scan.msk.s32 $0xffff, v12;
	s29 =	sadd.s32 s29, s3;
	_ =	sdelay $0x5  }
0x22a: {  	v12, _, _ =	vpop (xrf0)  }
0x22b: {  	vm11 =	vlt.s32 v9, v11;
	v11 =	vadd.s32 s29, v12  }
0x22c: {  	vm9 =	vmand vm9, vm11;
	vm11 =	vle.s32 v11, v8  }
0x22d: {  	v11 =	vmpcnt.ones.xlane vm9;
	[tilespmem:s25+$0x1A400] =	vst.msk vm9, v10;
	vm9 =	vmand vm10, vm11  }
0x22e: {  	s1 =	sadd.s32 $0x10, s1;
	[tilespmem:s29+$0x1A580] =	vst.msk vm9, v10;
	v12 =	vmpcnt.ones.xlane vm9  }
0x22f: {  	v10 =	vld [tilespmem:s1+$0x0];
	(v2sf) =	vpush v11, $0x0  }
0x230: {  	(v2sf) =	vpush v12, $0x0;
	_ =	sdelay $0x4  }
.Ltmp17:
0x231: {  	(pc) =	sbr.rel @!p2 .LBB2_34-.Ltmp17, $3  }
0x232: {  	_ = 	snop  }
0x233: {  	v11 =	vld.idx.msk [tilespmem:v10+s2+$0x0], $0xffff;
	_ =	sdelay $0x1  }
0x234: {  	s22 =	sadd.s32 $0xFFFFFFFF, s22  }
.LBB2_35:
0x235: {  	_ =	sdelay $0x1  }
0x236: {  	vm9 =	vgt.s32 @p0 v11, $0xFFFFFFFF;
	vm10 =	veq.s32 @p0 v9, v11  }
0x237: {  	vm10 =	vmand @p0 vm9, vm10  }
0x238: {  	v12 =	vsel @p0 vm10, $0x1, v1  }
0x239: {  	(xrf0) =	vadd.scan.msk.s32 @p0 $0xffff, v12;
	_ =	sdelay $0x2  }
0x23a: {  	s3 =	spop @p1 (v2sf)  }
0x23b: {  	s22 =	spop @p1 (v2sf)  }
0x23c: {  	s23 =	simm.s32 $0x0;
	s22 =	sadd.s32 @p1 s29, s22  }
0x23d: {  	s23 =	smov.u32 @p1 s22;
	v12, _, _ =	vpop @p0 (xrf0)  }
0x23e: {  	vm11 =	vlt.s32 @p0 v9, v11;
	s3 =	sadd.s32 @p1 s25, s3;
	s22 =	simm.s32 $0x0;
	v11 =	vadd.s32 @p0 s23, v12  }
0x23f: {  	vm9 =	vmand @p0 vm9, vm11;
	s22 =	smov.u32 @p1 s3;
	vm11 =	vle.s32 @p0 v11, v8  }
0x240: {  	s1 =	sadd.s32 @p0 $0x10, s1;
	[tilespmem:s22+$0x1A400] =	vst.msk @p0 vm9, v10;
	vm10 =	vmand @p0 vm10, vm11  }
0x241: {  	s0 =	smov.u32 @p0 s1;
	[tilespmem:s23+$0x1A580] =	vst.msk @p0 vm10, v10  }
0x242: {  	v10 =	vld [tilespmem:s0+$0x0];
	_ =	sdelay $0x1  }
0x243: {  	v11 =	vmpcnt.ones.xlane @p0 vm9  }
0x244: {  	v12 =	vmpcnt.ones.xlane @p0 vm10  }
0x245: {  	(v2sf) =	vpush @p0 v11, $0x0  }
0x246: {  	(v2sf) =	vpush @p0 v12, $0x0;
	_ =	sdelay $0x2  }
0x247: {  	v60 =	vld.idx.msk [tilespmem:v10+s2+$0x0], $0xffff;
	_ =	sdelay $0x4  }
0x248: {  	vm9 =	vgt.s32 v60, $0xFFFFFFFF;
	vm10 =	veq.s32 v9, v60  }
0x249: {  	vm10 =	vmand vm9, vm10  }
0x24a: {  	v61 =	vsel vm10, $0x1, v1  }
0x24b: {  	(xrf0) =	vadd.scan.msk.s32 $0xffff, v61;
	_ =	sdelay $0x2  }
0x24c: {  	s0 =	spop @p0 (v2sf)  }
0x24d: {  	s1 =	spop @p0 (v2sf)  }
0x24e: {  	s3 =	simm.s32 $0x0;
	s1 =	sadd.s32 @p0 s23, s1  }
0x24f: {  	s3 =	smov.u32 @p0 s1;
	v12, _, _ =	vpop (xrf0)  }
0x250: {  	vm11 =	vlt.s32 v9, v60;
	v62 =	vadd.s32 s3, v12  }
0x251: {  	vm9 =	vmand vm9, vm11;
	vm11 =	vle.s32 v62, v8  }
0x252: {  	v8 =	vmpcnt.ones.xlane vm9;
	vm10 =	vmand vm10, vm11  }
0x253: {  	v63 =	vmpcnt.ones.xlane vm10  }
0x254: {  	(v2sf) =	vpush v8, $0x0  }
0x255: {  	(v2sf) =	vpush v63, $0x0;
	_ =	sdelay $0xa  }
.Ltmp18:
0x256: {  	_ = 	snop;
	(pc) =	sbr.rel .LBB2_57-.Ltmp18, $4  }
0x257: {  	s0 =	sadd.s32 @p0 s22, s0  }
0x258: {  	s28 =	smov.u32 @p0 s0  }
0x259: {  	[tilespmem:s28+$0x1A400] =	vst.msk vm9, v10;
	s30 =	spop (v2sf)  }
0x25a: {  	[tilespmem:s3+$0x1A580] =	vst.msk vm10, v10;
	s31 =	spop (v2sf)  }
.LBB2_36:
0x25b: {  	s1 =	simm.s32 $0x40;
	s22 =	simm.s32 $0x0  }
.LBB2_37:
0x25c: {  	p0 =	sne.s32 s1, $0xFFC0;
	[tilespmem:s22+$0x14F00] =	vst v1;
	s3 =	smov.u32 s1;
	s1 =	sadd.s32 $0x40, s1  }
.Ltmp19:
0x25d: {  	(pc) =	sbr.rel @p0 .LBB2_37-.Ltmp19, $2  }
0x25e: {  	_ =	sdelay $0x2  }
0x25f: {  	s22 =	sshra.s32 s3, $0x2  }
0x260: {  	[tilespmem:s22+$0x14F00] =	vst v1  }
.LBB2_39:
0x261: {  	s1 =	sshra.s32 s0, $0x2  }
0x262: {  	v9 =	vld [tilespmem:s1+$0x0];
	_ =	sdelay $0x4  }
0x263: {  	v8 =	vmul.u32 $0x400, v0;
	v10 =	vshrl.u32 v9, $0x14  }
0x264: {  	vm9 =	vgt.s32 v9, $0xFFFFFFFF;
	v9 =	vand.u32 $0x3FF, v10  }
0x265: {  	v9 =	vor.u32 v8, v9;
	_ =	sdelay $0x4  }
0x266: {  	[tilespmem:v9+s15+$0x0] =	vst.idx.add.s32.msk vm9, v5  }
0x267: {  	v9 =	vld [tilespmem:s1+$0x10];
	_ =	sdelay $0x4  }
0x268: {  	v10 =	vshrl.u32 v9, $0x14  }
0x269: {  	vm9 =	vgt.s32 v9, $0xFFFFFFFF;
	v9 =	vand.u32 $0x3FF, v10  }
0x26a: {  	v9 =	vor.u32 v8, v9;
	_ =	sdelay $0x4  }
0x26b: {  	[tilespmem:v9+s15+$0x0] =	vst.idx.add.s32.msk vm9, v5  }
0x26c: {  	v9 =	vld [tilespmem:s1+$0x20];
	_ =	sdelay $0x4  }
0x26d: {  	v10 =	vshrl.u32 v9, $0x14  }
0x26e: {  	vm9 =	vgt.s32 v9, $0xFFFFFFFF;
	v9 =	vand.u32 $0x3FF, v10  }
0x26f: {  	v9 =	vor.u32 v8, v9;
	_ =	sdelay $0x4  }
0x270: {  	[tilespmem:v9+s15+$0x0] =	vst.idx.add.s32.msk vm9, v5  }
0x271: {  	v9 =	vld [tilespmem:s1+$0x30];
	_ =	sdelay $0x4  }
0x272: {  	v10 =	vshrl.u32 v9, $0x14  }
0x273: {  	vm9 =	vgt.s32 v9, $0xFFFFFFFF;
	v9 =	vand.u32 $0x3FF, v10  }
0x274: {  	p0 =	sne.s32 s0, $0x4FF00;
	v9 =	vor.u32 v8, v9  }
.Ltmp20:
0x275: {  	_ = 	snop;
	(pc) =	sbr.rel @p0 .LBB2_39-.Ltmp20, $2  }
0x276: {  	_ =	sdelay $0x2  }
0x277: {  	s0 =	sadd.s32 $0x100, s0;
	[tilespmem:v9+s15+$0x0] =	vst.idx.add.s32.msk vm9, v5  }
0x278: {  	s0 =	simm.s32 $0x172F0  }
0x279: {  	v9 =	vld [tilespmem:s0+$0xFFFFE400]  }
0x27a: {  	v10 =	vld [tilespmem:s0+$0xFFFFE000]  }
0x27b: {  	v11 =	vld [tilespmem:s0+$0xFFFFE800]  }
0x27c: {  	v12 =	vld [tilespmem:s0+$0xFFFFEC00]  }
0x27d: {  	v13 =	vld [tilespmem:s0+$0xFFFFF000]  }
0x27e: {  	v14 =	vld [tilespmem:s0+$0xFFFFF400]  }
0x27f: {  	v9 =	vadd.s32 v10, v9;
	v10 =	vld [tilespmem:s0+$0xFFFFF800]  }
0x280: {  	v9 =	vadd.s32 v11, v9;
	v11 =	vld [tilespmem:s0+$0xFFFFFC00]  }
0x281: {  	v9 =	vadd.s32 v12, v9;
	v12 =	vld [tilespmem:s0+$0x0]  }
0x282: {  	v9 =	vadd.s32 v13, v9;
	v13 =	vld [tilespmem:s0+$0x400]  }
0x283: {  	v9 =	vadd.s32 v14, v9;
	v14 =	vld [tilespmem:s0+$0x800]  }
0x284: {  	v9 =	vadd.s32 v10, v9;
	v10 =	vld [tilespmem:s0+$0xC00]  }
0x285: {  	v9 =	vadd.s32 v11, v9;
	v11 =	vld [tilespmem:s0+$0x1000]  }
0x286: {  	v9 =	vadd.s32 v12, v9;
	v12 =	vld [tilespmem:s0+$0x1400]  }
0x287: {  	v9 =	vadd.s32 v13, v9;
	v13 =	vld [tilespmem:s0+$0x1800]  }
0x288: {  	v9 =	vadd.s32 v14, v9;
	v14 =	vld [tilespmem:s0+$0x1C00]  }
0x289: {  	v9 =	vadd.s32 v10, v9  }
0x28a: {  	v9 =	vadd.s32 v11, v9  }
0x28b: {  	v9 =	vadd.s32 v12, v9  }
0x28c: {  	v9 =	vadd.s32 v13, v9  }
0x28d: {  	v9 =	vadd.s32 v14, v9  }
0x28e: {  	v9 =	vperm.xlane v9, v2;
	_ =	sdelay $0x1  }
0x28f: {  	(xrf0) =	vadd.scan.msk.s32 $0xffff, v9;
	_ =	sdelay $0x5  }
0x290: {  	v9, _, _ =	vpop (xrf0)  }
0x291: {  	v9 =	vperm.xlane v9, v2  }
0x292: {  	s31 =	simm.s32 $0x0  }
0x293: {  	s1 =	simm.s32 $0x3F0;
	s29 =	simm.s32 $0x192F0;
	v9 =	vadd.s32 s31, v9  }
0x294: {  	s30 =	simm.s32 $0x172E0;
	v10 =	vor.u32 s1, v3;
	[tilespmem:s29+$0x0] =	vst v9;
	vm9 =	vgt.s32 v9, $0x12B;
	v9 =	vxor.u32 $0x80000000, v9  }
0x295: {  	v12 =	vld [tilespmem:s30+$0xFFFFE400];
	v10 =	vnsel vm9, $0x7FFFFFFF, v10;
	(xrf0) =	vmax.scan.msk.u32 $0xffff, v9  }
0x296: {  	v13 =	vld [tilespmem:s30+$0xFFFFE000];
	(xrf0) =	vmax.scan.msk.u32 $0xffff, v10  }
0x297: {  	v14 =	vld [tilespmem:s30+$0xFFFFE800]  }
0x298: {  	v15 =	vld [tilespmem:s30+$0xFFFFEC00]  }
0x299: {  	v11 =	vld [tilespmem:s30+$0xFFFFF000]  }
0x29a: {  	v9 =	vld [tilespmem:s30+$0xFFFFF400]  }
0x29b: {  	v10 =	vld [tilespmem:s30+$0xFFFFF800];
	v12 =	vadd.s32 v13, v12;
	v13, _, _ =	vpop (xrf0)  }
0x29c: {  	s28 =	simm.s32 $0xFFFFFFFF;
	v14 =	vadd.s32 v14, v12;
	v12 =	vld [tilespmem:s30+$0xFFFFFC00];
	v16, _, _ =	vpop (xrf0);
	(v2sf) =	vpush v13, $0xF  }
0x29d: {  	s26 =	simm.s32 $0x3E0;
	s25 =	simm.s32 $0x3D0;
	s0 =	simm.s32 $0x3C0;
	v14 =	vadd.s32 v15, v14;
	v13 =	vld [tilespmem:s30+$0x0];
	(v2sf) =	vpush v16, $0xF  }
.LBB2_41:
0x29e: {  	s1 =	smov.u32 s28  }
0x29f: {  	p0 =	sne.s32 s0, $0x0;
	v11 =	vadd.s32 v11, v14;
	v14 =	vld [tilespmem:s30+$0x400]  }
0x2a0: {  	v9 =	vadd.s32 v9, v11;
	v11 =	vld [tilespmem:s30+$0x800]  }
0x2a1: {  	v9 =	vadd.s32 v10, v9;
	v10 =	vld [tilespmem:s30+$0xC00]  }
0x2a2: {  	v9 =	vadd.s32 v12, v9;
	v12 =	vld [tilespmem:s30+$0x1000]  }
0x2a3: {  	v9 =	vadd.s32 v13, v9;
	v13 =	vld [tilespmem:s30+$0x1400]  }
0x2a4: {  	v9 =	vadd.s32 v14, v9;
	v14 =	vld [tilespmem:s30+$0x1800]  }
0x2a5: {  	v9 =	vadd.s32 v11, v9;
	v11 =	vld [tilespmem:s30+$0x1C00]  }
0x2a6: {  	v9 =	vadd.s32 v10, v9  }
0x2a7: {  	v9 =	vadd.s32 v12, v9  }
0x2a8: {  	v9 =	vadd.s32 v13, v9  }
0x2a9: {  	v9 =	vadd.s32 v14, v9  }
0x2aa: {  	v9 =	vadd.s32 v11, v9  }
0x2ab: {  	v9 =	vperm.xlane v9, v2  }
0x2ac: {  	s3 =	spop (v2sf)  }
0x2ad: {  	(xrf0) =	vadd.scan.msk.s32 $0xffff, v9;
	s3 =	sxor.u32 $0x80000000, s3;
	s22 =	spop (v2sf)  }
0x2ae: {  	s28 =	sxor.u32 $0x80000000, s22  }
0x2af: {  	p1 =	sgt.s32 s1, s28  }
0x2b0: {  	s28 =	smov.u32 @p1 s1;
	_ =	sdelay $0x2  }
0x2b1: {  	v9, _, _ =	vpop (xrf0)  }
0x2b2: {  	v9 =	vperm.xlane v9, v2;
	_ =	sdelay $0x1  }
0x2b3: {  	s29 =	sadd.s32 $0xFFFFFFF0, s29;
	v9 =	vadd.s32 s3, v9  }
0x2b4: {  	s30 =	sadd.s32 $0xFFFFFFF0, s30;
	v10 =	vor.u32 s26, v3;
	s26 =	smov.u32 s25;
	s25 =	smov.u32 s0;
	[tilespmem:s29+$0x0] =	vst v9;
	vm9 =	vgt.s32 v9, $0x12B;
	v9 =	vxor.u32 $0x80000000, v9  }
0x2b5: {  	v12 =	vld [tilespmem:s30+$0xFFFFE400];
	v10 =	vnsel vm9, $0x7FFFFFFF, v10;
	(xrf0) =	vmax.scan.msk.u32 $0xffff, v9  }
0x2b6: {  	v13 =	vld [tilespmem:s30+$0xFFFFE000];
	(xrf0) =	vmax.scan.msk.u32 $0xffff, v10  }
0x2b7: {  	v14 =	vld [tilespmem:s30+$0xFFFFE800]  }
0x2b8: {  	v15 =	vld [tilespmem:s30+$0xFFFFEC00]  }
.Ltmp21:
0x2b9: {  	v11 =	vld [tilespmem:s30+$0xFFFFF000];
	(pc) =	sbr.rel @p0 .LBB2_41-.Ltmp21, $4  }
0x2ba: {  	v9 =	vld [tilespmem:s30+$0xFFFFF400]  }
0x2bb: {  	v12 =	vadd.s32 v13, v12;
	v10 =	vld [tilespmem:s30+$0xFFFFF800];
	v13, _, _ =	vpop (xrf0)  }
0x2bc: {  	v14 =	vadd.s32 v14, v12;
	v12 =	vld [tilespmem:s30+$0xFFFFFC00];
	v16, _, _ =	vpop (xrf0);
	(v2sf) =	vpush v13, $0xF  }
0x2bd: {  	s0 =	sadd.s32 $0xFFFFFFF0, s0;
	v14 =	vadd.s32 v15, v14;
	v13 =	vld [tilespmem:s30+$0x0];
	(v2sf) =	vpush v16, $0xF  }
0x2be: {  	v11 =	vadd.s32 v11, v14;
	v48 =	vld [tilespmem:s30+$0x400]  }
0x2bf: {  	v9 =	vadd.s32 v9, v11;
	v11 =	vld [tilespmem:s30+$0x800]  }
0x2c0: {  	v9 =	vadd.s32 v10, v9;
	v10 =	vld [tilespmem:s30+$0xC00]  }
0x2c1: {  	v49 =	vld [tilespmem:s30+$0x1000];
	v9 =	vadd.s32 v12, v9  }
0x2c2: {  	v50 =	vld [tilespmem:s30+$0x1400];
	v9 =	vadd.s32 v13, v9  }
0x2c3: {  	v51 =	vld [tilespmem:s30+$0x1800];
	v9 =	vadd.s32 v48, v9  }
0x2c4: {  	v9 =	vadd.s32 v11, v9;
	v11 =	vld [tilespmem:s30+$0x1C00]  }
0x2c5: {  	v9 =	vadd.s32 v10, v9  }
0x2c6: {  	v9 =	vadd.s32 v49, v9  }
0x2c7: {  	v9 =	vadd.s32 v50, v9  }
0x2c8: {  	v9 =	vadd.s32 v51, v9  }
0x2c9: {  	v9 =	vadd.s32 v11, v9  }
0x2ca: {  	v9 =	vperm.xlane v9, v2;
	_ =	sdelay $0x1  }
0x2cb: {  	(xrf0) =	vadd.scan.msk.s32 $0xffff, v9;
	_ =	sdelay $0x5  }
0x2cc: {  	v9, _, _ =	vpop (xrf0)  }
0x2cd: {  	s0 =	spop (v2sf);
	v9 =	vperm.xlane v9, v2  }
0x2ce: {  	s0 =	sxor.u32 $0x80000000, s0  }
0x2cf: {  	s29 =	sadd.s32 $0xFFFFFFF0, s29;
	v9 =	vadd.s32 s0, v9  }
0x2d0: {  	s1 =	sadd.s32 $0xFFFFFFF0, s30;
	[tilespmem:s29+$0x0] =	vst v9  }
0x2d1: {  	v10 =	vld [tilespmem:s1+$0xFFFFE400]  }
0x2d2: {  	v11 =	vld [tilespmem:s1+$0xFFFFE000]  }
0x2d3: {  	v52 =	vld [tilespmem:s1+$0xFFFFE800]  }
0x2d4: {  	v53 =	vld [tilespmem:s1+$0xFFFFEC00]  }
0x2d5: {  	v54 =	vld [tilespmem:s1+$0xFFFFF000]  }
0x2d6: {  	v15 =	vld [tilespmem:s1+$0xFFFFF400]  }
0x2d7: {  	v10 =	vadd.s32 v11, v10;
	v11 =	vld [tilespmem:s1+$0xFFFFF800]  }
0x2d8: {  	v16 =	vxor.u32 $0x80000000, v9;
	v55 =	vld [tilespmem:s1+$0xFFFFFC00];
	v10 =	vadd.s32 v52, v10  }
0x2d9: {  	(xrf0) =	vmax.scan.msk.u32 $0xffff, v16;
	v56 =	vld [tilespmem:s1+$0x0];
	v10 =	vadd.s32 v53, v10  }
0x2da: {  	v57 =	vld [tilespmem:s1+$0x400];
	v10 =	vadd.s32 v54, v10  }
0x2db: {  	v58 =	vld [tilespmem:s1+$0x800];
	v10 =	vadd.s32 v15, v10  }
0x2dc: {  	v10 =	vadd.s32 v11, v10;
	v11 =	vld [tilespmem:s1+$0xC00]  }
0x2dd: {  	v59 =	vld [tilespmem:s1+$0x1000];
	v10 =	vadd.s32 v55, v10  }
0x2de: {  	v60 =	vld [tilespmem:s1+$0x1400];
	v10 =	vadd.s32 v56, v10  }
0x2df: {  	v61 =	vld [tilespmem:s1+$0x1800];
	v16, _, _ =	vpop (xrf0);
	v10 =	vadd.s32 v57, v10  }
0x2e0: {  	v62 =	vld [tilespmem:s1+$0x1C00];
	(v2sf) =	vpush v16, $0xF;
	v10 =	vadd.s32 v58, v10  }
0x2e1: {  	v10 =	vadd.s32 v11, v10  }
0x2e2: {  	v10 =	vadd.s32 v59, v10  }
0x2e3: {  	v10 =	vadd.s32 v60, v10  }
0x2e4: {  	v10 =	vadd.s32 v61, v10  }
0x2e5: {  	vm9 =	vgt.s32 v9, $0x12B;
	v9 =	vor.u32 s26, v3;
	v10 =	vadd.s32 v62, v10  }
0x2e6: {  	v9 =	vnsel vm9, $0x7FFFFFFF, v9;
	v10 =	vperm.xlane v10, v2  }
0x2e7: {  	(xrf0) =	vmax.scan.msk.u32 $0xffff, v9  }
0x2e8: {  	(xrf0) =	vadd.scan.msk.s32 $0xffff, v10;
	_ =	sdelay $0x4  }
0x2e9: {  	v9, _, _ =	vpop (xrf0)  }
0x2ea: {  	s30 =	spop (v2sf);
	v10, _, _ =	vpop (xrf0)  }
0x2eb: {  	s3 =	spop (v2sf);
	v10 =	vperm.xlane v10, v2  }
0x2ec: {  	s3 =	sxor.u32 $0x80000000, s3  }
0x2ed: {  	v10 =	vadd.s32 s3, v10  }
0x2ee: {  	v11 =	vor.u32 s25, v3;
	vm9 =	vgt.s32 v10, $0x12B;
	v63 =	vxor.u32 $0x80000000, v10  }
0x2ef: {  	v11 =	vnsel vm9, $0x7FFFFFFF, v11;
	(xrf0) =	vmax.scan.msk.u32 $0xffff, v63  }
0x2f0: {  	(xrf0) =	vmax.scan.msk.u32 $0xffff, v11;
	_ =	sdelay $0x4  }
0x2f1: {  	(v2sf) =	vpush v9, $0xF;
	v9, _, _ =	vpop (xrf0)  }
0x2f2: {  	v11, _, _ =	vpop (xrf0);
	(v2sf) =	vpush v9, $0xF  }
0x2f3: {  	(v2sf) =	vpush v11, $0xF;
	_ =	sdelay $0xb  }
0x2f4: {  	s1 =	sxor.u32 $0x80000000, s30  }
0x2f5: {  	p0 =	sgt.s32 s28, s1;
	s31 =	spop (v2sf)  }
0x2f6: {  	s1 =	smov.u32 @p0 s28;
	s3 =	sxor.u32 $0x80000000, s31;
	s22 =	spop (v2sf)  }
0x2f7: {  	p0 =	sgt.s32 s1, s3;
	s22 =	spop (v2sf)  }
0x2f8: {  	s3 =	smov.u32 @p0 s1;
	s1 =	sxor.u32 $0x80000000, s22  }
0x2f9: {  	p0 =	sgt.s32 s3, s1  }
0x2fa: {  	s1 =	smov.u32 @p0 s3  }
0x2fb: {  	s3 =	sadd.s32 $0x1, s1  }
0x2fc: {  	v9 =	vmov s3;
	_ =	sdelay $0x2  }
0x2fd: {  	s0 =	sadd.s32 $0xFFFFFFF0, s29  }
0x2fe: {  	[tilespmem:s0+$0x0] =	vst v10  }
0x2ff: {  	s0 =	simm.s32 $0x40;
	s22 =	simm.s32 $0x0;
	v9 =	vld.idx.msk [tilespmem:v9+s16+$0x0], $0xffff  }
.LBB2_43:
0x300: {  	p0 =	seq.s32 s0, $0xFFC0;
	[tilespmem:s22+$0x14F00] =	vst v1;
	s3 =	smov.u32 s0;
	s0 =	sadd.s32 $0x40, s0  }
.Ltmp22:
0x301: {  	(pc) =	sbr.rel @!p0 .LBB2_43-.Ltmp22, $2  }
0x302: {  	_ =	sdelay $0x2  }
0x303: {  	s22 =	sshra.s32 s3, $0x2  }
0x304: {  	s25 =	sshll.u32 s1, $0x14  }
0x305: {  	[tilespmem:s22+$0x14F00] =	vst v1;
	s1 =	simm.s32 $0x0;
	s0 =	simm.s32 $0x40;
	v10 =	vmov s25  }
.LBB2_45:
0x306: {  	p0 =	seq.s32 s0, $0x4FFC0;
	v11 =	vld [tilespmem:s1+$0x0];
	_ =	sdelay $0x4  }
0x307: {  	v12 =	vand.u32 $0x3FF00000, v11  }
0x308: {  	vm9 =	vgt.s32 v11, $0xFFFFFFFF;
	v11 =	vshrl.u32 v11, $0xA;
	vm10 =	veq.s32 v12, v10  }
0x309: {  	v11 =	vand.u32 $0x3FF, v11;
	vm9 =	vmand vm9, vm10  }
0x30a: {  	v11 =	vor.u32 v8, v11  }
.Ltmp23:
0x30b: {  	(pc) =	sbr.rel @!p0 .LBB2_45-.Ltmp23, $2  }
0x30c: {  	_ =	sdelay $0x2  }
0x30d: {  	s1 =	sshra.s32 s0, $0x2;
	s0 =	sadd.s32 $0x40, s0;
	[tilespmem:v11+s15+$0x0] =	vst.idx.add.s32.msk vm9, v5  }
0x30e: {  	v11 =	vld [tilespmem:s1+$0x0];
	_ =	sdelay $0x4  }
0x30f: {  	v12 =	vand.u32 $0x3FF00000, v11  }
0x310: {  	vm9 =	vgt.s32 v11, $0xFFFFFFFF;
	vm10 =	veq.s32 v12, v10;
	v10 =	vshrl.u32 v11, $0xA  }
0x311: {  	vm9 =	vmand vm9, vm10;
	v10 =	vand.u32 $0x3FF, v10  }
0x312: {  	v10 =	vor.u32 v8, v10;
	_ =	sdelay $0x4  }
0x313: {  	s22 =	simm.s32 $0x172F0;
	[tilespmem:v10+s15+$0x0] =	vst.idx.add.s32.msk vm9, v5  }
0x314: {  	v10 =	vld [tilespmem:s22+$0xFFFFE400]  }
0x315: {  	v11 =	vld [tilespmem:s22+$0xFFFFE000]  }
0x316: {  	v12 =	vld [tilespmem:s22+$0xFFFFE800]  }
0x317: {  	v13 =	vld [tilespmem:s22+$0xFFFFEC00]  }
0x318: {  	v14 =	vld [tilespmem:s22+$0xFFFFF000]  }
0x319: {  	v15 =	vld [tilespmem:s22+$0xFFFFF400]  }
0x31a: {  	v9 =	vxor.u32 $0x80000000, v9;
	v10 =	vadd.s32 v11, v10;
	v11 =	vld [tilespmem:s22+$0xFFFFF800]  }
0x31b: {  	(xrf0) =	vmax.scan.msk.u32 $0xffff, v9;
	v10 =	vadd.s32 v12, v10;
	v12 =	vld [tilespmem:s22+$0xFFFFFC00]  }
0x31c: {  	v10 =	vadd.s32 v13, v10;
	v13 =	vld [tilespmem:s22+$0x0]  }
0x31d: {  	v10 =	vadd.s32 v14, v10;
	v14 =	vld [tilespmem:s22+$0x400]  }
0x31e: {  	v10 =	vadd.s32 v15, v10;
	v15 =	vld [tilespmem:s22+$0x800]  }
0x31f: {  	v10 =	vadd.s32 v11, v10;
	v11 =	vld [tilespmem:s22+$0xC00]  }
0x320: {  	v10 =	vadd.s32 v12, v10;
	v12 =	vld [tilespmem:s22+$0x1000]  }
0x321: {  	v9, _, _ =	vpop (xrf0);
	v10 =	vadd.s32 v13, v10;
	v13 =	vld [tilespmem:s22+$0x1400]  }
0x322: {  	(v2sf) =	vpush v9, $0xF;
	v10 =	vadd.s32 v14, v10;
	v14 =	vld [tilespmem:s22+$0x1800]  }
0x323: {  	v10 =	vadd.s32 v15, v10;
	v15 =	vld [tilespmem:s22+$0x1C00]  }
0x324: {  	v10 =	vadd.s32 v11, v10  }
0x325: {  	v10 =	vadd.s32 v12, v10  }
0x326: {  	v10 =	vadd.s32 v13, v10  }
0x327: {  	v10 =	vadd.s32 v14, v10  }
0x328: {  	v10 =	vadd.s32 v15, v10  }
0x329: {  	v10 =	vperm.xlane v10, v2;
	_ =	sdelay $0x1  }
0x32a: {  	(xrf0) =	vadd.scan.msk.s32 $0xffff, v10;
	_ =	sdelay $0x5  }
0x32b: {  	s0 =	spop (v2sf);
	v10, _, _ =	vpop (xrf0)  }
0x32c: {  	s0 =	sxor.u32 $0x80000000, s0;
	v10 =	vperm.xlane v10, v2  }
0x32d: {  	s23 =	simm.s32 $0x0;
	s26 =	ssub.s32 $0x12C, s0  }
0x32e: {  	s24 =	simm.s32 $0x3F0;
	s29 =	simm.s32 $0x192F0;
	v9 =	vmov s26;
	v10 =	vadd.s32 s23, v10  }
0x32f: {  	s0 =	simm.s32 $0x172E0;
	v11 =	vor.u32 s24, v3;
	[tilespmem:s29+$0x0] =	vst v10;
	vm9 =	vlt.s32 v10, v9;
	v10 =	vxor.u32 $0x80000000, v10  }
0x330: {  	v13 =	vld [tilespmem:s0+$0xFFFFE400];
	v11 =	vsel vm9, $0x7FFFFFFF, v11;
	(xrf0) =	vmax.scan.msk.u32 $0xffff, v10  }
0x331: {  	v14 =	vld [tilespmem:s0+$0xFFFFE000];
	(xrf0) =	vmax.scan.msk.u32 $0xffff, v11  }
0x332: {  	v15 =	vld [tilespmem:s0+$0xFFFFE800]  }
0x333: {  	v16 =	vld [tilespmem:s0+$0xFFFFEC00]  }
0x334: {  	v12 =	vld [tilespmem:s0+$0xFFFFF000]  }
0x335: {  	v10 =	vld [tilespmem:s0+$0xFFFFF400]  }
0x336: {  	v11 =	vld [tilespmem:s0+$0xFFFFF800];
	v13 =	vadd.s32 v14, v13;
	v14, _, _ =	vpop (xrf0)  }
0x337: {  	s28 =	simm.s32 $0xFFFFFFFF;
	v15 =	vadd.s32 v15, v13;
	v13 =	vld [tilespmem:s0+$0xFFFFFC00];
	v17, _, _ =	vpop (xrf0);
	(v2sf) =	vpush v14, $0xF  }
0x338: {  	s31 =	simm.s32 $0x3E0;
	s30 =	simm.s32 $0x3D0;
	s1 =	simm.s32 $0x3C0;
	v15 =	vadd.s32 v16, v15;
	v14 =	vld [tilespmem:s0+$0x0];
	(v2sf) =	vpush v17, $0xF  }
.LBB2_47:
0x339: {  	s3 =	smov.u32 s28  }
0x33a: {  	p0 =	sne.s32 s1, $0x0;
	v12 =	vadd.s32 v12, v15;
	v15 =	vld [tilespmem:s0+$0x400]  }
0x33b: {  	v10 =	vadd.s32 v10, v12;
	v12 =	vld [tilespmem:s0+$0x800]  }
0x33c: {  	v10 =	vadd.s32 v11, v10;
	v11 =	vld [tilespmem:s0+$0xC00]  }
0x33d: {  	v10 =	vadd.s32 v13, v10;
	v13 =	vld [tilespmem:s0+$0x1000]  }
0x33e: {  	v10 =	vadd.s32 v14, v10;
	v14 =	vld [tilespmem:s0+$0x1400]  }
0x33f: {  	v10 =	vadd.s32 v15, v10;
	v15 =	vld [tilespmem:s0+$0x1800]  }
0x340: {  	v10 =	vadd.s32 v12, v10;
	v12 =	vld [tilespmem:s0+$0x1C00]  }
0x341: {  	v10 =	vadd.s32 v11, v10  }
0x342: {  	v10 =	vadd.s32 v13, v10  }
0x343: {  	v10 =	vadd.s32 v14, v10  }
0x344: {  	v10 =	vadd.s32 v15, v10  }
0x345: {  	v10 =	vadd.s32 v12, v10  }
0x346: {  	v10 =	vperm.xlane v10, v2  }
0x347: {  	s22 =	spop (v2sf)  }
0x348: {  	(xrf0) =	vadd.scan.msk.s32 $0xffff, v10;
	s22 =	sxor.u32 $0x80000000, s22;
	s23 =	spop (v2sf)  }
0x349: {  	s28 =	sxor.u32 $0x80000000, s23  }
0x34a: {  	p1 =	sgt.s32 s3, s28  }
0x34b: {  	s28 =	smov.u32 @p1 s3;
	_ =	sdelay $0x2  }
0x34c: {  	v10, _, _ =	vpop (xrf0)  }
0x34d: {  	v10 =	vperm.xlane v10, v2;
	_ =	sdelay $0x1  }
0x34e: {  	s29 =	sadd.s32 $0xFFFFFFF0, s29;
	v10 =	vadd.s32 s22, v10  }
0x34f: {  	s0 =	sadd.s32 $0xFFFFFFF0, s0;
	v11 =	vor.u32 s31, v3;
	s31 =	smov.u32 s30;
	s30 =	smov.u32 s1;
	[tilespmem:s29+$0x0] =	vst v10;
	vm9 =	vlt.s32 v10, v9;
	v10 =	vxor.u32 $0x80000000, v10  }
0x350: {  	v13 =	vld [tilespmem:s0+$0xFFFFE400];
	v11 =	vsel vm9, $0x7FFFFFFF, v11;
	(xrf0) =	vmax.scan.msk.u32 $0xffff, v10  }
0x351: {  	v14 =	vld [tilespmem:s0+$0xFFFFE000];
	(xrf0) =	vmax.scan.msk.u32 $0xffff, v11  }
0x352: {  	v15 =	vld [tilespmem:s0+$0xFFFFE800]  }
0x353: {  	v16 =	vld [tilespmem:s0+$0xFFFFEC00]  }
.Ltmp24:
0x354: {  	v12 =	vld [tilespmem:s0+$0xFFFFF000];
	(pc) =	sbr.rel @p0 .LBB2_47-.Ltmp24, $4  }
0x355: {  	v10 =	vld [tilespmem:s0+$0xFFFFF400]  }
0x356: {  	v13 =	vadd.s32 v14, v13;
	v11 =	vld [tilespmem:s0+$0xFFFFF800];
	v14, _, _ =	vpop (xrf0)  }
0x357: {  	v15 =	vadd.s32 v15, v13;
	v13 =	vld [tilespmem:s0+$0xFFFFFC00];
	v17, _, _ =	vpop (xrf0);
	(v2sf) =	vpush v14, $0xF  }
0x358: {  	s1 =	sadd.s32 $0xFFFFFFF0, s1;
	v15 =	vadd.s32 v16, v15;
	v14 =	vld [tilespmem:s0+$0x0];
	(v2sf) =	vpush v17, $0xF  }
0x359: {  	v12 =	vadd.s32 v12, v15;
	v43 =	vld [tilespmem:s0+$0x400]  }
0x35a: {  	v44 =	vld [tilespmem:s0+$0x800];
	v10 =	vadd.s32 v10, v12  }
0x35b: {  	v10 =	vadd.s32 v11, v10;
	v11 =	vld [tilespmem:s0+$0xC00]  }
0x35c: {  	v45 =	vld [tilespmem:s0+$0x1000];
	v10 =	vadd.s32 v13, v10  }
0x35d: {  	v46 =	vld [tilespmem:s0+$0x1400];
	v10 =	vadd.s32 v14, v10  }
0x35e: {  	v47 =	vld [tilespmem:s0+$0x1800];
	v10 =	vadd.s32 v43, v10  }
0x35f: {  	v48 =	vld [tilespmem:s0+$0x1C00];
	v10 =	vadd.s32 v44, v10  }
0x360: {  	v10 =	vadd.s32 v11, v10  }
0x361: {  	v10 =	vadd.s32 v45, v10  }
0x362: {  	v10 =	vadd.s32 v46, v10  }
0x363: {  	v10 =	vadd.s32 v47, v10  }
0x364: {  	v10 =	vadd.s32 v48, v10  }
0x365: {  	v10 =	vperm.xlane v10, v2;
	_ =	sdelay $0x1  }
0x366: {  	(xrf0) =	vadd.scan.msk.s32 $0xffff, v10;
	_ =	sdelay $0x5  }
0x367: {  	v10, _, _ =	vpop (xrf0)  }
0x368: {  	s1 =	spop (v2sf);
	v10 =	vperm.xlane v10, v2  }
0x369: {  	s1 =	sxor.u32 $0x80000000, s1  }
0x36a: {  	s23 =	sadd.s32 $0xFFFFFFF0, s29;
	v10 =	vadd.s32 s1, v10  }
0x36b: {  	s24 =	sadd.s32 $0xFFFFFFF0, s0;
	[tilespmem:s23+$0x0] =	vst v10  }
0x36c: {  	v11 =	vld [tilespmem:s24+$0xFFFFE400]  }
0x36d: {  	v49 =	vld [tilespmem:s24+$0xFFFFE000]  }
0x36e: {  	v50 =	vld [tilespmem:s24+$0xFFFFE800]  }
0x36f: {  	v51 =	vld [tilespmem:s24+$0xFFFFEC00]  }
0x370: {  	v52 =	vld [tilespmem:s24+$0xFFFFF000]  }
0x371: {  	v16 =	vld [tilespmem:s24+$0xFFFFF400]  }
0x372: {  	v53 =	vld [tilespmem:s24+$0xFFFFF800];
	v11 =	vadd.s32 v49, v11  }
0x373: {  	v17 =	vxor.u32 $0x80000000, v10;
	v54 =	vld [tilespmem:s24+$0xFFFFFC00];
	v11 =	vadd.s32 v50, v11  }
0x374: {  	(xrf0) =	vmax.scan.msk.u32 $0xffff, v17;
	v55 =	vld [tilespmem:s24+$0x0];
	v11 =	vadd.s32 v51, v11  }
0x375: {  	v56 =	vld [tilespmem:s24+$0x400];
	v11 =	vadd.s32 v52, v11  }
0x376: {  	v57 =	vld [tilespmem:s24+$0x800];
	v11 =	vadd.s32 v16, v11  }
0x377: {  	v58 =	vld [tilespmem:s24+$0xC00];
	v11 =	vadd.s32 v53, v11  }
0x378: {  	v59 =	vld [tilespmem:s24+$0x1000];
	v11 =	vadd.s32 v54, v11  }
0x379: {  	v60 =	vld [tilespmem:s24+$0x1400];
	v11 =	vadd.s32 v55, v11  }
0x37a: {  	v61 =	vld [tilespmem:s24+$0x1800];
	v17, _, _ =	vpop (xrf0);
	v11 =	vadd.s32 v56, v11  }
0x37b: {  	v62 =	vld [tilespmem:s24+$0x1C00];
	(v2sf) =	vpush v17, $0xF;
	v11 =	vadd.s32 v57, v11  }
0x37c: {  	v11 =	vadd.s32 v58, v11  }
0x37d: {  	v11 =	vadd.s32 v59, v11  }
0x37e: {  	v11 =	vadd.s32 v60, v11  }
0x37f: {  	v11 =	vadd.s32 v61, v11  }
0x380: {  	vm9 =	vlt.s32 v10, v9;
	v10 =	vor.u32 s31, v3;
	v11 =	vadd.s32 v62, v11  }
0x381: {  	v10 =	vsel vm9, $0x7FFFFFFF, v10;
	v11 =	vperm.xlane v11, v2  }
0x382: {  	(xrf0) =	vmax.scan.msk.u32 $0xffff, v10  }
0x383: {  	(xrf0) =	vadd.scan.msk.s32 $0xffff, v11;
	_ =	sdelay $0x4  }
0x384: {  	v10, _, _ =	vpop (xrf0)  }
0x385: {  	s29 =	spop (v2sf);
	v11, _, _ =	vpop (xrf0)  }
0x386: {  	s3 =	spop (v2sf);
	v11 =	vperm.xlane v11, v2  }
0x387: {  	s3 =	sxor.u32 $0x80000000, s3  }
0x388: {  	v11 =	vadd.s32 s3, v11  }
0x389: {  	vm9 =	vlt.s32 v11, v9;
	v9 =	vor.u32 s30, v3;
	v63 =	vxor.u32 $0x80000000, v11  }
0x38a: {  	v9 =	vsel vm9, $0x7FFFFFFF, v9;
	(xrf0) =	vmax.scan.msk.u32 $0xffff, v63  }
0x38b: {  	(xrf0) =	vmax.scan.msk.u32 $0xffff, v9;
	_ =	sdelay $0x4  }
0x38c: {  	(v2sf) =	vpush v10, $0xF;
	v9, _, _ =	vpop (xrf0)  }
0x38d: {  	v10, _, _ =	vpop (xrf0);
	(v2sf) =	vpush v9, $0xF  }
0x38e: {  	(v2sf) =	vpush v10, $0xF;
	_ =	sdelay $0xb  }
0x38f: {  	s0 =	sxor.u32 $0x80000000, s29  }
0x390: {  	p0 =	sgt.s32 s28, s0;
	s31 =	spop (v2sf)  }
0x391: {  	s0 =	smov.u32 @p0 s28;
	s3 =	sxor.u32 $0x80000000, s31;
	s22 =	spop (v2sf)  }
0x392: {  	p0 =	sgt.s32 s0, s3;
	s22 =	spop (v2sf)  }
0x393: {  	s3 =	smov.u32 @p0 s0;
	s0 =	sxor.u32 $0x80000000, s22  }
0x394: {  	p0 =	sgt.s32 s3, s0  }
0x395: {  	s0 =	smov.u32 @p0 s3  }
0x396: {  	s3 =	sadd.s32 $0x1, s0  }
0x397: {  	v9 =	vmov s3;
	_ =	sdelay $0x2  }
0x398: {  	s1 =	sadd.s32 $0xFFFFFFF0, s23  }
0x399: {  	[tilespmem:s1+$0x0] =	vst v11  }
0x39a: {  	s1 =	simm.s32 $0x40;
	s22 =	simm.s32 $0x0;
	v9 =	vld.idx.msk [tilespmem:v9+s16+$0x0], $0xffff  }
.LBB2_49:
0x39b: {  	p0 =	seq.s32 s1, $0xFFC0;
	[tilespmem:s22+$0x14F00] =	vst v1;
	s3 =	smov.u32 s1;
	s1 =	sadd.s32 $0x40, s1  }
.Ltmp25:
0x39c: {  	(pc) =	sbr.rel @!p0 .LBB2_49-.Ltmp25, $2  }
0x39d: {  	_ =	sdelay $0x2  }
0x39e: {  	s22 =	sshra.s32 s3, $0x2  }
0x39f: {  	s0 =	sshll.u32 s0, $0xA  }
0x3a0: {  	s25 =	sor.u32 s25, s0  }
0x3a1: {  	[tilespmem:s22+$0x14F00] =	vst v1;
	s1 =	simm.s32 $0x0;
	s0 =	simm.s32 $0x40;
	v10 =	vmov s25  }
.LBB2_51:
0x3a2: {  	p0 =	seq.s32 s0, $0x4FFC0;
	v11 =	vld [tilespmem:s1+$0x0];
	_ =	sdelay $0x4  }
0x3a3: {  	v12 =	vand.u32 $0x3FFFFC00, v11  }
0x3a4: {  	vm9 =	vgt.s32 v11, $0xFFFFFFFF;
	vm10 =	veq.s32 v12, v10  }
0x3a5: {  	v11 =	vand.u32 $0x3FF, v11;
	vm9 =	vmand vm9, vm10  }
0x3a6: {  	v11 =	vor.u32 v8, v11  }
.Ltmp26:
0x3a7: {  	(pc) =	sbr.rel @!p0 .LBB2_51-.Ltmp26, $2  }
0x3a8: {  	_ =	sdelay $0x2  }
0x3a9: {  	s1 =	sshra.s32 s0, $0x2;
	s0 =	sadd.s32 $0x40, s0;
	[tilespmem:v11+s15+$0x0] =	vst.idx.add.s32.msk vm9, v5  }
0x3aa: {  	v11 =	vld [tilespmem:s1+$0x0];
	_ =	sdelay $0x4  }
0x3ab: {  	v12 =	vand.u32 $0x3FFFFC00, v11  }
0x3ac: {  	vm9 =	vgt.s32 v11, $0xFFFFFFFF;
	vm10 =	veq.s32 v12, v10  }
0x3ad: {  	v10 =	vand.u32 $0x3FF, v11;
	vm9 =	vmand vm9, vm10  }
0x3ae: {  	v8 =	vor.u32 v8, v10;
	_ =	sdelay $0x4  }
0x3af: {  	s22 =	simm.s32 $0x172F0;
	[tilespmem:v8+s15+$0x0] =	vst.idx.add.s32.msk vm9, v5  }
0x3b0: {  	v8 =	vxor.u32 $0x80000000, v9;
	v9 =	vld [tilespmem:s22+$0xFFFFE400]  }
0x3b1: {  	v10 =	vld [tilespmem:s22+$0xFFFFE000]  }
0x3b2: {  	v11 =	vld [tilespmem:s22+$0xFFFFE800]  }
0x3b3: {  	v12 =	vld [tilespmem:s22+$0xFFFFEC00]  }
0x3b4: {  	v13 =	vld [tilespmem:s22+$0xFFFFF000]  }
0x3b5: {  	v14 =	vld [tilespmem:s22+$0xFFFFF400]  }
0x3b6: {  	v9 =	vadd.s32 v10, v9;
	v10 =	vld [tilespmem:s22+$0xFFFFF800]  }
0x3b7: {  	(xrf0) =	vmax.scan.msk.u32 $0xffff, v8;
	v9 =	vadd.s32 v11, v9;
	v11 =	vld [tilespmem:s22+$0xFFFFFC00]  }
0x3b8: {  	v9 =	vadd.s32 v12, v9;
	v12 =	vld [tilespmem:s22+$0x0]  }
0x3b9: {  	v9 =	vadd.s32 v13, v9;
	v13 =	vld [tilespmem:s22+$0x400]  }
0x3ba: {  	v9 =	vadd.s32 v14, v9;
	v14 =	vld [tilespmem:s22+$0x800]  }
0x3bb: {  	v9 =	vadd.s32 v10, v9;
	v10 =	vld [tilespmem:s22+$0xC00]  }
0x3bc: {  	v9 =	vadd.s32 v11, v9;
	v11 =	vld [tilespmem:s22+$0x1000]  }
0x3bd: {  	v8, _, _ =	vpop (xrf0);
	v9 =	vadd.s32 v12, v9;
	v12 =	vld [tilespmem:s22+$0x1400]  }
0x3be: {  	(v2sf) =	vpush v8, $0xF;
	v9 =	vadd.s32 v13, v9;
	v13 =	vld [tilespmem:s22+$0x1800]  }
0x3bf: {  	v9 =	vadd.s32 v14, v9;
	v14 =	vld [tilespmem:s22+$0x1C00]  }
0x3c0: {  	v9 =	vadd.s32 v10, v9  }
0x3c1: {  	v9 =	vadd.s32 v11, v9  }
0x3c2: {  	v9 =	vadd.s32 v12, v9  }
0x3c3: {  	v9 =	vadd.s32 v13, v9  }
0x3c4: {  	v9 =	vadd.s32 v14, v9  }
0x3c5: {  	v9 =	vperm.xlane v9, v2;
	_ =	sdelay $0x1  }
0x3c6: {  	(xrf0) =	vadd.scan.msk.s32 $0xffff, v9;
	_ =	sdelay $0x5  }
0x3c7: {  	s0 =	spop (v2sf);
	v9, _, _ =	vpop (xrf0)  }
0x3c8: {  	s0 =	sxor.u32 $0x80000000, s0;
	v9 =	vperm.xlane v9, v2  }
0x3c9: {  	s23 =	simm.s32 $0x0;
	s26 =	ssub.s32 s26, s0  }
0x3ca: {  	s24 =	simm.s32 $0x3F0;
	s29 =	simm.s32 $0x192F0;
	v8 =	vmov s26;
	v9 =	vadd.s32 s23, v9  }
0x3cb: {  	v10 =	vor.u32 s24, v3;
	s0 =	simm.s32 $0x172E0;
	[tilespmem:s29+$0x0] =	vst v9;
	vm9 =	vlt.s32 v9, v8;
	v9 =	vxor.u32 $0x80000000, v9  }
0x3cc: {  	v12 =	vld [tilespmem:s0+$0xFFFFE400];
	v10 =	vsel vm9, $0x7FFFFFFF, v10;
	(xrf0) =	vmax.scan.msk.u32 $0xffff, v9  }
0x3cd: {  	v13 =	vld [tilespmem:s0+$0xFFFFE000];
	(xrf0) =	vmax.scan.msk.u32 $0xffff, v10  }
0x3ce: {  	v14 =	vld [tilespmem:s0+$0xFFFFE800]  }
0x3cf: {  	v15 =	vld [tilespmem:s0+$0xFFFFEC00]  }
0x3d0: {  	v11 =	vld [tilespmem:s0+$0xFFFFF000]  }
0x3d1: {  	v9 =	vld [tilespmem:s0+$0xFFFFF400]  }
0x3d2: {  	v10 =	vld [tilespmem:s0+$0xFFFFF800];
	v12 =	vadd.s32 v13, v12;
	v13, _, _ =	vpop (xrf0)  }
0x3d3: {  	s28 =	simm.s32 $0xFFFFFFFF;
	v14 =	vadd.s32 v14, v12;
	v12 =	vld [tilespmem:s0+$0xFFFFFC00];
	v16, _, _ =	vpop (xrf0);
	(v2sf) =	vpush v13, $0xF  }
0x3d4: {  	s31 =	simm.s32 $0x3E0;
	s30 =	simm.s32 $0x3D0;
	s1 =	simm.s32 $0x3C0;
	v14 =	vadd.s32 v15, v14;
	v13 =	vld [tilespmem:s0+$0x0];
	(v2sf) =	vpush v16, $0xF  }
.LBB2_53:
0x3d5: {  	s3 =	smov.u32 s28  }
0x3d6: {  	p0 =	sne.s32 s1, $0x0;
	v11 =	vadd.s32 v11, v14;
	v14 =	vld [tilespmem:s0+$0x400]  }
0x3d7: {  	v9 =	vadd.s32 v9, v11;
	v11 =	vld [tilespmem:s0+$0x800]  }
0x3d8: {  	v9 =	vadd.s32 v10, v9;
	v10 =	vld [tilespmem:s0+$0xC00]  }
0x3d9: {  	v9 =	vadd.s32 v12, v9;
	v12 =	vld [tilespmem:s0+$0x1000]  }
0x3da: {  	v9 =	vadd.s32 v13, v9;
	v13 =	vld [tilespmem:s0+$0x1400]  }
0x3db: {  	v9 =	vadd.s32 v14, v9;
	v14 =	vld [tilespmem:s0+$0x1800]  }
0x3dc: {  	v9 =	vadd.s32 v11, v9;
	v11 =	vld [tilespmem:s0+$0x1C00]  }
0x3dd: {  	v9 =	vadd.s32 v10, v9  }
0x3de: {  	v9 =	vadd.s32 v12, v9  }
0x3df: {  	v9 =	vadd.s32 v13, v9  }
0x3e0: {  	v9 =	vadd.s32 v14, v9  }
0x3e1: {  	v9 =	vadd.s32 v11, v9  }
0x3e2: {  	v9 =	vperm.xlane v9, v2  }
0x3e3: {  	s22 =	spop (v2sf)  }
0x3e4: {  	(xrf0) =	vadd.scan.msk.s32 $0xffff, v9;
	s22 =	sxor.u32 $0x80000000, s22;
	s23 =	spop (v2sf)  }
0x3e5: {  	s28 =	sxor.u32 $0x80000000, s23  }
0x3e6: {  	p1 =	sgt.s32 s3, s28  }
0x3e7: {  	s28 =	smov.u32 @p1 s3;
	_ =	sdelay $0x2  }
0x3e8: {  	v9, _, _ =	vpop (xrf0)  }
0x3e9: {  	v9 =	vperm.xlane v9, v2;
	_ =	sdelay $0x1  }
0x3ea: {  	s29 =	sadd.s32 $0xFFFFFFF0, s29;
	v9 =	vadd.s32 s22, v9  }
0x3eb: {  	s0 =	sadd.s32 $0xFFFFFFF0, s0;
	v10 =	vor.u32 s31, v3;
	s31 =	smov.u32 s30;
	s30 =	smov.u32 s1;
	[tilespmem:s29+$0x0] =	vst v9;
	vm9 =	vlt.s32 v9, v8;
	v9 =	vxor.u32 $0x80000000, v9  }
0x3ec: {  	v12 =	vld [tilespmem:s0+$0xFFFFE400];
	v10 =	vsel vm9, $0x7FFFFFFF, v10;
	(xrf0) =	vmax.scan.msk.u32 $0xffff, v9  }
0x3ed: {  	v13 =	vld [tilespmem:s0+$0xFFFFE000];
	(xrf0) =	vmax.scan.msk.u32 $0xffff, v10  }
0x3ee: {  	v14 =	vld [tilespmem:s0+$0xFFFFE800]  }
0x3ef: {  	v15 =	vld [tilespmem:s0+$0xFFFFEC00]  }
.Ltmp27:
0x3f0: {  	v11 =	vld [tilespmem:s0+$0xFFFFF000];
	(pc) =	sbr.rel @p0 .LBB2_53-.Ltmp27, $4  }
0x3f1: {  	v9 =	vld [tilespmem:s0+$0xFFFFF400]  }
0x3f2: {  	v12 =	vadd.s32 v13, v12;
	v10 =	vld [tilespmem:s0+$0xFFFFF800];
	v13, _, _ =	vpop (xrf0)  }
0x3f3: {  	v14 =	vadd.s32 v14, v12;
	v12 =	vld [tilespmem:s0+$0xFFFFFC00];
	v16, _, _ =	vpop (xrf0);
	(v2sf) =	vpush v13, $0xF  }
0x3f4: {  	s1 =	sadd.s32 $0xFFFFFFF0, s1;
	v14 =	vadd.s32 v15, v14;
	v13 =	vld [tilespmem:s0+$0x0];
	(v2sf) =	vpush v16, $0xF  }
0x3f5: {  	v11 =	vadd.s32 v11, v14;
	v48 =	vld [tilespmem:s0+$0x400]  }
0x3f6: {  	v9 =	vadd.s32 v9, v11;
	v11 =	vld [tilespmem:s0+$0x800]  }
0x3f7: {  	v9 =	vadd.s32 v10, v9;
	v10 =	vld [tilespmem:s0+$0xC00]  }
0x3f8: {  	v49 =	vld [tilespmem:s0+$0x1000];
	v9 =	vadd.s32 v12, v9  }
0x3f9: {  	v50 =	vld [tilespmem:s0+$0x1400];
	v9 =	vadd.s32 v13, v9  }
0x3fa: {  	v51 =	vld [tilespmem:s0+$0x1800];
	v9 =	vadd.s32 v48, v9  }
0x3fb: {  	v9 =	vadd.s32 v11, v9;
	v11 =	vld [tilespmem:s0+$0x1C00]  }
0x3fc: {  	v9 =	vadd.s32 v10, v9  }
0x3fd: {  	v9 =	vadd.s32 v49, v9  }
0x3fe: {  	v9 =	vadd.s32 v50, v9  }
0x3ff: {  	v9 =	vadd.s32 v51, v9  }
0x400: {  	v9 =	vadd.s32 v11, v9  }
0x401: {  	v9 =	vperm.xlane v9, v2;
	_ =	sdelay $0x1  }
0x402: {  	(xrf0) =	vadd.scan.msk.s32 $0xffff, v9;
	_ =	sdelay $0x5  }
0x403: {  	v9, _, _ =	vpop (xrf0)  }
0x404: {  	s1 =	spop (v2sf);
	v9 =	vperm.xlane v9, v2  }
0x405: {  	s1 =	sxor.u32 $0x80000000, s1  }
0x406: {  	s11 =	sadd.s32 $0xFFFFFFF0, s29;
	v9 =	vadd.s32 s1, v9  }
0x407: {  	s12 =	sadd.s32 $0xFFFFFFF0, s0;
	[tilespmem:s11+$0x0] =	vst v9  }
0x408: {  	v10 =	vld [tilespmem:s12+$0xFFFFE400]  }
0x409: {  	v11 =	vld [tilespmem:s12+$0xFFFFE000]  }
0x40a: {  	v52 =	vld [tilespmem:s12+$0xFFFFE800]  }
0x40b: {  	v53 =	vld [tilespmem:s12+$0xFFFFEC00]  }
0x40c: {  	v54 =	vld [tilespmem:s12+$0xFFFFF000]  }
0x40d: {  	v15 =	vld [tilespmem:s12+$0xFFFFF400]  }
0x40e: {  	v10 =	vadd.s32 v11, v10;
	v11 =	vld [tilespmem:s12+$0xFFFFF800]  }
0x40f: {  	v16 =	vxor.u32 $0x80000000, v9;
	v55 =	vld [tilespmem:s12+$0xFFFFFC00];
	v10 =	vadd.s32 v52, v10  }
0x410: {  	(xrf0) =	vmax.scan.msk.u32 $0xffff, v16;
	v56 =	vld [tilespmem:s12+$0x0];
	v10 =	vadd.s32 v53, v10  }
0x411: {  	v57 =	vld [tilespmem:s12+$0x400];
	v10 =	vadd.s32 v54, v10  }
0x412: {  	v58 =	vld [tilespmem:s12+$0x800];
	v10 =	vadd.s32 v15, v10  }
0x413: {  	v10 =	vadd.s32 v11, v10;
	v11 =	vld [tilespmem:s12+$0xC00]  }
0x414: {  	v59 =	vld [tilespmem:s12+$0x1000];
	v10 =	vadd.s32 v55, v10  }
0x415: {  	v60 =	vld [tilespmem:s12+$0x1400];
	v10 =	vadd.s32 v56, v10  }
0x416: {  	v61 =	vld [tilespmem:s12+$0x1800];
	v16, _, _ =	vpop (xrf0);
	v10 =	vadd.s32 v57, v10  }
0x417: {  	v62 =	vld [tilespmem:s12+$0x1C00];
	(v2sf) =	vpush v16, $0xF;
	v10 =	vadd.s32 v58, v10  }
0x418: {  	v10 =	vadd.s32 v11, v10  }
0x419: {  	v10 =	vadd.s32 v59, v10  }
0x41a: {  	v10 =	vadd.s32 v60, v10  }
0x41b: {  	v10 =	vadd.s32 v61, v10  }
0x41c: {  	vm9 =	vlt.s32 v9, v8;
	v9 =	vor.u32 s31, v3;
	v10 =	vadd.s32 v62, v10  }
0x41d: {  	v9 =	vsel vm9, $0x7FFFFFFF, v9;
	v10 =	vperm.xlane v10, v2  }
0x41e: {  	(xrf0) =	vmax.scan.msk.u32 $0xffff, v9  }
0x41f: {  	(xrf0) =	vadd.scan.msk.s32 $0xffff, v10;
	_ =	sdelay $0x4  }
0x420: {  	v9, _, _ =	vpop (xrf0)  }
0x421: {  	s14 =	spop (v2sf);
	v10, _, _ =	vpop (xrf0)  }
0x422: {  	s3 =	spop (v2sf);
	v10 =	vperm.xlane v10, v2  }
0x423: {  	s3 =	sxor.u32 $0x80000000, s3  }
0x424: {  	v10 =	vadd.s32 s3, v10  }
0x425: {  	vm9 =	vlt.s32 v10, v8;
	v8 =	vor.u32 s30, v3;
	v11 =	vxor.u32 $0x80000000, v10  }
0x426: {  	v8 =	vsel vm9, $0x7FFFFFFF, v8;
	(xrf0) =	vmax.scan.msk.u32 $0xffff, v11  }
0x427: {  	(xrf0) =	vmax.scan.msk.u32 $0xffff, v8;
	_ =	sdelay $0x4  }
0x428: {  	(v2sf) =	vpush v9, $0xF;
	v8, _, _ =	vpop (xrf0)  }
0x429: {  	v9, _, _ =	vpop (xrf0);
	(v2sf) =	vpush v8, $0xF  }
0x42a: {  	(v2sf) =	vpush v9, $0xF;
	_ =	sdelay $0xb  }
0x42b: {  	s0 =	sxor.u32 $0x80000000, s14  }
0x42c: {  	p0 =	sgt.s32 s28, s0;
	s22 =	spop (v2sf)  }
0x42d: {  	s0 =	smov.u32 @p0 s28;
	s3 =	sxor.u32 $0x80000000, s22;
	s22 =	spop (v2sf)  }
0x42e: {  	p0 =	sgt.s32 s0, s3;
	s22 =	spop (v2sf)  }
0x42f: {  	s3 =	smov.u32 @p0 s0;
	s22 =	sxor.u32 $0x80000000, s22  }
0x430: {  	p0 =	sgt.s32 s3, s22  }
0x431: {  	s22 =	smov.u32 @p0 s3  }
0x432: {  	s23 =	sadd.s32 $0x1, s22  }
0x433: {  	v8 =	vmov s23;
	_ =	sdelay $0x2  }
0x434: {  	s24 =	sadd.s32 $0xFFFFFFF0, s11  }
0x435: {  	[tilespmem:s24+$0x0] =	vst v10  }
0x436: {  	v8 =	vld.idx.msk [tilespmem:v8+s16+$0x0], $0xffff;
	_ =	sdelay $0x4  }
0x437: {  	v8 =	vxor.u32 $0x80000000, v8  }
0x438: {  	(xrf0) =	vmax.scan.msk.u32 $0xffff, v8;
	_ =	sdelay $0x5  }
0x439: {  	v8, _, _ =	vpop (xrf0)  }
0x43a: {  	(v2sf) =	vpush v8, $0xF;
	_ =	sdelay $0x1  }
0x43b: {  	s0 =	simm.s32 $0x0  }
0x43c: {  	v9 =	vld [tilespmem:s0+$0x0];
	_ =	sdelay $0x2  }
0x43d: {  	s29 =	sor.u32 s25, s22  }
0x43e: {  	v8 =	vmov s29  }
0x43f: {  	vm9 =	vgt.s32 v9, $0xFFFFFFFF;
	vm10 =	veq.s32 v9, v8  }
0x440: {  	vm10 =	vmand vm9, vm10  }
0x441: {  	v10 =	vsel vm10, $0x1, v1  }
0x442: {  	(xrf0) =	vadd.scan.msk.s32 $0xffff, v10;
	_ =	sdelay $0x3  }
0x443: {  	s30 =	spop (v2sf)  }
0x444: {  	vm11 =	vgt.s32 v9, v8;
	s1 =	sxor.u32 $0x80000000, s30  }
0x445: {  	vm9 =	vmand vm9, vm11;
	v10, _, _ =	vpop (xrf0);
	s26 =	ssub.s32 s26, s1  }
0x446: {  	v11 =	vmpcnt.ones.xlane vm9;
	v10 =	vadd.s32 s0, v10;
	v9 =	vmov s26  }
0x447: {  	vm11 =	vle.s32 v10, v9  }
0x448: {  	(v2sf) =	vpush v11, $0x0;
	vm10 =	vmand vm10, vm11  }
0x449: {  	v10 =	vmpcnt.ones.xlane vm10;
	_ =	sdelay $0x1  }
0x44a: {  	(v2sf) =	vpush v10, $0x0;
	v10 =	vor.u32 s0, v0  }
0x44b: {  	[tilespmem:s0+$0x1A400] =	vst.msk vm9, v10  }
0x44c: {  	s1 =	simm.s32 $0x10;
	[tilespmem:s0+$0x1A580] =	vst.msk vm10, v10  }
0x44d: {  	v10 =	vld [tilespmem:s1+$0x0];
	_ =	sdelay $0x4  }
0x44e: {  	vm9 =	vgt.s32 v10, $0xFFFFFFFF;
	vm10 =	vgt.s32 v10, v8;
	vm11 =	veq.s32 v10, v8  }
0x44f: {  	vm10 =	vmand vm9, vm10;
	vm9 =	vmand vm9, vm11  }
0x450: {  	v11 =	vmpcnt.ones.xlane vm10;
	v63 =	vsel vm9, $0x1, v1  }
0x451: {  	(xrf0) =	vadd.scan.msk.s32 $0xffff, v63  }
0x452: {  	s31 =	spop (v2sf);
	(v2sf) =	vpush v11, $0x0;
	_ =	sdelay $0x1  }
0x453: {  	s22 =	sadd.s32 $0x0, s31;
	v10 =	vor.u32 s1, v0  }
0x454: {  	s25 =	simm.s32 $0x20;
	[tilespmem:s22+$0x1A400] =	vst.msk vm10, v10;
	s28 =	spop (v2sf)  }
.LBB2_55:
0x455: {  	p0 =	sne.s32 s25, $0x13FF0  }
0x456: {  	v11, _, _ =	vpop (xrf0);
	s0 =	sadd.s32 s0, s28;
	s3 =	smov.u32 s25;
	s25 =	sadd.s32 $0x10, s25  }
0x457: {  	v11 =	vadd.s32 s0, v11  }
0x458: {  	vm10 =	vle.s32 v11, v9  }
0x459: {  	vm9 =	vmand vm9, vm10  }
0x45a: {  	[tilespmem:s0+$0x1A580] =	vst.msk vm9, v10;
	v10 =	vmpcnt.ones.xlane vm9;
	_ =	sdelay $0x1  }
0x45b: {  	(v2sf) =	vpush v10, $0x0  }
0x45c: {  	s1 =	sadd.s32 $0x10, s1  }
0x45d: {  	v10 =	vld [tilespmem:s1+$0x0];
	_ =	sdelay $0x1  }
0x45e: {  	s23 =	spop (v2sf)  }
0x45f: {  	s22 =	sadd.s32 s22, s23;
	_ =	sdelay $0x1  }
0x460: {  	vm9 =	vgt.s32 v10, $0xFFFFFFFF;
	vm10 =	vgt.s32 v10, v8;
	vm11 =	veq.s32 v10, v8  }
0x461: {  	v10 =	vor.u32 s3, v0;
	vm10 =	vmand vm9, vm10;
	vm9 =	vmand vm9, vm11  }
0x462: {  	[tilespmem:s22+$0x1A400] =	vst.msk vm10, v10;
	v11 =	vmpcnt.ones.xlane vm10;
	v12 =	vsel vm9, $0x1, v1  }
0x463: {  	(xrf0) =	vadd.scan.msk.s32 $0xffff, v12  }
.Ltmp28:
0x464: {  	(v2sf) =	vpush v11, $0x0;
	(pc) =	sbr.rel @p0 .LBB2_55-.Ltmp28, $2  }
0x465: {  	_ =	sdelay $0x2  }
0x466: {  	s28 =	spop (v2sf)  }
0x467: {  	v8, _, _ =	vpop (xrf0);
	s0 =	sadd.s32 s0, s28  }
0x468: {  	v8 =	vadd.s32 s0, v8  }
0x469: {  	vm10 =	vle.s32 v8, v9  }
0x46a: {  	vm9 =	vmand vm9, vm10  }
0x46b: {  	v8 =	vmpcnt.ones.xlane vm9;
	_ =	sdelay $0x1  }
0x46c: {  	(v2sf) =	vpush v8, $0x0;
	_ =	sdelay $0xd  }
0x46d: {  	s1 =	spop (v2sf)  }
0x46e: {  	[tilespmem:s0+$0x1A580] =	vst.msk vm9, v10;
	s31 =	spop (v2sf)  }
.LBB2_57:
0x46f: {  	s0 =	sadd.s32 $0xF, s26  }
0x470: {  	s1 =	sand.u32 $0xF, s0  }
0x471: {  	s3 =	sshra.s32 s0, $0x1F;
	p0 =	slt.s32 s0, $0x1;
	p1 =	sne.s32 s1, $0x0  }
0x472: {  	s31 =	sshrl.u32 s3, $0x1C;
	p0 =	por !p0, !p1  }
0x473: {  	s1 =	simm.s32 $0x1;
	s0 =	sadd.s32 s31, s0;
	p0 =	por !p0, !p0  }
0x474: {  	s0 =	sshra.s32 s0, $0x4;
	s1 =	simm.s32 @!p0 $0x0  }
0x475: {  	s22 =	ssub.s32 s0, s1  }
0x476: {  	p0 =	slt.s32 s22, $0x1  }
.Ltmp29:
0x477: {  	_ = 	snop;
	(pc) =	sbr.rel @p0 .LBB2_60-.Ltmp29, $2  }
0x478: {  	_ =	sdelay $0x2  }
0x479: {  	[smem:$0x0] =	sst s26  }
0x47a: {  	s0 =	simm.s32 $0x1A580  }
0x47b: {  	p0 =	sne.s32 s22, $0x1;
	v9 =	vld [tilespmem:s0+$0x0]  }
.Ltmp30:
0x47c: {  	s31 =	sshll.u32 s26, $0x2;
	(pc) =	sbr.rel @!p0 .LBB2_60-.Ltmp30, $4  }
0x47d: {  	s1 =	ssub.s32 $0x0, s31;
	s0 =	simm.s32 $0x0  }
0x47e: {  	v8 =	vmov s26;
	s1 =	sshra.s32 s1, $0x2;
	v10 =	vor.u32 s0, v0  }
0x47f: {  	s1 =	sadd.s32 $0x1A52C, s1;
	vm9 =	vlt.s32 v10, v8  }
0x480: {  	s22 =	sadd.s32 $0xFFFFFFFF, s22;
	s25 =	simm.s32 $0x1A590;
	[tilespmem:s1+$0x0] =	vst.msk vm9, v9  }
.LBB2_59:
0x481: {  	v9 =	vld [tilespmem:s25+$0x0];
	p0 =	sne.s32 s22, $0x1;
	s22 =	sadd.s32 $0xFFFFFFFF, s22  }
.Ltmp31:
0x482: {  	(pc) =	sbr.rel @p0 .LBB2_59-.Ltmp31, $4  }
0x483: {  	s0 =	sadd.s32 $0x10, s0  }
0x484: {  	v10 =	vor.u32 s0, v0  }
0x485: {  	s1 =	sadd.s32 $0x10, s1;
	vm9 =	vlt.s32 v10, v8  }
0x486: {  	s25 =	sadd.s32 $0x10, s25;
	[tilespmem:s1+$0x0] =	vst.msk vm9, v9  }
.LBB2_60:
0x487: {  	v8 =	vld [tilespmem:$0x1A400];
	_ =	sdelay $0x5  }
0x488: {  	v9 =	vld [tilespmem:$0x1A410]  }
0x489: {  	[tilespmem:$0x1A52C] =	vst v4;
	s0 =	simm.s32 $0x0  }
0x48a: {  	v8 =	vld.idx.msk [tilespmem:v8+s0+$0x0], $0xffff;
	_ =	sdelay $0x3  }
0x48b: {  	v10 =	vld [tilespmem:$0x1A420]  }
0x48c: {  	[tilespmem:$0x1A700] =	vst v8  }
0x48d: {  	v8 =	vld.idx.msk [tilespmem:v9+s0+$0x0], $0xffff;
	_ =	sdelay $0x3  }
0x48e: {  	v9 =	vld [tilespmem:$0x1A430]  }
0x48f: {  	[tilespmem:$0x1A710] =	vst v8  }
0x490: {  	v8 =	vld.idx.msk [tilespmem:v10+s0+$0x0], $0xffff;
	_ =	sdelay $0x3  }
0x491: {  	v10 =	vld [tilespmem:$0x1A440]  }
0x492: {  	[tilespmem:$0x1A720] =	vst v8  }
0x493: {  	v8 =	vld.idx.msk [tilespmem:v9+s0+$0x0], $0xffff;
	_ =	sdelay $0x3  }
0x494: {  	v9 =	vld [tilespmem:$0x1A450]  }
0x495: {  	[tilespmem:$0x1A730] =	vst v8  }
0x496: {  	v8 =	vld.idx.msk [tilespmem:v10+s0+$0x0], $0xffff;
	_ =	sdelay $0x3  }
0x497: {  	v10 =	vld [tilespmem:$0x1A460]  }
0x498: {  	[tilespmem:$0x1A740] =	vst v8  }
0x499: {  	v8 =	vld.idx.msk [tilespmem:v9+s0+$0x0], $0xffff;
	_ =	sdelay $0x3  }
0x49a: {  	v9 =	vld [tilespmem:$0x1A470]  }
0x49b: {  	[tilespmem:$0x1A750] =	vst v8  }
0x49c: {  	v8 =	vld.idx.msk [tilespmem:v10+s0+$0x0], $0xffff;
	_ =	sdelay $0x3  }
0x49d: {  	v10 =	vld [tilespmem:$0x1A480]  }
0x49e: {  	[tilespmem:$0x1A760] =	vst v8  }
0x49f: {  	v8 =	vld.idx.msk [tilespmem:v9+s0+$0x0], $0xffff;
	_ =	sdelay $0x3  }
0x4a0: {  	v9 =	vld [tilespmem:$0x1A490]  }
0x4a1: {  	[tilespmem:$0x1A770] =	vst v8  }
0x4a2: {  	v8 =	vld.idx.msk [tilespmem:v10+s0+$0x0], $0xffff;
	_ =	sdelay $0x3  }
0x4a3: {  	v10 =	vld [tilespmem:$0x1A4A0]  }
0x4a4: {  	[tilespmem:$0x1A780] =	vst v8  }
0x4a5: {  	v8 =	vld.idx.msk [tilespmem:v9+s0+$0x0], $0xffff;
	_ =	sdelay $0x3  }
0x4a6: {  	v9 =	vld [tilespmem:$0x1A4B0]  }
0x4a7: {  	[tilespmem:$0x1A790] =	vst v8  }
0x4a8: {  	v8 =	vld.idx.msk [tilespmem:v10+s0+$0x0], $0xffff;
	_ =	sdelay $0x3  }
0x4a9: {  	v10 =	vld [tilespmem:$0x1A4C0]  }
0x4aa: {  	[tilespmem:$0x1A7A0] =	vst v8  }
0x4ab: {  	v8 =	vld.idx.msk [tilespmem:v9+s0+$0x0], $0xffff;
	_ =	sdelay $0x3  }
0x4ac: {  	v9 =	vld [tilespmem:$0x1A4D0]  }
0x4ad: {  	[tilespmem:$0x1A7B0] =	vst v8  }
0x4ae: {  	v8 =	vld.idx.msk [tilespmem:v10+s0+$0x0], $0xffff;
	_ =	sdelay $0x3  }
0x4af: {  	v10 =	vld [tilespmem:$0x1A4E0]  }
0x4b0: {  	[tilespmem:$0x1A7C0] =	vst v8  }
0x4b1: {  	v8 =	vld.idx.msk [tilespmem:v9+s0+$0x0], $0xffff;
	_ =	sdelay $0x3  }
0x4b2: {  	v9 =	vld [tilespmem:$0x1A4F0]  }
0x4b3: {  	[tilespmem:$0x1A7D0] =	vst v8  }
0x4b4: {  	v8 =	vld.idx.msk [tilespmem:v10+s0+$0x0], $0xffff;
	_ =	sdelay $0x3  }
0x4b5: {  	v10 =	vld [tilespmem:$0x1A500]  }
0x4b6: {  	[tilespmem:$0x1A7E0] =	vst v8  }
0x4b7: {  	v8 =	vld.idx.msk [tilespmem:v9+s0+$0x0], $0xffff;
	_ =	sdelay $0x3  }
0x4b8: {  	v9 =	vld [tilespmem:$0x1A510]  }
0x4b9: {  	[tilespmem:$0x1A7F0] =	vst v8  }
0x4ba: {  	v8 =	vld.idx.msk [tilespmem:v10+s0+$0x0], $0xffff;
	_ =	sdelay $0x3  }
0x4bb: {  	v10 =	vld [tilespmem:$0x1A520]  }
0x4bc: {  	[tilespmem:$0x1A800] =	vst v8  }
0x4bd: {  	v8 =	vld.idx.msk [tilespmem:v9+s0+$0x0], $0xffff;
	_ =	sdelay $0x4  }
0x4be: {  	[tilespmem:$0x1A810] =	vst v8  }
0x4bf: {  	v8 =	vld.idx.msk [tilespmem:v10+s0+$0x0], $0xffff;
	_ =	sdelay $0x4  }
0x4c0: {  	s1 =	simm.s32 $0x1A700;
	[tilespmem:$0x1A820] =	vst v8  }
0x4c1: {  	v8 =	vld [tilespmem:s1+$0x0];
	_ =	sdelay $0x4  }
0x4c2: {  	vm9 =	vgt.s32 v8, $0xFFFFFFFF;
	v8 =	vsub.s32 $0x40000000, v8  }
0x4c3: {  	s22 =	simm.s32 $0x1A880;
	v8 =	vnsel vm9, $0x50000000, v8  }
0x4c4: {  	s1 =	simm.s32 $0x1AB80;
	[tilespmem:s22+$0x0] =	vst v8;
	v8 =	vor.u32 s0, v0  }
0x4c5: {  	s25 =	simm.s32 $0x1A710;
	[tilespmem:s1+$0x0] =	vst v8  }
0x4c6: {  	v8 =	vld [tilespmem:s25+$0x0]  }
0x4c7: {  	s26 =	simm.s32 $0x20;
	s0 =	simm.s32 $0x10  }
.LBB2_61:
0x4c8: {  	p0 =	sne.s32 s26, $0x120;
	_ =	sdelay $0x2  }
0x4c9: {  	vm9 =	vgt.s32 v8, $0xFFFFFFFF;
	v8 =	vsub.s32 $0x40000000, v8  }
.Ltmp32:
0x4ca: {  	s22 =	sadd.s32 $0x10, s22;
	v8 =	vnsel vm9, $0x50000000, v8;
	(pc) =	sbr.rel @p0 .LBB2_61-.Ltmp32, $4  }
0x4cb: {  	s1 =	sadd.s32 $0x10, s1;
	[tilespmem:s22+$0x0] =	vst v8;
	v8 =	vor.u32 s0, v0;
	s0 =	smov.u32 s26  }
0x4cc: {  	s25 =	sadd.s32 $0x10, s25;
	[tilespmem:s1+$0x0] =	vst v8  }
0x4cd: {  	v8 =	vld [tilespmem:s25+$0x0]  }
0x4ce: {  	s26 =	sadd.s32 $0x10, s26  }
0x4cf: {  	_ =	sdelay $0x2  }
0x4d0: {  	vm9 =	vgt.s32 v8, $0xFFFFFFFF;
	v8 =	vsub.s32 $0x40000000, v8  }
0x4d1: {  	s3 =	sadd.s32 $0x10, s22;
	v8 =	vnsel vm9, $0x50000000, v8  }
0x4d2: {  	s29 =	sadd.s32 $0x10, s1;
	[tilespmem:s3+$0x0] =	vst v8;
	v8 =	vor.u32 s0, v0  }
0x4d3: {  	[tilespmem:s29+$0x0] =	vst v8  }
0x4d4: {  	v8 =	vld [tilespmem:$0x1A880];
	_ =	sdelay $0x4  }
0x4d5: {  	v8 =	vand.u32 $0x1F, v8  }
0x4d6: {  	(xrf1) =	vunique.msk.u32 $0xffff, v8;
	_ =	sdelay $0xd  }
0x4d7: {  	_, v9, vm9 =	vpop (xrf1);
	_ =	sdelay $0x3  }
0x4d8: {  	[tilespmem:$0x14F00] =	vst v1  }
0x4d9: {  	[tilespmem:$0x14F10] =	vst v1  }
0x4da: {  	[tilespmem:v8+s15+$0x0] =	vst.idx.add.s32.msk vm9, v9  }
0x4db: {  	v8 =	vld [tilespmem:$0x1A890];
	_ =	sdelay $0x4  }
0x4dc: {  	v8 =	vand.u32 $0x1F, v8  }
0x4dd: {  	(xrf1) =	vunique.msk.u32 $0xffff, v8;
	_ =	sdelay $0xd  }
0x4de: {  	_, v9, vm9 =	vpop (xrf1);
	_ =	sdelay $0x5  }
0x4df: {  	[tilespmem:v8+s15+$0x0] =	vst.idx.add.s32.msk vm9, v9  }
0x4e0: {  	v8 =	vld [tilespmem:$0x1A8A0];
	_ =	sdelay $0x4  }
0x4e1: {  	v8 =	vand.u32 $0x1F, v8  }
0x4e2: {  	(xrf1) =	vunique.msk.u32 $0xffff, v8;
	_ =	sdelay $0xd  }
0x4e3: {  	_, v9, vm9 =	vpop (xrf1);
	_ =	sdelay $0x5  }
0x4e4: {  	[tilespmem:v8+s15+$0x0] =	vst.idx.add.s32.msk vm9, v9  }
0x4e5: {  	v8 =	vld [tilespmem:$0x1A8B0];
	_ =	sdelay $0x4  }
0x4e6: {  	v8 =	vand.u32 $0x1F, v8  }
0x4e7: {  	(xrf1) =	vunique.msk.u32 $0xffff, v8;
	_ =	sdelay $0xd  }
0x4e8: {  	_, v9, vm9 =	vpop (xrf1);
	_ =	sdelay $0x5  }
0x4e9: {  	[tilespmem:v8+s15+$0x0] =	vst.idx.add.s32.msk vm9, v9  }
0x4ea: {  	v8 =	vld [tilespmem:$0x1A8C0];
	_ =	sdelay $0x4  }
0x4eb: {  	v8 =	vand.u32 $0x1F, v8  }
0x4ec: {  	(xrf1) =	vunique.msk.u32 $0xffff, v8;
	_ =	sdelay $0xd  }
0x4ed: {  	_, v9, vm9 =	vpop (xrf1);
	_ =	sdelay $0x5  }
0x4ee: {  	[tilespmem:v8+s15+$0x0] =	vst.idx.add.s32.msk vm9, v9  }
0x4ef: {  	v8 =	vld [tilespmem:$0x1A8D0];
	_ =	sdelay $0x4  }
0x4f0: {  	v8 =	vand.u32 $0x1F, v8  }
0x4f1: {  	(xrf1) =	vunique.msk.u32 $0xffff, v8;
	_ =	sdelay $0xd  }
0x4f2: {  	_, v9, vm9 =	vpop (xrf1);
	_ =	sdelay $0x5  }
0x4f3: {  	[tilespmem:v8+s15+$0x0] =	vst.idx.add.s32.msk vm9, v9  }
0x4f4: {  	v8 =	vld [tilespmem:$0x1A8E0];
	_ =	sdelay $0x4  }
0x4f5: {  	v8 =	vand.u32 $0x1F, v8  }
0x4f6: {  	(xrf1) =	vunique.msk.u32 $0xffff, v8;
	_ =	sdelay $0xd  }
0x4f7: {  	_, v9, vm9 =	vpop (xrf1);
	_ =	sdelay $0x5  }
0x4f8: {  	[tilespmem:v8+s15+$0x0] =	vst.idx.add.s32.msk vm9, v9  }
0x4f9: {  	v8 =	vld [tilespmem:$0x1A8F0];
	_ =	sdelay $0x4  }
0x4fa: {  	v8 =	vand.u32 $0x1F, v8  }
0x4fb: {  	(xrf1) =	vunique.msk.u32 $0xffff, v8;
	_ =	sdelay $0xd  }
0x4fc: {  	_, v9, vm9 =	vpop (xrf1);
	_ =	sdelay $0x5  }
0x4fd: {  	[tilespmem:v8+s15+$0x0] =	vst.idx.add.s32.msk vm9, v9  }
0x4fe: {  	v8 =	vld [tilespmem:$0x1A900];
	_ =	sdelay $0x4  }
0x4ff: {  	v8 =	vand.u32 $0x1F, v8  }
0x500: {  	(xrf1) =	vunique.msk.u32 $0xffff, v8;
	_ =	sdelay $0xd  }
0x501: {  	_, v9, vm9 =	vpop (xrf1);
	_ =	sdelay $0x5  }
0x502: {  	[tilespmem:v8+s15+$0x0] =	vst.idx.add.s32.msk vm9, v9  }
0x503: {  	v8 =	vld [tilespmem:$0x1A910];
	_ =	sdelay $0x4  }
0x504: {  	v8 =	vand.u32 $0x1F, v8  }
0x505: {  	(xrf1) =	vunique.msk.u32 $0xffff, v8;
	_ =	sdelay $0xd  }
0x506: {  	_, v9, vm9 =	vpop (xrf1);
	_ =	sdelay $0x5  }
0x507: {  	[tilespmem:v8+s15+$0x0] =	vst.idx.add.s32.msk vm9, v9  }
0x508: {  	v8 =	vld [tilespmem:$0x1A920];
	_ =	sdelay $0x4  }
0x509: {  	v8 =	vand.u32 $0x1F, v8  }
0x50a: {  	(xrf1) =	vunique.msk.u32 $0xffff, v8;
	_ =	sdelay $0xd  }
0x50b: {  	_, v9, vm9 =	vpop (xrf1);
	_ =	sdelay $0x5  }
0x50c: {  	[tilespmem:v8+s15+$0x0] =	vst.idx.add.s32.msk vm9, v9  }
0x50d: {  	v8 =	vld [tilespmem:$0x1A930];
	_ =	sdelay $0x4  }
0x50e: {  	v8 =	vand.u32 $0x1F, v8  }
0x50f: {  	(xrf1) =	vunique.msk.u32 $0xffff, v8;
	_ =	sdelay $0xd  }
0x510: {  	_, v9, vm9 =	vpop (xrf1);
	_ =	sdelay $0x5  }
0x511: {  	[tilespmem:v8+s15+$0x0] =	vst.idx.add.s32.msk vm9, v9  }
0x512: {  	v8 =	vld [tilespmem:$0x1A940];
	_ =	sdelay $0x4  }
0x513: {  	v8 =	vand.u32 $0x1F, v8  }
0x514: {  	(xrf1) =	vunique.msk.u32 $0xffff, v8;
	_ =	sdelay $0xd  }
0x515: {  	_, v9, vm9 =	vpop (xrf1);
	_ =	sdelay $0x5  }
0x516: {  	[tilespmem:v8+s15+$0x0] =	vst.idx.add.s32.msk vm9, v9  }
0x517: {  	v8 =	vld [tilespmem:$0x1A950];
	_ =	sdelay $0x4  }
0x518: {  	v8 =	vand.u32 $0x1F, v8  }
0x519: {  	(xrf1) =	vunique.msk.u32 $0xffff, v8;
	_ =	sdelay $0xd  }
0x51a: {  	_, v9, vm9 =	vpop (xrf1);
	_ =	sdelay $0x5  }
0x51b: {  	[tilespmem:v8+s15+$0x0] =	vst.idx.add.s32.msk vm9, v9  }
0x51c: {  	v8 =	vld [tilespmem:$0x1A960];
	_ =	sdelay $0x4  }
0x51d: {  	v8 =	vand.u32 $0x1F, v8  }
0x51e: {  	(xrf1) =	vunique.msk.u32 $0xffff, v8;
	_ =	sdelay $0xd  }
0x51f: {  	_, v9, vm9 =	vpop (xrf1);
	_ =	sdelay $0x5  }
0x520: {  	[tilespmem:v8+s15+$0x0] =	vst.idx.add.s32.msk vm9, v9  }
0x521: {  	v8 =	vld [tilespmem:$0x1A970];
	_ =	sdelay $0x4  }
0x522: {  	v8 =	vand.u32 $0x1F, v8  }
0x523: {  	(xrf1) =	vunique.msk.u32 $0xffff, v8;
	_ =	sdelay $0xd  }
0x524: {  	_, v9, vm9 =	vpop (xrf1);
	_ =	sdelay $0x5  }
0x525: {  	[tilespmem:v8+s15+$0x0] =	vst.idx.add.s32.msk vm9, v9  }
0x526: {  	v8 =	vld [tilespmem:$0x1A980];
	_ =	sdelay $0x4  }
0x527: {  	v8 =	vand.u32 $0x1F, v8  }
0x528: {  	(xrf1) =	vunique.msk.u32 $0xffff, v8;
	_ =	sdelay $0xd  }
0x529: {  	_, v9, vm9 =	vpop (xrf1);
	_ =	sdelay $0x5  }
0x52a: {  	[tilespmem:v8+s15+$0x0] =	vst.idx.add.s32.msk vm9, v9  }
0x52b: {  	v8 =	vld [tilespmem:$0x1A990];
	_ =	sdelay $0x4  }
0x52c: {  	v8 =	vand.u32 $0x1F, v8  }
0x52d: {  	(xrf1) =	vunique.msk.u32 $0xffff, v8;
	_ =	sdelay $0xd  }
0x52e: {  	_, v9, vm9 =	vpop (xrf1);
	_ =	sdelay $0x5  }
0x52f: {  	[tilespmem:v8+s15+$0x0] =	vst.idx.add.s32.msk vm9, v9  }
0x530: {  	v8 =	vld [tilespmem:$0x1A9A0];
	_ =	sdelay $0x4  }
0x531: {  	v8 =	vand.u32 $0x1F, v8  }
0x532: {  	(xrf1) =	vunique.msk.u32 $0xffff, v8;
	_ =	sdelay $0xd  }
0x533: {  	_, v9, vm9 =	vpop (xrf1);
	_ =	sdelay $0x5  }
0x534: {  	[tilespmem:v8+s15+$0x0] =	vst.idx.add.s32.msk vm9, v9  }
0x535: {  	v8 =	vld [tilespmem:$0x14F00];
	_ =	sdelay $0x4  }
0x536: {  	(xrf0) =	vadd.scan.msk.s32 $0xffff, v8;
	_ =	sdelay $0x1  }
0x537: {  	v9 =	vld [tilespmem:$0x14F10];
	_ =	sdelay $0x3  }
0x538: {  	v10, _, _ =	vpop (xrf0)  }
0x539: {  	(xrf0) =	vadd.scan.msk.s32 $0xffff, v9;
	v11 =	vxor.u32 $0x80000000, v10  }
0x53a: {  	(xrf0) =	vmax.scan.msk.u32 $0xffff, v11;
	_ =	sdelay $0x4  }
0x53b: {  	v11, _, _ =	vpop (xrf0)  }
0x53c: {  	v12, _, _ =	vpop (xrf0)  }
0x53d: {  	(v2sf) =	vpush v12, $0xF;
	_ =	sdelay $0xe  }
0x53e: {  	s30 =	spop (v2sf)  }
0x53f: {  	v8 =	vsub.s32 v10, v8;
	v9 =	vsub.s32 v11, v9;
	s0 =	sxor.u32 $0x80000000, s30  }
0x540: {  	[tilespmem:$0x18F00] =	vst v8;
	v8 =	vadd.s32 s0, v9  }
0x541: {  	s31 =	simm.s32 $0x0;
	[tilespmem:$0x18F10] =	vst v8  }
0x542: {  	v8 =	vld [tilespmem:s31+$0x1A880]  }
0x543: {  	s0 =	simm.s32 $0x40;
	v9 =	vld [tilespmem:s31+$0x1AB80]  }
.LBB2_63:
0x544: {  	p0 =	sne.s32 s0, $0x480;
	_ =	sdelay $0x2  }
0x545: {  	v10 =	vand.u32 $0x1F, v8  }
0x546: {  	(xrf1) =	vunique.msk.u32 $0xffff, v10;
	_ =	sdelay $0x8  }
0x547: {  	v11 =	vld.idx.msk [tilespmem:v10+s16+$0x0], $0xffff;
	_ =	sdelay $0x4  }
0x548: {  	_, v12, vm9 =	vpop (xrf1)  }
0x549: {  	v11 =	vadd.s32 v12, v11  }
0x54a: {  	v11 =	vadd.s32 $0xFFFFFFFF, v11;
	_ =	sdelay $0x4  }
.Ltmp33:
0x54b: {  	[tilespmem:v11+s17+$0x0] =	vst.idx.msk $0xffff, v8;
	(pc) =	sbr.rel @p0 .LBB2_63-.Ltmp33, $4  }
0x54c: {  	[tilespmem:v11+s18+$0x0] =	vst.idx.msk $0xffff, v9  }
0x54d: {  	s1 =	sshra.s32 s0, $0x2;
	[tilespmem:v10+s16+$0x0] =	vst.idx.add.s32.msk vm9, v12  }
0x54e: {  	v8 =	vld [tilespmem:s1+$0x1A880]  }
0x54f: {  	s0 =	sadd.s32 $0x40, s0;
	v9 =	vld [tilespmem:s1+$0x1AB80]  }
0x550: {  	_ =	sdelay $0x2  }
0x551: {  	v10 =	vand.u32 $0x1F, v8  }
0x552: {  	(xrf1) =	vunique.msk.u32 $0xffff, v10;
	_ =	sdelay $0x9  }
0x553: {  	v11 =	vld.idx.msk [tilespmem:v10+s16+$0x0], $0xffff;
	_ =	sdelay $0x3  }
0x554: {  	_, v12, vm9 =	vpop (xrf1)  }
0x555: {  	v11 =	vadd.s32 v12, v11  }
0x556: {  	v11 =	vadd.s32 $0xFFFFFFFF, v11;
	_ =	sdelay $0x4  }
0x557: {  	[tilespmem:v11+s17+$0x0] =	vst.idx.msk $0xffff, v8  }
0x558: {  	[tilespmem:v11+s18+$0x0] =	vst.idx.msk $0xffff, v9  }
0x559: {  	[tilespmem:v10+s16+$0x0] =	vst.idx.add.s32.msk vm9, v12  }
0x55a: {  	v8 =	vld [tilespmem:$0x1AA00];
	_ =	sdelay $0x4  }
0x55b: {  	v8 =	vshrl.u32 v8, $0x5  }
0x55c: {  	v8 =	vand.u32 $0x1F, v8  }
0x55d: {  	(xrf1) =	vunique.msk.u32 $0xffff, v8;
	_ =	sdelay $0xd  }
0x55e: {  	_, v9, vm9 =	vpop (xrf1);
	_ =	sdelay $0x3  }
0x55f: {  	[tilespmem:$0x14F00] =	vst v1  }
0x560: {  	[tilespmem:$0x14F10] =	vst v1  }
0x561: {  	[tilespmem:v8+s15+$0x0] =	vst.idx.add.s32.msk vm9, v9  }
0x562: {  	v8 =	vld [tilespmem:$0x1AA10];
	_ =	sdelay $0x4  }
0x563: {  	v8 =	vshrl.u32 v8, $0x5  }
0x564: {  	v8 =	vand.u32 $0x1F, v8  }
0x565: {  	(xrf1) =	vunique.msk.u32 $0xffff, v8;
	_ =	sdelay $0xd  }
0x566: {  	_, v9, vm9 =	vpop (xrf1);
	_ =	sdelay $0x5  }
0x567: {  	[tilespmem:v8+s15+$0x0] =	vst.idx.add.s32.msk vm9, v9  }
0x568: {  	v8 =	vld [tilespmem:$0x1AA20];
	_ =	sdelay $0x4  }
0x569: {  	v8 =	vshrl.u32 v8, $0x5  }
0x56a: {  	v8 =	vand.u32 $0x1F, v8  }
0x56b: {  	(xrf1) =	vunique.msk.u32 $0xffff, v8;
	_ =	sdelay $0xd  }
0x56c: {  	_, v9, vm9 =	vpop (xrf1);
	_ =	sdelay $0x5  }
0x56d: {  	[tilespmem:v8+s15+$0x0] =	vst.idx.add.s32.msk vm9, v9  }
0x56e: {  	v8 =	vld [tilespmem:$0x1AA30];
	_ =	sdelay $0x4  }
0x56f: {  	v8 =	vshrl.u32 v8, $0x5  }
0x570: {  	v8 =	vand.u32 $0x1F, v8  }
0x571: {  	(xrf1) =	vunique.msk.u32 $0xffff, v8;
	_ =	sdelay $0xd  }
0x572: {  	_, v9, vm9 =	vpop (xrf1);
	_ =	sdelay $0x5  }
0x573: {  	[tilespmem:v8+s15+$0x0] =	vst.idx.add.s32.msk vm9, v9  }
0x574: {  	v8 =	vld [tilespmem:$0x1AA40];
	_ =	sdelay $0x4  }
0x575: {  	v8 =	vshrl.u32 v8, $0x5  }
0x576: {  	v8 =	vand.u32 $0x1F, v8  }
0x577: {  	(xrf1) =	vunique.msk.u32 $0xffff, v8;
	_ =	sdelay $0xd  }
0x578: {  	_, v9, vm9 =	vpop (xrf1);
	_ =	sdelay $0x5  }
0x579: {  	[tilespmem:v8+s15+$0x0] =	vst.idx.add.s32.msk vm9, v9  }
0x57a: {  	v8 =	vld [tilespmem:$0x1AA50];
	_ =	sdelay $0x4  }
0x57b: {  	v8 =	vshrl.u32 v8, $0x5  }
0x57c: {  	v8 =	vand.u32 $0x1F, v8  }
0x57d: {  	(xrf1) =	vunique.msk.u32 $0xffff, v8;
	_ =	sdelay $0xd  }
0x57e: {  	_, v9, vm9 =	vpop (xrf1);
	_ =	sdelay $0x5  }
0x57f: {  	[tilespmem:v8+s15+$0x0] =	vst.idx.add.s32.msk vm9, v9  }
0x580: {  	v8 =	vld [tilespmem:$0x1AA60];
	_ =	sdelay $0x4  }
0x581: {  	v8 =	vshrl.u32 v8, $0x5  }
0x582: {  	v8 =	vand.u32 $0x1F, v8  }
0x583: {  	(xrf1) =	vunique.msk.u32 $0xffff, v8;
	_ =	sdelay $0xd  }
0x584: {  	_, v9, vm9 =	vpop (xrf1);
	_ =	sdelay $0x5  }
0x585: {  	[tilespmem:v8+s15+$0x0] =	vst.idx.add.s32.msk vm9, v9  }
0x586: {  	v8 =	vld [tilespmem:$0x1AA70];
	_ =	sdelay $0x4  }
0x587: {  	v8 =	vshrl.u32 v8, $0x5  }
0x588: {  	v8 =	vand.u32 $0x1F, v8  }
0x589: {  	(xrf1) =	vunique.msk.u32 $0xffff, v8;
	_ =	sdelay $0xd  }
0x58a: {  	_, v9, vm9 =	vpop (xrf1);
	_ =	sdelay $0x5  }
0x58b: {  	[tilespmem:v8+s15+$0x0] =	vst.idx.add.s32.msk vm9, v9  }
0x58c: {  	v8 =	vld [tilespmem:$0x1AA80];
	_ =	sdelay $0x4  }
0x58d: {  	v8 =	vshrl.u32 v8, $0x5  }
0x58e: {  	v8 =	vand.u32 $0x1F, v8  }
0x58f: {  	(xrf1) =	vunique.msk.u32 $0xffff, v8;
	_ =	sdelay $0xd  }
0x590: {  	_, v9, vm9 =	vpop (xrf1);
	_ =	sdelay $0x5  }
0x591: {  	[tilespmem:v8+s15+$0x0] =	vst.idx.add.s32.msk vm9, v9  }
0x592: {  	v8 =	vld [tilespmem:$0x1AA90];
	_ =	sdelay $0x4  }
0x593: {  	v8 =	vshrl.u32 v8, $0x5  }
0x594: {  	v8 =	vand.u32 $0x1F, v8  }
0x595: {  	(xrf1) =	vunique.msk.u32 $0xffff, v8;
	_ =	sdelay $0xd  }
0x596: {  	_, v9, vm9 =	vpop (xrf1);
	_ =	sdelay $0x5  }
0x597: {  	[tilespmem:v8+s15+$0x0] =	vst.idx.add.s32.msk vm9, v9  }
0x598: {  	v8 =	vld [tilespmem:$0x1AAA0];
	_ =	sdelay $0x4  }
0x599: {  	v8 =	vshrl.u32 v8, $0x5  }
0x59a: {  	v8 =	vand.u32 $0x1F, v8  }
0x59b: {  	(xrf1) =	vunique.msk.u32 $0xffff, v8;
	_ =	sdelay $0xd  }
0x59c: {  	_, v9, vm9 =	vpop (xrf1);
	_ =	sdelay $0x5  }
0x59d: {  	[tilespmem:v8+s15+$0x0] =	vst.idx.add.s32.msk vm9, v9  }
0x59e: {  	v8 =	vld [tilespmem:$0x1AAB0];
	_ =	sdelay $0x4  }
0x59f: {  	v8 =	vshrl.u32 v8, $0x5  }
0x5a0: {  	v8 =	vand.u32 $0x1F, v8  }
0x5a1: {  	(xrf1) =	vunique.msk.u32 $0xffff, v8;
	_ =	sdelay $0xd  }
0x5a2: {  	_, v9, vm9 =	vpop (xrf1);
	_ =	sdelay $0x5  }
0x5a3: {  	[tilespmem:v8+s15+$0x0] =	vst.idx.add.s32.msk vm9, v9  }
0x5a4: {  	v8 =	vld [tilespmem:$0x1AAC0];
	_ =	sdelay $0x4  }
0x5a5: {  	v8 =	vshrl.u32 v8, $0x5  }
0x5a6: {  	v8 =	vand.u32 $0x1F, v8  }
0x5a7: {  	(xrf1) =	vunique.msk.u32 $0xffff, v8;
	_ =	sdelay $0xd  }
0x5a8: {  	_, v9, vm9 =	vpop (xrf1);
	_ =	sdelay $0x5  }
0x5a9: {  	[tilespmem:v8+s15+$0x0] =	vst.idx.add.s32.msk vm9, v9  }
0x5aa: {  	v8 =	vld [tilespmem:$0x1AAD0];
	_ =	sdelay $0x4  }
0x5ab: {  	v8 =	vshrl.u32 v8, $0x5  }
0x5ac: {  	v8 =	vand.u32 $0x1F, v8  }
0x5ad: {  	(xrf1) =	vunique.msk.u32 $0xffff, v8;
	_ =	sdelay $0xd  }
0x5ae: {  	_, v9, vm9 =	vpop (xrf1);
	_ =	sdelay $0x5  }
0x5af: {  	[tilespmem:v8+s15+$0x0] =	vst.idx.add.s32.msk vm9, v9  }
0x5b0: {  	v8 =	vld [tilespmem:$0x1AAE0];
	_ =	sdelay $0x4  }
0x5b1: {  	v8 =	vshrl.u32 v8, $0x5  }
0x5b2: {  	v8 =	vand.u32 $0x1F, v8  }
0x5b3: {  	(xrf1) =	vunique.msk.u32 $0xffff, v8;
	_ =	sdelay $0xd  }
0x5b4: {  	_, v9, vm9 =	vpop (xrf1);
	_ =	sdelay $0x5  }
0x5b5: {  	[tilespmem:v8+s15+$0x0] =	vst.idx.add.s32.msk vm9, v9  }
0x5b6: {  	v8 =	vld [tilespmem:$0x1AAF0];
	_ =	sdelay $0x4  }
0x5b7: {  	v8 =	vshrl.u32 v8, $0x5  }
0x5b8: {  	v8 =	vand.u32 $0x1F, v8  }
0x5b9: {  	(xrf1) =	vunique.msk.u32 $0xffff, v8;
	_ =	sdelay $0xd  }
0x5ba: {  	_, v9, vm9 =	vpop (xrf1);
	_ =	sdelay $0x5  }
0x5bb: {  	[tilespmem:v8+s15+$0x0] =	vst.idx.add.s32.msk vm9, v9  }
0x5bc: {  	v8 =	vld [tilespmem:$0x1AB00];
	_ =	sdelay $0x4  }
0x5bd: {  	v8 =	vshrl.u32 v8, $0x5  }
0x5be: {  	v8 =	vand.u32 $0x1F, v8  }
0x5bf: {  	(xrf1) =	vunique.msk.u32 $0xffff, v8;
	_ =	sdelay $0xd  }
0x5c0: {  	_, v9, vm9 =	vpop (xrf1);
	_ =	sdelay $0x5  }
0x5c1: {  	[tilespmem:v8+s15+$0x0] =	vst.idx.add.s32.msk vm9, v9  }
0x5c2: {  	v8 =	vld [tilespmem:$0x1AB10];
	_ =	sdelay $0x4  }
0x5c3: {  	v8 =	vshrl.u32 v8, $0x5  }
0x5c4: {  	v8 =	vand.u32 $0x1F, v8  }
0x5c5: {  	(xrf1) =	vunique.msk.u32 $0xffff, v8;
	_ =	sdelay $0xd  }
0x5c6: {  	_, v9, vm9 =	vpop (xrf1);
	_ =	sdelay $0x5  }
0x5c7: {  	[tilespmem:v8+s15+$0x0] =	vst.idx.add.s32.msk vm9, v9  }
0x5c8: {  	v8 =	vld [tilespmem:$0x1AB20];
	_ =	sdelay $0x4  }
0x5c9: {  	v8 =	vshrl.u32 v8, $0x5  }
0x5ca: {  	v8 =	vand.u32 $0x1F, v8  }
0x5cb: {  	(xrf1) =	vunique.msk.u32 $0xffff, v8;
	_ =	sdelay $0xd  }
0x5cc: {  	_, v9, vm9 =	vpop (xrf1);
	_ =	sdelay $0x5  }
0x5cd: {  	[tilespmem:v8+s15+$0x0] =	vst.idx.add.s32.msk vm9, v9  }
0x5ce: {  	v8 =	vld [tilespmem:$0x14F00];
	_ =	sdelay $0x4  }
0x5cf: {  	(xrf0) =	vadd.scan.msk.s32 $0xffff, v8;
	_ =	sdelay $0x1  }
0x5d0: {  	v9 =	vld [tilespmem:$0x14F10];
	_ =	sdelay $0x3  }
0x5d1: {  	v10, _, _ =	vpop (xrf0)  }
0x5d2: {  	(xrf0) =	vadd.scan.msk.s32 $0xffff, v9;
	v11 =	vxor.u32 $0x80000000, v10  }
0x5d3: {  	(xrf0) =	vmax.scan.msk.u32 $0xffff, v11;
	_ =	sdelay $0x4  }
0x5d4: {  	v11, _, _ =	vpop (xrf0)  }
0x5d5: {  	v63, _, _ =	vpop (xrf0)  }
0x5d6: {  	(v2sf) =	vpush v63, $0xF;
	_ =	sdelay $0xe  }
0x5d7: {  	s0 =	spop (v2sf)  }
0x5d8: {  	v8 =	vsub.s32 v10, v8;
	v9 =	vsub.s32 v11, v9;
	s0 =	sxor.u32 $0x80000000, s0  }
0x5d9: {  	[tilespmem:$0x18F00] =	vst v8;
	v8 =	vadd.s32 s0, v9  }
0x5da: {  	s31 =	simm.s32 $0x0;
	[tilespmem:$0x18F10] =	vst v8  }
0x5db: {  	v8 =	vld [tilespmem:s31+$0x1AA00]  }
0x5dc: {  	s0 =	simm.s32 $0x40;
	v9 =	vld [tilespmem:s31+$0x1AD00]  }
.LBB2_65:
0x5dd: {  	p0 =	sne.s32 s0, $0x480;
	_ =	sdelay $0x2  }
0x5de: {  	v10 =	vshrl.u32 v8, $0x5  }
0x5df: {  	v10 =	vand.u32 $0x1F, v10  }
0x5e0: {  	(xrf1) =	vunique.msk.u32 $0xffff, v10;
	_ =	sdelay $0x8  }
0x5e1: {  	v11 =	vld.idx.msk [tilespmem:v10+s16+$0x0], $0xffff;
	_ =	sdelay $0x4  }
0x5e2: {  	_, v12, vm9 =	vpop (xrf1)  }
0x5e3: {  	v11 =	vadd.s32 v12, v11  }
0x5e4: {  	v11 =	vadd.s32 $0xFFFFFFFF, v11;
	_ =	sdelay $0x4  }
.Ltmp34:
0x5e5: {  	[tilespmem:v11+s19+$0x0] =	vst.idx.msk $0xffff, v8;
	(pc) =	sbr.rel @p0 .LBB2_65-.Ltmp34, $4  }
0x5e6: {  	[tilespmem:v11+s20+$0x0] =	vst.idx.msk $0xffff, v9  }
0x5e7: {  	s1 =	sshra.s32 s0, $0x2;
	[tilespmem:v10+s16+$0x0] =	vst.idx.add.s32.msk vm9, v12  }
0x5e8: {  	v8 =	vld [tilespmem:s1+$0x1AA00]  }
0x5e9: {  	s0 =	sadd.s32 $0x40, s0;
	v9 =	vld [tilespmem:s1+$0x1AD00]  }
0x5ea: {  	_ =	sdelay $0x2  }
0x5eb: {  	v10 =	vshrl.u32 v8, $0x5  }
0x5ec: {  	v10 =	vand.u32 $0x1F, v10  }
0x5ed: {  	(xrf1) =	vunique.msk.u32 $0xffff, v10;
	_ =	sdelay $0x9  }
0x5ee: {  	v11 =	vld.idx.msk [tilespmem:v10+s16+$0x0], $0xffff;
	_ =	sdelay $0x3  }
0x5ef: {  	_, v12, vm9 =	vpop (xrf1)  }
0x5f0: {  	v11 =	vadd.s32 v12, v11  }
0x5f1: {  	v11 =	vadd.s32 $0xFFFFFFFF, v11;
	_ =	sdelay $0x4  }
0x5f2: {  	[tilespmem:v11+s19+$0x0] =	vst.idx.msk $0xffff, v8  }
0x5f3: {  	[tilespmem:v11+s20+$0x0] =	vst.idx.msk $0xffff, v9  }
0x5f4: {  	[tilespmem:v10+s16+$0x0] =	vst.idx.add.s32.msk vm9, v12  }
0x5f5: {  	v8 =	vld [tilespmem:$0x1A880];
	_ =	sdelay $0x4  }
0x5f6: {  	v8 =	vshrl.u32 v8, $0xA  }
0x5f7: {  	v8 =	vand.u32 $0x1F, v8  }
0x5f8: {  	(xrf1) =	vunique.msk.u32 $0xffff, v8;
	_ =	sdelay $0xd  }
0x5f9: {  	_, v9, vm9 =	vpop (xrf1);
	_ =	sdelay $0x3  }
0x5fa: {  	[tilespmem:$0x14F00] =	vst v1  }
0x5fb: {  	[tilespmem:$0x14F10] =	vst v1  }
0x5fc: {  	[tilespmem:v8+s15+$0x0] =	vst.idx.add.s32.msk vm9, v9  }
0x5fd: {  	v8 =	vld [tilespmem:$0x1A890];
	_ =	sdelay $0x4  }
0x5fe: {  	v8 =	vshrl.u32 v8, $0xA  }
0x5ff: {  	v8 =	vand.u32 $0x1F, v8  }
0x600: {  	(xrf1) =	vunique.msk.u32 $0xffff, v8;
	_ =	sdelay $0xd  }
0x601: {  	_, v9, vm9 =	vpop (xrf1);
	_ =	sdelay $0x5  }
0x602: {  	[tilespmem:v8+s15+$0x0] =	vst.idx.add.s32.msk vm9, v9  }
0x603: {  	v8 =	vld [tilespmem:$0x1A8A0];
	_ =	sdelay $0x4  }
0x604: {  	v8 =	vshrl.u32 v8, $0xA  }
0x605: {  	v8 =	vand.u32 $0x1F, v8  }
0x606: {  	(xrf1) =	vunique.msk.u32 $0xffff, v8;
	_ =	sdelay $0xd  }
0x607: {  	_, v9, vm9 =	vpop (xrf1);
	_ =	sdelay $0x5  }
0x608: {  	[tilespmem:v8+s15+$0x0] =	vst.idx.add.s32.msk vm9, v9  }
0x609: {  	v8 =	vld [tilespmem:$0x1A8B0];
	_ =	sdelay $0x4  }
0x60a: {  	v8 =	vshrl.u32 v8, $0xA  }
0x60b: {  	v8 =	vand.u32 $0x1F, v8  }
0x60c: {  	(xrf1) =	vunique.msk.u32 $0xffff, v8;
	_ =	sdelay $0xd  }
0x60d: {  	_, v9, vm9 =	vpop (xrf1);
	_ =	sdelay $0x5  }
0x60e: {  	[tilespmem:v8+s15+$0x0] =	vst.idx.add.s32.msk vm9, v9  }
0x60f: {  	v8 =	vld [tilespmem:$0x1A8C0];
	_ =	sdelay $0x4  }
0x610: {  	v8 =	vshrl.u32 v8, $0xA  }
0x611: {  	v8 =	vand.u32 $0x1F, v8  }
0x612: {  	(xrf1) =	vunique.msk.u32 $0xffff, v8;
	_ =	sdelay $0xd  }
0x613: {  	_, v9, vm9 =	vpop (xrf1);
	_ =	sdelay $0x5  }
0x614: {  	[tilespmem:v8+s15+$0x0] =	vst.idx.add.s32.msk vm9, v9  }
0x615: {  	v8 =	vld [tilespmem:$0x1A8D0];
	_ =	sdelay $0x4  }
0x616: {  	v8 =	vshrl.u32 v8, $0xA  }
0x617: {  	v8 =	vand.u32 $0x1F, v8  }
0x618: {  	(xrf1) =	vunique.msk.u32 $0xffff, v8;
	_ =	sdelay $0xd  }
0x619: {  	_, v9, vm9 =	vpop (xrf1);
	_ =	sdelay $0x5  }
0x61a: {  	[tilespmem:v8+s15+$0x0] =	vst.idx.add.s32.msk vm9, v9  }
0x61b: {  	v8 =	vld [tilespmem:$0x1A8E0];
	_ =	sdelay $0x4  }
0x61c: {  	v8 =	vshrl.u32 v8, $0xA  }
0x61d: {  	v8 =	vand.u32 $0x1F, v8  }
0x61e: {  	(xrf1) =	vunique.msk.u32 $0xffff, v8;
	_ =	sdelay $0xd  }
0x61f: {  	_, v9, vm9 =	vpop (xrf1);
	_ =	sdelay $0x5  }
0x620: {  	[tilespmem:v8+s15+$0x0] =	vst.idx.add.s32.msk vm9, v9  }
0x621: {  	v8 =	vld [tilespmem:$0x1A8F0];
	_ =	sdelay $0x4  }
0x622: {  	v8 =	vshrl.u32 v8, $0xA  }
0x623: {  	v8 =	vand.u32 $0x1F, v8  }
0x624: {  	(xrf1) =	vunique.msk.u32 $0xffff, v8;
	_ =	sdelay $0xd  }
0x625: {  	_, v9, vm9 =	vpop (xrf1);
	_ =	sdelay $0x5  }
0x626: {  	[tilespmem:v8+s15+$0x0] =	vst.idx.add.s32.msk vm9, v9  }
0x627: {  	v8 =	vld [tilespmem:$0x1A900];
	_ =	sdelay $0x4  }
0x628: {  	v8 =	vshrl.u32 v8, $0xA  }
0x629: {  	v8 =	vand.u32 $0x1F, v8  }
0x62a: {  	(xrf1) =	vunique.msk.u32 $0xffff, v8;
	_ =	sdelay $0xd  }
0x62b: {  	_, v9, vm9 =	vpop (xrf1);
	_ =	sdelay $0x5  }
0x62c: {  	[tilespmem:v8+s15+$0x0] =	vst.idx.add.s32.msk vm9, v9  }
0x62d: {  	v8 =	vld [tilespmem:$0x1A910];
	_ =	sdelay $0x4  }
0x62e: {  	v8 =	vshrl.u32 v8, $0xA  }
0x62f: {  	v8 =	vand.u32 $0x1F, v8  }
0x630: {  	(xrf1) =	vunique.msk.u32 $0xffff, v8;
	_ =	sdelay $0xd  }
0x631: {  	_, v9, vm9 =	vpop (xrf1);
	_ =	sdelay $0x5  }
0x632: {  	[tilespmem:v8+s15+$0x0] =	vst.idx.add.s32.msk vm9, v9  }
0x633: {  	v8 =	vld [tilespmem:$0x1A920];
	_ =	sdelay $0x4  }
0x634: {  	v8 =	vshrl.u32 v8, $0xA  }
0x635: {  	v8 =	vand.u32 $0x1F, v8  }
0x636: {  	(xrf1) =	vunique.msk.u32 $0xffff, v8;
	_ =	sdelay $0xd  }
0x637: {  	_, v9, vm9 =	vpop (xrf1);
	_ =	sdelay $0x5  }
0x638: {  	[tilespmem:v8+s15+$0x0] =	vst.idx.add.s32.msk vm9, v9  }
0x639: {  	v8 =	vld [tilespmem:$0x1A930];
	_ =	sdelay $0x4  }
0x63a: {  	v8 =	vshrl.u32 v8, $0xA  }
0x63b: {  	v8 =	vand.u32 $0x1F, v8  }
0x63c: {  	(xrf1) =	vunique.msk.u32 $0xffff, v8;
	_ =	sdelay $0xd  }
0x63d: {  	_, v9, vm9 =	vpop (xrf1);
	_ =	sdelay $0x5  }
0x63e: {  	[tilespmem:v8+s15+$0x0] =	vst.idx.add.s32.msk vm9, v9  }
0x63f: {  	v8 =	vld [tilespmem:$0x1A940];
	_ =	sdelay $0x4  }
0x640: {  	v8 =	vshrl.u32 v8, $0xA  }
0x641: {  	v8 =	vand.u32 $0x1F, v8  }
0x642: {  	(xrf1) =	vunique.msk.u32 $0xffff, v8;
	_ =	sdelay $0xd  }
0x643: {  	_, v9, vm9 =	vpop (xrf1);
	_ =	sdelay $0x5  }
0x644: {  	[tilespmem:v8+s15+$0x0] =	vst.idx.add.s32.msk vm9, v9  }
0x645: {  	v8 =	vld [tilespmem:$0x1A950];
	_ =	sdelay $0x4  }
0x646: {  	v8 =	vshrl.u32 v8, $0xA  }
0x647: {  	v8 =	vand.u32 $0x1F, v8  }
0x648: {  	(xrf1) =	vunique.msk.u32 $0xffff, v8;
	_ =	sdelay $0xd  }
0x649: {  	_, v9, vm9 =	vpop (xrf1);
	_ =	sdelay $0x5  }
0x64a: {  	[tilespmem:v8+s15+$0x0] =	vst.idx.add.s32.msk vm9, v9  }
0x64b: {  	v8 =	vld [tilespmem:$0x1A960];
	_ =	sdelay $0x4  }
0x64c: {  	v8 =	vshrl.u32 v8, $0xA  }
0x64d: {  	v8 =	vand.u32 $0x1F, v8  }
0x64e: {  	(xrf1) =	vunique.msk.u32 $0xffff, v8;
	_ =	sdelay $0xd  }
0x64f: {  	_, v9, vm9 =	vpop (xrf1);
	_ =	sdelay $0x5  }
0x650: {  	[tilespmem:v8+s15+$0x0] =	vst.idx.add.s32.msk vm9, v9  }
0x651: {  	v8 =	vld [tilespmem:$0x1A970];
	_ =	sdelay $0x4  }
0x652: {  	v8 =	vshrl.u32 v8, $0xA  }
0x653: {  	v8 =	vand.u32 $0x1F, v8  }
0x654: {  	(xrf1) =	vunique.msk.u32 $0xffff, v8;
	_ =	sdelay $0xd  }
0x655: {  	_, v9, vm9 =	vpop (xrf1);
	_ =	sdelay $0x5  }
0x656: {  	[tilespmem:v8+s15+$0x0] =	vst.idx.add.s32.msk vm9, v9  }
0x657: {  	v8 =	vld [tilespmem:$0x1A980];
	_ =	sdelay $0x4  }
0x658: {  	v8 =	vshrl.u32 v8, $0xA  }
0x659: {  	v8 =	vand.u32 $0x1F, v8  }
0x65a: {  	(xrf1) =	vunique.msk.u32 $0xffff, v8;
	_ =	sdelay $0xd  }
0x65b: {  	_, v9, vm9 =	vpop (xrf1);
	_ =	sdelay $0x5  }
0x65c: {  	[tilespmem:v8+s15+$0x0] =	vst.idx.add.s32.msk vm9, v9  }
0x65d: {  	v8 =	vld [tilespmem:$0x1A990];
	_ =	sdelay $0x4  }
0x65e: {  	v8 =	vshrl.u32 v8, $0xA  }
0x65f: {  	v8 =	vand.u32 $0x1F, v8  }
0x660: {  	(xrf1) =	vunique.msk.u32 $0xffff, v8;
	_ =	sdelay $0xd  }
0x661: {  	_, v9, vm9 =	vpop (xrf1);
	_ =	sdelay $0x5  }
0x662: {  	[tilespmem:v8+s15+$0x0] =	vst.idx.add.s32.msk vm9, v9  }
0x663: {  	v8 =	vld [tilespmem:$0x1A9A0];
	_ =	sdelay $0x4  }
0x664: {  	v8 =	vshrl.u32 v8, $0xA  }
0x665: {  	v8 =	vand.u32 $0x1F, v8  }
0x666: {  	(xrf1) =	vunique.msk.u32 $0xffff, v8;
	_ =	sdelay $0xd  }
0x667: {  	_, v9, vm9 =	vpop (xrf1);
	_ =	sdelay $0x5  }
0x668: {  	[tilespmem:v8+s15+$0x0] =	vst.idx.add.s32.msk vm9, v9  }
0x669: {  	v8 =	vld [tilespmem:$0x14F00];
	_ =	sdelay $0x4  }
0x66a: {  	(xrf0) =	vadd.scan.msk.s32 $0xffff, v8;
	_ =	sdelay $0x1  }
0x66b: {  	v9 =	vld [tilespmem:$0x14F10];
	_ =	sdelay $0x3  }
0x66c: {  	v10, _, _ =	vpop (xrf0)  }
0x66d: {  	(xrf0) =	vadd.scan.msk.s32 $0xffff, v9;
	v11 =	vxor.u32 $0x80000000, v10  }
0x66e: {  	(xrf0) =	vmax.scan.msk.u32 $0xffff, v11;
	_ =	sdelay $0x4  }
0x66f: {  	v11, _, _ =	vpop (xrf0)  }
0x670: {  	v63, _, _ =	vpop (xrf0)  }
0x671: {  	(v2sf) =	vpush v63, $0xF;
	_ =	sdelay $0xe  }
0x672: {  	s0 =	spop (v2sf)  }
0x673: {  	v8 =	vsub.s32 v10, v8;
	v9 =	vsub.s32 v11, v9;
	s0 =	sxor.u32 $0x80000000, s0  }
0x674: {  	[tilespmem:$0x18F00] =	vst v8;
	v8 =	vadd.s32 s0, v9  }
0x675: {  	s31 =	simm.s32 $0x0;
	[tilespmem:$0x18F10] =	vst v8  }
0x676: {  	v8 =	vld [tilespmem:s31+$0x1A880]  }
0x677: {  	s0 =	simm.s32 $0x40;
	v9 =	vld [tilespmem:s31+$0x1AB80]  }
.LBB2_67:
0x678: {  	p0 =	sne.s32 s0, $0x480;
	_ =	sdelay $0x2  }
0x679: {  	v10 =	vshrl.u32 v8, $0xA  }
0x67a: {  	v10 =	vand.u32 $0x1F, v10  }
0x67b: {  	(xrf1) =	vunique.msk.u32 $0xffff, v10;
	_ =	sdelay $0x8  }
0x67c: {  	v11 =	vld.idx.msk [tilespmem:v10+s16+$0x0], $0xffff;
	_ =	sdelay $0x4  }
0x67d: {  	_, v12, vm9 =	vpop (xrf1)  }
0x67e: {  	v11 =	vadd.s32 v12, v11  }
0x67f: {  	v11 =	vadd.s32 $0xFFFFFFFF, v11;
	_ =	sdelay $0x4  }
.Ltmp35:
0x680: {  	[tilespmem:v11+s17+$0x0] =	vst.idx.msk $0xffff, v8;
	(pc) =	sbr.rel @p0 .LBB2_67-.Ltmp35, $4  }
0x681: {  	[tilespmem:v11+s18+$0x0] =	vst.idx.msk $0xffff, v9  }
0x682: {  	s1 =	sshra.s32 s0, $0x2;
	[tilespmem:v10+s16+$0x0] =	vst.idx.add.s32.msk vm9, v12  }
0x683: {  	v8 =	vld [tilespmem:s1+$0x1A880]  }
0x684: {  	s0 =	sadd.s32 $0x40, s0;
	v9 =	vld [tilespmem:s1+$0x1AB80]  }
0x685: {  	_ =	sdelay $0x2  }
0x686: {  	v10 =	vshrl.u32 v8, $0xA  }
0x687: {  	v10 =	vand.u32 $0x1F, v10  }
0x688: {  	(xrf1) =	vunique.msk.u32 $0xffff, v10;
	_ =	sdelay $0x9  }
0x689: {  	v11 =	vld.idx.msk [tilespmem:v10+s16+$0x0], $0xffff;
	_ =	sdelay $0x3  }
0x68a: {  	_, v12, vm9 =	vpop (xrf1)  }
0x68b: {  	v11 =	vadd.s32 v12, v11  }
0x68c: {  	v11 =	vadd.s32 $0xFFFFFFFF, v11;
	_ =	sdelay $0x4  }
0x68d: {  	[tilespmem:v11+s17+$0x0] =	vst.idx.msk $0xffff, v8  }
0x68e: {  	[tilespmem:v11+s18+$0x0] =	vst.idx.msk $0xffff, v9  }
0x68f: {  	[tilespmem:v10+s16+$0x0] =	vst.idx.add.s32.msk vm9, v12  }
0x690: {  	v8 =	vld [tilespmem:$0x1AA00];
	_ =	sdelay $0x4  }
0x691: {  	v8 =	vshrl.u32 v8, $0xF  }
0x692: {  	v8 =	vand.u32 $0x1F, v8  }
0x693: {  	(xrf1) =	vunique.msk.u32 $0xffff, v8;
	_ =	sdelay $0xd  }
0x694: {  	_, v9, vm9 =	vpop (xrf1);
	_ =	sdelay $0x3  }
0x695: {  	[tilespmem:$0x14F00] =	vst v1  }
0x696: {  	[tilespmem:$0x14F10] =	vst v1  }
0x697: {  	[tilespmem:v8+s15+$0x0] =	vst.idx.add.s32.msk vm9, v9  }
0x698: {  	v8 =	vld [tilespmem:$0x1AA10];
	_ =	sdelay $0x4  }
0x699: {  	v8 =	vshrl.u32 v8, $0xF  }
0x69a: {  	v8 =	vand.u32 $0x1F, v8  }
0x69b: {  	(xrf1) =	vunique.msk.u32 $0xffff, v8;
	_ =	sdelay $0xd  }
0x69c: {  	_, v9, vm9 =	vpop (xrf1);
	_ =	sdelay $0x5  }
0x69d: {  	[tilespmem:v8+s15+$0x0] =	vst.idx.add.s32.msk vm9, v9  }
0x69e: {  	v8 =	vld [tilespmem:$0x1AA20];
	_ =	sdelay $0x4  }
0x69f: {  	v8 =	vshrl.u32 v8, $0xF  }
0x6a0: {  	v8 =	vand.u32 $0x1F, v8  }
0x6a1: {  	(xrf1) =	vunique.msk.u32 $0xffff, v8;
	_ =	sdelay $0xd  }
0x6a2: {  	_, v9, vm9 =	vpop (xrf1);
	_ =	sdelay $0x5  }
0x6a3: {  	[tilespmem:v8+s15+$0x0] =	vst.idx.add.s32.msk vm9, v9  }
0x6a4: {  	v8 =	vld [tilespmem:$0x1AA30];
	_ =	sdelay $0x4  }
0x6a5: {  	v8 =	vshrl.u32 v8, $0xF  }
0x6a6: {  	v8 =	vand.u32 $0x1F, v8  }
0x6a7: {  	(xrf1) =	vunique.msk.u32 $0xffff, v8;
	_ =	sdelay $0xd  }
0x6a8: {  	_, v9, vm9 =	vpop (xrf1);
	_ =	sdelay $0x5  }
0x6a9: {  	[tilespmem:v8+s15+$0x0] =	vst.idx.add.s32.msk vm9, v9  }
0x6aa: {  	v8 =	vld [tilespmem:$0x1AA40];
	_ =	sdelay $0x4  }
0x6ab: {  	v8 =	vshrl.u32 v8, $0xF  }
0x6ac: {  	v8 =	vand.u32 $0x1F, v8  }
0x6ad: {  	(xrf1) =	vunique.msk.u32 $0xffff, v8;
	_ =	sdelay $0xd  }
0x6ae: {  	_, v9, vm9 =	vpop (xrf1);
	_ =	sdelay $0x5  }
0x6af: {  	[tilespmem:v8+s15+$0x0] =	vst.idx.add.s32.msk vm9, v9  }
0x6b0: {  	v8 =	vld [tilespmem:$0x1AA50];
	_ =	sdelay $0x4  }
0x6b1: {  	v8 =	vshrl.u32 v8, $0xF  }
0x6b2: {  	v8 =	vand.u32 $0x1F, v8  }
0x6b3: {  	(xrf1) =	vunique.msk.u32 $0xffff, v8;
	_ =	sdelay $0xd  }
0x6b4: {  	_, v9, vm9 =	vpop (xrf1);
	_ =	sdelay $0x5  }
0x6b5: {  	[tilespmem:v8+s15+$0x0] =	vst.idx.add.s32.msk vm9, v9  }
0x6b6: {  	v8 =	vld [tilespmem:$0x1AA60];
	_ =	sdelay $0x4  }
0x6b7: {  	v8 =	vshrl.u32 v8, $0xF  }
0x6b8: {  	v8 =	vand.u32 $0x1F, v8  }
0x6b9: {  	(xrf1) =	vunique.msk.u32 $0xffff, v8;
	_ =	sdelay $0xd  }
0x6ba: {  	_, v9, vm9 =	vpop (xrf1);
	_ =	sdelay $0x5  }
0x6bb: {  	[tilespmem:v8+s15+$0x0] =	vst.idx.add.s32.msk vm9, v9  }
0x6bc: {  	v8 =	vld [tilespmem:$0x1AA70];
	_ =	sdelay $0x4  }
0x6bd: {  	v8 =	vshrl.u32 v8, $0xF  }
0x6be: {  	v8 =	vand.u32 $0x1F, v8  }
0x6bf: {  	(xrf1) =	vunique.msk.u32 $0xffff, v8;
	_ =	sdelay $0xd  }
0x6c0: {  	_, v9, vm9 =	vpop (xrf1);
	_ =	sdelay $0x5  }
0x6c1: {  	[tilespmem:v8+s15+$0x0] =	vst.idx.add.s32.msk vm9, v9  }
0x6c2: {  	v8 =	vld [tilespmem:$0x1AA80];
	_ =	sdelay $0x4  }
0x6c3: {  	v8 =	vshrl.u32 v8, $0xF  }
0x6c4: {  	v8 =	vand.u32 $0x1F, v8  }
0x6c5: {  	(xrf1) =	vunique.msk.u32 $0xffff, v8;
	_ =	sdelay $0xd  }
0x6c6: {  	_, v9, vm9 =	vpop (xrf1);
	_ =	sdelay $0x5  }
0x6c7: {  	[tilespmem:v8+s15+$0x0] =	vst.idx.add.s32.msk vm9, v9  }
0x6c8: {  	v8 =	vld [tilespmem:$0x1AA90];
	_ =	sdelay $0x4  }
0x6c9: {  	v8 =	vshrl.u32 v8, $0xF  }
0x6ca: {  	v8 =	vand.u32 $0x1F, v8  }
0x6cb: {  	(xrf1) =	vunique.msk.u32 $0xffff, v8;
	_ =	sdelay $0xd  }
0x6cc: {  	_, v9, vm9 =	vpop (xrf1);
	_ =	sdelay $0x5  }
0x6cd: {  	[tilespmem:v8+s15+$0x0] =	vst.idx.add.s32.msk vm9, v9  }
0x6ce: {  	v8 =	vld [tilespmem:$0x1AAA0];
	_ =	sdelay $0x4  }
0x6cf: {  	v8 =	vshrl.u32 v8, $0xF  }
0x6d0: {  	v8 =	vand.u32 $0x1F, v8  }
0x6d1: {  	(xrf1) =	vunique.msk.u32 $0xffff, v8;
	_ =	sdelay $0xd  }
0x6d2: {  	_, v9, vm9 =	vpop (xrf1);
	_ =	sdelay $0x5  }
0x6d3: {  	[tilespmem:v8+s15+$0x0] =	vst.idx.add.s32.msk vm9, v9  }
0x6d4: {  	v8 =	vld [tilespmem:$0x1AAB0];
	_ =	sdelay $0x4  }
0x6d5: {  	v8 =	vshrl.u32 v8, $0xF  }
0x6d6: {  	v8 =	vand.u32 $0x1F, v8  }
0x6d7: {  	(xrf1) =	vunique.msk.u32 $0xffff, v8;
	_ =	sdelay $0xd  }
0x6d8: {  	_, v9, vm9 =	vpop (xrf1);
	_ =	sdelay $0x5  }
0x6d9: {  	[tilespmem:v8+s15+$0x0] =	vst.idx.add.s32.msk vm9, v9  }
0x6da: {  	v8 =	vld [tilespmem:$0x1AAC0];
	_ =	sdelay $0x4  }
0x6db: {  	v8 =	vshrl.u32 v8, $0xF  }
0x6dc: {  	v8 =	vand.u32 $0x1F, v8  }
0x6dd: {  	(xrf1) =	vunique.msk.u32 $0xffff, v8;
	_ =	sdelay $0xd  }
0x6de: {  	_, v9, vm9 =	vpop (xrf1);
	_ =	sdelay $0x5  }
0x6df: {  	[tilespmem:v8+s15+$0x0] =	vst.idx.add.s32.msk vm9, v9  }
0x6e0: {  	v8 =	vld [tilespmem:$0x1AAD0];
	_ =	sdelay $0x4  }
0x6e1: {  	v8 =	vshrl.u32 v8, $0xF  }
0x6e2: {  	v8 =	vand.u32 $0x1F, v8  }
0x6e3: {  	(xrf1) =	vunique.msk.u32 $0xffff, v8;
	_ =	sdelay $0xd  }
0x6e4: {  	_, v9, vm9 =	vpop (xrf1);
	_ =	sdelay $0x5  }
0x6e5: {  	[tilespmem:v8+s15+$0x0] =	vst.idx.add.s32.msk vm9, v9  }
0x6e6: {  	v8 =	vld [tilespmem:$0x1AAE0];
	_ =	sdelay $0x4  }
0x6e7: {  	v8 =	vshrl.u32 v8, $0xF  }
0x6e8: {  	v8 =	vand.u32 $0x1F, v8  }
0x6e9: {  	(xrf1) =	vunique.msk.u32 $0xffff, v8;
	_ =	sdelay $0xd  }
0x6ea: {  	_, v9, vm9 =	vpop (xrf1);
	_ =	sdelay $0x5  }
0x6eb: {  	[tilespmem:v8+s15+$0x0] =	vst.idx.add.s32.msk vm9, v9  }
0x6ec: {  	v8 =	vld [tilespmem:$0x1AAF0];
	_ =	sdelay $0x4  }
0x6ed: {  	v8 =	vshrl.u32 v8, $0xF  }
0x6ee: {  	v8 =	vand.u32 $0x1F, v8  }
0x6ef: {  	(xrf1) =	vunique.msk.u32 $0xffff, v8;
	_ =	sdelay $0xd  }
0x6f0: {  	_, v9, vm9 =	vpop (xrf1);
	_ =	sdelay $0x5  }
0x6f1: {  	[tilespmem:v8+s15+$0x0] =	vst.idx.add.s32.msk vm9, v9  }
0x6f2: {  	v8 =	vld [tilespmem:$0x1AB00];
	_ =	sdelay $0x4  }
0x6f3: {  	v8 =	vshrl.u32 v8, $0xF  }
0x6f4: {  	v8 =	vand.u32 $0x1F, v8  }
0x6f5: {  	(xrf1) =	vunique.msk.u32 $0xffff, v8;
	_ =	sdelay $0xd  }
0x6f6: {  	_, v9, vm9 =	vpop (xrf1);
	_ =	sdelay $0x5  }
0x6f7: {  	[tilespmem:v8+s15+$0x0] =	vst.idx.add.s32.msk vm9, v9  }
0x6f8: {  	v8 =	vld [tilespmem:$0x1AB10];
	_ =	sdelay $0x4  }
0x6f9: {  	v8 =	vshrl.u32 v8, $0xF  }
0x6fa: {  	v8 =	vand.u32 $0x1F, v8  }
0x6fb: {  	(xrf1) =	vunique.msk.u32 $0xffff, v8;
	_ =	sdelay $0xd  }
0x6fc: {  	_, v9, vm9 =	vpop (xrf1);
	_ =	sdelay $0x5  }
0x6fd: {  	[tilespmem:v8+s15+$0x0] =	vst.idx.add.s32.msk vm9, v9  }
0x6fe: {  	v8 =	vld [tilespmem:$0x1AB20];
	_ =	sdelay $0x4  }
0x6ff: {  	v8 =	vshrl.u32 v8, $0xF  }
0x700: {  	v8 =	vand.u32 $0x1F, v8  }
0x701: {  	(xrf1) =	vunique.msk.u32 $0xffff, v8;
	_ =	sdelay $0xd  }
0x702: {  	_, v9, vm9 =	vpop (xrf1);
	_ =	sdelay $0x5  }
0x703: {  	[tilespmem:v8+s15+$0x0] =	vst.idx.add.s32.msk vm9, v9  }
0x704: {  	v8 =	vld [tilespmem:$0x14F00];
	_ =	sdelay $0x4  }
0x705: {  	(xrf0) =	vadd.scan.msk.s32 $0xffff, v8;
	_ =	sdelay $0x1  }
0x706: {  	v9 =	vld [tilespmem:$0x14F10];
	_ =	sdelay $0x3  }
0x707: {  	v10, _, _ =	vpop (xrf0)  }
0x708: {  	(xrf0) =	vadd.scan.msk.s32 $0xffff, v9;
	v11 =	vxor.u32 $0x80000000, v10  }
0x709: {  	(xrf0) =	vmax.scan.msk.u32 $0xffff, v11;
	_ =	sdelay $0x4  }
0x70a: {  	v11, _, _ =	vpop (xrf0)  }
0x70b: {  	v63, _, _ =	vpop (xrf0)  }
0x70c: {  	(v2sf) =	vpush v63, $0xF;
	_ =	sdelay $0xe  }
0x70d: {  	s0 =	spop (v2sf)  }
0x70e: {  	v8 =	vsub.s32 v10, v8;
	v9 =	vsub.s32 v11, v9;
	s0 =	sxor.u32 $0x80000000, s0  }
0x70f: {  	[tilespmem:$0x18F00] =	vst v8;
	v8 =	vadd.s32 s0, v9  }
0x710: {  	s31 =	simm.s32 $0x0;
	[tilespmem:$0x18F10] =	vst v8  }
0x711: {  	v8 =	vld [tilespmem:s31+$0x1AA00]  }
0x712: {  	s0 =	simm.s32 $0x40;
	v9 =	vld [tilespmem:s31+$0x1AD00]  }
.LBB2_69:
0x713: {  	p0 =	sne.s32 s0, $0x480;
	_ =	sdelay $0x2  }
0x714: {  	v10 =	vshrl.u32 v8, $0xF  }
0x715: {  	v10 =	vand.u32 $0x1F, v10  }
0x716: {  	(xrf1) =	vunique.msk.u32 $0xffff, v10;
	_ =	sdelay $0x8  }
0x717: {  	v11 =	vld.idx.msk [tilespmem:v10+s16+$0x0], $0xffff;
	_ =	sdelay $0x4  }
0x718: {  	_, v12, vm9 =	vpop (xrf1)  }
0x719: {  	v11 =	vadd.s32 v12, v11  }
0x71a: {  	v11 =	vadd.s32 $0xFFFFFFFF, v11;
	_ =	sdelay $0x4  }
.Ltmp36:
0x71b: {  	[tilespmem:v11+s19+$0x0] =	vst.idx.msk $0xffff, v8;
	(pc) =	sbr.rel @p0 .LBB2_69-.Ltmp36, $4  }
0x71c: {  	[tilespmem:v11+s20+$0x0] =	vst.idx.msk $0xffff, v9  }
0x71d: {  	s1 =	sshra.s32 s0, $0x2;
	[tilespmem:v10+s16+$0x0] =	vst.idx.add.s32.msk vm9, v12  }
0x71e: {  	v8 =	vld [tilespmem:s1+$0x1AA00]  }
0x71f: {  	s0 =	sadd.s32 $0x40, s0;
	v9 =	vld [tilespmem:s1+$0x1AD00]  }
0x720: {  	_ =	sdelay $0x2  }
0x721: {  	v10 =	vshrl.u32 v8, $0xF  }
0x722: {  	v10 =	vand.u32 $0x1F, v10  }
0x723: {  	(xrf1) =	vunique.msk.u32 $0xffff, v10;
	_ =	sdelay $0x9  }
0x724: {  	v11 =	vld.idx.msk [tilespmem:v10+s16+$0x0], $0xffff;
	_ =	sdelay $0x3  }
0x725: {  	_, v12, vm9 =	vpop (xrf1)  }
0x726: {  	v11 =	vadd.s32 v12, v11  }
0x727: {  	v11 =	vadd.s32 $0xFFFFFFFF, v11;
	_ =	sdelay $0x4  }
0x728: {  	[tilespmem:v11+s19+$0x0] =	vst.idx.msk $0xffff, v8  }
0x729: {  	[tilespmem:v11+s20+$0x0] =	vst.idx.msk $0xffff, v9  }
0x72a: {  	[tilespmem:v10+s16+$0x0] =	vst.idx.add.s32.msk vm9, v12  }
0x72b: {  	v8 =	vld [tilespmem:$0x1A880];
	_ =	sdelay $0x4  }
0x72c: {  	v8 =	vshrl.u32 v8, $0x14  }
0x72d: {  	v8 =	vand.u32 $0x1F, v8  }
0x72e: {  	(xrf1) =	vunique.msk.u32 $0xffff, v8;
	_ =	sdelay $0xd  }
0x72f: {  	_, v9, vm9 =	vpop (xrf1);
	_ =	sdelay $0x3  }
0x730: {  	[tilespmem:$0x14F00] =	vst v1  }
0x731: {  	[tilespmem:$0x14F10] =	vst v1  }
0x732: {  	[tilespmem:v8+s15+$0x0] =	vst.idx.add.s32.msk vm9, v9  }
0x733: {  	v8 =	vld [tilespmem:$0x1A890];
	_ =	sdelay $0x4  }
0x734: {  	v8 =	vshrl.u32 v8, $0x14  }
0x735: {  	v8 =	vand.u32 $0x1F, v8  }
0x736: {  	(xrf1) =	vunique.msk.u32 $0xffff, v8;
	_ =	sdelay $0xd  }
0x737: {  	_, v9, vm9 =	vpop (xrf1);
	_ =	sdelay $0x5  }
0x738: {  	[tilespmem:v8+s15+$0x0] =	vst.idx.add.s32.msk vm9, v9  }
0x739: {  	v8 =	vld [tilespmem:$0x1A8A0];
	_ =	sdelay $0x4  }
0x73a: {  	v8 =	vshrl.u32 v8, $0x14  }
0x73b: {  	v8 =	vand.u32 $0x1F, v8  }
0x73c: {  	(xrf1) =	vunique.msk.u32 $0xffff, v8;
	_ =	sdelay $0xd  }
0x73d: {  	_, v9, vm9 =	vpop (xrf1);
	_ =	sdelay $0x5  }
0x73e: {  	[tilespmem:v8+s15+$0x0] =	vst.idx.add.s32.msk vm9, v9  }
0x73f: {  	v8 =	vld [tilespmem:$0x1A8B0];
	_ =	sdelay $0x4  }
0x740: {  	v8 =	vshrl.u32 v8, $0x14  }
0x741: {  	v8 =	vand.u32 $0x1F, v8  }
0x742: {  	(xrf1) =	vunique.msk.u32 $0xffff, v8;
	_ =	sdelay $0xd  }
0x743: {  	_, v9, vm9 =	vpop (xrf1);
	_ =	sdelay $0x5  }
0x744: {  	[tilespmem:v8+s15+$0x0] =	vst.idx.add.s32.msk vm9, v9  }
0x745: {  	v8 =	vld [tilespmem:$0x1A8C0];
	_ =	sdelay $0x4  }
0x746: {  	v8 =	vshrl.u32 v8, $0x14  }
0x747: {  	v8 =	vand.u32 $0x1F, v8  }
0x748: {  	(xrf1) =	vunique.msk.u32 $0xffff, v8;
	_ =	sdelay $0xd  }
0x749: {  	_, v9, vm9 =	vpop (xrf1);
	_ =	sdelay $0x5  }
0x74a: {  	[tilespmem:v8+s15+$0x0] =	vst.idx.add.s32.msk vm9, v9  }
0x74b: {  	v8 =	vld [tilespmem:$0x1A8D0];
	_ =	sdelay $0x4  }
0x74c: {  	v8 =	vshrl.u32 v8, $0x14  }
0x74d: {  	v8 =	vand.u32 $0x1F, v8  }
0x74e: {  	(xrf1) =	vunique.msk.u32 $0xffff, v8;
	_ =	sdelay $0xd  }
0x74f: {  	_, v9, vm9 =	vpop (xrf1);
	_ =	sdelay $0x5  }
0x750: {  	[tilespmem:v8+s15+$0x0] =	vst.idx.add.s32.msk vm9, v9  }
0x751: {  	v8 =	vld [tilespmem:$0x1A8E0];
	_ =	sdelay $0x4  }
0x752: {  	v8 =	vshrl.u32 v8, $0x14  }
0x753: {  	v8 =	vand.u32 $0x1F, v8  }
0x754: {  	(xrf1) =	vunique.msk.u32 $0xffff, v8;
	_ =	sdelay $0xd  }
0x755: {  	_, v9, vm9 =	vpop (xrf1);
	_ =	sdelay $0x5  }
0x756: {  	[tilespmem:v8+s15+$0x0] =	vst.idx.add.s32.msk vm9, v9  }
0x757: {  	v8 =	vld [tilespmem:$0x1A8F0];
	_ =	sdelay $0x4  }
0x758: {  	v8 =	vshrl.u32 v8, $0x14  }
0x759: {  	v8 =	vand.u32 $0x1F, v8  }
0x75a: {  	(xrf1) =	vunique.msk.u32 $0xffff, v8;
	_ =	sdelay $0xd  }
0x75b: {  	_, v9, vm9 =	vpop (xrf1);
	_ =	sdelay $0x5  }
0x75c: {  	[tilespmem:v8+s15+$0x0] =	vst.idx.add.s32.msk vm9, v9  }
0x75d: {  	v8 =	vld [tilespmem:$0x1A900];
	_ =	sdelay $0x4  }
0x75e: {  	v8 =	vshrl.u32 v8, $0x14  }
0x75f: {  	v8 =	vand.u32 $0x1F, v8  }
0x760: {  	(xrf1) =	vunique.msk.u32 $0xffff, v8;
	_ =	sdelay $0xd  }
0x761: {  	_, v9, vm9 =	vpop (xrf1);
	_ =	sdelay $0x5  }
0x762: {  	[tilespmem:v8+s15+$0x0] =	vst.idx.add.s32.msk vm9, v9  }
0x763: {  	v8 =	vld [tilespmem:$0x1A910];
	_ =	sdelay $0x4  }
0x764: {  	v8 =	vshrl.u32 v8, $0x14  }
0x765: {  	v8 =	vand.u32 $0x1F, v8  }
0x766: {  	(xrf1) =	vunique.msk.u32 $0xffff, v8;
	_ =	sdelay $0xd  }
0x767: {  	_, v9, vm9 =	vpop (xrf1);
	_ =	sdelay $0x5  }
0x768: {  	[tilespmem:v8+s15+$0x0] =	vst.idx.add.s32.msk vm9, v9  }
0x769: {  	v8 =	vld [tilespmem:$0x1A920];
	_ =	sdelay $0x4  }
0x76a: {  	v8 =	vshrl.u32 v8, $0x14  }
0x76b: {  	v8 =	vand.u32 $0x1F, v8  }
0x76c: {  	(xrf1) =	vunique.msk.u32 $0xffff, v8;
	_ =	sdelay $0xd  }
0x76d: {  	_, v9, vm9 =	vpop (xrf1);
	_ =	sdelay $0x5  }
0x76e: {  	[tilespmem:v8+s15+$0x0] =	vst.idx.add.s32.msk vm9, v9  }
0x76f: {  	v8 =	vld [tilespmem:$0x1A930];
	_ =	sdelay $0x4  }
0x770: {  	v8 =	vshrl.u32 v8, $0x14  }
0x771: {  	v8 =	vand.u32 $0x1F, v8  }
0x772: {  	(xrf1) =	vunique.msk.u32 $0xffff, v8;
	_ =	sdelay $0xd  }
0x773: {  	_, v9, vm9 =	vpop (xrf1);
	_ =	sdelay $0x5  }
0x774: {  	[tilespmem:v8+s15+$0x0] =	vst.idx.add.s32.msk vm9, v9  }
0x775: {  	v8 =	vld [tilespmem:$0x1A940];
	_ =	sdelay $0x4  }
0x776: {  	v8 =	vshrl.u32 v8, $0x14  }
0x777: {  	v8 =	vand.u32 $0x1F, v8  }
0x778: {  	(xrf1) =	vunique.msk.u32 $0xffff, v8;
	_ =	sdelay $0xd  }
0x779: {  	_, v9, vm9 =	vpop (xrf1);
	_ =	sdelay $0x5  }
0x77a: {  	[tilespmem:v8+s15+$0x0] =	vst.idx.add.s32.msk vm9, v9  }
0x77b: {  	v8 =	vld [tilespmem:$0x1A950];
	_ =	sdelay $0x4  }
0x77c: {  	v8 =	vshrl.u32 v8, $0x14  }
0x77d: {  	v8 =	vand.u32 $0x1F, v8  }
0x77e: {  	(xrf1) =	vunique.msk.u32 $0xffff, v8;
	_ =	sdelay $0xd  }
0x77f: {  	_, v9, vm9 =	vpop (xrf1);
	_ =	sdelay $0x5  }
0x780: {  	[tilespmem:v8+s15+$0x0] =	vst.idx.add.s32.msk vm9, v9  }
0x781: {  	v8 =	vld [tilespmem:$0x1A960];
	_ =	sdelay $0x4  }
0x782: {  	v8 =	vshrl.u32 v8, $0x14  }
0x783: {  	v8 =	vand.u32 $0x1F, v8  }
0x784: {  	(xrf1) =	vunique.msk.u32 $0xffff, v8;
	_ =	sdelay $0xd  }
0x785: {  	_, v9, vm9 =	vpop (xrf1);
	_ =	sdelay $0x5  }
0x786: {  	[tilespmem:v8+s15+$0x0] =	vst.idx.add.s32.msk vm9, v9  }
0x787: {  	v8 =	vld [tilespmem:$0x1A970];
	_ =	sdelay $0x4  }
0x788: {  	v8 =	vshrl.u32 v8, $0x14  }
0x789: {  	v8 =	vand.u32 $0x1F, v8  }
0x78a: {  	(xrf1) =	vunique.msk.u32 $0xffff, v8;
	_ =	sdelay $0xd  }
0x78b: {  	_, v9, vm9 =	vpop (xrf1);
	_ =	sdelay $0x5  }
0x78c: {  	[tilespmem:v8+s15+$0x0] =	vst.idx.add.s32.msk vm9, v9  }
0x78d: {  	v8 =	vld [tilespmem:$0x1A980];
	_ =	sdelay $0x4  }
0x78e: {  	v8 =	vshrl.u32 v8, $0x14  }
0x78f: {  	v8 =	vand.u32 $0x1F, v8  }
0x790: {  	(xrf1) =	vunique.msk.u32 $0xffff, v8;
	_ =	sdelay $0xd  }
0x791: {  	_, v9, vm9 =	vpop (xrf1);
	_ =	sdelay $0x5  }
0x792: {  	[tilespmem:v8+s15+$0x0] =	vst.idx.add.s32.msk vm9, v9  }
0x793: {  	v8 =	vld [tilespmem:$0x1A990];
	_ =	sdelay $0x4  }
0x794: {  	v8 =	vshrl.u32 v8, $0x14  }
0x795: {  	v8 =	vand.u32 $0x1F, v8  }
0x796: {  	(xrf1) =	vunique.msk.u32 $0xffff, v8;
	_ =	sdelay $0xd  }
0x797: {  	_, v9, vm9 =	vpop (xrf1);
	_ =	sdelay $0x5  }
0x798: {  	[tilespmem:v8+s15+$0x0] =	vst.idx.add.s32.msk vm9, v9  }
0x799: {  	v8 =	vld [tilespmem:$0x1A9A0];
	_ =	sdelay $0x4  }
0x79a: {  	v8 =	vshrl.u32 v8, $0x14  }
0x79b: {  	v8 =	vand.u32 $0x1F, v8  }
0x79c: {  	(xrf1) =	vunique.msk.u32 $0xffff, v8;
	_ =	sdelay $0xd  }
0x79d: {  	_, v9, vm9 =	vpop (xrf1);
	_ =	sdelay $0x5  }
0x79e: {  	[tilespmem:v8+s15+$0x0] =	vst.idx.add.s32.msk vm9, v9  }
0x79f: {  	v8 =	vld [tilespmem:$0x14F00];
	_ =	sdelay $0x4  }
0x7a0: {  	(xrf0) =	vadd.scan.msk.s32 $0xffff, v8;
	_ =	sdelay $0x1  }
0x7a1: {  	v9 =	vld [tilespmem:$0x14F10];
	_ =	sdelay $0x3  }
0x7a2: {  	v10, _, _ =	vpop (xrf0)  }
0x7a3: {  	(xrf0) =	vadd.scan.msk.s32 $0xffff, v9;
	v11 =	vxor.u32 $0x80000000, v10  }
0x7a4: {  	(xrf0) =	vmax.scan.msk.u32 $0xffff, v11;
	_ =	sdelay $0x4  }
0x7a5: {  	v11, _, _ =	vpop (xrf0)  }
0x7a6: {  	v63, _, _ =	vpop (xrf0)  }
0x7a7: {  	(v2sf) =	vpush v63, $0xF;
	_ =	sdelay $0xe  }
0x7a8: {  	s0 =	spop (v2sf)  }
0x7a9: {  	v8 =	vsub.s32 v10, v8;
	v9 =	vsub.s32 v11, v9;
	s0 =	sxor.u32 $0x80000000, s0  }
0x7aa: {  	[tilespmem:$0x18F00] =	vst v8;
	v8 =	vadd.s32 s0, v9  }
0x7ab: {  	s31 =	simm.s32 $0x0;
	[tilespmem:$0x18F10] =	vst v8  }
0x7ac: {  	v8 =	vld [tilespmem:s31+$0x1A880]  }
0x7ad: {  	s0 =	simm.s32 $0x40;
	v9 =	vld [tilespmem:s31+$0x1AB80]  }
.LBB2_71:
0x7ae: {  	p0 =	sne.s32 s0, $0x480;
	_ =	sdelay $0x2  }
0x7af: {  	v10 =	vshrl.u32 v8, $0x14  }
0x7b0: {  	v10 =	vand.u32 $0x1F, v10  }
0x7b1: {  	(xrf1) =	vunique.msk.u32 $0xffff, v10;
	_ =	sdelay $0x8  }
0x7b2: {  	v11 =	vld.idx.msk [tilespmem:v10+s16+$0x0], $0xffff;
	_ =	sdelay $0x4  }
0x7b3: {  	_, v12, vm9 =	vpop (xrf1)  }
0x7b4: {  	v11 =	vadd.s32 v12, v11  }
0x7b5: {  	v11 =	vadd.s32 $0xFFFFFFFF, v11;
	_ =	sdelay $0x4  }
.Ltmp37:
0x7b6: {  	[tilespmem:v11+s17+$0x0] =	vst.idx.msk $0xffff, v8;
	(pc) =	sbr.rel @p0 .LBB2_71-.Ltmp37, $4  }
0x7b7: {  	[tilespmem:v11+s18+$0x0] =	vst.idx.msk $0xffff, v9  }
0x7b8: {  	s1 =	sshra.s32 s0, $0x2;
	[tilespmem:v10+s16+$0x0] =	vst.idx.add.s32.msk vm9, v12  }
0x7b9: {  	v8 =	vld [tilespmem:s1+$0x1A880]  }
0x7ba: {  	s0 =	sadd.s32 $0x40, s0;
	v9 =	vld [tilespmem:s1+$0x1AB80]  }
0x7bb: {  	_ =	sdelay $0x2  }
0x7bc: {  	v10 =	vshrl.u32 v8, $0x14  }
0x7bd: {  	v10 =	vand.u32 $0x1F, v10  }
0x7be: {  	(xrf1) =	vunique.msk.u32 $0xffff, v10;
	_ =	sdelay $0x9  }
0x7bf: {  	v11 =	vld.idx.msk [tilespmem:v10+s16+$0x0], $0xffff;
	_ =	sdelay $0x3  }
0x7c0: {  	_, v12, vm9 =	vpop (xrf1)  }
0x7c1: {  	v11 =	vadd.s32 v12, v11  }
0x7c2: {  	v11 =	vadd.s32 $0xFFFFFFFF, v11;
	_ =	sdelay $0x4  }
0x7c3: {  	[tilespmem:v11+s17+$0x0] =	vst.idx.msk $0xffff, v8  }
0x7c4: {  	[tilespmem:v11+s18+$0x0] =	vst.idx.msk $0xffff, v9  }
0x7c5: {  	[tilespmem:v10+s16+$0x0] =	vst.idx.add.s32.msk vm9, v12  }
0x7c6: {  	v8 =	vld [tilespmem:$0x1AA00];
	_ =	sdelay $0x4  }
0x7c7: {  	v8 =	vshrl.u32 v8, $0x19  }
0x7c8: {  	v8 =	vand.u32 $0x1F, v8  }
0x7c9: {  	(xrf1) =	vunique.msk.u32 $0xffff, v8;
	_ =	sdelay $0xd  }
0x7ca: {  	_, v9, vm9 =	vpop (xrf1);
	_ =	sdelay $0x3  }
0x7cb: {  	[tilespmem:$0x14F00] =	vst v1  }
0x7cc: {  	[tilespmem:$0x14F10] =	vst v1  }
0x7cd: {  	[tilespmem:v8+s15+$0x0] =	vst.idx.add.s32.msk vm9, v9  }
0x7ce: {  	v8 =	vld [tilespmem:$0x1AA10];
	_ =	sdelay $0x4  }
0x7cf: {  	v8 =	vshrl.u32 v8, $0x19  }
0x7d0: {  	v8 =	vand.u32 $0x1F, v8  }
0x7d1: {  	(xrf1) =	vunique.msk.u32 $0xffff, v8;
	_ =	sdelay $0xd  }
0x7d2: {  	_, v9, vm9 =	vpop (xrf1);
	_ =	sdelay $0x5  }
0x7d3: {  	[tilespmem:v8+s15+$0x0] =	vst.idx.add.s32.msk vm9, v9  }
0x7d4: {  	v8 =	vld [tilespmem:$0x1AA20];
	_ =	sdelay $0x4  }
0x7d5: {  	v8 =	vshrl.u32 v8, $0x19  }
0x7d6: {  	v8 =	vand.u32 $0x1F, v8  }
0x7d7: {  	(xrf1) =	vunique.msk.u32 $0xffff, v8;
	_ =	sdelay $0xd  }
0x7d8: {  	_, v9, vm9 =	vpop (xrf1);
	_ =	sdelay $0x5  }
0x7d9: {  	[tilespmem:v8+s15+$0x0] =	vst.idx.add.s32.msk vm9, v9  }
0x7da: {  	v8 =	vld [tilespmem:$0x1AA30];
	_ =	sdelay $0x4  }
0x7db: {  	v8 =	vshrl.u32 v8, $0x19  }
0x7dc: {  	v8 =	vand.u32 $0x1F, v8  }
0x7dd: {  	(xrf1) =	vunique.msk.u32 $0xffff, v8;
	_ =	sdelay $0xd  }
0x7de: {  	_, v9, vm9 =	vpop (xrf1);
	_ =	sdelay $0x5  }
0x7df: {  	[tilespmem:v8+s15+$0x0] =	vst.idx.add.s32.msk vm9, v9  }
0x7e0: {  	v8 =	vld [tilespmem:$0x1AA40];
	_ =	sdelay $0x4  }
0x7e1: {  	v8 =	vshrl.u32 v8, $0x19  }
0x7e2: {  	v8 =	vand.u32 $0x1F, v8  }
0x7e3: {  	(xrf1) =	vunique.msk.u32 $0xffff, v8;
	_ =	sdelay $0xd  }
0x7e4: {  	_, v9, vm9 =	vpop (xrf1);
	_ =	sdelay $0x5  }
0x7e5: {  	[tilespmem:v8+s15+$0x0] =	vst.idx.add.s32.msk vm9, v9  }
0x7e6: {  	v8 =	vld [tilespmem:$0x1AA50];
	_ =	sdelay $0x4  }
0x7e7: {  	v8 =	vshrl.u32 v8, $0x19  }
0x7e8: {  	v8 =	vand.u32 $0x1F, v8  }
0x7e9: {  	(xrf1) =	vunique.msk.u32 $0xffff, v8;
	_ =	sdelay $0xd  }
0x7ea: {  	_, v9, vm9 =	vpop (xrf1);
	_ =	sdelay $0x5  }
0x7eb: {  	[tilespmem:v8+s15+$0x0] =	vst.idx.add.s32.msk vm9, v9  }
0x7ec: {  	v8 =	vld [tilespmem:$0x1AA60];
	_ =	sdelay $0x4  }
0x7ed: {  	v8 =	vshrl.u32 v8, $0x19  }
0x7ee: {  	v8 =	vand.u32 $0x1F, v8  }
0x7ef: {  	(xrf1) =	vunique.msk.u32 $0xffff, v8;
	_ =	sdelay $0xd  }
0x7f0: {  	_, v9, vm9 =	vpop (xrf1);
	_ =	sdelay $0x5  }
0x7f1: {  	[tilespmem:v8+s15+$0x0] =	vst.idx.add.s32.msk vm9, v9  }
0x7f2: {  	v8 =	vld [tilespmem:$0x1AA70];
	_ =	sdelay $0x4  }
0x7f3: {  	v8 =	vshrl.u32 v8, $0x19  }
0x7f4: {  	v8 =	vand.u32 $0x1F, v8  }
0x7f5: {  	(xrf1) =	vunique.msk.u32 $0xffff, v8;
	_ =	sdelay $0xd  }
0x7f6: {  	_, v9, vm9 =	vpop (xrf1);
	_ =	sdelay $0x5  }
0x7f7: {  	[tilespmem:v8+s15+$0x0] =	vst.idx.add.s32.msk vm9, v9  }
0x7f8: {  	v8 =	vld [tilespmem:$0x1AA80];
	_ =	sdelay $0x4  }
0x7f9: {  	v8 =	vshrl.u32 v8, $0x19  }
0x7fa: {  	v8 =	vand.u32 $0x1F, v8  }
0x7fb: {  	(xrf1) =	vunique.msk.u32 $0xffff, v8;
	_ =	sdelay $0xd  }
0x7fc: {  	_, v9, vm9 =	vpop (xrf1);
	_ =	sdelay $0x5  }
0x7fd: {  	[tilespmem:v8+s15+$0x0] =	vst.idx.add.s32.msk vm9, v9  }
0x7fe: {  	v8 =	vld [tilespmem:$0x1AA90];
	_ =	sdelay $0x4  }
0x7ff: {  	v8 =	vshrl.u32 v8, $0x19  }
0x800: {  	v8 =	vand.u32 $0x1F, v8  }
0x801: {  	(xrf1) =	vunique.msk.u32 $0xffff, v8;
	_ =	sdelay $0xd  }
0x802: {  	_, v9, vm9 =	vpop (xrf1);
	_ =	sdelay $0x5  }
0x803: {  	[tilespmem:v8+s15+$0x0] =	vst.idx.add.s32.msk vm9, v9  }
0x804: {  	v8 =	vld [tilespmem:$0x1AAA0];
	_ =	sdelay $0x4  }
0x805: {  	v8 =	vshrl.u32 v8, $0x19  }
0x806: {  	v8 =	vand.u32 $0x1F, v8  }
0x807: {  	(xrf1) =	vunique.msk.u32 $0xffff, v8;
	_ =	sdelay $0xd  }
0x808: {  	_, v9, vm9 =	vpop (xrf1);
	_ =	sdelay $0x5  }
0x809: {  	[tilespmem:v8+s15+$0x0] =	vst.idx.add.s32.msk vm9, v9  }
0x80a: {  	v8 =	vld [tilespmem:$0x1AAB0];
	_ =	sdelay $0x4  }
0x80b: {  	v8 =	vshrl.u32 v8, $0x19  }
0x80c: {  	v8 =	vand.u32 $0x1F, v8  }
0x80d: {  	(xrf1) =	vunique.msk.u32 $0xffff, v8;
	_ =	sdelay $0xd  }
0x80e: {  	_, v9, vm9 =	vpop (xrf1);
	_ =	sdelay $0x5  }
0x80f: {  	[tilespmem:v8+s15+$0x0] =	vst.idx.add.s32.msk vm9, v9  }
0x810: {  	v8 =	vld [tilespmem:$0x1AAC0];
	_ =	sdelay $0x4  }
0x811: {  	v8 =	vshrl.u32 v8, $0x19  }
0x812: {  	v8 =	vand.u32 $0x1F, v8  }
0x813: {  	(xrf1) =	vunique.msk.u32 $0xffff, v8;
	_ =	sdelay $0xd  }
0x814: {  	_, v9, vm9 =	vpop (xrf1);
	_ =	sdelay $0x5  }
0x815: {  	[tilespmem:v8+s15+$0x0] =	vst.idx.add.s32.msk vm9, v9  }
0x816: {  	v8 =	vld [tilespmem:$0x1AAD0];
	_ =	sdelay $0x4  }
0x817: {  	v8 =	vshrl.u32 v8, $0x19  }
0x818: {  	v8 =	vand.u32 $0x1F, v8  }
0x819: {  	(xrf1) =	vunique.msk.u32 $0xffff, v8;
	_ =	sdelay $0xd  }
0x81a: {  	_, v9, vm9 =	vpop (xrf1);
	_ =	sdelay $0x5  }
0x81b: {  	[tilespmem:v8+s15+$0x0] =	vst.idx.add.s32.msk vm9, v9  }
0x81c: {  	v8 =	vld [tilespmem:$0x1AAE0];
	_ =	sdelay $0x4  }
0x81d: {  	v8 =	vshrl.u32 v8, $0x19  }
0x81e: {  	v8 =	vand.u32 $0x1F, v8  }
0x81f: {  	(xrf1) =	vunique.msk.u32 $0xffff, v8;
	_ =	sdelay $0xd  }
0x820: {  	_, v9, vm9 =	vpop (xrf1);
	_ =	sdelay $0x5  }
0x821: {  	[tilespmem:v8+s15+$0x0] =	vst.idx.add.s32.msk vm9, v9  }
0x822: {  	v8 =	vld [tilespmem:$0x1AAF0];
	_ =	sdelay $0x4  }
0x823: {  	v8 =	vshrl.u32 v8, $0x19  }
0x824: {  	v8 =	vand.u32 $0x1F, v8  }
0x825: {  	(xrf1) =	vunique.msk.u32 $0xffff, v8;
	_ =	sdelay $0xd  }
0x826: {  	_, v9, vm9 =	vpop (xrf1);
	_ =	sdelay $0x5  }
0x827: {  	[tilespmem:v8+s15+$0x0] =	vst.idx.add.s32.msk vm9, v9  }
0x828: {  	v8 =	vld [tilespmem:$0x1AB00];
	_ =	sdelay $0x4  }
0x829: {  	v8 =	vshrl.u32 v8, $0x19  }
0x82a: {  	v8 =	vand.u32 $0x1F, v8  }
0x82b: {  	(xrf1) =	vunique.msk.u32 $0xffff, v8;
	_ =	sdelay $0xd  }
0x82c: {  	_, v9, vm9 =	vpop (xrf1);
	_ =	sdelay $0x5  }
0x82d: {  	[tilespmem:v8+s15+$0x0] =	vst.idx.add.s32.msk vm9, v9  }
0x82e: {  	v8 =	vld [tilespmem:$0x1AB10];
	_ =	sdelay $0x4  }
0x82f: {  	v8 =	vshrl.u32 v8, $0x19  }
0x830: {  	v8 =	vand.u32 $0x1F, v8  }
0x831: {  	(xrf1) =	vunique.msk.u32 $0xffff, v8;
	_ =	sdelay $0xd  }
0x832: {  	_, v9, vm9 =	vpop (xrf1);
	_ =	sdelay $0x5  }
0x833: {  	[tilespmem:v8+s15+$0x0] =	vst.idx.add.s32.msk vm9, v9  }
0x834: {  	v8 =	vld [tilespmem:$0x1AB20];
	_ =	sdelay $0x4  }
0x835: {  	v8 =	vshrl.u32 v8, $0x19  }
0x836: {  	v8 =	vand.u32 $0x1F, v8  }
0x837: {  	(xrf1) =	vunique.msk.u32 $0xffff, v8;
	_ =	sdelay $0xd  }
0x838: {  	_, v9, vm9 =	vpop (xrf1);
	_ =	sdelay $0x5  }
0x839: {  	[tilespmem:v8+s15+$0x0] =	vst.idx.add.s32.msk vm9, v9  }
0x83a: {  	v8 =	vld [tilespmem:$0x14F00];
	_ =	sdelay $0x4  }
0x83b: {  	(xrf0) =	vadd.scan.msk.s32 $0xffff, v8;
	_ =	sdelay $0x1  }
0x83c: {  	v9 =	vld [tilespmem:$0x14F10];
	_ =	sdelay $0x3  }
0x83d: {  	v10, _, _ =	vpop (xrf0)  }
0x83e: {  	(xrf0) =	vadd.scan.msk.s32 $0xffff, v9;
	v11 =	vxor.u32 $0x80000000, v10  }
0x83f: {  	(xrf0) =	vmax.scan.msk.u32 $0xffff, v11;
	_ =	sdelay $0x4  }
0x840: {  	v11, _, _ =	vpop (xrf0)  }
0x841: {  	v63, _, _ =	vpop (xrf0)  }
0x842: {  	(v2sf) =	vpush v63, $0xF;
	_ =	sdelay $0xe  }
0x843: {  	s0 =	spop (v2sf)  }
0x844: {  	v8 =	vsub.s32 v10, v8;
	v9 =	vsub.s32 v11, v9;
	s0 =	sxor.u32 $0x80000000, s0  }
0x845: {  	[tilespmem:$0x18F00] =	vst v8;
	v8 =	vadd.s32 s0, v9  }
0x846: {  	s31 =	simm.s32 $0x0;
	[tilespmem:$0x18F10] =	vst v8  }
0x847: {  	v8 =	vld [tilespmem:s31+$0x1AA00]  }
0x848: {  	[dreg:$0xe] =	wrdreg s6;
	s0 =	simm.s32 $0x40;
	v9 =	vld [tilespmem:s31+$0x1AD00]  }
.LBB2_73:
0x849: {  	p0 =	sne.s32 s0, $0x480;
	_ =	sdelay $0x2  }
0x84a: {  	v10 =	vshrl.u32 v8, $0x19  }
0x84b: {  	v10 =	vand.u32 $0x1F, v10  }
0x84c: {  	(xrf1) =	vunique.msk.u32 $0xffff, v10;
	_ =	sdelay $0x8  }
0x84d: {  	v11 =	vld.idx.msk [tilespmem:v10+s16+$0x0], $0xffff;
	_ =	sdelay $0x4  }
0x84e: {  	_, v12, vm9 =	vpop (xrf1)  }
0x84f: {  	v11 =	vadd.s32 v12, v11  }
0x850: {  	v11 =	vadd.s32 $0xFFFFFFFF, v11;
	_ =	sdelay $0x4  }
.Ltmp38:
0x851: {  	[tilespmem:v11+s19+$0x0] =	vst.idx.msk $0xffff, v8;
	(pc) =	sbr.rel @p0 .LBB2_73-.Ltmp38, $4  }
0x852: {  	[tilespmem:v11+s20+$0x0] =	vst.idx.msk $0xffff, v9  }
0x853: {  	s1 =	sshra.s32 s0, $0x2;
	[tilespmem:v10+s16+$0x0] =	vst.idx.add.s32.msk vm9, v12  }
0x854: {  	v8 =	vld [tilespmem:s1+$0x1AA00]  }
0x855: {  	s0 =	sadd.s32 $0x40, s0;
	v9 =	vld [tilespmem:s1+$0x1AD00]  }
0x856: {  	_ =	sdelay $0x2  }
0x857: {  	v10 =	vshrl.u32 v8, $0x19  }
0x858: {  	v10 =	vand.u32 $0x1F, v10  }
0x859: {  	(xrf1) =	vunique.msk.u32 $0xffff, v10;
	_ =	sdelay $0x9  }
0x85a: {  	v11 =	vld.idx.msk [tilespmem:v10+s16+$0x0], $0xffff;
	_ =	sdelay $0x3  }
0x85b: {  	_, v12, vm9 =	vpop (xrf1)  }
0x85c: {  	v11 =	vadd.s32 v12, v11  }
0x85d: {  	v11 =	vadd.s32 $0xFFFFFFFF, v11;
	_ =	sdelay $0x4  }
0x85e: {  	[tilespmem:v11+s19+$0x0] =	vst.idx.msk $0xffff, v8  }
0x85f: {  	[tilespmem:v11+s20+$0x0] =	vst.idx.msk $0xffff, v9  }
0x860: {  	[tilespmem:v10+s16+$0x0] =	vst.idx.add.s32.msk vm9, v12  }
0x861: {  	v8 =	vld [tilespmem:$0x1A880];
	_ =	sdelay $0x4  }
0x862: {  	v8 =	vshrl.u32 v8, $0x1E  }
0x863: {  	(xrf1) =	vunique.msk.u32 $0xffff, v8;
	_ =	sdelay $0xd  }
0x864: {  	_, v9, vm9 =	vpop (xrf1);
	_ =	sdelay $0x3  }
0x865: {  	[tilespmem:$0x14F00] =	vst v1  }
0x866: {  	[tilespmem:$0x14F10] =	vst v1  }
0x867: {  	[tilespmem:v8+s15+$0x0] =	vst.idx.add.s32.msk vm9, v9  }
0x868: {  	v8 =	vld [tilespmem:$0x1A890];
	_ =	sdelay $0x4  }
0x869: {  	v8 =	vshrl.u32 v8, $0x1E  }
0x86a: {  	(xrf1) =	vunique.msk.u32 $0xffff, v8;
	_ =	sdelay $0xd  }
0x86b: {  	_, v9, vm9 =	vpop (xrf1);
	_ =	sdelay $0x5  }
0x86c: {  	[tilespmem:v8+s15+$0x0] =	vst.idx.add.s32.msk vm9, v9  }
0x86d: {  	v8 =	vld [tilespmem:$0x1A8A0];
	_ =	sdelay $0x4  }
0x86e: {  	v8 =	vshrl.u32 v8, $0x1E  }
0x86f: {  	(xrf1) =	vunique.msk.u32 $0xffff, v8;
	_ =	sdelay $0xd  }
0x870: {  	_, v9, vm9 =	vpop (xrf1);
	_ =	sdelay $0x5  }
0x871: {  	[tilespmem:v8+s15+$0x0] =	vst.idx.add.s32.msk vm9, v9  }
0x872: {  	v8 =	vld [tilespmem:$0x1A8B0];
	_ =	sdelay $0x4  }
0x873: {  	v8 =	vshrl.u32 v8, $0x1E  }
0x874: {  	(xrf1) =	vunique.msk.u32 $0xffff, v8;
	_ =	sdelay $0xd  }
0x875: {  	_, v9, vm9 =	vpop (xrf1);
	_ =	sdelay $0x5  }
0x876: {  	[tilespmem:v8+s15+$0x0] =	vst.idx.add.s32.msk vm9, v9  }
0x877: {  	v8 =	vld [tilespmem:$0x1A8C0];
	_ =	sdelay $0x4  }
0x878: {  	v8 =	vshrl.u32 v8, $0x1E  }
0x879: {  	(xrf1) =	vunique.msk.u32 $0xffff, v8;
	_ =	sdelay $0xd  }
0x87a: {  	_, v9, vm9 =	vpop (xrf1);
	_ =	sdelay $0x5  }
0x87b: {  	[tilespmem:v8+s15+$0x0] =	vst.idx.add.s32.msk vm9, v9  }
0x87c: {  	v8 =	vld [tilespmem:$0x1A8D0];
	_ =	sdelay $0x4  }
0x87d: {  	v8 =	vshrl.u32 v8, $0x1E  }
0x87e: {  	(xrf1) =	vunique.msk.u32 $0xffff, v8;
	_ =	sdelay $0xd  }
0x87f: {  	_, v9, vm9 =	vpop (xrf1);
	_ =	sdelay $0x5  }
0x880: {  	[tilespmem:v8+s15+$0x0] =	vst.idx.add.s32.msk vm9, v9  }
0x881: {  	v8 =	vld [tilespmem:$0x1A8E0];
	_ =	sdelay $0x4  }
0x882: {  	v8 =	vshrl.u32 v8, $0x1E  }
0x883: {  	(xrf1) =	vunique.msk.u32 $0xffff, v8;
	_ =	sdelay $0xd  }
0x884: {  	_, v9, vm9 =	vpop (xrf1);
	_ =	sdelay $0x5  }
0x885: {  	[tilespmem:v8+s15+$0x0] =	vst.idx.add.s32.msk vm9, v9  }
0x886: {  	v8 =	vld [tilespmem:$0x1A8F0];
	_ =	sdelay $0x4  }
0x887: {  	v8 =	vshrl.u32 v8, $0x1E  }
0x888: {  	(xrf1) =	vunique.msk.u32 $0xffff, v8;
	_ =	sdelay $0xd  }
0x889: {  	_, v9, vm9 =	vpop (xrf1);
	_ =	sdelay $0x5  }
0x88a: {  	[tilespmem:v8+s15+$0x0] =	vst.idx.add.s32.msk vm9, v9  }
0x88b: {  	v8 =	vld [tilespmem:$0x1A900];
	_ =	sdelay $0x4  }
0x88c: {  	v8 =	vshrl.u32 v8, $0x1E  }
0x88d: {  	(xrf1) =	vunique.msk.u32 $0xffff, v8;
	_ =	sdelay $0xd  }
0x88e: {  	_, v9, vm9 =	vpop (xrf1);
	_ =	sdelay $0x5  }
0x88f: {  	[tilespmem:v8+s15+$0x0] =	vst.idx.add.s32.msk vm9, v9  }
0x890: {  	v8 =	vld [tilespmem:$0x1A910];
	_ =	sdelay $0x4  }
0x891: {  	v8 =	vshrl.u32 v8, $0x1E  }
0x892: {  	(xrf1) =	vunique.msk.u32 $0xffff, v8;
	_ =	sdelay $0xd  }
0x893: {  	_, v9, vm9 =	vpop (xrf1);
	_ =	sdelay $0x5  }
0x894: {  	[tilespmem:v8+s15+$0x0] =	vst.idx.add.s32.msk vm9, v9  }
0x895: {  	v8 =	vld [tilespmem:$0x1A920];
	_ =	sdelay $0x4  }
0x896: {  	v8 =	vshrl.u32 v8, $0x1E  }
0x897: {  	(xrf1) =	vunique.msk.u32 $0xffff, v8;
	_ =	sdelay $0xd  }
0x898: {  	_, v9, vm9 =	vpop (xrf1);
	_ =	sdelay $0x5  }
0x899: {  	[tilespmem:v8+s15+$0x0] =	vst.idx.add.s32.msk vm9, v9  }
0x89a: {  	v8 =	vld [tilespmem:$0x1A930];
	_ =	sdelay $0x4  }
0x89b: {  	v8 =	vshrl.u32 v8, $0x1E  }
0x89c: {  	(xrf1) =	vunique.msk.u32 $0xffff, v8;
	_ =	sdelay $0xd  }
0x89d: {  	_, v9, vm9 =	vpop (xrf1);
	_ =	sdelay $0x5  }
0x89e: {  	[tilespmem:v8+s15+$0x0] =	vst.idx.add.s32.msk vm9, v9  }
0x89f: {  	v8 =	vld [tilespmem:$0x1A940];
	_ =	sdelay $0x4  }
0x8a0: {  	v8 =	vshrl.u32 v8, $0x1E  }
0x8a1: {  	(xrf1) =	vunique.msk.u32 $0xffff, v8;
	_ =	sdelay $0xd  }
0x8a2: {  	_, v9, vm9 =	vpop (xrf1);
	_ =	sdelay $0x5  }
0x8a3: {  	[tilespmem:v8+s15+$0x0] =	vst.idx.add.s32.msk vm9, v9  }
0x8a4: {  	v8 =	vld [tilespmem:$0x1A950];
	_ =	sdelay $0x4  }
0x8a5: {  	v8 =	vshrl.u32 v8, $0x1E  }
0x8a6: {  	(xrf1) =	vunique.msk.u32 $0xffff, v8;
	_ =	sdelay $0xd  }
0x8a7: {  	_, v9, vm9 =	vpop (xrf1);
	_ =	sdelay $0x5  }
0x8a8: {  	[tilespmem:v8+s15+$0x0] =	vst.idx.add.s32.msk vm9, v9  }
0x8a9: {  	v8 =	vld [tilespmem:$0x1A960];
	_ =	sdelay $0x4  }
0x8aa: {  	v8 =	vshrl.u32 v8, $0x1E  }
0x8ab: {  	(xrf1) =	vunique.msk.u32 $0xffff, v8;
	_ =	sdelay $0xd  }
0x8ac: {  	_, v9, vm9 =	vpop (xrf1);
	_ =	sdelay $0x5  }
0x8ad: {  	[tilespmem:v8+s15+$0x0] =	vst.idx.add.s32.msk vm9, v9  }
0x8ae: {  	v8 =	vld [tilespmem:$0x1A970];
	_ =	sdelay $0x4  }
0x8af: {  	v8 =	vshrl.u32 v8, $0x1E  }
0x8b0: {  	(xrf1) =	vunique.msk.u32 $0xffff, v8;
	_ =	sdelay $0xd  }
0x8b1: {  	_, v9, vm9 =	vpop (xrf1);
	_ =	sdelay $0x5  }
0x8b2: {  	[tilespmem:v8+s15+$0x0] =	vst.idx.add.s32.msk vm9, v9  }
0x8b3: {  	v8 =	vld [tilespmem:$0x1A980];
	_ =	sdelay $0x4  }
0x8b4: {  	v8 =	vshrl.u32 v8, $0x1E  }
0x8b5: {  	(xrf1) =	vunique.msk.u32 $0xffff, v8;
	_ =	sdelay $0xd  }
0x8b6: {  	_, v9, vm9 =	vpop (xrf1);
	_ =	sdelay $0x5  }
0x8b7: {  	[tilespmem:v8+s15+$0x0] =	vst.idx.add.s32.msk vm9, v9  }
0x8b8: {  	v8 =	vld [tilespmem:$0x1A990];
	_ =	sdelay $0x4  }
0x8b9: {  	v8 =	vshrl.u32 v8, $0x1E  }
0x8ba: {  	(xrf1) =	vunique.msk.u32 $0xffff, v8;
	_ =	sdelay $0xd  }
0x8bb: {  	_, v9, vm9 =	vpop (xrf1);
	_ =	sdelay $0x5  }
0x8bc: {  	[tilespmem:v8+s15+$0x0] =	vst.idx.add.s32.msk vm9, v9  }
0x8bd: {  	v8 =	vld [tilespmem:$0x1A9A0];
	_ =	sdelay $0x4  }
0x8be: {  	v8 =	vshrl.u32 v8, $0x1E  }
0x8bf: {  	(xrf1) =	vunique.msk.u32 $0xffff, v8;
	_ =	sdelay $0xd  }
0x8c0: {  	_, v9, vm9 =	vpop (xrf1);
	_ =	sdelay $0x5  }
0x8c1: {  	[tilespmem:v8+s15+$0x0] =	vst.idx.add.s32.msk vm9, v9  }
0x8c2: {  	v8 =	vld [tilespmem:$0x14F00];
	_ =	sdelay $0x4  }
0x8c3: {  	(xrf0) =	vadd.scan.msk.s32 $0xffff, v8;
	_ =	sdelay $0x1  }
0x8c4: {  	v9 =	vld [tilespmem:$0x14F10];
	_ =	sdelay $0x3  }
0x8c5: {  	v10, _, _ =	vpop (xrf0)  }
0x8c6: {  	(xrf0) =	vadd.scan.msk.s32 $0xffff, v9;
	v11 =	vxor.u32 $0x80000000, v10  }
0x8c7: {  	(xrf0) =	vmax.scan.msk.u32 $0xffff, v11;
	_ =	sdelay $0x4  }
0x8c8: {  	v11, _, _ =	vpop (xrf0)  }
0x8c9: {  	v63, _, _ =	vpop (xrf0)  }
0x8ca: {  	(v2sf) =	vpush v63, $0xF;
	_ =	sdelay $0xe  }
0x8cb: {  	s0 =	spop (v2sf)  }
0x8cc: {  	v8 =	vsub.s32 v10, v8;
	v9 =	vsub.s32 v11, v9;
	s0 =	sxor.u32 $0x80000000, s0  }
0x8cd: {  	[tilespmem:$0x18F00] =	vst v8;
	v8 =	vadd.s32 s0, v9  }
0x8ce: {  	s31 =	simm.s32 $0x0;
	[tilespmem:$0x18F10] =	vst v8  }
0x8cf: {  	v8 =	vld [tilespmem:s31+$0x1A880]  }
0x8d0: {  	s0 =	simm.s32 $0x40;
	v9 =	vld [tilespmem:s31+$0x1AB80]  }
.LBB2_75:
0x8d1: {  	p0 =	sne.s32 s0, $0x480;
	_ =	sdelay $0x2  }
0x8d2: {  	v10 =	vshrl.u32 v8, $0x1E  }
0x8d3: {  	(xrf1) =	vunique.msk.u32 $0xffff, v10;
	_ =	sdelay $0x8  }
0x8d4: {  	v11 =	vld.idx.msk [tilespmem:v10+s16+$0x0], $0xffff;
	_ =	sdelay $0x4  }
0x8d5: {  	_, v12, vm9 =	vpop (xrf1)  }
0x8d6: {  	v11 =	vadd.s32 v12, v11  }
0x8d7: {  	v11 =	vadd.s32 $0xFFFFFFFF, v11;
	_ =	sdelay $0x4  }
.Ltmp39:
0x8d8: {  	[tilespmem:v11+s17+$0x0] =	vst.idx.msk $0xffff, v8;
	(pc) =	sbr.rel @p0 .LBB2_75-.Ltmp39, $4  }
0x8d9: {  	[tilespmem:v11+s18+$0x0] =	vst.idx.msk $0xffff, v9  }
0x8da: {  	s1 =	sshra.s32 s0, $0x2;
	[tilespmem:v10+s16+$0x0] =	vst.idx.add.s32.msk vm9, v12  }
0x8db: {  	v8 =	vld [tilespmem:s1+$0x1A880]  }
0x8dc: {  	s0 =	sadd.s32 $0x40, s0;
	v9 =	vld [tilespmem:s1+$0x1AB80]  }
0x8dd: {  	_ =	sdelay $0x2  }
0x8de: {  	v10 =	vshrl.u32 v8, $0x1E  }
0x8df: {  	(xrf1) =	vunique.msk.u32 $0xffff, v10;
	_ =	sdelay $0x9  }
0x8e0: {  	v11 =	vld.idx.msk [tilespmem:v10+s16+$0x0], $0xffff;
	_ =	sdelay $0x3  }
0x8e1: {  	_, v12, vm9 =	vpop (xrf1)  }
0x8e2: {  	v11 =	vadd.s32 v12, v11  }
0x8e3: {  	v11 =	vadd.s32 $0xFFFFFFFF, v11;
	_ =	sdelay $0x4  }
0x8e4: {  	[tilespmem:v11+s17+$0x0] =	vst.idx.msk $0xffff, v8  }
0x8e5: {  	[tilespmem:v11+s18+$0x0] =	vst.idx.msk $0xffff, v9  }
0x8e6: {  	[tilespmem:v10+s16+$0x0] =	vst.idx.add.s32.msk vm9, v12  }
0x8e7: {  	s25 =	simm.s32 $0x0;
	v8 =	vld.idx.msk [tilespmem:v5+s5+$0x0], $0xffff  }
0x8e8: {  	s26 =	simm.s32 $0x1AD00;
	s28 =	simm.s32 $0x1AE80;
	s29 =	simm.s32 $0x1B000;
	v9 =	vld.idx.msk [tilespmem:v6+s5+$0x0], $0xffff  }
.LBB2_77:
0x8e9: {  	v11 =	vld [tilespmem:s26+$0x0];
	_ =	sdelay $0x6  }
0x8ea: {  	s0 =	rddreg [dreg:$0x6]  }
0x8eb: {  	v10 =	vld.idx.msk [tilespmem:v11+s0+$0x0], $0xffff;
	_ =	sdelay $0x4  }
0x8ec: {  	(v2sf) =	vpush v10, $0xD;
	_ =	sdelay $0x1  }
0x8ed: {  	(v2sf) =	vpush v10, $0xC;
	_ =	sdelay $0x1  }
0x8ee: {  	(v2sf) =	vpush v10, $0xE  }
0x8ef: {  	(v2sf) =	vpush v10, $0xF  }
0x8f0: {  	(v2sf) =	vpush v10, $0x9;
	_ =	sdelay $0x1  }
0x8f1: {  	(v2sf) =	vpush v10, $0x8;
	_ =	sdelay $0x1  }
0x8f2: {  	(v2sf) =	vpush v10, $0xA;
	_ =	sdelay $0x1  }
0x8f3: {  	(v2sf) =	vpush v10, $0xB;
	_ =	sdelay $0x1  }
0x8f4: {  	(v2sf) =	vpush v10, $0x1  }
0x8f5: {  	s14 =	spop (v2sf);
	(v2sf) =	vpush v10, $0x0  }
0x8f6: {  	s1 =	smulhi.u32 $0xB40B40B5, s14;
	s3 =	sshra.s32 s14, $0x1F  }
0x8f7: {  	s22 =	spop (v2sf);
	s3 =	smul.u32 $0xB40B40B5, s3  }
0x8f8: {  	s30 =	smulhi.u32 $0xB40B40B5, s22;
	s31 =	sshra.s32 s22, $0x1F  }
0x8f9: {  	s23 =	spop (v2sf);
	s31 =	smul.u32 $0xB40B40B5, s31  }
0x8fa: {  	(v2sf) =	vpush v10, $0x2;
	s4 =	spop (v2sf);
	s5 =	smulhi.u32 $0xB40B40B5, s23;
	s6 =	sshra.s32 s23, $0x1F  }
0x8fb: {  	s0 =	ssub.s32 s1, s14;
	s7 =	spop (v2sf);
	s6 =	smul.u32 $0xB40B40B5, s6  }
0x8fc: {  	(v2sf) =	vpush v10, $0x3;
	s9 =	smulhi.u32 $0xB40B40B5, s4;
	s24 =	sshra.s32 s4, $0x1F;
	s0 =	sadd.s32 s3, s0  }
0x8fd: {  	s30 =	ssub.s32 s30, s22;
	s8 =	spop (v2sf);
	s22 =	smul.u32 $0xB40B40B5, s24  }
0x8fe: {  	(v2sf) =	vpush v10, $0x4;
	s14 =	smulhi.u32 $0xB40B40B5, s7;
	s11 =	sshra.s32 s7, $0x1F;
	s31 =	sadd.s32 s31, s30  }
0x8ff: {  	s12 =	ssub.s32 s5, s23;
	s10 =	spop (v2sf);
	s5 =	smul.u32 $0xB40B40B5, s11  }
0x900: {  	(v2sf) =	vpush v10, $0x5;
	s23 =	smulhi.u32 $0xB40B40B5, s8;
	s24 =	sshra.s32 s8, $0x1F;
	s1 =	sadd.s32 s6, s12  }
0x901: {  	s9 =	ssub.s32 s9, s4;
	s11 =	spop (v2sf);
	s4 =	smul.u32 $0xB40B40B5, s24  }
0x902: {  	(v2sf) =	vpush v10, $0x6;
	s6 =	smulhi.u32 $0xB40B40B5, s10;
	s12 =	sshra.s32 s10, $0x1F;
	s30 =	sadd.s32 s22, s9  }
0x903: {  	s3 =	ssub.s32 s14, s7;
	s24 =	spop (v2sf);
	s7 =	smul.u32 $0xB40B40B5, s12  }
0x904: {  	s9 =	smulhi.u32 $0xB40B40B5, s11;
	s14 =	sshra.s32 s11, $0x1F;
	s22 =	spop (v2sf);
	(v2sf) =	vpush v10, $0x7  }
0x905: {  	s3 =	sadd.s32 s5, s3;
	s8 =	ssub.s32 s23, s8;
	s5 =	smul.u32 $0xB40B40B5, s14  }
0x906: {  	s14 =	smulhi.u32 $0xB40B40B5, s24;
	s23 =	sshra.s32 s24, $0x1F;
	s6 =	ssub.s32 s6, s10  }
0x907: {  	s4 =	sadd.s32 s4, s8;
	s8 =	smul.u32 $0xB40B40B5, s23;
	s6 =	sadd.s32 s7, s6  }
0x908: {  	s9 =	ssub.s32 s9, s11;
	s7 =	smulhi.u32 $0xB40B40B5, s22;
	s10 =	sshra.s32 s22, $0x1F  }
0x909: {  	s11 =	ssub.s32 s14, s24;
	s12 =	spop (v2sf);
	s10 =	smul.u32 $0xB40B40B5, s10  }
0x90a: {  	s5 =	sadd.s32 s5, s9;
	s14 =	smulhi.u32 $0xB40B40B5, s12;
	s24 =	sshra.s32 s12, $0x1F  }
0x90b: {  	s8 =	sadd.s32 s8, s11;
	s23 =	spop (v2sf);
	s9 =	smul.u32 $0xB40B40B5, s24  }
0x90c: {  	s7 =	ssub.s32 s7, s22;
	s11 =	smulhi.u32 $0xB40B40B5, s23;
	s22 =	sshra.s32 s23, $0x1F  }
0x90d: {  	s24 =	spop (v2sf);
	s7 =	sadd.s32 s10, s7;
	s10 =	smul.u32 $0xB40B40B5, s22  }
0x90e: {  	s12 =	ssub.s32 s14, s12;
	s14 =	smulhi.u32 $0xB40B40B5, s24;
	s22 =	sshra.s32 s24, $0x1F  }
0x90f: {  	s9 =	sadd.s32 s9, s12;
	s12 =	spop (v2sf);
	s22 =	smul.u32 $0xB40B40B5, s22  }
0x910: {  	v12 =	vmov s7;
	s7 =	ssub.s32 s11, s23;
	s11 =	smulhi.u32 $0xB40B40B5, s12;
	s23 =	sshra.s32 s12, $0x1F  }
0x911: {  	s7 =	sadd.s32 s10, s7;
	s10 =	spop (v2sf);
	v12 =	vnsel vm4, $0x0, v12;
	s23 =	smul.u32 $0xB40B40B5, s23  }
0x912: {  	v12 =	vsel vm1, s8, v12;
	s8 =	ssub.s32 s14, s24;
	s14 =	smulhi.u32 $0xB40B40B5, s10;
	s24 =	sshra.s32 s10, $0x1F  }
0x913: {  	v13 =	vmov s31;
	v14 =	vmov s4;
	v12 =	vsel vm2, s9, v12;
	s22 =	sadd.s32 s22, s8;
	s24 =	smul.u32 $0xB40B40B5, s24;
	s31 =	spop (v2sf)  }
0x914: {  	v13 =	vsel vm1, s0, v13;
	v14 =	vsel vm1, s3, v14;
	v12 =	vsel vm3, s7, v12;
	s7 =	ssub.s32 s11, s12;
	s11 =	smulhi.u32 $0xB40B40B5, s31;
	s12 =	sshra.s32 s31, $0x1F  }
0x915: {  	v13 =	vsel vm2, s1, v13;
	v14 =	vsel vm2, s6, v14;
	s14 =	ssub.s32 s14, s10;
	v12 =	vsel vm5, s22, v12;
	s0 =	sadd.s32 s23, s7;
	s22 =	smul.u32 $0xB40B40B5, s12  }
0x916: {  	v13 =	vsel vm3, s30, v13;
	v14 =	vsel vm3, s5, v14;
	s23 =	sadd.s32 s24, s14;
	v12 =	vsel vm6, s0, v12;
	s24 =	ssub.s32 s11, s31  }
0x917: {  	v53 =	vmul.u32 $0x2, v0;
	v13 =	vcombine.low v14, v13;
	v12 =	vsel vm7, s23, v12;
	s30 =	sadd.s32 s22, s24  }
0x918: {  	v12 =	vsel vm8, s30, v12  }
0x919: {  	v13 =	vperm.xlane v13, v7;
	v12 =	vperm.xlane v12, v53  }
0x91a: {  	vm9 =	vmmov $0xff  }
0x91b: {  	v12 =	vsel vm9, v12, v13  }
0x91c: {  	v12 =	vadd.s32 v10, v12  }
0x91d: {  	v54 =	vshrl.u32 v12, $0x1F;
	v12 =	vshra.s32 v12, $0x6  }
0x91e: {  	v12 =	vadd.s32 v54, v12  }
0x91f: {  	v13 =	vmul.u32 $0xFFFFFFA5, v12  }
0x920: {  	v55 =	vsub.s32 $0x0, v10  }
0x921: {  	vm9 =	vlt.s32 v10, $0x1;
	vm10 =	vne.s32 v13, v55  }
0x922: {  	vm9 =	vmand vm9, vm10  }
0x923: {  	s31 =	rddreg [dreg:$0x5];
	v56 =	vsel vm9, $0xFFFFFFFF, v1  }
0x924: {  	v11 =	vld.idx.msk [tilespmem:v11+s31+$0x0], $0xffff;
	v12 =	vadd.s32 v56, v12  }
0x925: {  	v13 =	vshll.u32 v12, $0x2  }
0x926: {  	v57 =	vor.u32 $0x2, v13  }
0x927: {  	v12 =	vmul.u32 $0xFFFFFFA5, v12;
	v15 =	vor.u32 $0x3, v13;
	_ =	sdelay $0x1  }
0x928: {  	[tilespmem:s28+$0x0] =	vst v11;
	v11 =	vor.u32 $0x1, v13;
	v10 =	vadd.s32 v10, v12  }
0x929: {  	[tilespmem:s29+$0x0] =	vst v10  }
0x92a: {  	v10 =	vld.idx.msk [tilespmem:v57+s13+$0x0], $0xffff  }
0x92b: {  	v58 =	vld.idx.msk [tilespmem:v15+s13+$0x0], $0xffff  }
0x92c: {  	v13 =	vld.idx.msk [tilespmem:v13+s13+$0x0], $0xffff  }
0x92d: {  	v11 =	vld.idx.msk [tilespmem:v11+s13+$0x0], $0xffff  }
0x92e: {  	v59 =	vmul.u32 $0x4, v0;
	v60 =	vmov s25  }
0x92f: {  	v15 =	vshll.u32 v60, $0x2;
	v10 =	vmul.f32 $5.000000000e-01, v10  }
0x930: {  	v14 =	vor.u32 v59, v15;
	v12 =	vmul.f32 $5.000000000e-01, v58  }
0x931: {  	v16 =	vor.u32 $0x1, v14;
	v61 =	vsub.f32 v13, v10  }
0x932: {  	v18 =	vor.u32 $0x2, v14;
	v17 =	vsub.f32 v11, v12  }
0x933: {  	p0 =	sne.s32 s25, $0x120;
	v62 =	vor.u32 $0x3, v14;
	v10 =	vadd.f32 v10, v13;
	v15 =	vmul.f32 v61, v8  }
.Ltmp40:
0x934: {  	v11 =	vadd.f32 v12, v11;
	v63 =	vmul.f32 v17, v9;
	(pc) =	sbr.rel @p0 .LBB2_77-.Ltmp40, $4  }
0x935: {  	v10 =	vmul.f32 v10, v8;
	[tilespmem:v14+s21+$0x0] =	vst.idx.msk $0xffff, v15  }
0x936: {  	v11 =	vmul.f32 v11, v9;
	[tilespmem:v16+s21+$0x0] =	vst.idx.msk $0xffff, v63  }
0x937: {  	s26 =	sadd.s32 $0x10, s26;
	[tilespmem:v18+s21+$0x0] =	vst.idx.msk $0xffff, v10  }
0x938: {  	s25 =	sadd.s32 $0x10, s25;
	s28 =	sadd.s32 $0x10, s28;
	s29 =	sadd.s32 $0x10, s29;
	[tilespmem:v62+s21+$0x0] =	vst.idx.msk $0xffff, v11  }
0x939: {  	s0 =	rddreg [dreg:$0xa]  }
0x93a: {  	s1 =	simm.s32 $0x80;
	s3 =	simm.s32 $0x400;
	s4 =	simm.s32 $0x1AE80  }
0x93b: {  	[hbm4b:s0+s1] =	stream.strided.scatter [tilespmem:s4], [sflag:$0x1], $0x180, s3, s1, $0x38;
	[tilespmem:$0x1B680] =	vst v63  }
0x93c: {  	s4 =	simm.s32 $0x1  }
0x93d: {  	_ =	swait.ge [sflag:s4], $0x180  }
0x93e: {  	[sflag:s4] =	ssyncset.done $0x0  }
0x93f: {  	s5 =	simm.s32 $0x1B000;
	s29 =	rddreg [dreg:$0xb];
	[sflag:s4] =	ssyncadd.s32 $0xFFFFFE80  }
0x940: {  	[hbm4b:s29+s1] =	stream.strided.scatter [tilespmem:s5], [sflag:$0x1], $0x180, s3, s1, $0x38;
	[tilespmem:$0x1B680] =	vst v63  }
0x941: {  	_ =	swait.ge [sflag:s4], $0x180  }
0x942: {  	[sflag:s4] =	ssyncset.done $0x0  }
0x943: {  	s30 =	rddreg [dreg:$0xc];
	[sflag:s4] =	ssyncadd.s32 $0xFFFFFE80  }
0x944: {  	[hbm4b:s30+s1] =	stream.strided.scatter [tilespmem:s21], [sflag:$0x1], $0x500, s3, s1, $0x38;
	[tilespmem:$0x1B680] =	vst v63  }
0x945: {  	_ =	swait.ge [sflag:s4], $0x500  }
0x946: {  	s6 =	rddreg [dreg:$0xe]  }
0x947: {  	s31 =	rddreg [dreg:$0xd];
	s6 =	sadd.s32 $0x1, s6  }
0x948: {  	p0 =	sne.s32 s6, s31  }
.Ltmp41:
0x949: {  	_ = 	snop;
	(pc) =	sbr.rel @p0 .LBB2_1-.Ltmp41, $4  }
.Ltmp42:
0x94a: {  	_ = 	snop;
	(pc) =	sbr.rel @!p0 .LBB2_79-.Ltmp42, $4  }
0x94b: {  	_ = 	snop  }
0x94c: {  	[sflag:s4] =	ssyncset.done $0x0  }
0x94d: {  	s5 =	simm.s32 $0x14E80;
	[sflag:s4] =	ssyncadd.s32 $0xFFFFFB00  }
0x94e: {  	_ = 	snop  }
.LBB2_29:
.Ltmp43:
0x94f: {  	(pc) =	sbr.rel .LBB2_35-.Ltmp43, $2  }
0x950: {  	_ =	sdelay $0x2  }
0x951: {  	s25 =	simm.s32 $0x0;
	s29 =	simm.s32 $0x0;
	s1 =	simm.s32 $0x19380  }
.LBB2_31:
.Ltmp44:
0x952: {  	(pc) =	sbr.rel .LBB2_35-.Ltmp44, $2  }
0x953: {  	_ =	sdelay $0x2  }
0x954: {  	s25 =	simm.s32 $0x0;
	s29 =	simm.s32 $0x0;
	s1 =	simm.s32 $0x19380  }
.LBB2_33:
.Ltmp45:
0x955: {  	(pc) =	sbr.rel .LBB2_35-.Ltmp45, $2  }
0x956: {  	_ =	sdelay $0x2  }
0x957: {  	s25 =	simm.s32 $0x0;
	s29 =	simm.s32 $0x0  }
.LBB2_79:
0x958: {  	_ =	sfence.sel $0x180000  }
0x959: {  	[bflag:$0x0] =	sbarrier.arrive $0xFFFF  }
0x95a: {  	_ =	strace $0x90000047  }
0x95b: {  	s0 =	stileid.u32;
	[bflag:$0x2] =	sbarrier.arrive $0xFFFF  }
0x95c: {  	p0 =	sne.s32 s0, $0x0;
	s0 =	rddreg [dreg:$0x4]  }
0x95d: {  	s0 =	sadd.s32 @!p0 $0x100000, s0  }
0x95e: {  	[sflag:s0] =	ssyncadd.tile.s32 @!p0 $0x1;
	_ =	shalt  }
.Lfunc_end2:
_tile_overlayer_lowered:
.L_overlay_start_2:
0x95f: {  	(tag) =	ssettag $0x2  }
0x960: {  	s0 =	rddreg [dreg:$0x0];
	s2 =	stileid.u32  }
0x961: {  	s1 =	rddreg [dreg:$0x1];
	p0 =	sne.s32 s2, $0x0  }
0x962: {  	s3 =	rddreg [dreg:$0x2];
	[bflag:$0x3] =	sbarrier.arrive $0xFFFF;
	s2 =	simm.s32 @!p0 $0x1C01  }
0x963: {  	[timem:s3], [sflag:s2] =	dma.local @!p0 [hbm:s0], s1  }
0x964: {  	s0 =	simm.s32 @!p0 $0x1  }
0x965: {  	_ =	swait.ge @!p0 [sflag:s0], s1  }
0x966: {  	s1 =	ssub.s32 @!p0 $0x0, s1;
	[sflag:s0] =	ssyncset.done @!p0 $0x0  }
0x967: {  	[sflag:s0] =	ssyncadd.s32 @!p0 s1  }
0x968: {  	[bflag:$0x3] =	sbarrier.arrive $0xFFFF  }
0x969: {  	_ =	shalt  }

</sc_bundles>
